<compile_context>
chip_gen: v7x
topology: tpu7x:2x2x1
jax: 0.10.2.dev20260603
libtpu: 0.0.44.dev20260713+nightly
codegen_flags: <defaults>
</compile_context>

<pallas_src>
import functools

import jax
import jax.numpy as jnp
from jax import lax
from jax.experimental import pallas as pl
from jax.experimental.pallas import tpu as pltpu
from jax.experimental.pallas import tpu_sc as plsc

N = 10000
E = 320000
DIN = 128
H = 256
C = 64

DC = 128

NPAD = 10240
ROWS_PER_TILE = NPAD // 16
ROW_CHUNK = 128
N_ROW_CHUNKS = ROWS_PER_TILE // ROW_CHUNK
ECHUNK = 128
NCHUNKS = 2528
EPAD = NCHUNKS * ECHUNK

BN = 2000


def _zero_acc(zrows, stage_v, acc, row0):
  pltpu.sync_copy(zrows, stage_v)
  for k in range(N_ROW_CHUNKS):
    pltpu.sync_copy(stage_v, acc.at[pl.ds(row0 + k * ROW_CHUNK, ROW_CHUNK)])


def _edge_loop(x_ref, srcp, dstp, srcs, dsts, rows, acc,
               isems, ssem, gsem, chunk0, nchunks):

  def start_idx(bs, bd, sem, j):
    e0 = (chunk0 + j) * ECHUNK
    pltpu.async_copy(srcp.at[pl.ds(e0, ECHUNK)], bs, sem)
    pltpu.async_copy(dstp.at[pl.ds(e0, ECHUNK)], bd, sem)

  def wait_idx(bs, bd, sem, j):
    e0 = (chunk0 + j) * ECHUNK
    pltpu.make_async_copy(srcp.at[pl.ds(e0, ECHUNK)], bs, sem).wait()
    pltpu.make_async_copy(dstp.at[pl.ds(e0, ECHUNK)], bd, sem).wait()

  def start_scatter(r, bd):
    pltpu.async_copy(rows[r], acc.at[bd], ssem[r], add=True)

  def wait_scatter(r, bd):
    pltpu.make_async_copy(rows[r], acc.at[bd], ssem[r]).wait()

  def step(u, j, guard_first):
    r, s = u % 2, u % 4
    wait_idx(srcs[s], dsts[s], isems[s], j)
    drain = functools.partial(wait_scatter, r, dsts[(u + 2) % 4])
    if guard_first:
      pl.when(j >= 2)(drain)
    else:
      drain()
    g = pltpu.async_copy(x_ref.at[srcs[s]], rows[r], gsem)
    pl.when(j + 2 < nchunks)(
        functools.partial(start_idx, srcs[(u + 2) % 4], dsts[(u + 2) % 4],
                          isems[(u + 2) % 4], j + 2))
    g.wait()
    start_scatter(r, dsts[s])

  start_idx(srcs[0], dsts[0], isems[0], 0)
  start_idx(srcs[1], dsts[1], isems[1], 1)

  def body(jo, carry):
    for u in range(4):
      step(u, jo * 4 + u, True)
    return carry

  lax.fori_loop(0, nchunks // 4, body, 0)
  for t in range(nchunks % 4):
    u = (nchunks // 4) * 4 + t
    step(u % 4, u, False)
  wait_scatter((nchunks - 2) % 2, dsts[(nchunks - 2) % 4])
  wait_scatter((nchunks - 1) % 2, dsts[(nchunks - 1) % 4])


def _write_acc(acc, stage_v, out_ref, row0):
  for k in range(N_ROW_CHUNKS):
    r = row0 + k * ROW_CHUNK
    pltpu.sync_copy(acc.at[pl.ds(r, ROW_CHUNK)], stage_v)
    pltpu.sync_copy(stage_v, out_ref.at[pl.ds(r, ROW_CHUNK)])


def _sc_scratch():
  return [
      [pltpu.VMEM((ECHUNK,), jnp.int32)] * 4,
      [pltpu.VMEM((ECHUNK,), jnp.int32)] * 4,
      [pltpu.VMEM((ECHUNK, DC), jnp.float32)] * 2,
      pltpu.VMEM_SHARED((NPAD, DC), jnp.float32),
      [pltpu.SemaphoreType.DMA] * 4,
      [pltpu.SemaphoreType.DMA] * 2,
      pltpu.SemaphoreType.DMA,
  ]


def _make_sc_scatter_edgesplit():
  mesh = plsc.VectorSubcoreMesh(core_axis_name="c", subcore_axis_name="s")

  @functools.partial(
      pl.kernel,
      out_type=(jax.ShapeDtypeStruct((NPAD, DC), jnp.float32),
                jax.ShapeDtypeStruct((NPAD, DC), jnp.float32)),
      mesh=mesh,
      scratch_types=_sc_scratch(),
  )
  def sc_kernel(x, srcp, dstp, zrows, out0, out1,
                srcs, dsts, rows, acc, isems, ssem, gsem):
    cid = lax.axis_index("c")
    sid = lax.axis_index("s")
    row0 = sid * ROWS_PER_TILE
    per_tile = NCHUNKS // 32

    _zero_acc(zrows, rows[0], acc, row0)
    plsc.subcore_barrier()
    chunk0 = (cid * 16 + sid) * per_tile
    _edge_loop(x, srcp, dstp, srcs, dsts, rows, acc,
               isems, ssem, gsem, chunk0, per_tile)
    plsc.subcore_barrier()
    pl.when(cid == 0)(lambda: _write_acc(acc, rows[0], out0, row0))
    pl.when(cid == 1)(lambda: _write_acc(acc, rows[0], out1, row0))

  return sc_kernel


def _make_sc_scatter_colsplit():
  mesh = plsc.VectorSubcoreMesh(core_axis_name="c", subcore_axis_name="s")

  @functools.partial(
      pl.kernel,
      out_type=(jax.ShapeDtypeStruct((NPAD, DC), jnp.float32),
                jax.ShapeDtypeStruct((NPAD, DC), jnp.float32)),
      mesh=mesh,
      scratch_types=_sc_scratch(),
  )
  def sc_kernel(xlo, xhi, srcp, dstp, zrows, outlo, outhi,
                srcs, dsts, rows, acc, isems, ssem, gsem):
    cid = lax.axis_index("c")
    sid = lax.axis_index("s")
    row0 = sid * ROWS_PER_TILE
    per_tile = NCHUNKS // 16

    def run(x_ref, out_ref):
      _zero_acc(zrows, rows[0], acc, row0)
      plsc.subcore_barrier()
      _edge_loop(x_ref, srcp, dstp, srcs, dsts, rows, acc,
                 isems, ssem, gsem, sid * per_tile, per_tile)
      plsc.subcore_barrier()
      _write_acc(acc, rows[0], out_ref, row0)

    pl.when(cid == 0)(lambda: run(xlo, outlo))
    pl.when(cid == 1)(lambda: run(xhi, outhi))

  return sc_kernel


_sc_edgesplit = _make_sc_scatter_edgesplit()
_sc_colsplit = _make_sc_scatter_colsplit()


def _gin_mlp(parts, combine, Wa, ba, Wb, bb, din):
  nin = len(parts)

  def body(*refs):
    Wa_ref, ba_ref, Wb_ref, bb_ref, m_ref, st_ref = refs[nin:]
    h = combine([r[...] for r in refs[:nin]])
    u = jnp.maximum(jnp.dot(h, Wa_ref[...]) + ba_ref[...], 0.0)
    m = jnp.dot(u, Wb_ref[...]) + bb_ref[...]
    m_ref[...] = m

    @pl.when(pl.program_id(0) == 0)
    def _():
      st_ref[...] = jnp.zeros_like(st_ref)

    st_ref[0:1, :] = st_ref[0:1, :] + jnp.sum(m, axis=0, keepdims=True)
    st_ref[1:2, :] = st_ref[1:2, :] + jnp.sum(m * m, axis=0, keepdims=True)

  in_specs = (
      [pl.BlockSpec((BN, p.shape[1]), lambda i: (i, 0)) for p in parts]
      + [pl.BlockSpec((din, H), lambda i: (0, 0)),
         pl.BlockSpec((1, H), lambda i: (0, 0)),
         pl.BlockSpec((H, H), lambda i: (0, 0)),
         pl.BlockSpec((1, H), lambda i: (0, 0))]
  )
  m, st = pl.pallas_call(
      body,
      grid=(N // BN,),
      in_specs=in_specs,
      out_specs=[pl.BlockSpec((BN, H), lambda i: (i, 0)),
                 pl.BlockSpec((8, H), lambda i: (0, 0))],
      out_shape=[jax.ShapeDtypeStruct((N, H), jnp.float32),
                 jax.ShapeDtypeStruct((8, H), jnp.float32)],
  )(*parts, Wa, ba.reshape(1, H), Wb, bb.reshape(1, H))
  return m, st


def _affine_from_stats(st, g, be):
  mean = st[0] / N
  var = st[1] / N - mean * mean
  scale = g / jnp.sqrt(var + 1e-5)
  shift = be - mean * scale
  return scale.reshape(1, H), shift.reshape(1, H)


def _affine_relu_split(m, scale, shift):
  def body(m_ref, sc_ref, sh_ref, lo_ref, hi_ref):
    y = jnp.maximum(m_ref[...] * sc_ref[...] + sh_ref[...], 0.0)
    lo_ref[...] = y[:, :H // 2]
    hi_ref[...] = y[:, H // 2:]

  return pl.pallas_call(
      body,
      grid=(N // BN,),
      in_specs=[pl.BlockSpec((BN, H), lambda i: (i, 0)),
                pl.BlockSpec((1, H), lambda i: (0, 0)),
                pl.BlockSpec((1, H), lambda i: (0, 0))],
      out_specs=[pl.BlockSpec((BN, H // 2), lambda i: (i, 0)),
                 pl.BlockSpec((BN, H // 2), lambda i: (i, 0))],
      out_shape=[jax.ShapeDtypeStruct((N, H // 2), jnp.float32),
                 jax.ShapeDtypeStruct((N, H // 2), jnp.float32)],
  )(m, scale, shift)


def _final_head(m, scale, shift, Wfc, bfc):
  def body(m_ref, sc_ref, sh_ref, W_ref, b_ref, o_ref):
    y = jnp.maximum(m_ref[...] * sc_ref[...] + sh_ref[...], 0.0)
    logits = jnp.dot(y, W_ref[...]) + b_ref[...]
    mx = jnp.max(logits, axis=1, keepdims=True)
    lse = jnp.log(jnp.sum(jnp.exp(logits - mx), axis=1, keepdims=True))
    o_ref[...] = logits - mx - lse

  return pl.pallas_call(
      body,
      grid=(N // BN,),
      in_specs=[pl.BlockSpec((BN, H), lambda i: (i, 0)),
                pl.BlockSpec((1, H), lambda i: (0, 0)),
                pl.BlockSpec((1, H), lambda i: (0, 0)),
                pl.BlockSpec((H, C), lambda i: (0, 0)),
                pl.BlockSpec((1, C), lambda i: (0, 0))],
      out_specs=pl.BlockSpec((BN, C), lambda i: (i, 0)),
      out_shape=jax.ShapeDtypeStruct((N, C), jnp.float32),
  )(m, scale, shift, Wfc, bfc.reshape(1, C))


def kernel(x, edge_index, W1a, b1a, W1b, b1b, g1, be1,
           W2a, b2a, W2b, b2b, g2, be2, Wfc, bfc):
  srcp = jnp.concatenate([edge_index[0], jnp.zeros((EPAD - E,), jnp.int32)])
  pad_dst = N + jnp.arange(EPAD - E, dtype=jnp.int32) % (NPAD - N)
  dstp = jnp.concatenate([edge_index[1], pad_dst])
  zrows = jnp.zeros((ROW_CHUNK, DC), jnp.float32)

  a10, a11 = _sc_edgesplit(x, srcp, dstp, zrows)
  m1, st1 = _gin_mlp(
      [x, a10, a11], lambda v: v[0] + v[1] + v[2],
      W1a, b1a, W1b, b1b, DIN)
  sc1, sh1 = _affine_from_stats(st1, g1, be1)
  y1lo, y1hi = _affine_relu_split(m1, sc1, sh1)

  a2lo, a2hi = _sc_colsplit(y1lo, y1hi, srcp, dstp, zrows)
  m2, st2 = _gin_mlp(
      [y1lo, y1hi, a2lo, a2hi],
      lambda v: jnp.concatenate([v[0] + v[2], v[1] + v[3]], axis=1),
      W2a, b2a, W2b, b2b, H)
  sc2, sh2 = _affine_from_stats(st2, g2, be2)

  return _final_head(m2, sc2, sh2, Wfc, bfc)

# --- scband reference (transcript-rebuilt; emitter-appended) ---
"""Pipeline reference for scband-ginclassifier-24945170055628 (READ-ONLY COPY).

The authoritative reference and input builder live on the scoring server;
editing this copy changes nothing except your own understanding.
"""

import jax, jax.numpy as jnp
import numpy as np

N, E, DIN, H, C = 10000, 320000, 128, 256, 64


def _glorot(k, shape):
    fan_in = shape[0]
    return jax.random.normal(k, shape, dtype=jnp.float32) * (1.0 / np.sqrt(fan_in))


def setup_inputs(seed: int = 0) -> dict:
    key = jax.random.key(seed)
    ks = jax.random.split(key, 16)
    x = jax.random.normal(ks[0], (N, DIN), dtype=jnp.float32)
    edge_index = jax.random.randint(ks[1], (2, E), 0, N, dtype=jnp.int32)
    return {
        'x': x,
        'edge_index': edge_index,
        'W1a': _glorot(ks[2], (DIN, H)), 'b1a': jnp.zeros((H,), jnp.float32),
        'W1b': _glorot(ks[3], (H, H)),   'b1b': jnp.zeros((H,), jnp.float32),
        'g1': jnp.ones((H,), jnp.float32), 'be1': jnp.zeros((H,), jnp.float32),
        'W2a': _glorot(ks[4], (H, H)),   'b2a': jnp.zeros((H,), jnp.float32),
        'W2b': _glorot(ks[5], (H, H)),   'b2b': jnp.zeros((H,), jnp.float32),
        'g2': jnp.ones((H,), jnp.float32), 'be2': jnp.zeros((H,), jnp.float32),
        'Wfc': _glorot(ks[6], (H, C)),   'bfc': jnp.zeros((C,), jnp.float32),
    }


def _gin_conv(x, edge_index, Wa, ba, Wb, bb):
    # GINConv with eps=0: nn((1+eps)*x + sum_{j in N(i)} x_j)
    src = edge_index[0]
    dst = edge_index[1]
    msgs = jnp.take(x, src, axis=0)
    agg = jnp.zeros_like(x).at[dst].add(msgs)
    h = x + agg
    h = jnp.maximum(h @ Wa + ba, 0.0)
    h = h @ Wb + bb
    return h


def _bn(x, gamma, beta, eps=1e-5):
    mean = jnp.mean(x, axis=0, keepdims=True)
    var = jnp.var(x, axis=0, keepdims=True)
    return (x - mean) / jnp.sqrt(var + eps) * gamma + beta


def reference(x, edge_index, W1a, b1a, W1b, b1b, g1, be1, W2a, b2a, W2b, b2b, g2, be2, Wfc, bfc):
    h = _gin_conv(x, edge_index, W1a, b1a, W1b, b1b)
    h = jnp.maximum(_bn(h, g1, be1), 0.0)
    # dropout treated as identity (deterministic / eval)
    h = _gin_conv(h, edge_index, W2a, b2a, W2b, b2b)
    h = jnp.maximum(_bn(h, g2, be2), 0.0)
    logits = h @ Wfc + bfc
    return jax.nn.log_softmax(logits, axis=1)

if __name__ == "__main__":
    import jax
    _d = setup_inputs()
    print(jax.jit(kernel)(*tuple(_d.values())))

</pallas_src>

<mosaic_0001>
#map = affine_map<(d0, d1) -> (0, 0)>
#map1 = affine_map<(d0, d1) -> (0)>
module attributes {stable_mosaic.version = 14 : i64} {
  func.func @sc_kernel(%arg0: i32, %arg1: i32, %arg2: memref<10000x128xf32, #tpu.memory_space<hbm>>, %arg3: memref<323584xi32, #tpu.memory_space<hbm>>, %arg4: memref<323584xi32, #tpu.memory_space<hbm>>, %arg5: memref<128x128xf32, #tpu.memory_space<hbm>>, %arg6: memref<10240x128xf32, #tpu.memory_space<hbm>>, %arg7: memref<10240x128xf32, #tpu.memory_space<hbm>>, %arg8: memref<128xi32, #tpu.memory_space<vmem>>, %arg9: memref<128xi32, #tpu.memory_space<vmem>>, %arg10: memref<128xi32, #tpu.memory_space<vmem>>, %arg11: memref<128xi32, #tpu.memory_space<vmem>>, %arg12: memref<128xi32, #tpu.memory_space<vmem>>, %arg13: memref<128xi32, #tpu.memory_space<vmem>>, %arg14: memref<128xi32, #tpu.memory_space<vmem>>, %arg15: memref<128xi32, #tpu.memory_space<vmem>>, %arg16: memref<128x128xf32, #tpu.memory_space<vmem>>, %arg17: memref<128x128xf32, #tpu.memory_space<vmem>>, %arg18: memref<10240x128xf32, #tpu.memory_space<vmem_shared>>, %arg19: memref<!tpu.dma_semaphore, #tpu.memory_space<semaphore_mem>>, %arg20: memref<!tpu.dma_semaphore, #tpu.memory_space<semaphore_mem>>, %arg21: memref<!tpu.dma_semaphore, #tpu.memory_space<semaphore_mem>>, %arg22: memref<!tpu.dma_semaphore, #tpu.memory_space<semaphore_mem>>, %arg23: memref<!tpu.dma_semaphore, #tpu.memory_space<semaphore_mem>>, %arg24: memref<!tpu.dma_semaphore, #tpu.memory_space<semaphore_mem>>, %arg25: memref<!tpu.dma_semaphore, #tpu.memory_space<semaphore_mem>>) attributes {dimension_semantics = [#tpu.dimension_semantics<core_parallel>, #tpu.dimension_semantics<subcore_parallel>], iteration_bounds = array<i64: 2, 16>, scalar_prefetch = 0 : i64, scratch_operands = 18 : i64, tpu.core_type = #tpu.core_type<sc_vector_subcore>, window_params = [{transform_indices = #map}, {transform_indices = #map1}, {transform_indices = #map1}, {transform_indices = #map}, {transform_indices = #map}, {transform_indices = #map}]} {
    %mul3A = arith.constant 640 : i32
    %mul3A_0 = arith.muli %arg1, %mul3A : i32
    "tpu.region"() ({
      %run_scoped3A = tpu.sem_alloc : memref<!tpu.dma_semaphore, #tpu.memory_space<semaphore_mem>>
      tpu.enqueue_dma source(%arg5 : memref<128x128xf32, #tpu.memory_space<hbm>>) target(%arg16 : memref<128x128xf32, #tpu.memory_space<vmem>>) target_semaphore(%run_scoped3A : memref<!tpu.dma_semaphore, #tpu.memory_space<semaphore_mem>>)
      tpu.wait_dma2 semaphore(%run_scoped3A : memref<!tpu.dma_semaphore, #tpu.memory_space<semaphore_mem>>) src(%arg5 : memref<128x128xf32, #tpu.memory_space<hbm>>) dst(%arg16 : memref<128x128xf32, #tpu.memory_space<vmem>>)
      tpu.yield
    }) : () -> ()
    %add3A = arith.constant 0 : i32
    %add3A_1 = arith.addi %mul3A_0, %add3A : i32
    "tpu.region"() ({
      %run_scoped3A = tpu.sem_alloc : memref<!tpu.dma_semaphore, #tpu.memory_space<semaphore_mem>>
      %dma_start3A_116 = arith.constant 0 : i32
      %dma_start3A_117 = tpu.memref_slice %arg18[%add3A_1, %dma_start3A_116] : memref<10240x128xf32, #tpu.memory_space<vmem_shared>> -> memref<128x128xf32, #tpu.memory_space<vmem_shared>>
      %dma_start3A_118 = arith.constant 0 : i32
      %dma_start3A_119 = tpu.memref_slice %arg18[%add3A_1, %dma_start3A_118] : memref<10240x128xf32, #tpu.memory_space<vmem_shared>> -> memref<128x128xf32, #tpu.memory_space<vmem_shared>>
      tpu.enqueue_dma source(%arg16 : memref<128x128xf32, #tpu.memory_space<vmem>>) target(%dma_start3A_119 : memref<128x128xf32, #tpu.memory_space<vmem_shared>>) target_semaphore(%run_scoped3A : memref<!tpu.dma_semaphore, #tpu.memory_space<semaphore_mem>>)
      %dma_wait3A_120 = arith.constant 0 : i32
      %dma_wait3A_121 = tpu.memref_slice %arg18[%add3A_1, %dma_wait3A_120] : memref<10240x128xf32, #tpu.memory_space<vmem_shared>> -> memref<128x128xf32, #tpu.memory_space<vmem_shared>>
      %dma_wait3A_122 = arith.constant 0 : i32
      %dma_wait3A_123 = tpu.memref_slice %arg18[%add3A_1, %dma_wait3A_122] : memref<10240x128xf32, #tpu.memory_space<vmem_shared>> -> memref<128x128xf32, #tpu.memory_space<vmem_shared>>
      tpu.wait_dma2 semaphore(%run_scoped3A : memref<!tpu.dma_semaphore, #tpu.memory_space<semaphore_mem>>) src(%arg16 : memref<128x128xf32, #tpu.memory_space<vmem>>) dst(%dma_wait3A_123 : memref<128x128xf32, #tpu.memory_space<vmem_shared>>)
      tpu.yield
    }) : () -> ()
    %add3A_2 = arith.constant 128 : i32
    %add3A_3 = arith.addi %mul3A_0, %add3A_2 : i32
    "tpu.region"() ({
      %run_scoped3A = tpu.sem_alloc : memref<!tpu.dma_semaphore, #tpu.memory_space<semaphore_mem>>
      %dma_start3A_116 = arith.constant 0 : i32
      %dma_start3A_117 = tpu.memref_slice %arg18[%add3A_3, %dma_start3A_116] : memref<10240x128xf32, #tpu.memory_space<vmem_shared>> -> memref<128x128xf32, #tpu.memory_space<vmem_shared>>
      %dma_start3A_118 = arith.constant 0 : i32
      %dma_start3A_119 = tpu.memref_slice %arg18[%add3A_3, %dma_start3A_118] : memref<10240x128xf32, #tpu.memory_space<vmem_shared>> -> memref<128x128xf32, #tpu.memory_space<vmem_shared>>
      tpu.enqueue_dma source(%arg16 : memref<128x128xf32, #tpu.memory_space<vmem>>) target(%dma_start3A_119 : memref<128x128xf32, #tpu.memory_space<vmem_shared>>) target_semaphore(%run_scoped3A : memref<!tpu.dma_semaphore, #tpu.memory_space<semaphore_mem>>)
      %dma_wait3A_120 = arith.constant 0 : i32
      %dma_wait3A_121 = tpu.memref_slice %arg18[%add3A_3, %dma_wait3A_120] : memref<10240x128xf32, #tpu.memory_space<vmem_shared>> -> memref<128x128xf32, #tpu.memory_space<vmem_shared>>
      %dma_wait3A_122 = arith.constant 0 : i32
      %dma_wait3A_123 = tpu.memref_slice %arg18[%add3A_3, %dma_wait3A_122] : memref<10240x128xf32, #tpu.memory_space<vmem_shared>> -> memref<128x128xf32, #tpu.memory_space<vmem_shared>>
      tpu.wait_dma2 semaphore(%run_scoped3A : memref<!tpu.dma_semaphore, #tpu.memory_space<semaphore_mem>>) src(%arg16 : memref<128x128xf32, #tpu.memory_space<vmem>>) dst(%dma_wait3A_123 : memref<128x128xf32, #tpu.memory_space<vmem_shared>>)
      tpu.yield
    }) : () -> ()
    %add3A_4 = arith.constant 256 : i32
    %add3A_5 = arith.addi %mul3A_0, %add3A_4 : i32
    "tpu.region"() ({
      %run_scoped3A = tpu.sem_alloc : memref<!tpu.dma_semaphore, #tpu.memory_space<semaphore_mem>>
      %dma_start3A_116 = arith.constant 0 : i32
      %dma_start3A_117 = tpu.memref_slice %arg18[%add3A_5, %dma_start3A_116] : memref<10240x128xf32, #tpu.memory_space<vmem_shared>> -> memref<128x128xf32, #tpu.memory_space<vmem_shared>>
      %dma_start3A_118 = arith.constant 0 : i32
      %dma_start3A_119 = tpu.memref_slice %arg18[%add3A_5, %dma_start3A_118] : memref<10240x128xf32, #tpu.memory_space<vmem_shared>> -> memref<128x128xf32, #tpu.memory_space<vmem_shared>>
      tpu.enqueue_dma source(%arg16 : memref<128x128xf32, #tpu.memory_space<vmem>>) target(%dma_start3A_119 : memref<128x128xf32, #tpu.memory_space<vmem_shared>>) target_semaphore(%run_scoped3A : memref<!tpu.dma_semaphore, #tpu.memory_space<semaphore_mem>>)
      %dma_wait3A_120 = arith.constant 0 : i32
      %dma_wait3A_121 = tpu.memref_slice %arg18[%add3A_5, %dma_wait3A_120] : memref<10240x128xf32, #tpu.memory_space<vmem_shared>> -> memref<128x128xf32, #tpu.memory_space<vmem_shared>>
      %dma_wait3A_122 = arith.constant 0 : i32
      %dma_wait3A_123 = tpu.memref_slice %arg18[%add3A_5, %dma_wait3A_122] : memref<10240x128xf32, #tpu.memory_space<vmem_shared>> -> memref<128x128xf32, #tpu.memory_space<vmem_shared>>
      tpu.wait_dma2 semaphore(%run_scoped3A : memref<!tpu.dma_semaphore, #tpu.memory_space<semaphore_mem>>) src(%arg16 : memref<128x128xf32, #tpu.memory_space<vmem>>) dst(%dma_wait3A_123 : memref<128x128xf32, #tpu.memory_space<vmem_shared>>)
      tpu.yield
    }) : () -> ()
    %add3A_6 = arith.constant 384 : i32
    %add3A_7 = arith.addi %mul3A_0, %add3A_6 : i32
    "tpu.region"() ({
      %run_scoped3A = tpu.sem_alloc : memref<!tpu.dma_semaphore, #tpu.memory_space<semaphore_mem>>
      %dma_start3A_116 = arith.constant 0 : i32
      %dma_start3A_117 = tpu.memref_slice %arg18[%add3A_7, %dma_start3A_116] : memref<10240x128xf32, #tpu.memory_space<vmem_shared>> -> memref<128x128xf32, #tpu.memory_space<vmem_shared>>
      %dma_start3A_118 = arith.constant 0 : i32
      %dma_start3A_119 = tpu.memref_slice %arg18[%add3A_7, %dma_start3A_118] : memref<10240x128xf32, #tpu.memory_space<vmem_shared>> -> memref<128x128xf32, #tpu.memory_space<vmem_shared>>
      tpu.enqueue_dma source(%arg16 : memref<128x128xf32, #tpu.memory_space<vmem>>) target(%dma_start3A_119 : memref<128x128xf32, #tpu.memory_space<vmem_shared>>) target_semaphore(%run_scoped3A : memref<!tpu.dma_semaphore, #tpu.memory_space<semaphore_mem>>)
      %dma_wait3A_120 = arith.constant 0 : i32
      %dma_wait3A_121 = tpu.memref_slice %arg18[%add3A_7, %dma_wait3A_120] : memref<10240x128xf32, #tpu.memory_space<vmem_shared>> -> memref<128x128xf32, #tpu.memory_space<vmem_shared>>
      %dma_wait3A_122 = arith.constant 0 : i32
      %dma_wait3A_123 = tpu.memref_slice %arg18[%add3A_7, %dma_wait3A_122] : memref<10240x128xf32, #tpu.memory_space<vmem_shared>> -> memref<128x128xf32, #tpu.memory_space<vmem_shared>>
      tpu.wait_dma2 semaphore(%run_scoped3A : memref<!tpu.dma_semaphore, #tpu.memory_space<semaphore_mem>>) src(%arg16 : memref<128x128xf32, #tpu.memory_space<vmem>>) dst(%dma_wait3A_123 : memref<128x128xf32, #tpu.memory_space<vmem_shared>>)
      tpu.yield
    }) : () -> ()
    %add3A_8 = arith.constant 512 : i32
    %add3A_9 = arith.addi %mul3A_0, %add3A_8 : i32
    "tpu.region"() ({
      %run_scoped3A = tpu.sem_alloc : memref<!tpu.dma_semaphore, #tpu.memory_space<semaphore_mem>>
      %dma_start3A_116 = arith.constant 0 : i32
      %dma_start3A_117 = tpu.memref_slice %arg18[%add3A_9, %dma_start3A_116] : memref<10240x128xf32, #tpu.memory_space<vmem_shared>> -> memref<128x128xf32, #tpu.memory_space<vmem_shared>>
      %dma_start3A_118 = arith.constant 0 : i32
      %dma_start3A_119 = tpu.memref_slice %arg18[%add3A_9, %dma_start3A_118] : memref<10240x128xf32, #tpu.memory_space<vmem_shared>> -> memref<128x128xf32, #tpu.memory_space<vmem_shared>>
      tpu.enqueue_dma source(%arg16 : memref<128x128xf32, #tpu.memory_space<vmem>>) target(%dma_start3A_119 : memref<128x128xf32, #tpu.memory_space<vmem_shared>>) target_semaphore(%run_scoped3A : memref<!tpu.dma_semaphore, #tpu.memory_space<semaphore_mem>>)
      %dma_wait3A_120 = arith.constant 0 : i32
      %dma_wait3A_121 = tpu.memref_slice %arg18[%add3A_9, %dma_wait3A_120] : memref<10240x128xf32, #tpu.memory_space<vmem_shared>> -> memref<128x128xf32, #tpu.memory_space<vmem_shared>>
      %dma_wait3A_122 = arith.constant 0 : i32
      %dma_wait3A_123 = tpu.memref_slice %arg18[%add3A_9, %dma_wait3A_122] : memref<10240x128xf32, #tpu.memory_space<vmem_shared>> -> memref<128x128xf32, #tpu.memory_space<vmem_shared>>
      tpu.wait_dma2 semaphore(%run_scoped3A : memref<!tpu.dma_semaphore, #tpu.memory_space<semaphore_mem>>) src(%arg16 : memref<128x128xf32, #tpu.memory_space<vmem>>) dst(%dma_wait3A_123 : memref<128x128xf32, #tpu.memory_space<vmem_shared>>)
      tpu.yield
    }) : () -> ()
    %barrier3A = arith.constant 0 : index
    tpu.barrier barrier_id(%barrier3A)
    %mul3A_10 = arith.constant 16 : i32
    %mul3A_11 = arith.muli %arg0, %mul3A_10 : i32
    %add3A_12 = arith.addi %mul3A_11, %arg1 : i32
    %mul3A_13 = arith.constant 79 : i32
    %mul3A_14 = arith.muli %add3A_12, %mul3A_13 : i32
    %add3A_15 = arith.constant 0 : i32
    %add3A_16 = arith.addi %mul3A_14, %add3A_15 : i32
    %mul3A_17 = arith.constant 128 : i32
    %mul3A_18 = arith.muli %add3A_16, %mul3A_17 : i32
    %dma_start3A = tpu.memref_slice %arg3[%mul3A_18] : memref<323584xi32, #tpu.memory_space<hbm>> -> memref<128xi32, #tpu.memory_space<hbm>>
    %dma_start3A_19 = tpu.memref_slice %arg3[%mul3A_18] : memref<323584xi32, #tpu.memory_space<hbm>> -> memref<128xi32, #tpu.memory_space<hbm>>
    tpu.enqueue_dma source(%dma_start3A_19 : memref<128xi32, #tpu.memory_space<hbm>>) target(%arg8 : memref<128xi32, #tpu.memory_space<vmem>>) target_semaphore(%arg19 : memref<!tpu.dma_semaphore, #tpu.memory_space<semaphore_mem>>)
    %dma_start3A_20 = tpu.memref_slice %arg4[%mul3A_18] : memref<323584xi32, #tpu.memory_space<hbm>> -> memref<128xi32, #tpu.memory_space<hbm>>
    %dma_start3A_21 = tpu.memref_slice %arg4[%mul3A_18] : memref<323584xi32, #tpu.memory_space<hbm>> -> memref<128xi32, #tpu.memory_space<hbm>>
    tpu.enqueue_dma source(%dma_start3A_21 : memref<128xi32, #tpu.memory_space<hbm>>) target(%arg12 : memref<128xi32, #tpu.memory_space<vmem>>) target_semaphore(%arg19 : memref<!tpu.dma_semaphore, #tpu.memory_space<semaphore_mem>>)
    %add3A_22 = arith.constant 1 : i32
    %add3A_23 = arith.addi %mul3A_14, %add3A_22 : i32
    %mul3A_24 = arith.constant 128 : i32
    %mul3A_25 = arith.muli %add3A_23, %mul3A_24 : i32
    %dma_start3A_26 = tpu.memref_slice %arg3[%mul3A_25] : memref<323584xi32, #tpu.memory_space<hbm>> -> memref<128xi32, #tpu.memory_space<hbm>>
    %dma_start3A_27 = tpu.memref_slice %arg3[%mul3A_25] : memref<323584xi32, #tpu.memory_space<hbm>> -> memref<128xi32, #tpu.memory_space<hbm>>
    tpu.enqueue_dma source(%dma_start3A_27 : memref<128xi32, #tpu.memory_space<hbm>>) target(%arg9 : memref<128xi32, #tpu.memory_space<vmem>>) target_semaphore(%arg20 : memref<!tpu.dma_semaphore, #tpu.memory_space<semaphore_mem>>)
    %dma_start3A_28 = tpu.memref_slice %arg4[%mul3A_25] : memref<323584xi32, #tpu.memory_space<hbm>> -> memref<128xi32, #tpu.memory_space<hbm>>
    %dma_start3A_29 = tpu.memref_slice %arg4[%mul3A_25] : memref<323584xi32, #tpu.memory_space<hbm>> -> memref<128xi32, #tpu.memory_space<hbm>>
    tpu.enqueue_dma source(%dma_start3A_29 : memref<128xi32, #tpu.memory_space<hbm>>) target(%arg13 : memref<128xi32, #tpu.memory_space<vmem>>) target_semaphore(%arg20 : memref<!tpu.dma_semaphore, #tpu.memory_space<semaphore_mem>>)
    %scan3A = arith.constant 0 : i32
    %scan3A_30 = arith.constant 0 : i32
    %scan3A_31 = arith.constant 19 : i32
    %scan3A_32 = arith.addi %scan3A_30, %scan3A_31 : i32
    %scan3A_33 = arith.constant 1 : i32
    scf.for %scan3A_116 = %scan3A_30 to %scan3A_32 step %scan3A_33  : i32 {
      %mul3A_117 = arith.constant 4 : i32
      %mul3A_118 = arith.muli %scan3A_116, %mul3A_117 : i32
      %add3A_119 = arith.constant 0 : i32
      %add3A_120 = arith.addi %mul3A_118, %add3A_119 : i32
      %add3A_121 = arith.addi %mul3A_14, %add3A_120 : i32
      %mul3A_122 = arith.constant 128 : i32
      %mul3A_123 = arith.muli %add3A_121, %mul3A_122 : i32
      %dma_wait3A_124 = tpu.memref_slice %arg3[%mul3A_123] : memref<323584xi32, #tpu.memory_space<hbm>> -> memref<128xi32, #tpu.memory_space<hbm>>
      %dma_wait3A_125 = tpu.memref_slice %arg3[%mul3A_123] : memref<323584xi32, #tpu.memory_space<hbm>> -> memref<128xi32, #tpu.memory_space<hbm>>
      tpu.wait_dma2 semaphore(%arg19 : memref<!tpu.dma_semaphore, #tpu.memory_space<semaphore_mem>>) src(%dma_wait3A_125 : memref<128xi32, #tpu.memory_space<hbm>>) dst(%arg8 : memref<128xi32, #tpu.memory_space<vmem>>)
      %dma_wait3A_126 = tpu.memref_slice %arg4[%mul3A_123] : memref<323584xi32, #tpu.memory_space<hbm>> -> memref<128xi32, #tpu.memory_space<hbm>>
      %dma_wait3A_127 = tpu.memref_slice %arg4[%mul3A_123] : memref<323584xi32, #tpu.memory_space<hbm>> -> memref<128xi32, #tpu.memory_space<hbm>>
      tpu.wait_dma2 semaphore(%arg19 : memref<!tpu.dma_semaphore, #tpu.memory_space<semaphore_mem>>) src(%dma_wait3A_127 : memref<128xi32, #tpu.memory_space<hbm>>) dst(%arg12 : memref<128xi32, #tpu.memory_space<vmem>>)
      %ge3A = arith.constant 2 : i32
      %ge3A_128 = arith.cmpi sge, %add3A_120, %ge3A : i32
      %convert_element_type3A_129 = arith.extui %ge3A_128 : i1 to i32
      %cond3A_130 = arith.constant 0 : i32
      %cond3A_131 = arith.cmpi ne, %convert_element_type3A_129, %cond3A_130 : i32
      scf.if %cond3A_131 {
        %dma_wait3A_251 = arith.constant 0 : i32
        %dma_wait3A_252 = arith.constant 0 : i32
        %dma_wait3A_253 = tpu.memref_slice %arg18[%dma_wait3A_251, %dma_wait3A_252] : memref<10240x128xf32, #tpu.memory_space<vmem_shared>> -> memref<10240x128xf32, #tpu.memory_space<vmem_shared>>
        tpu.wait_indirect_dma semaphore(%arg23 : memref<!tpu.dma_semaphore, #tpu.memory_space<semaphore_mem>>) src(%arg16 : memref<128x128xf32, #tpu.memory_space<vmem>>) dst(%dma_wait3A_253 : memref<10240x128xf32, #tpu.memory_space<vmem_shared>>)
      } else {
      }
      %dma_start3A_132 = arith.constant 0 : i32
      %dma_start3A_133 = arith.constant 0 : i32
      %dma_start3A_134 = tpu.memref_slice %arg2[%dma_start3A_132, %dma_start3A_133] : memref<10000x128xf32, #tpu.memory_space<hbm>> -> memref<10000x128xf32, #tpu.memory_space<hbm>>
      tpu.enqueue_indirect_dma source(%dma_start3A_134 : memref<10000x128xf32, #tpu.memory_space<hbm>>) target(%arg16 : memref<128x128xf32, #tpu.memory_space<vmem>>) offsets(%arg8 : memref<128xi32, #tpu.memory_space<vmem>>) semaphore(%arg25 : memref<!tpu.dma_semaphore, #tpu.memory_space<semaphore_mem>>)
      %add3A_135 = arith.constant 2 : i32
      %add3A_136 = arith.addi %add3A_120, %add3A_135 : i32
      %lt3A = arith.constant 79 : i32
      %lt3A_137 = arith.cmpi slt, %add3A_136, %lt3A : i32
      %add3A_138 = arith.constant 2 : i32
      %add3A_139 = arith.addi %add3A_120, %add3A_138 : i32
      %convert_element_type3A_140 = arith.extui %lt3A_137 : i1 to i32
      %cond3A_141 = arith.constant 0 : i32
      %cond3A_142 = arith.cmpi ne, %convert_element_type3A_140, %cond3A_141 : i32
      scf.if %cond3A_142 {
        %add3A_251 = arith.addi %mul3A_14, %add3A_139 : i32
        %mul3A_252 = arith.constant 128 : i32
        %mul3A_253 = arith.muli %add3A_251, %mul3A_252 : i32
        %dma_start3A_254 = tpu.memref_slice %arg3[%mul3A_253] : memref<323584xi32, #tpu.memory_space<hbm>> -> memref<128xi32, #tpu.memory_space<hbm>>
        %dma_start3A_255 = tpu.memref_slice %arg3[%mul3A_253] : memref<323584xi32, #tpu.memory_space<hbm>> -> memref<128xi32, #tpu.memory_space<hbm>>
        tpu.enqueue_dma source(%dma_start3A_255 : memref<128xi32, #tpu.memory_space<hbm>>) target(%arg10 : memref<128xi32, #tpu.memory_space<vmem>>) target_semaphore(%arg21 : memref<!tpu.dma_semaphore, #tpu.memory_space<semaphore_mem>>)
        %dma_start3A_256 = tpu.memref_slice %arg4[%mul3A_253] : memref<323584xi32, #tpu.memory_space<hbm>> -> memref<128xi32, #tpu.memory_space<hbm>>
        %dma_start3A_257 = tpu.memref_slice %arg4[%mul3A_253] : memref<323584xi32, #tpu.memory_space<hbm>> -> memref<128xi32, #tpu.memory_space<hbm>>
        tpu.enqueue_dma source(%dma_start3A_257 : memref<128xi32, #tpu.memory_space<hbm>>) target(%arg14 : memref<128xi32, #tpu.memory_space<vmem>>) target_semaphore(%arg21 : memref<!tpu.dma_semaphore, #tpu.memory_space<semaphore_mem>>)
      } else {
      }
      %dma_wait3A_143 = arith.constant 0 : i32
      %dma_wait3A_144 = arith.constant 0 : i32
      %dma_wait3A_145 = tpu.memref_slice %arg2[%dma_wait3A_143, %dma_wait3A_144] : memref<10000x128xf32, #tpu.memory_space<hbm>> -> memref<10000x128xf32, #tpu.memory_space<hbm>>
      tpu.wait_indirect_dma semaphore(%arg25 : memref<!tpu.dma_semaphore, #tpu.memory_space<semaphore_mem>>) src(%dma_wait3A_145 : memref<10000x128xf32, #tpu.memory_space<hbm>>) dst(%arg16 : memref<128x128xf32, #tpu.memory_space<vmem>>)
      %dma_start3A_146 = arith.constant 0 : i32
      %dma_start3A_147 = arith.constant 0 : i32
      %dma_start3A_148 = tpu.memref_slice %arg18[%dma_start3A_146, %dma_start3A_147] : memref<10240x128xf32, #tpu.memory_space<vmem_shared>> -> memref<10240x128xf32, #tpu.memory_space<vmem_shared>>
      tpu.enqueue_indirect_dma source(%arg16 : memref<128x128xf32, #tpu.memory_space<vmem>>) target(%dma_start3A_148 : memref<10240x128xf32, #tpu.memory_space<vmem_shared>>) offsets(%arg12 : memref<128xi32, #tpu.memory_space<vmem>>) semaphore(%arg23 : memref<!tpu.dma_semaphore, #tpu.memory_space<semaphore_mem>>) {add = true}
      %mul3A_149 = arith.constant 4 : i32
      %mul3A_150 = arith.muli %scan3A_116, %mul3A_149 : i32
      %add3A_151 = arith.constant 1 : i32
      %add3A_152 = arith.addi %mul3A_150, %add3A_151 : i32
      %add3A_153 = arith.addi %mul3A_14, %add3A_152 : i32
      %mul3A_154 = arith.constant 128 : i32
      %mul3A_155 = arith.muli %add3A_153, %mul3A_154 : i32
      %dma_wait3A_156 = tpu.memref_slice %arg3[%mul3A_155] : memref<323584xi32, #tpu.memory_space<hbm>> -> memref<128xi32, #tpu.memory_space<hbm>>
      %dma_wait3A_157 = tpu.memref_slice %arg3[%mul3A_155] : memref<323584xi32, #tpu.memory_space<hbm>> -> memref<128xi32, #tpu.memory_space<hbm>>
      tpu.wait_dma2 semaphore(%arg20 : memref<!tpu.dma_semaphore, #tpu.memory_space<semaphore_mem>>) src(%dma_wait3A_157 : memref<128xi32, #tpu.memory_space<hbm>>) dst(%arg9 : memref<128xi32, #tpu.memory_space<vmem>>)
      %dma_wait3A_158 = tpu.memref_slice %arg4[%mul3A_155] : memref<323584xi32, #tpu.memory_space<hbm>> -> memref<128xi32, #tpu.memory_space<hbm>>
      %dma_wait3A_159 = tpu.memref_slice %arg4[%mul3A_155] : memref<323584xi32, #tpu.memory_space<hbm>> -> memref<128xi32, #tpu.memory_space<hbm>>
      tpu.wait_dma2 semaphore(%arg20 : memref<!tpu.dma_semaphore, #tpu.memory_space<semaphore_mem>>) src(%dma_wait3A_159 : memref<128xi32, #tpu.memory_space<hbm>>) dst(%arg13 : memref<128xi32, #tpu.memory_space<vmem>>)
      %ge3A_160 = arith.constant 2 : i32
      %ge3A_161 = arith.cmpi sge, %add3A_152, %ge3A_160 : i32
      %convert_element_type3A_162 = arith.extui %ge3A_161 : i1 to i32
      %cond3A_163 = arith.constant 0 : i32
      %cond3A_164 = arith.cmpi ne, %convert_element_type3A_162, %cond3A_163 : i32
      scf.if %cond3A_164 {
        %dma_wait3A_251 = arith.constant 0 : i32
        %dma_wait3A_252 = arith.constant 0 : i32
        %dma_wait3A_253 = tpu.memref_slice %arg18[%dma_wait3A_251, %dma_wait3A_252] : memref<10240x128xf32, #tpu.memory_space<vmem_shared>> -> memref<10240x128xf32, #tpu.memory_space<vmem_shared>>
        tpu.wait_indirect_dma semaphore(%arg24 : memref<!tpu.dma_semaphore, #tpu.memory_space<semaphore_mem>>) src(%arg17 : memref<128x128xf32, #tpu.memory_space<vmem>>) dst(%dma_wait3A_253 : memref<10240x128xf32, #tpu.memory_space<vmem_shared>>)
      } else {
      }
      %dma_start3A_165 = arith.constant 0 : i32
      %dma_start3A_166 = arith.constant 0 : i32
      %dma_start3A_167 = tpu.memref_slice %arg2[%dma_start3A_165, %dma_start3A_166] : memref<10000x128xf32, #tpu.memory_space<hbm>> -> memref<10000x128xf32, #tpu.memory_space<hbm>>
      tpu.enqueue_indirect_dma source(%dma_start3A_167 : memref<10000x128xf32, #tpu.memory_space<hbm>>) target(%arg17 : memref<128x128xf32, #tpu.memory_space<vmem>>) offsets(%arg9 : memref<128xi32, #tpu.memory_space<vmem>>) semaphore(%arg25 : memref<!tpu.dma_semaphore, #tpu.memory_space<semaphore_mem>>)
      %add3A_168 = arith.constant 2 : i32
      %add3A_169 = arith.addi %add3A_152, %add3A_168 : i32
      %lt3A_170 = arith.constant 79 : i32
      %lt3A_171 = arith.cmpi slt, %add3A_169, %lt3A_170 : i32
      %add3A_172 = arith.constant 2 : i32
      %add3A_173 = arith.addi %add3A_152, %add3A_172 : i32
      %convert_element_type3A_174 = arith.extui %lt3A_171 : i1 to i32
      %cond3A_175 = arith.constant 0 : i32
      %cond3A_176 = arith.cmpi ne, %convert_element_type3A_174, %cond3A_175 : i32
      scf.if %cond3A_176 {
        %add3A_251 = arith.addi %mul3A_14, %add3A_173 : i32
        %mul3A_252 = arith.constant 128 : i32
        %mul3A_253 = arith.muli %add3A_251, %mul3A_252 : i32
        %dma_start3A_254 = tpu.memref_slice %arg3[%mul3A_253] : memref<323584xi32, #tpu.memory_space<hbm>> -> memref<128xi32, #tpu.memory_space<hbm>>
        %dma_start3A_255 = tpu.memref_slice %arg3[%mul3A_253] : memref<323584xi32, #tpu.memory_space<hbm>> -> memref<128xi32, #tpu.memory_space<hbm>>
        tpu.enqueue_dma source(%dma_start3A_255 : memref<128xi32, #tpu.memory_space<hbm>>) target(%arg11 : memref<128xi32, #tpu.memory_space<vmem>>) target_semaphore(%arg22 : memref<!tpu.dma_semaphore, #tpu.memory_space<semaphore_mem>>)
        %dma_start3A_256 = tpu.memref_slice %arg4[%mul3A_253] : memref<323584xi32, #tpu.memory_space<hbm>> -> memref<128xi32, #tpu.memory_space<hbm>>
        %dma_start3A_257 = tpu.memref_slice %arg4[%mul3A_253] : memref<323584xi32, #tpu.memory_space<hbm>> -> memref<128xi32, #tpu.memory_space<hbm>>
        tpu.enqueue_dma source(%dma_start3A_257 : memref<128xi32, #tpu.memory_space<hbm>>) target(%arg15 : memref<128xi32, #tpu.memory_space<vmem>>) target_semaphore(%arg22 : memref<!tpu.dma_semaphore, #tpu.memory_space<semaphore_mem>>)
      } else {
      }
      %dma_wait3A_177 = arith.constant 0 : i32
      %dma_wait3A_178 = arith.constant 0 : i32
      %dma_wait3A_179 = tpu.memref_slice %arg2[%dma_wait3A_177, %dma_wait3A_178] : memref<10000x128xf32, #tpu.memory_space<hbm>> -> memref<10000x128xf32, #tpu.memory_space<hbm>>
      tpu.wait_indirect_dma semaphore(%arg25 : memref<!tpu.dma_semaphore, #tpu.memory_space<semaphore_mem>>) src(%dma_wait3A_179 : memref<10000x128xf32, #tpu.memory_space<hbm>>) dst(%arg17 : memref<128x128xf32, #tpu.memory_space<vmem>>)
      %dma_start3A_180 = arith.constant 0 : i32
      %dma_start3A_181 = arith.constant 0 : i32
      %dma_start3A_182 = tpu.memref_slice %arg18[%dma_start3A_180, %dma_start3A_181] : memref<10240x128xf32, #tpu.memory_space<vmem_shared>> -> memref<10240x128xf32, #tpu.memory_space<vmem_shared>>
      tpu.enqueue_indirect_dma source(%arg17 : memref<128x128xf32, #tpu.memory_space<vmem>>) target(%dma_start3A_182 : memref<10240x128xf32, #tpu.memory_space<vmem_shared>>) offsets(%arg13 : memref<128xi32, #tpu.memory_space<vmem>>) semaphore(%arg24 : memref<!tpu.dma_semaphore, #tpu.memory_space<semaphore_mem>>) {add = true}
      %mul3A_183 = arith.constant 4 : i32
      %mul3A_184 = arith.muli %scan3A_116, %mul3A_183 : i32
      %add3A_185 = arith.constant 2 : i32
      %add3A_186 = arith.addi %mul3A_184, %add3A_185 : i32
      %add3A_187 = arith.addi %mul3A_14, %add3A_186 : i32
      %mul3A_188 = arith.constant 128 : i32
      %mul3A_189 = arith.muli %add3A_187, %mul3A_188 : i32
      %dma_wait3A_190 = tpu.memref_slice %arg3[%mul3A_189] : memref<323584xi32, #tpu.memory_space<hbm>> -> memref<128xi32, #tpu.memory_space<hbm>>
      %dma_wait3A_191 = tpu.memref_slice %arg3[%mul3A_189] : memref<323584xi32, #tpu.memory_space<hbm>> -> memref<128xi32, #tpu.memory_space<hbm>>
      tpu.wait_dma2 semaphore(%arg21 : memref<!tpu.dma_semaphore, #tpu.memory_space<semaphore_mem>>) src(%dma_wait3A_191 : memref<128xi32, #tpu.memory_space<hbm>>) dst(%arg10 : memref<128xi32, #tpu.memory_space<vmem>>)
      %dma_wait3A_192 = tpu.memref_slice %arg4[%mul3A_189] : memref<323584xi32, #tpu.memory_space<hbm>> -> memref<128xi32, #tpu.memory_space<hbm>>
      %dma_wait3A_193 = tpu.memref_slice %arg4[%mul3A_189] : memref<323584xi32, #tpu.memory_space<hbm>> -> memref<128xi32, #tpu.memory_space<hbm>>
      tpu.wait_dma2 semaphore(%arg21 : memref<!tpu.dma_semaphore, #tpu.memory_space<semaphore_mem>>) src(%dma_wait3A_193 : memref<128xi32, #tpu.memory_space<hbm>>) dst(%arg14 : memref<128xi32, #tpu.memory_space<vmem>>)
      %ge3A_194 = arith.constant 2 : i32
      %ge3A_195 = arith.cmpi sge, %add3A_186, %ge3A_194 : i32
      %convert_element_type3A_196 = arith.extui %ge3A_195 : i1 to i32
      %cond3A_197 = arith.constant 0 : i32
      %cond3A_198 = arith.cmpi ne, %convert_element_type3A_196, %cond3A_197 : i32
      scf.if %cond3A_198 {
        %dma_wait3A_251 = arith.constant 0 : i32
        %dma_wait3A_252 = arith.constant 0 : i32
        %dma_wait3A_253 = tpu.memref_slice %arg18[%dma_wait3A_251, %dma_wait3A_252] : memref<10240x128xf32, #tpu.memory_space<vmem_shared>> -> memref<10240x128xf32, #tpu.memory_space<vmem_shared>>
        tpu.wait_indirect_dma semaphore(%arg23 : memref<!tpu.dma_semaphore, #tpu.memory_space<semaphore_mem>>) src(%arg16 : memref<128x128xf32, #tpu.memory_space<vmem>>) dst(%dma_wait3A_253 : memref<10240x128xf32, #tpu.memory_space<vmem_shared>>)
      } else {
      }
      %dma_start3A_199 = arith.constant 0 : i32
      %dma_start3A_200 = arith.constant 0 : i32
      %dma_start3A_201 = tpu.memref_slice %arg2[%dma_start3A_199, %dma_start3A_200] : memref<10000x128xf32, #tpu.memory_space<hbm>> -> memref<10000x128xf32, #tpu.memory_space<hbm>>
      tpu.enqueue_indirect_dma source(%dma_start3A_201 : memref<10000x128xf32, #tpu.memory_space<hbm>>) target(%arg16 : memref<128x128xf32, #tpu.memory_space<vmem>>) offsets(%arg10 : memref<128xi32, #tpu.memory_space<vmem>>) semaphore(%arg25 : memref<!tpu.dma_semaphore, #tpu.memory_space<semaphore_mem>>)
      %add3A_202 = arith.constant 2 : i32
      %add3A_203 = arith.addi %add3A_186, %add3A_202 : i32
      %lt3A_204 = arith.constant 79 : i32
      %lt3A_205 = arith.cmpi slt, %add3A_203, %lt3A_204 : i32
      %add3A_206 = arith.constant 2 : i32
      %add3A_207 = arith.addi %add3A_186, %add3A_206 : i32
      %convert_element_type3A_208 = arith.extui %lt3A_205 : i1 to i32
      %cond3A_209 = arith.constant 0 : i32
      %cond3A_210 = arith.cmpi ne, %convert_element_type3A_208, %cond3A_209 : i32
      scf.if %cond3A_210 {
        %add3A_251 = arith.addi %mul3A_14, %add3A_207 : i32
        %mul3A_252 = arith.constant 128 : i32
        %mul3A_253 = arith.muli %add3A_251, %mul3A_252 : i32
        %dma_start3A_254 = tpu.memref_slice %arg3[%mul3A_253] : memref<323584xi32, #tpu.memory_space<hbm>> -> memref<128xi32, #tpu.memory_space<hbm>>
        %dma_start3A_255 = tpu.memref_slice %arg3[%mul3A_253] : memref<323584xi32, #tpu.memory_space<hbm>> -> memref<128xi32, #tpu.memory_space<hbm>>
        tpu.enqueue_dma source(%dma_start3A_255 : memref<128xi32, #tpu.memory_space<hbm>>) target(%arg8 : memref<128xi32, #tpu.memory_space<vmem>>) target_semaphore(%arg19 : memref<!tpu.dma_semaphore, #tpu.memory_space<semaphore_mem>>)
        %dma_start3A_256 = tpu.memref_slice %arg4[%mul3A_253] : memref<323584xi32, #tpu.memory_space<hbm>> -> memref<128xi32, #tpu.memory_space<hbm>>
        %dma_start3A_257 = tpu.memref_slice %arg4[%mul3A_253] : memref<323584xi32, #tpu.memory_space<hbm>> -> memref<128xi32, #tpu.memory_space<hbm>>
        tpu.enqueue_dma source(%dma_start3A_257 : memref<128xi32, #tpu.memory_space<hbm>>) target(%arg12 : memref<128xi32, #tpu.memory_space<vmem>>) target_semaphore(%arg19 : memref<!tpu.dma_semaphore, #tpu.memory_space<semaphore_mem>>)
      } else {
      }
      %dma_wait3A_211 = arith.constant 0 : i32
      %dma_wait3A_212 = arith.constant 0 : i32
      %dma_wait3A_213 = tpu.memref_slice %arg2[%dma_wait3A_211, %dma_wait3A_212] : memref<10000x128xf32, #tpu.memory_space<hbm>> -> memref<10000x128xf32, #tpu.memory_space<hbm>>
      tpu.wait_indirect_dma semaphore(%arg25 : memref<!tpu.dma_semaphore, #tpu.memory_space<semaphore_mem>>) src(%dma_wait3A_213 : memref<10000x128xf32, #tpu.memory_space<hbm>>) dst(%arg16 : memref<128x128xf32, #tpu.memory_space<vmem>>)
      %dma_start3A_214 = arith.constant 0 : i32
      %dma_start3A_215 = arith.constant 0 : i32
      %dma_start3A_216 = tpu.memref_slice %arg18[%dma_start3A_214, %dma_start3A_215] : memref<10240x128xf32, #tpu.memory_space<vmem_shared>> -> memref<10240x128xf32, #tpu.memory_space<vmem_shared>>
      tpu.enqueue_indirect_dma source(%arg16 : memref<128x128xf32, #tpu.memory_space<vmem>>) target(%dma_start3A_216 : memref<10240x128xf32, #tpu.memory_space<vmem_shared>>) offsets(%arg14 : memref<128xi32, #tpu.memory_space<vmem>>) semaphore(%arg23 : memref<!tpu.dma_semaphore, #tpu.memory_space<semaphore_mem>>) {add = true}
      %mul3A_217 = arith.constant 4 : i32
      %mul3A_218 = arith.muli %scan3A_116, %mul3A_217 : i32
      %add3A_219 = arith.constant 3 : i32
      %add3A_220 = arith.addi %mul3A_218, %add3A_219 : i32
      %add3A_221 = arith.addi %mul3A_14, %add3A_220 : i32
      %mul3A_222 = arith.constant 128 : i32
      %mul3A_223 = arith.muli %add3A_221, %mul3A_222 : i32
      %dma_wait3A_224 = tpu.memref_slice %arg3[%mul3A_223] : memref<323584xi32, #tpu.memory_space<hbm>> -> memref<128xi32, #tpu.memory_space<hbm>>
      %dma_wait3A_225 = tpu.memref_slice %arg3[%mul3A_223] : memref<323584xi32, #tpu.memory_space<hbm>> -> memref<128xi32, #tpu.memory_space<hbm>>
      tpu.wait_dma2 semaphore(%arg22 : memref<!tpu.dma_semaphore, #tpu.memory_space<semaphore_mem>>) src(%dma_wait3A_225 : memref<128xi32, #tpu.memory_space<hbm>>) dst(%arg11 : memref<128xi32, #tpu.memory_space<vmem>>)
      %dma_wait3A_226 = tpu.memref_slice %arg4[%mul3A_223] : memref<323584xi32, #tpu.memory_space<hbm>> -> memref<128xi32, #tpu.memory_space<hbm>>
      %dma_wait3A_227 = tpu.memref_slice %arg4[%mul3A_223] : memref<323584xi32, #tpu.memory_space<hbm>> -> memref<128xi32, #tpu.memory_space<hbm>>
      tpu.wait_dma2 semaphore(%arg22 : memref<!tpu.dma_semaphore, #tpu.memory_space<semaphore_mem>>) src(%dma_wait3A_227 : memref<128xi32, #tpu.memory_space<hbm>>) dst(%arg15 : memref<128xi32, #tpu.memory_space<vmem>>)
      %ge3A_228 = arith.constant 2 : i32
      %ge3A_229 = arith.cmpi sge, %add3A_220, %ge3A_228 : i32
      %convert_element_type3A_230 = arith.extui %ge3A_229 : i1 to i32
      %cond3A_231 = arith.constant 0 : i32
      %cond3A_232 = arith.cmpi ne, %convert_element_type3A_230, %cond3A_231 : i32
      scf.if %cond3A_232 {
        %dma_wait3A_251 = arith.constant 0 : i32
        %dma_wait3A_252 = arith.constant 0 : i32
        %dma_wait3A_253 = tpu.memref_slice %arg18[%dma_wait3A_251, %dma_wait3A_252] : memref<10240x128xf32, #tpu.memory_space<vmem_shared>> -> memref<10240x128xf32, #tpu.memory_space<vmem_shared>>
        tpu.wait_indirect_dma semaphore(%arg24 : memref<!tpu.dma_semaphore, #tpu.memory_space<semaphore_mem>>) src(%arg17 : memref<128x128xf32, #tpu.memory_space<vmem>>) dst(%dma_wait3A_253 : memref<10240x128xf32, #tpu.memory_space<vmem_shared>>)
      } else {
      }
      %dma_start3A_233 = arith.constant 0 : i32
      %dma_start3A_234 = arith.constant 0 : i32
      %dma_start3A_235 = tpu.memref_slice %arg2[%dma_start3A_233, %dma_start3A_234] : memref<10000x128xf32, #tpu.memory_space<hbm>> -> memref<10000x128xf32, #tpu.memory_space<hbm>>
      tpu.enqueue_indirect_dma source(%dma_start3A_235 : memref<10000x128xf32, #tpu.memory_space<hbm>>) target(%arg17 : memref<128x128xf32, #tpu.memory_space<vmem>>) offsets(%arg11 : memref<128xi32, #tpu.memory_space<vmem>>) semaphore(%arg25 : memref<!tpu.dma_semaphore, #tpu.memory_space<semaphore_mem>>)
      %add3A_236 = arith.constant 2 : i32
      %add3A_237 = arith.addi %add3A_220, %add3A_236 : i32
      %lt3A_238 = arith.constant 79 : i32
      %lt3A_239 = arith.cmpi slt, %add3A_237, %lt3A_238 : i32
      %add3A_240 = arith.constant 2 : i32
      %add3A_241 = arith.addi %add3A_220, %add3A_240 : i32
      %convert_element_type3A_242 = arith.extui %lt3A_239 : i1 to i32
      %cond3A_243 = arith.constant 0 : i32
      %cond3A_244 = arith.cmpi ne, %convert_element_type3A_242, %cond3A_243 : i32
      scf.if %cond3A_244 {
        %add3A_251 = arith.addi %mul3A_14, %add3A_241 : i32
        %mul3A_252 = arith.constant 128 : i32
        %mul3A_253 = arith.muli %add3A_251, %mul3A_252 : i32
        %dma_start3A_254 = tpu.memref_slice %arg3[%mul3A_253] : memref<323584xi32, #tpu.memory_space<hbm>> -> memref<128xi32, #tpu.memory_space<hbm>>
        %dma_start3A_255 = tpu.memref_slice %arg3[%mul3A_253] : memref<323584xi32, #tpu.memory_space<hbm>> -> memref<128xi32, #tpu.memory_space<hbm>>
        tpu.enqueue_dma source(%dma_start3A_255 : memref<128xi32, #tpu.memory_space<hbm>>) target(%arg9 : memref<128xi32, #tpu.memory_space<vmem>>) target_semaphore(%arg20 : memref<!tpu.dma_semaphore, #tpu.memory_space<semaphore_mem>>)
        %dma_start3A_256 = tpu.memref_slice %arg4[%mul3A_253] : memref<323584xi32, #tpu.memory_space<hbm>> -> memref<128xi32, #tpu.memory_space<hbm>>
        %dma_start3A_257 = tpu.memref_slice %arg4[%mul3A_253] : memref<323584xi32, #tpu.memory_space<hbm>> -> memref<128xi32, #tpu.memory_space<hbm>>
        tpu.enqueue_dma source(%dma_start3A_257 : memref<128xi32, #tpu.memory_space<hbm>>) target(%arg13 : memref<128xi32, #tpu.memory_space<vmem>>) target_semaphore(%arg20 : memref<!tpu.dma_semaphore, #tpu.memory_space<semaphore_mem>>)
      } else {
      }
      %dma_wait3A_245 = arith.constant 0 : i32
      %dma_wait3A_246 = arith.constant 0 : i32
      %dma_wait3A_247 = tpu.memref_slice %arg2[%dma_wait3A_245, %dma_wait3A_246] : memref<10000x128xf32, #tpu.memory_space<hbm>> -> memref<10000x128xf32, #tpu.memory_space<hbm>>
      tpu.wait_indirect_dma semaphore(%arg25 : memref<!tpu.dma_semaphore, #tpu.memory_space<semaphore_mem>>) src(%dma_wait3A_247 : memref<10000x128xf32, #tpu.memory_space<hbm>>) dst(%arg17 : memref<128x128xf32, #tpu.memory_space<vmem>>)
      %dma_start3A_248 = arith.constant 0 : i32
      %dma_start3A_249 = arith.constant 0 : i32
      %dma_start3A_250 = tpu.memref_slice %arg18[%dma_start3A_248, %dma_start3A_249] : memref<10240x128xf32, #tpu.memory_space<vmem_shared>> -> memref<10240x128xf32, #tpu.memory_space<vmem_shared>>
      tpu.enqueue_indirect_dma source(%arg17 : memref<128x128xf32, #tpu.memory_space<vmem>>) target(%dma_start3A_250 : memref<10240x128xf32, #tpu.memory_space<vmem_shared>>) offsets(%arg15 : memref<128xi32, #tpu.memory_space<vmem>>) semaphore(%arg24 : memref<!tpu.dma_semaphore, #tpu.memory_space<semaphore_mem>>) {add = true}
    }
    %scan3A_34 = arith.constant 19 : i32
    %add3A_35 = arith.constant 76 : i32
    %add3A_36 = arith.addi %mul3A_14, %add3A_35 : i32
    %mul3A_37 = arith.constant 128 : i32
    %mul3A_38 = arith.muli %add3A_36, %mul3A_37 : i32
    %dma_wait3A = tpu.memref_slice %arg3[%mul3A_38] : memref<323584xi32, #tpu.memory_space<hbm>> -> memref<128xi32, #tpu.memory_space<hbm>>
    %dma_wait3A_39 = tpu.memref_slice %arg3[%mul3A_38] : memref<323584xi32, #tpu.memory_space<hbm>> -> memref<128xi32, #tpu.memory_space<hbm>>
    tpu.wait_dma2 semaphore(%arg19 : memref<!tpu.dma_semaphore, #tpu.memory_space<semaphore_mem>>) src(%dma_wait3A_39 : memref<128xi32, #tpu.memory_space<hbm>>) dst(%arg8 : memref<128xi32, #tpu.memory_space<vmem>>)
    %dma_wait3A_40 = tpu.memref_slice %arg4[%mul3A_38] : memref<323584xi32, #tpu.memory_space<hbm>> -> memref<128xi32, #tpu.memory_space<hbm>>
    %dma_wait3A_41 = tpu.memref_slice %arg4[%mul3A_38] : memref<323584xi32, #tpu.memory_space<hbm>> -> memref<128xi32, #tpu.memory_space<hbm>>
    tpu.wait_dma2 semaphore(%arg19 : memref<!tpu.dma_semaphore, #tpu.memory_space<semaphore_mem>>) src(%dma_wait3A_41 : memref<128xi32, #tpu.memory_space<hbm>>) dst(%arg12 : memref<128xi32, #tpu.memory_space<vmem>>)
    %dma_wait3A_42 = arith.constant 0 : i32
    %dma_wait3A_43 = arith.constant 0 : i32
    %dma_wait3A_44 = tpu.memref_slice %arg18[%dma_wait3A_42, %dma_wait3A_43] : memref<10240x128xf32, #tpu.memory_space<vmem_shared>> -> memref<10240x128xf32, #tpu.memory_space<vmem_shared>>
    tpu.wait_indirect_dma semaphore(%arg23 : memref<!tpu.dma_semaphore, #tpu.memory_space<semaphore_mem>>) src(%arg16 : memref<128x128xf32, #tpu.memory_space<vmem>>) dst(%dma_wait3A_44 : memref<10240x128xf32, #tpu.memory_space<vmem_shared>>)
    %dma_start3A_45 = arith.constant 0 : i32
    %dma_start3A_46 = arith.constant 0 : i32
    %dma_start3A_47 = tpu.memref_slice %arg2[%dma_start3A_45, %dma_start3A_46] : memref<10000x128xf32, #tpu.memory_space<hbm>> -> memref<10000x128xf32, #tpu.memory_space<hbm>>
    tpu.enqueue_indirect_dma source(%dma_start3A_47 : memref<10000x128xf32, #tpu.memory_space<hbm>>) target(%arg16 : memref<128x128xf32, #tpu.memory_space<vmem>>) offsets(%arg8 : memref<128xi32, #tpu.memory_space<vmem>>) semaphore(%arg25 : memref<!tpu.dma_semaphore, #tpu.memory_space<semaphore_mem>>)
    %add3A_48 = arith.constant 78 : i32
    %add3A_49 = arith.addi %mul3A_14, %add3A_48 : i32
    %mul3A_50 = arith.constant 128 : i32
    %mul3A_51 = arith.muli %add3A_49, %mul3A_50 : i32
    %dma_start3A_52 = tpu.memref_slice %arg3[%mul3A_51] : memref<323584xi32, #tpu.memory_space<hbm>> -> memref<128xi32, #tpu.memory_space<hbm>>
    %dma_start3A_53 = tpu.memref_slice %arg3[%mul3A_51] : memref<323584xi32, #tpu.memory_space<hbm>> -> memref<128xi32, #tpu.memory_space<hbm>>
    tpu.enqueue_dma source(%dma_start3A_53 : memref<128xi32, #tpu.memory_space<hbm>>) target(%arg10 : memref<128xi32, #tpu.memory_space<vmem>>) target_semaphore(%arg21 : memref<!tpu.dma_semaphore, #tpu.memory_space<semaphore_mem>>)
    %dma_start3A_54 = tpu.memref_slice %arg4[%mul3A_51] : memref<323584xi32, #tpu.memory_space<hbm>> -> memref<128xi32, #tpu.memory_space<hbm>>
    %dma_start3A_55 = tpu.memref_slice %arg4[%mul3A_51] : memref<323584xi32, #tpu.memory_space<hbm>> -> memref<128xi32, #tpu.memory_space<hbm>>
    tpu.enqueue_dma source(%dma_start3A_55 : memref<128xi32, #tpu.memory_space<hbm>>) target(%arg14 : memref<128xi32, #tpu.memory_space<vmem>>) target_semaphore(%arg21 : memref<!tpu.dma_semaphore, #tpu.memory_space<semaphore_mem>>)
    %dma_wait3A_56 = arith.constant 0 : i32
    %dma_wait3A_57 = arith.constant 0 : i32
    %dma_wait3A_58 = tpu.memref_slice %arg2[%dma_wait3A_56, %dma_wait3A_57] : memref<10000x128xf32, #tpu.memory_space<hbm>> -> memref<10000x128xf32, #tpu.memory_space<hbm>>
    tpu.wait_indirect_dma semaphore(%arg25 : memref<!tpu.dma_semaphore, #tpu.memory_space<semaphore_mem>>) src(%dma_wait3A_58 : memref<10000x128xf32, #tpu.memory_space<hbm>>) dst(%arg16 : memref<128x128xf32, #tpu.memory_space<vmem>>)
    %dma_start3A_59 = arith.constant 0 : i32
    %dma_start3A_60 = arith.constant 0 : i32
    %dma_start3A_61 = tpu.memref_slice %arg18[%dma_start3A_59, %dma_start3A_60] : memref<10240x128xf32, #tpu.memory_space<vmem_shared>> -> memref<10240x128xf32, #tpu.memory_space<vmem_shared>>
    tpu.enqueue_indirect_dma source(%arg16 : memref<128x128xf32, #tpu.memory_space<vmem>>) target(%dma_start3A_61 : memref<10240x128xf32, #tpu.memory_space<vmem_shared>>) offsets(%arg12 : memref<128xi32, #tpu.memory_space<vmem>>) semaphore(%arg23 : memref<!tpu.dma_semaphore, #tpu.memory_space<semaphore_mem>>) {add = true}
    %add3A_62 = arith.constant 77 : i32
    %add3A_63 = arith.addi %mul3A_14, %add3A_62 : i32
    %mul3A_64 = arith.constant 128 : i32
    %mul3A_65 = arith.muli %add3A_63, %mul3A_64 : i32
    %dma_wait3A_66 = tpu.memref_slice %arg3[%mul3A_65] : memref<323584xi32, #tpu.memory_space<hbm>> -> memref<128xi32, #tpu.memory_space<hbm>>
    %dma_wait3A_67 = tpu.memref_slice %arg3[%mul3A_65] : memref<323584xi32, #tpu.memory_space<hbm>> -> memref<128xi32, #tpu.memory_space<hbm>>
    tpu.wait_dma2 semaphore(%arg20 : memref<!tpu.dma_semaphore, #tpu.memory_space<semaphore_mem>>) src(%dma_wait3A_67 : memref<128xi32, #tpu.memory_space<hbm>>) dst(%arg9 : memref<128xi32, #tpu.memory_space<vmem>>)
    %dma_wait3A_68 = tpu.memref_slice %arg4[%mul3A_65] : memref<323584xi32, #tpu.memory_space<hbm>> -> memref<128xi32, #tpu.memory_space<hbm>>
    %dma_wait3A_69 = tpu.memref_slice %arg4[%mul3A_65] : memref<323584xi32, #tpu.memory_space<hbm>> -> memref<128xi32, #tpu.memory_space<hbm>>
    tpu.wait_dma2 semaphore(%arg20 : memref<!tpu.dma_semaphore, #tpu.memory_space<semaphore_mem>>) src(%dma_wait3A_69 : memref<128xi32, #tpu.memory_space<hbm>>) dst(%arg13 : memref<128xi32, #tpu.memory_space<vmem>>)
    %dma_wait3A_70 = arith.constant 0 : i32
    %dma_wait3A_71 = arith.constant 0 : i32
    %dma_wait3A_72 = tpu.memref_slice %arg18[%dma_wait3A_70, %dma_wait3A_71] : memref<10240x128xf32, #tpu.memory_space<vmem_shared>> -> memref<10240x128xf32, #tpu.memory_space<vmem_shared>>
    tpu.wait_indirect_dma semaphore(%arg24 : memref<!tpu.dma_semaphore, #tpu.memory_space<semaphore_mem>>) src(%arg17 : memref<128x128xf32, #tpu.memory_space<vmem>>) dst(%dma_wait3A_72 : memref<10240x128xf32, #tpu.memory_space<vmem_shared>>)
    %dma_start3A_73 = arith.constant 0 : i32
    %dma_start3A_74 = arith.constant 0 : i32
    %dma_start3A_75 = tpu.memref_slice %arg2[%dma_start3A_73, %dma_start3A_74] : memref<10000x128xf32, #tpu.memory_space<hbm>> -> memref<10000x128xf32, #tpu.memory_space<hbm>>
    tpu.enqueue_indirect_dma source(%dma_start3A_75 : memref<10000x128xf32, #tpu.memory_space<hbm>>) target(%arg17 : memref<128x128xf32, #tpu.memory_space<vmem>>) offsets(%arg9 : memref<128xi32, #tpu.memory_space<vmem>>) semaphore(%arg25 : memref<!tpu.dma_semaphore, #tpu.memory_space<semaphore_mem>>)
    %dma_wait3A_76 = arith.constant 0 : i32
    %dma_wait3A_77 = arith.constant 0 : i32
    %dma_wait3A_78 = tpu.memref_slice %arg2[%dma_wait3A_76, %dma_wait3A_77] : memref<10000x128xf32, #tpu.memory_space<hbm>> -> memref<10000x128xf32, #tpu.memory_space<hbm>>
    tpu.wait_indirect_dma semaphore(%arg25 : memref<!tpu.dma_semaphore, #tpu.memory_space<semaphore_mem>>) src(%dma_wait3A_78 : memref<10000x128xf32, #tpu.memory_space<hbm>>) dst(%arg17 : memref<128x128xf32, #tpu.memory_space<vmem>>)
    %dma_start3A_79 = arith.constant 0 : i32
    %dma_start3A_80 = arith.constant 0 : i32
    %dma_start3A_81 = tpu.memref_slice %arg18[%dma_start3A_79, %dma_start3A_80] : memref<10240x128xf32, #tpu.memory_space<vmem_shared>> -> memref<10240x128xf32, #tpu.memory_space<vmem_shared>>
    tpu.enqueue_indirect_dma source(%arg17 : memref<128x128xf32, #tpu.memory_space<vmem>>) target(%dma_start3A_81 : memref<10240x128xf32, #tpu.memory_space<vmem_shared>>) offsets(%arg13 : memref<128xi32, #tpu.memory_space<vmem>>) semaphore(%arg24 : memref<!tpu.dma_semaphore, #tpu.memory_space<semaphore_mem>>) {add = true}
    %add3A_82 = arith.constant 78 : i32
    %add3A_83 = arith.addi %mul3A_14, %add3A_82 : i32
    %mul3A_84 = arith.constant 128 : i32
    %mul3A_85 = arith.muli %add3A_83, %mul3A_84 : i32
    %dma_wait3A_86 = tpu.memref_slice %arg3[%mul3A_85] : memref<323584xi32, #tpu.memory_space<hbm>> -> memref<128xi32, #tpu.memory_space<hbm>>
    %dma_wait3A_87 = tpu.memref_slice %arg3[%mul3A_85] : memref<323584xi32, #tpu.memory_space<hbm>> -> memref<128xi32, #tpu.memory_space<hbm>>
    tpu.wait_dma2 semaphore(%arg21 : memref<!tpu.dma_semaphore, #tpu.memory_space<semaphore_mem>>) src(%dma_wait3A_87 : memref<128xi32, #tpu.memory_space<hbm>>) dst(%arg10 : memref<128xi32, #tpu.memory_space<vmem>>)
    %dma_wait3A_88 = tpu.memref_slice %arg4[%mul3A_85] : memref<323584xi32, #tpu.memory_space<hbm>> -> memref<128xi32, #tpu.memory_space<hbm>>
    %dma_wait3A_89 = tpu.memref_slice %arg4[%mul3A_85] : memref<323584xi32, #tpu.memory_space<hbm>> -> memref<128xi32, #tpu.memory_space<hbm>>
    tpu.wait_dma2 semaphore(%arg21 : memref<!tpu.dma_semaphore, #tpu.memory_space<semaphore_mem>>) src(%dma_wait3A_89 : memref<128xi32, #tpu.memory_space<hbm>>) dst(%arg14 : memref<128xi32, #tpu.memory_space<vmem>>)
    %dma_wait3A_90 = arith.constant 0 : i32
    %dma_wait3A_91 = arith.constant 0 : i32
    %dma_wait3A_92 = tpu.memref_slice %arg18[%dma_wait3A_90, %dma_wait3A_91] : memref<10240x128xf32, #tpu.memory_space<vmem_shared>> -> memref<10240x128xf32, #tpu.memory_space<vmem_shared>>
    tpu.wait_indirect_dma semaphore(%arg23 : memref<!tpu.dma_semaphore, #tpu.memory_space<semaphore_mem>>) src(%arg16 : memref<128x128xf32, #tpu.memory_space<vmem>>) dst(%dma_wait3A_92 : memref<10240x128xf32, #tpu.memory_space<vmem_shared>>)
    %dma_start3A_93 = arith.constant 0 : i32
    %dma_start3A_94 = arith.constant 0 : i32
    %dma_start3A_95 = tpu.memref_slice %arg2[%dma_start3A_93, %dma_start3A_94] : memref<10000x128xf32, #tpu.memory_space<hbm>> -> memref<10000x128xf32, #tpu.memory_space<hbm>>
    tpu.enqueue_indirect_dma source(%dma_start3A_95 : memref<10000x128xf32, #tpu.memory_space<hbm>>) target(%arg16 : memref<128x128xf32, #tpu.memory_space<vmem>>) offsets(%arg10 : memref<128xi32, #tpu.memory_space<vmem>>) semaphore(%arg25 : memref<!tpu.dma_semaphore, #tpu.memory_space<semaphore_mem>>)
    %dma_wait3A_96 = arith.constant 0 : i32
    %dma_wait3A_97 = arith.constant 0 : i32
    %dma_wait3A_98 = tpu.memref_slice %arg2[%dma_wait3A_96, %dma_wait3A_97] : memref<10000x128xf32, #tpu.memory_space<hbm>> -> memref<10000x128xf32, #tpu.memory_space<hbm>>
    tpu.wait_indirect_dma semaphore(%arg25 : memref<!tpu.dma_semaphore, #tpu.memory_space<semaphore_mem>>) src(%dma_wait3A_98 : memref<10000x128xf32, #tpu.memory_space<hbm>>) dst(%arg16 : memref<128x128xf32, #tpu.memory_space<vmem>>)
    %dma_start3A_99 = arith.constant 0 : i32
    %dma_start3A_100 = arith.constant 0 : i32
    %dma_start3A_101 = tpu.memref_slice %arg18[%dma_start3A_99, %dma_start3A_100] : memref<10240x128xf32, #tpu.memory_space<vmem_shared>> -> memref<10240x128xf32, #tpu.memory_space<vmem_shared>>
    tpu.enqueue_indirect_dma source(%arg16 : memref<128x128xf32, #tpu.memory_space<vmem>>) target(%dma_start3A_101 : memref<10240x128xf32, #tpu.memory_space<vmem_shared>>) offsets(%arg14 : memref<128xi32, #tpu.memory_space<vmem>>) semaphore(%arg23 : memref<!tpu.dma_semaphore, #tpu.memory_space<semaphore_mem>>) {add = true}
    %dma_wait3A_102 = arith.constant 0 : i32
    %dma_wait3A_103 = arith.constant 0 : i32
    %dma_wait3A_104 = tpu.memref_slice %arg18[%dma_wait3A_102, %dma_wait3A_103] : memref<10240x128xf32, #tpu.memory_space<vmem_shared>> -> memref<10240x128xf32, #tpu.memory_space<vmem_shared>>
    tpu.wait_indirect_dma semaphore(%arg24 : memref<!tpu.dma_semaphore, #tpu.memory_space<semaphore_mem>>) src(%arg17 : memref<128x128xf32, #tpu.memory_space<vmem>>) dst(%dma_wait3A_104 : memref<10240x128xf32, #tpu.memory_space<vmem_shared>>)
    %dma_wait3A_105 = arith.constant 0 : i32
    %dma_wait3A_106 = arith.constant 0 : i32
    %dma_wait3A_107 = tpu.memref_slice %arg18[%dma_wait3A_105, %dma_wait3A_106] : memref<10240x128xf32, #tpu.memory_space<vmem_shared>> -> memref<10240x128xf32, #tpu.memory_space<vmem_shared>>
    tpu.wait_indirect_dma semaphore(%arg23 : memref<!tpu.dma_semaphore, #tpu.memory_space<semaphore_mem>>) src(%arg16 : memref<128x128xf32, #tpu.memory_space<vmem>>) dst(%dma_wait3A_107 : memref<10240x128xf32, #tpu.memory_space<vmem_shared>>)
    %barrier3A_108 = arith.constant 0 : index
    tpu.barrier barrier_id(%barrier3A_108)
    %eq3A = arith.constant 0 : i32
    %eq3A_109 = arith.cmpi eq, %arg0, %eq3A : i32
    %convert_element_type3A = arith.extui %eq3A_109 : i1 to i32
    %cond3A = arith.constant 0 : i32
    %cond3A_110 = arith.cmpi ne, %convert_element_type3A, %cond3A : i32
    scf.if %cond3A_110 {
      %add3A_116 = arith.constant 0 : i32
      %add3A_117 = arith.addi %mul3A_0, %add3A_116 : i32
      "tpu.region"() ({
        %run_scoped3A = tpu.sem_alloc : memref<!tpu.dma_semaphore, #tpu.memory_space<semaphore_mem>>
        %dma_start3A_126 = arith.constant 0 : i32
        %dma_start3A_127 = tpu.memref_slice %arg18[%add3A_117, %dma_start3A_126] : memref<10240x128xf32, #tpu.memory_space<vmem_shared>> -> memref<128x128xf32, #tpu.memory_space<vmem_shared>>
        %dma_start3A_128 = arith.constant 0 : i32
        %dma_start3A_129 = tpu.memref_slice %arg18[%add3A_117, %dma_start3A_128] : memref<10240x128xf32, #tpu.memory_space<vmem_shared>> -> memref<128x128xf32, #tpu.memory_space<vmem_shared>>
        tpu.enqueue_dma source(%dma_start3A_129 : memref<128x128xf32, #tpu.memory_space<vmem_shared>>) target(%arg16 : memref<128x128xf32, #tpu.memory_space<vmem>>) target_semaphore(%run_scoped3A : memref<!tpu.dma_semaphore, #tpu.memory_space<semaphore_mem>>)
        %dma_wait3A_130 = arith.constant 0 : i32
        %dma_wait3A_131 = tpu.memref_slice %arg18[%add3A_117, %dma_wait3A_130] : memref<10240x128xf32, #tpu.memory_space<vmem_shared>> -> memref<128x128xf32, #tpu.memory_space<vmem_shared>>
        %dma_wait3A_132 = arith.constant 0 : i32
        %dma_wait3A_133 = tpu.memref_slice %arg18[%add3A_117, %dma_wait3A_132] : memref<10240x128xf32, #tpu.memory_space<vmem_shared>> -> memref<128x128xf32, #tpu.memory_space<vmem_shared>>
        tpu.wait_dma2 semaphore(%run_scoped3A : memref<!tpu.dma_semaphore, #tpu.memory_space<semaphore_mem>>) src(%dma_wait3A_133 : memref<128x128xf32, #tpu.memory_space<vmem_shared>>) dst(%arg16 : memref<128x128xf32, #tpu.memory_space<vmem>>)
        tpu.yield
      }) : () -> ()
      "tpu.region"() ({
        %run_scoped3A = tpu.sem_alloc : memref<!tpu.dma_semaphore, #tpu.memory_space<semaphore_mem>>
        %dma_start3A_126 = arith.constant 0 : i32
        %dma_start3A_127 = tpu.memref_slice %arg6[%add3A_117, %dma_start3A_126] : memref<10240x128xf32, #tpu.memory_space<hbm>> -> memref<128x128xf32, #tpu.memory_space<hbm>>
        %dma_start3A_128 = arith.constant 0 : i32
        %dma_start3A_129 = tpu.memref_slice %arg6[%add3A_117, %dma_start3A_128] : memref<10240x128xf32, #tpu.memory_space<hbm>> -> memref<128x128xf32, #tpu.memory_space<hbm>>
        tpu.enqueue_dma source(%arg16 : memref<128x128xf32, #tpu.memory_space<vmem>>) target(%dma_start3A_129 : memref<128x128xf32, #tpu.memory_space<hbm>>) target_semaphore(%run_scoped3A : memref<!tpu.dma_semaphore, #tpu.memory_space<semaphore_mem>>)
        %dma_wait3A_130 = arith.constant 0 : i32
        %dma_wait3A_131 = tpu.memref_slice %arg6[%add3A_117, %dma_wait3A_130] : memref<10240x128xf32, #tpu.memory_space<hbm>> -> memref<128x128xf32, #tpu.memory_space<hbm>>
        %dma_wait3A_132 = arith.constant 0 : i32
        %dma_wait3A_133 = tpu.memref_slice %arg6[%add3A_117, %dma_wait3A_132] : memref<10240x128xf32, #tpu.memory_space<hbm>> -> memref<128x128xf32, #tpu.memory_space<hbm>>
        tpu.wait_dma2 semaphore(%run_scoped3A : memref<!tpu.dma_semaphore, #tpu.memory_space<semaphore_mem>>) src(%arg16 : memref<128x128xf32, #tpu.memory_space<vmem>>) dst(%dma_wait3A_133 : memref<128x128xf32, #tpu.memory_space<hbm>>)
        tpu.yield
      }) : () -> ()
      %add3A_118 = arith.constant 128 : i32
      %add3A_119 = arith.addi %mul3A_0, %add3A_118 : i32
      "tpu.region"() ({
        %run_scoped3A = tpu.sem_alloc : memref<!tpu.dma_semaphore, #tpu.memory_space<semaphore_mem>>
        %dma_start3A_126 = arith.constant 0 : i32
        %dma_start3A_127 = tpu.memref_slice %arg18[%add3A_119, %dma_start3A_126] : memref<10240x128xf32, #tpu.memory_space<vmem_shared>> -> memref<128x128xf32, #tpu.memory_space<vmem_shared>>
        %dma_start3A_128 = arith.constant 0 : i32
        %dma_start3A_129 = tpu.memref_slice %arg18[%add3A_119, %dma_start3A_128] : memref<10240x128xf32, #tpu.memory_space<vmem_shared>> -> memref<128x128xf32, #tpu.memory_space<vmem_shared>>
        tpu.enqueue_dma source(%dma_start3A_129 : memref<128x128xf32, #tpu.memory_space<vmem_shared>>) target(%arg16 : memref<128x128xf32, #tpu.memory_space<vmem>>) target_semaphore(%run_scoped3A : memref<!tpu.dma_semaphore, #tpu.memory_space<semaphore_mem>>)
        %dma_wait3A_130 = arith.constant 0 : i32
        %dma_wait3A_131 = tpu.memref_slice %arg18[%add3A_119, %dma_wait3A_130] : memref<10240x128xf32, #tpu.memory_space<vmem_shared>> -> memref<128x128xf32, #tpu.memory_space<vmem_shared>>
        %dma_wait3A_132 = arith.constant 0 : i32
        %dma_wait3A_133 = tpu.memref_slice %arg18[%add3A_119, %dma_wait3A_132] : memref<10240x128xf32, #tpu.memory_space<vmem_shared>> -> memref<128x128xf32, #tpu.memory_space<vmem_shared>>
        tpu.wait_dma2 semaphore(%run_scoped3A : memref<!tpu.dma_semaphore, #tpu.memory_space<semaphore_mem>>) src(%dma_wait3A_133 : memref<128x128xf32, #tpu.memory_space<vmem_shared>>) dst(%arg16 : memref<128x128xf32, #tpu.memory_space<vmem>>)
        tpu.yield
      }) : () -> ()
      "tpu.region"() ({
        %run_scoped3A = tpu.sem_alloc : memref<!tpu.dma_semaphore, #tpu.memory_space<semaphore_mem>>
        %dma_start3A_126 = arith.constant 0 : i32
        %dma_start3A_127 = tpu.memref_slice %arg6[%add3A_119, %dma_start3A_126] : memref<10240x128xf32, #tpu.memory_space<hbm>> -> memref<128x128xf32, #tpu.memory_space<hbm>>
        %dma_start3A_128 = arith.constant 0 : i32
        %dma_start3A_129 = tpu.memref_slice %arg6[%add3A_119, %dma_start3A_128] : memref<10240x128xf32, #tpu.memory_space<hbm>> -> memref<128x128xf32, #tpu.memory_space<hbm>>
        tpu.enqueue_dma source(%arg16 : memref<128x128xf32, #tpu.memory_space<vmem>>) target(%dma_start3A_129 : memref<128x128xf32, #tpu.memory_space<hbm>>) target_semaphore(%run_scoped3A : memref<!tpu.dma_semaphore, #tpu.memory_space<semaphore_mem>>)
        %dma_wait3A_130 = arith.constant 0 : i32
        %dma_wait3A_131 = tpu.memref_slice %arg6[%add3A_119, %dma_wait3A_130] : memref<10240x128xf32, #tpu.memory_space<hbm>> -> memref<128x128xf32, #tpu.memory_space<hbm>>
        %dma_wait3A_132 = arith.constant 0 : i32
        %dma_wait3A_133 = tpu.memref_slice %arg6[%add3A_119, %dma_wait3A_132] : memref<10240x128xf32, #tpu.memory_space<hbm>> -> memref<128x128xf32, #tpu.memory_space<hbm>>
        tpu.wait_dma2 semaphore(%run_scoped3A : memref<!tpu.dma_semaphore, #tpu.memory_space<semaphore_mem>>) src(%arg16 : memref<128x128xf32, #tpu.memory_space<vmem>>) dst(%dma_wait3A_133 : memref<128x128xf32, #tpu.memory_space<hbm>>)
        tpu.yield
      }) : () -> ()
      %add3A_120 = arith.constant 256 : i32
      %add3A_121 = arith.addi %mul3A_0, %add3A_120 : i32
      "tpu.region"() ({
        %run_scoped3A = tpu.sem_alloc : memref<!tpu.dma_semaphore, #tpu.memory_space<semaphore_mem>>
        %dma_start3A_126 = arith.constant 0 : i32
        %dma_start3A_127 = tpu.memref_slice %arg18[%add3A_121, %dma_start3A_126] : memref<10240x128xf32, #tpu.memory_space<vmem_shared>> -> memref<128x128xf32, #tpu.memory_space<vmem_shared>>
        %dma_start3A_128 = arith.constant 0 : i32
        %dma_start3A_129 = tpu.memref_slice %arg18[%add3A_121, %dma_start3A_128] : memref<10240x128xf32, #tpu.memory_space<vmem_shared>> -> memref<128x128xf32, #tpu.memory_space<vmem_shared>>
        tpu.enqueue_dma source(%dma_start3A_129 : memref<128x128xf32, #tpu.memory_space<vmem_shared>>) target(%arg16 : memref<128x128xf32, #tpu.memory_space<vmem>>) target_semaphore(%run_scoped3A : memref<!tpu.dma_semaphore, #tpu.memory_space<semaphore_mem>>)
        %dma_wait3A_130 = arith.constant 0 : i32
        %dma_wait3A_131 = tpu.memref_slice %arg18[%add3A_121, %dma_wait3A_130] : memref<10240x128xf32, #tpu.memory_space<vmem_shared>> -> memref<128x128xf32, #tpu.memory_space<vmem_shared>>
        %dma_wait3A_132 = arith.constant 0 : i32
        %dma_wait3A_133 = tpu.memref_slice %arg18[%add3A_121, %dma_wait3A_132] : memref<10240x128xf32, #tpu.memory_space<vmem_shared>> -> memref<128x128xf32, #tpu.memory_space<vmem_shared>>
        tpu.wait_dma2 semaphore(%run_scoped3A : memref<!tpu.dma_semaphore, #tpu.memory_space<semaphore_mem>>) src(%dma_wait3A_133 : memref<128x128xf32, #tpu.memory_space<vmem_shared>>) dst(%arg16 : memref<128x128xf32, #tpu.memory_space<vmem>>)
        tpu.yield
      }) : () -> ()
      "tpu.region"() ({
        %run_scoped3A = tpu.sem_alloc : memref<!tpu.dma_semaphore, #tpu.memory_space<semaphore_mem>>
        %dma_start3A_126 = arith.constant 0 : i32
        %dma_start3A_127 = tpu.memref_slice %arg6[%add3A_121, %dma_start3A_126] : memref<10240x128xf32, #tpu.memory_space<hbm>> -> memref<128x128xf32, #tpu.memory_space<hbm>>
        %dma_start3A_128 = arith.constant 0 : i32
        %dma_start3A_129 = tpu.memref_slice %arg6[%add3A_121, %dma_start3A_128] : memref<10240x128xf32, #tpu.memory_space<hbm>> -> memref<128x128xf32, #tpu.memory_space<hbm>>
        tpu.enqueue_dma source(%arg16 : memref<128x128xf32, #tpu.memory_space<vmem>>) target(%dma_start3A_129 : memref<128x128xf32, #tpu.memory_space<hbm>>) target_semaphore(%run_scoped3A : memref<!tpu.dma_semaphore, #tpu.memory_space<semaphore_mem>>)
        %dma_wait3A_130 = arith.constant 0 : i32
        %dma_wait3A_131 = tpu.memref_slice %arg6[%add3A_121, %dma_wait3A_130] : memref<10240x128xf32, #tpu.memory_space<hbm>> -> memref<128x128xf32, #tpu.memory_space<hbm>>
        %dma_wait3A_132 = arith.constant 0 : i32
        %dma_wait3A_133 = tpu.memref_slice %arg6[%add3A_121, %dma_wait3A_132] : memref<10240x128xf32, #tpu.memory_space<hbm>> -> memref<128x128xf32, #tpu.memory_space<hbm>>
        tpu.wait_dma2 semaphore(%run_scoped3A : memref<!tpu.dma_semaphore, #tpu.memory_space<semaphore_mem>>) src(%arg16 : memref<128x128xf32, #tpu.memory_space<vmem>>) dst(%dma_wait3A_133 : memref<128x128xf32, #tpu.memory_space<hbm>>)
        tpu.yield
      }) : () -> ()
      %add3A_122 = arith.constant 384 : i32
      %add3A_123 = arith.addi %mul3A_0, %add3A_122 : i32
      "tpu.region"() ({
        %run_scoped3A = tpu.sem_alloc : memref<!tpu.dma_semaphore, #tpu.memory_space<semaphore_mem>>
        %dma_start3A_126 = arith.constant 0 : i32
        %dma_start3A_127 = tpu.memref_slice %arg18[%add3A_123, %dma_start3A_126] : memref<10240x128xf32, #tpu.memory_space<vmem_shared>> -> memref<128x128xf32, #tpu.memory_space<vmem_shared>>
        %dma_start3A_128 = arith.constant 0 : i32
        %dma_start3A_129 = tpu.memref_slice %arg18[%add3A_123, %dma_start3A_128] : memref<10240x128xf32, #tpu.memory_space<vmem_shared>> -> memref<128x128xf32, #tpu.memory_space<vmem_shared>>
        tpu.enqueue_dma source(%dma_start3A_129 : memref<128x128xf32, #tpu.memory_space<vmem_shared>>) target(%arg16 : memref<128x128xf32, #tpu.memory_space<vmem>>) target_semaphore(%run_scoped3A : memref<!tpu.dma_semaphore, #tpu.memory_space<semaphore_mem>>)
        %dma_wait3A_130 = arith.constant 0 : i32
        %dma_wait3A_131 = tpu.memref_slice %arg18[%add3A_123, %dma_wait3A_130] : memref<10240x128xf32, #tpu.memory_space<vmem_shared>> -> memref<128x128xf32, #tpu.memory_space<vmem_shared>>
        %dma_wait3A_132 = arith.constant 0 : i32
        %dma_wait3A_133 = tpu.memref_slice %arg18[%add3A_123, %dma_wait3A_132] : memref<10240x128xf32, #tpu.memory_space<vmem_shared>> -> memref<128x128xf32, #tpu.memory_space<vmem_shared>>
        tpu.wait_dma2 semaphore(%run_scoped3A : memref<!tpu.dma_semaphore, #tpu.memory_space<semaphore_mem>>) src(%dma_wait3A_133 : memref<128x128xf32, #tpu.memory_space<vmem_shared>>) dst(%arg16 : memref<128x128xf32, #tpu.memory_space<vmem>>)
        tpu.yield
      }) : () -> ()
      "tpu.region"() ({
        %run_scoped3A = tpu.sem_alloc : memref<!tpu.dma_semaphore, #tpu.memory_space<semaphore_mem>>
        %dma_start3A_126 = arith.constant 0 : i32
        %dma_start3A_127 = tpu.memref_slice %arg6[%add3A_123, %dma_start3A_126] : memref<10240x128xf32, #tpu.memory_space<hbm>> -> memref<128x128xf32, #tpu.memory_space<hbm>>
        %dma_start3A_128 = arith.constant 0 : i32
        %dma_start3A_129 = tpu.memref_slice %arg6[%add3A_123, %dma_start3A_128] : memref<10240x128xf32, #tpu.memory_space<hbm>> -> memref<128x128xf32, #tpu.memory_space<hbm>>
        tpu.enqueue_dma source(%arg16 : memref<128x128xf32, #tpu.memory_space<vmem>>) target(%dma_start3A_129 : memref<128x128xf32, #tpu.memory_space<hbm>>) target_semaphore(%run_scoped3A : memref<!tpu.dma_semaphore, #tpu.memory_space<semaphore_mem>>)
        %dma_wait3A_130 = arith.constant 0 : i32
        %dma_wait3A_131 = tpu.memref_slice %arg6[%add3A_123, %dma_wait3A_130] : memref<10240x128xf32, #tpu.memory_space<hbm>> -> memref<128x128xf32, #tpu.memory_space<hbm>>
        %dma_wait3A_132 = arith.constant 0 : i32
        %dma_wait3A_133 = tpu.memref_slice %arg6[%add3A_123, %dma_wait3A_132] : memref<10240x128xf32, #tpu.memory_space<hbm>> -> memref<128x128xf32, #tpu.memory_space<hbm>>
        tpu.wait_dma2 semaphore(%run_scoped3A : memref<!tpu.dma_semaphore, #tpu.memory_space<semaphore_mem>>) src(%arg16 : memref<128x128xf32, #tpu.memory_space<vmem>>) dst(%dma_wait3A_133 : memref<128x128xf32, #tpu.memory_space<hbm>>)
        tpu.yield
      }) : () -> ()
      %add3A_124 = arith.constant 512 : i32
      %add3A_125 = arith.addi %mul3A_0, %add3A_124 : i32
      "tpu.region"() ({
        %run_scoped3A = tpu.sem_alloc : memref<!tpu.dma_semaphore, #tpu.memory_space<semaphore_mem>>
        %dma_start3A_126 = arith.constant 0 : i32
        %dma_start3A_127 = tpu.memref_slice %arg18[%add3A_125, %dma_start3A_126] : memref<10240x128xf32, #tpu.memory_space<vmem_shared>> -> memref<128x128xf32, #tpu.memory_space<vmem_shared>>
        %dma_start3A_128 = arith.constant 0 : i32
        %dma_start3A_129 = tpu.memref_slice %arg18[%add3A_125, %dma_start3A_128] : memref<10240x128xf32, #tpu.memory_space<vmem_shared>> -> memref<128x128xf32, #tpu.memory_space<vmem_shared>>
        tpu.enqueue_dma source(%dma_start3A_129 : memref<128x128xf32, #tpu.memory_space<vmem_shared>>) target(%arg16 : memref<128x128xf32, #tpu.memory_space<vmem>>) target_semaphore(%run_scoped3A : memref<!tpu.dma_semaphore, #tpu.memory_space<semaphore_mem>>)
        %dma_wait3A_130 = arith.constant 0 : i32
        %dma_wait3A_131 = tpu.memref_slice %arg18[%add3A_125, %dma_wait3A_130] : memref<10240x128xf32, #tpu.memory_space<vmem_shared>> -> memref<128x128xf32, #tpu.memory_space<vmem_shared>>
        %dma_wait3A_132 = arith.constant 0 : i32
        %dma_wait3A_133 = tpu.memref_slice %arg18[%add3A_125, %dma_wait3A_132] : memref<10240x128xf32, #tpu.memory_space<vmem_shared>> -> memref<128x128xf32, #tpu.memory_space<vmem_shared>>
        tpu.wait_dma2 semaphore(%run_scoped3A : memref<!tpu.dma_semaphore, #tpu.memory_space<semaphore_mem>>) src(%dma_wait3A_133 : memref<128x128xf32, #tpu.memory_space<vmem_shared>>) dst(%arg16 : memref<128x128xf32, #tpu.memory_space<vmem>>)
        tpu.yield
      }) : () -> ()
      "tpu.region"() ({
        %run_scoped3A = tpu.sem_alloc : memref<!tpu.dma_semaphore, #tpu.memory_space<semaphore_mem>>
        %dma_start3A_126 = arith.constant 0 : i32
        %dma_start3A_127 = tpu.memref_slice %arg6[%add3A_125, %dma_start3A_126] : memref<10240x128xf32, #tpu.memory_space<hbm>> -> memref<128x128xf32, #tpu.memory_space<hbm>>
        %dma_start3A_128 = arith.constant 0 : i32
        %dma_start3A_129 = tpu.memref_slice %arg6[%add3A_125, %dma_start3A_128] : memref<10240x128xf32, #tpu.memory_space<hbm>> -> memref<128x128xf32, #tpu.memory_space<hbm>>
        tpu.enqueue_dma source(%arg16 : memref<128x128xf32, #tpu.memory_space<vmem>>) target(%dma_start3A_129 : memref<128x128xf32, #tpu.memory_space<hbm>>) target_semaphore(%run_scoped3A : memref<!tpu.dma_semaphore, #tpu.memory_space<semaphore_mem>>)
        %dma_wait3A_130 = arith.constant 0 : i32
        %dma_wait3A_131 = tpu.memref_slice %arg6[%add3A_125, %dma_wait3A_130] : memref<10240x128xf32, #tpu.memory_space<hbm>> -> memref<128x128xf32, #tpu.memory_space<hbm>>
        %dma_wait3A_132 = arith.constant 0 : i32
        %dma_wait3A_133 = tpu.memref_slice %arg6[%add3A_125, %dma_wait3A_132] : memref<10240x128xf32, #tpu.memory_space<hbm>> -> memref<128x128xf32, #tpu.memory_space<hbm>>
        tpu.wait_dma2 semaphore(%run_scoped3A : memref<!tpu.dma_semaphore, #tpu.memory_space<semaphore_mem>>) src(%arg16 : memref<128x128xf32, #tpu.memory_space<vmem>>) dst(%dma_wait3A_133 : memref<128x128xf32, #tpu.memory_space<hbm>>)
        tpu.yield
      }) : () -> ()
    } else {
    }
    %eq3A_111 = arith.constant 1 : i32
    %eq3A_112 = arith.cmpi eq, %arg0, %eq3A_111 : i32
    %convert_element_type3A_113 = arith.extui %eq3A_112 : i1 to i32
    %cond3A_114 = arith.constant 0 : i32
    %cond3A_115 = arith.cmpi ne, %convert_element_type3A_113, %cond3A_114 : i32
    scf.if %cond3A_115 {
      %add3A_116 = arith.constant 0 : i32
      %add3A_117 = arith.addi %mul3A_0, %add3A_116 : i32
      "tpu.region"() ({
        %run_scoped3A = tpu.sem_alloc : memref<!tpu.dma_semaphore, #tpu.memory_space<semaphore_mem>>
        %dma_start3A_126 = arith.constant 0 : i32
        %dma_start3A_127 = tpu.memref_slice %arg18[%add3A_117, %dma_start3A_126] : memref<10240x128xf32, #tpu.memory_space<vmem_shared>> -> memref<128x128xf32, #tpu.memory_space<vmem_shared>>
        %dma_start3A_128 = arith.constant 0 : i32
        %dma_start3A_129 = tpu.memref_slice %arg18[%add3A_117, %dma_start3A_128] : memref<10240x128xf32, #tpu.memory_space<vmem_shared>> -> memref<128x128xf32, #tpu.memory_space<vmem_shared>>
        tpu.enqueue_dma source(%dma_start3A_129 : memref<128x128xf32, #tpu.memory_space<vmem_shared>>) target(%arg16 : memref<128x128xf32, #tpu.memory_space<vmem>>) target_semaphore(%run_scoped3A : memref<!tpu.dma_semaphore, #tpu.memory_space<semaphore_mem>>)
        %dma_wait3A_130 = arith.constant 0 : i32
        %dma_wait3A_131 = tpu.memref_slice %arg18[%add3A_117, %dma_wait3A_130] : memref<10240x128xf32, #tpu.memory_space<vmem_shared>> -> memref<128x128xf32, #tpu.memory_space<vmem_shared>>
        %dma_wait3A_132 = arith.constant 0 : i32
        %dma_wait3A_133 = tpu.memref_slice %arg18[%add3A_117, %dma_wait3A_132] : memref<10240x128xf32, #tpu.memory_space<vmem_shared>> -> memref<128x128xf32, #tpu.memory_space<vmem_shared>>
        tpu.wait_dma2 semaphore(%run_scoped3A : memref<!tpu.dma_semaphore, #tpu.memory_space<semaphore_mem>>) src(%dma_wait3A_133 : memref<128x128xf32, #tpu.memory_space<vmem_shared>>) dst(%arg16 : memref<128x128xf32, #tpu.memory_space<vmem>>)
        tpu.yield
      }) : () -> ()
      "tpu.region"() ({
        %run_scoped3A = tpu.sem_alloc : memref<!tpu.dma_semaphore, #tpu.memory_space<semaphore_mem>>
        %dma_start3A_126 = arith.constant 0 : i32
        %dma_start3A_127 = tpu.memref_slice %arg7[%add3A_117, %dma_start3A_126] : memref<10240x128xf32, #tpu.memory_space<hbm>> -> memref<128x128xf32, #tpu.memory_space<hbm>>
        %dma_start3A_128 = arith.constant 0 : i32
        %dma_start3A_129 = tpu.memref_slice %arg7[%add3A_117, %dma_start3A_128] : memref<10240x128xf32, #tpu.memory_space<hbm>> -> memref<128x128xf32, #tpu.memory_space<hbm>>
        tpu.enqueue_dma source(%arg16 : memref<128x128xf32, #tpu.memory_space<vmem>>) target(%dma_start3A_129 : memref<128x128xf32, #tpu.memory_space<hbm>>) target_semaphore(%run_scoped3A : memref<!tpu.dma_semaphore, #tpu.memory_space<semaphore_mem>>)
        %dma_wait3A_130 = arith.constant 0 : i32
        %dma_wait3A_131 = tpu.memref_slice %arg7[%add3A_117, %dma_wait3A_130] : memref<10240x128xf32, #tpu.memory_space<hbm>> -> memref<128x128xf32, #tpu.memory_space<hbm>>
        %dma_wait3A_132 = arith.constant 0 : i32
        %dma_wait3A_133 = tpu.memref_slice %arg7[%add3A_117, %dma_wait3A_132] : memref<10240x128xf32, #tpu.memory_space<hbm>> -> memref<128x128xf32, #tpu.memory_space<hbm>>
        tpu.wait_dma2 semaphore(%run_scoped3A : memref<!tpu.dma_semaphore, #tpu.memory_space<semaphore_mem>>) src(%arg16 : memref<128x128xf32, #tpu.memory_space<vmem>>) dst(%dma_wait3A_133 : memref<128x128xf32, #tpu.memory_space<hbm>>)
        tpu.yield
      }) : () -> ()
      %add3A_118 = arith.constant 128 : i32
      %add3A_119 = arith.addi %mul3A_0, %add3A_118 : i32
      "tpu.region"() ({
        %run_scoped3A = tpu.sem_alloc : memref<!tpu.dma_semaphore, #tpu.memory_space<semaphore_mem>>
        %dma_start3A_126 = arith.constant 0 : i32
        %dma_start3A_127 = tpu.memref_slice %arg18[%add3A_119, %dma_start3A_126] : memref<10240x128xf32, #tpu.memory_space<vmem_shared>> -> memref<128x128xf32, #tpu.memory_space<vmem_shared>>
        %dma_start3A_128 = arith.constant 0 : i32
        %dma_start3A_129 = tpu.memref_slice %arg18[%add3A_119, %dma_start3A_128] : memref<10240x128xf32, #tpu.memory_space<vmem_shared>> -> memref<128x128xf32, #tpu.memory_space<vmem_shared>>
        tpu.enqueue_dma source(%dma_start3A_129 : memref<128x128xf32, #tpu.memory_space<vmem_shared>>) target(%arg16 : memref<128x128xf32, #tpu.memory_space<vmem>>) target_semaphore(%run_scoped3A : memref<!tpu.dma_semaphore, #tpu.memory_space<semaphore_mem>>)
        %dma_wait3A_130 = arith.constant 0 : i32
        %dma_wait3A_131 = tpu.memref_slice %arg18[%add3A_119, %dma_wait3A_130] : memref<10240x128xf32, #tpu.memory_space<vmem_shared>> -> memref<128x128xf32, #tpu.memory_space<vmem_shared>>
        %dma_wait3A_132 = arith.constant 0 : i32
        %dma_wait3A_133 = tpu.memref_slice %arg18[%add3A_119, %dma_wait3A_132] : memref<10240x128xf32, #tpu.memory_space<vmem_shared>> -> memref<128x128xf32, #tpu.memory_space<vmem_shared>>
        tpu.wait_dma2 semaphore(%run_scoped3A : memref<!tpu.dma_semaphore, #tpu.memory_space<semaphore_mem>>) src(%dma_wait3A_133 : memref<128x128xf32, #tpu.memory_space<vmem_shared>>) dst(%arg16 : memref<128x128xf32, #tpu.memory_space<vmem>>)
        tpu.yield
      }) : () -> ()
      "tpu.region"() ({
        %run_scoped3A = tpu.sem_alloc : memref<!tpu.dma_semaphore, #tpu.memory_space<semaphore_mem>>
        %dma_start3A_126 = arith.constant 0 : i32
        %dma_start3A_127 = tpu.memref_slice %arg7[%add3A_119, %dma_start3A_126] : memref<10240x128xf32, #tpu.memory_space<hbm>> -> memref<128x128xf32, #tpu.memory_space<hbm>>
        %dma_start3A_128 = arith.constant 0 : i32
        %dma_start3A_129 = tpu.memref_slice %arg7[%add3A_119, %dma_start3A_128] : memref<10240x128xf32, #tpu.memory_space<hbm>> -> memref<128x128xf32, #tpu.memory_space<hbm>>
        tpu.enqueue_dma source(%arg16 : memref<128x128xf32, #tpu.memory_space<vmem>>) target(%dma_start3A_129 : memref<128x128xf32, #tpu.memory_space<hbm>>) target_semaphore(%run_scoped3A : memref<!tpu.dma_semaphore, #tpu.memory_space<semaphore_mem>>)
        %dma_wait3A_130 = arith.constant 0 : i32
        %dma_wait3A_131 = tpu.memref_slice %arg7[%add3A_119, %dma_wait3A_130] : memref<10240x128xf32, #tpu.memory_space<hbm>> -> memref<128x128xf32, #tpu.memory_space<hbm>>
        %dma_wait3A_132 = arith.constant 0 : i32
        %dma_wait3A_133 = tpu.memref_slice %arg7[%add3A_119, %dma_wait3A_132] : memref<10240x128xf32, #tpu.memory_space<hbm>> -> memref<128x128xf32, #tpu.memory_space<hbm>>
        tpu.wait_dma2 semaphore(%run_scoped3A : memref<!tpu.dma_semaphore, #tpu.memory_space<semaphore_mem>>) src(%arg16 : memref<128x128xf32, #tpu.memory_space<vmem>>) dst(%dma_wait3A_133 : memref<128x128xf32, #tpu.memory_space<hbm>>)
        tpu.yield
      }) : () -> ()
      %add3A_120 = arith.constant 256 : i32
      %add3A_121 = arith.addi %mul3A_0, %add3A_120 : i32
      "tpu.region"() ({
        %run_scoped3A = tpu.sem_alloc : memref<!tpu.dma_semaphore, #tpu.memory_space<semaphore_mem>>
        %dma_start3A_126 = arith.constant 0 : i32
        %dma_start3A_127 = tpu.memref_slice %arg18[%add3A_121, %dma_start3A_126] : memref<10240x128xf32, #tpu.memory_space<vmem_shared>> -> memref<128x128xf32, #tpu.memory_space<vmem_shared>>
        %dma_start3A_128 = arith.constant 0 : i32
        %dma_start3A_129 = tpu.memref_slice %arg18[%add3A_121, %dma_start3A_128] : memref<10240x128xf32, #tpu.memory_space<vmem_shared>> -> memref<128x128xf32, #tpu.memory_space<vmem_shared>>
        tpu.enqueue_dma source(%dma_start3A_129 : memref<128x128xf32, #tpu.memory_space<vmem_shared>>) target(%arg16 : memref<128x128xf32, #tpu.memory_space<vmem>>) target_semaphore(%run_scoped3A : memref<!tpu.dma_semaphore, #tpu.memory_space<semaphore_mem>>)
        %dma_wait3A_130 = arith.constant 0 : i32
        %dma_wait3A_131 = tpu.memref_slice %arg18[%add3A_121, %dma_wait3A_130] : memref<10240x128xf32, #tpu.memory_space<vmem_shared>> -> memref<128x128xf32, #tpu.memory_space<vmem_shared>>
        %dma_wait3A_132 = arith.constant 0 : i32
        %dma_wait3A_133 = tpu.memref_slice %arg18[%add3A_121, %dma_wait3A_132] : memref<10240x128xf32, #tpu.memory_space<vmem_shared>> -> memref<128x128xf32, #tpu.memory_space<vmem_shared>>
        tpu.wait_dma2 semaphore(%run_scoped3A : memref<!tpu.dma_semaphore, #tpu.memory_space<semaphore_mem>>) src(%dma_wait3A_133 : memref<128x128xf32, #tpu.memory_space<vmem_shared>>) dst(%arg16 : memref<128x128xf32, #tpu.memory_space<vmem>>)
        tpu.yield
      }) : () -> ()
      "tpu.region"() ({
        %run_scoped3A = tpu.sem_alloc : memref<!tpu.dma_semaphore, #tpu.memory_space<semaphore_mem>>
        %dma_start3A_126 = arith.constant 0 : i32
        %dma_start3A_127 = tpu.memref_slice %arg7[%add3A_121, %dma_start3A_126] : memref<10240x128xf32, #tpu.memory_space<hbm>> -> memref<128x128xf32, #tpu.memory_space<hbm>>
        %dma_start3A_128 = arith.constant 0 : i32
        %dma_start3A_129 = tpu.memref_slice %arg7[%add3A_121, %dma_start3A_128] : memref<10240x128xf32, #tpu.memory_space<hbm>> -> memref<128x128xf32, #tpu.memory_space<hbm>>
        tpu.enqueue_dma source(%arg16 : memref<128x128xf32, #tpu.memory_space<vmem>>) target(%dma_start3A_129 : memref<128x128xf32, #tpu.memory_space<hbm>>) target_semaphore(%run_scoped3A : memref<!tpu.dma_semaphore, #tpu.memory_space<semaphore_mem>>)
        %dma_wait3A_130 = arith.constant 0 : i32
        %dma_wait3A_131 = tpu.memref_slice %arg7[%add3A_121, %dma_wait3A_130] : memref<10240x128xf32, #tpu.memory_space<hbm>> -> memref<128x128xf32, #tpu.memory_space<hbm>>
        %dma_wait3A_132 = arith.constant 0 : i32
        %dma_wait3A_133 = tpu.memref_slice %arg7[%add3A_121, %dma_wait3A_132] : memref<10240x128xf32, #tpu.memory_space<hbm>> -> memref<128x128xf32, #tpu.memory_space<hbm>>
        tpu.wait_dma2 semaphore(%run_scoped3A : memref<!tpu.dma_semaphore, #tpu.memory_space<semaphore_mem>>) src(%arg16 : memref<128x128xf32, #tpu.memory_space<vmem>>) dst(%dma_wait3A_133 : memref<128x128xf32, #tpu.memory_space<hbm>>)
        tpu.yield
      }) : () -> ()
      %add3A_122 = arith.constant 384 : i32
      %add3A_123 = arith.addi %mul3A_0, %add3A_122 : i32
      "tpu.region"() ({
        %run_scoped3A = tpu.sem_alloc : memref<!tpu.dma_semaphore, #tpu.memory_space<semaphore_mem>>
        %dma_start3A_126 = arith.constant 0 : i32
        %dma_start3A_127 = tpu.memref_slice %arg18[%add3A_123, %dma_start3A_126] : memref<10240x128xf32, #tpu.memory_space<vmem_shared>> -> memref<128x128xf32, #tpu.memory_space<vmem_shared>>
        %dma_start3A_128 = arith.constant 0 : i32
        %dma_start3A_129 = tpu.memref_slice %arg18[%add3A_123, %dma_start3A_128] : memref<10240x128xf32, #tpu.memory_space<vmem_shared>> -> memref<128x128xf32, #tpu.memory_space<vmem_shared>>
        tpu.enqueue_dma source(%dma_start3A_129 : memref<128x128xf32, #tpu.memory_space<vmem_shared>>) target(%arg16 : memref<128x128xf32, #tpu.memory_space<vmem>>) target_semaphore(%run_scoped3A : memref<!tpu.dma_semaphore, #tpu.memory_space<semaphore_mem>>)
        %dma_wait3A_130 = arith.constant 0 : i32
        %dma_wait3A_131 = tpu.memref_slice %arg18[%add3A_123, %dma_wait3A_130] : memref<10240x128xf32, #tpu.memory_space<vmem_shared>> -> memref<128x128xf32, #tpu.memory_space<vmem_shared>>
        %dma_wait3A_132 = arith.constant 0 : i32
        %dma_wait3A_133 = tpu.memref_slice %arg18[%add3A_123, %dma_wait3A_132] : memref<10240x128xf32, #tpu.memory_space<vmem_shared>> -> memref<128x128xf32, #tpu.memory_space<vmem_shared>>
        tpu.wait_dma2 semaphore(%run_scoped3A : memref<!tpu.dma_semaphore, #tpu.memory_space<semaphore_mem>>) src(%dma_wait3A_133 : memref<128x128xf32, #tpu.memory_space<vmem_shared>>) dst(%arg16 : memref<128x128xf32, #tpu.memory_space<vmem>>)
        tpu.yield
      }) : () -> ()
      "tpu.region"() ({
        %run_scoped3A = tpu.sem_alloc : memref<!tpu.dma_semaphore, #tpu.memory_space<semaphore_mem>>
        %dma_start3A_126 = arith.constant 0 : i32
        %dma_start3A_127 = tpu.memref_slice %arg7[%add3A_123, %dma_start3A_126] : memref<10240x128xf32, #tpu.memory_space<hbm>> -> memref<128x128xf32, #tpu.memory_space<hbm>>
        %dma_start3A_128 = arith.constant 0 : i32
        %dma_start3A_129 = tpu.memref_slice %arg7[%add3A_123, %dma_start3A_128] : memref<10240x128xf32, #tpu.memory_space<hbm>> -> memref<128x128xf32, #tpu.memory_space<hbm>>
        tpu.enqueue_dma source(%arg16 : memref<128x128xf32, #tpu.memory_space<vmem>>) target(%dma_start3A_129 : memref<128x128xf32, #tpu.memory_space<hbm>>) target_semaphore(%run_scoped3A : memref<!tpu.dma_semaphore, #tpu.memory_space<semaphore_mem>>)
        %dma_wait3A_130 = arith.constant 0 : i32
        %dma_wait3A_131 = tpu.memref_slice %arg7[%add3A_123, %dma_wait3A_130] : memref<10240x128xf32, #tpu.memory_space<hbm>> -> memref<128x128xf32, #tpu.memory_space<hbm>>
        %dma_wait3A_132 = arith.constant 0 : i32
        %dma_wait3A_133 = tpu.memref_slice %arg7[%add3A_123, %dma_wait3A_132] : memref<10240x128xf32, #tpu.memory_space<hbm>> -> memref<128x128xf32, #tpu.memory_space<hbm>>
        tpu.wait_dma2 semaphore(%run_scoped3A : memref<!tpu.dma_semaphore, #tpu.memory_space<semaphore_mem>>) src(%arg16 : memref<128x128xf32, #tpu.memory_space<vmem>>) dst(%dma_wait3A_133 : memref<128x128xf32, #tpu.memory_space<hbm>>)
        tpu.yield
      }) : () -> ()
      %add3A_124 = arith.constant 512 : i32
      %add3A_125 = arith.addi %mul3A_0, %add3A_124 : i32
      "tpu.region"() ({
        %run_scoped3A = tpu.sem_alloc : memref<!tpu.dma_semaphore, #tpu.memory_space<semaphore_mem>>
        %dma_start3A_126 = arith.constant 0 : i32
        %dma_start3A_127 = tpu.memref_slice %arg18[%add3A_125, %dma_start3A_126] : memref<10240x128xf32, #tpu.memory_space<vmem_shared>> -> memref<128x128xf32, #tpu.memory_space<vmem_shared>>
        %dma_start3A_128 = arith.constant 0 : i32
        %dma_start3A_129 = tpu.memref_slice %arg18[%add3A_125, %dma_start3A_128] : memref<10240x128xf32, #tpu.memory_space<vmem_shared>> -> memref<128x128xf32, #tpu.memory_space<vmem_shared>>
        tpu.enqueue_dma source(%dma_start3A_129 : memref<128x128xf32, #tpu.memory_space<vmem_shared>>) target(%arg16 : memref<128x128xf32, #tpu.memory_space<vmem>>) target_semaphore(%run_scoped3A : memref<!tpu.dma_semaphore, #tpu.memory_space<semaphore_mem>>)
        %dma_wait3A_130 = arith.constant 0 : i32
        %dma_wait3A_131 = tpu.memref_slice %arg18[%add3A_125, %dma_wait3A_130] : memref<10240x128xf32, #tpu.memory_space<vmem_shared>> -> memref<128x128xf32, #tpu.memory_space<vmem_shared>>
        %dma_wait3A_132 = arith.constant 0 : i32
        %dma_wait3A_133 = tpu.memref_slice %arg18[%add3A_125, %dma_wait3A_132] : memref<10240x128xf32, #tpu.memory_space<vmem_shared>> -> memref<128x128xf32, #tpu.memory_space<vmem_shared>>
        tpu.wait_dma2 semaphore(%run_scoped3A : memref<!tpu.dma_semaphore, #tpu.memory_space<semaphore_mem>>) src(%dma_wait3A_133 : memref<128x128xf32, #tpu.memory_space<vmem_shared>>) dst(%arg16 : memref<128x128xf32, #tpu.memory_space<vmem>>)
        tpu.yield
      }) : () -> ()
      "tpu.region"() ({
        %run_scoped3A = tpu.sem_alloc : memref<!tpu.dma_semaphore, #tpu.memory_space<semaphore_mem>>
        %dma_start3A_126 = arith.constant 0 : i32
        %dma_start3A_127 = tpu.memref_slice %arg7[%add3A_125, %dma_start3A_126] : memref<10240x128xf32, #tpu.memory_space<hbm>> -> memref<128x128xf32, #tpu.memory_space<hbm>>
        %dma_start3A_128 = arith.constant 0 : i32
        %dma_start3A_129 = tpu.memref_slice %arg7[%add3A_125, %dma_start3A_128] : memref<10240x128xf32, #tpu.memory_space<hbm>> -> memref<128x128xf32, #tpu.memory_space<hbm>>
        tpu.enqueue_dma source(%arg16 : memref<128x128xf32, #tpu.memory_space<vmem>>) target(%dma_start3A_129 : memref<128x128xf32, #tpu.memory_space<hbm>>) target_semaphore(%run_scoped3A : memref<!tpu.dma_semaphore, #tpu.memory_space<semaphore_mem>>)
        %dma_wait3A_130 = arith.constant 0 : i32
        %dma_wait3A_131 = tpu.memref_slice %arg7[%add3A_125, %dma_wait3A_130] : memref<10240x128xf32, #tpu.memory_space<hbm>> -> memref<128x128xf32, #tpu.memory_space<hbm>>
        %dma_wait3A_132 = arith.constant 0 : i32
        %dma_wait3A_133 = tpu.memref_slice %arg7[%add3A_125, %dma_wait3A_132] : memref<10240x128xf32, #tpu.memory_space<hbm>> -> memref<128x128xf32, #tpu.memory_space<hbm>>
        tpu.wait_dma2 semaphore(%run_scoped3A : memref<!tpu.dma_semaphore, #tpu.memory_space<semaphore_mem>>) src(%arg16 : memref<128x128xf32, #tpu.memory_space<vmem>>) dst(%dma_wait3A_133 : memref<128x128xf32, #tpu.memory_space<hbm>>)
        tpu.yield
      }) : () -> ()
    } else {
    }
    return
  }
}

#map = affine_map<(d0, d1) -> (0, 0)>
#map1 = affine_map<(d0, d1) -> (0)>
module attributes {stable_mosaic.version = 14 : i64} {
  func.func @sc_kernel(%arg0: i32, %arg1: i32, %arg2: memref<10000x128xf32, #tpu.memory_space<hbm>>, %arg3: memref<10000x128xf32, #tpu.memory_space<hbm>>, %arg4: memref<323584xi32, #tpu.memory_space<hbm>>, %arg5: memref<323584xi32, #tpu.memory_space<hbm>>, %arg6: memref<128x128xf32, #tpu.memory_space<hbm>>, %arg7: memref<10240x128xf32, #tpu.memory_space<hbm>>, %arg8: memref<10240x128xf32, #tpu.memory_space<hbm>>, %arg9: memref<128xi32, #tpu.memory_space<vmem>>, %arg10: memref<128xi32, #tpu.memory_space<vmem>>, %arg11: memref<128xi32, #tpu.memory_space<vmem>>, %arg12: memref<128xi32, #tpu.memory_space<vmem>>, %arg13: memref<128xi32, #tpu.memory_space<vmem>>, %arg14: memref<128xi32, #tpu.memory_space<vmem>>, %arg15: memref<128xi32, #tpu.memory_space<vmem>>, %arg16: memref<128xi32, #tpu.memory_space<vmem>>, %arg17: memref<128x128xf32, #tpu.memory_space<vmem>>, %arg18: memref<128x128xf32, #tpu.memory_space<vmem>>, %arg19: memref<10240x128xf32, #tpu.memory_space<vmem_shared>>, %arg20: memref<!tpu.dma_semaphore, #tpu.memory_space<semaphore_mem>>, %arg21: memref<!tpu.dma_semaphore, #tpu.memory_space<semaphore_mem>>, %arg22: memref<!tpu.dma_semaphore, #tpu.memory_space<semaphore_mem>>, %arg23: memref<!tpu.dma_semaphore, #tpu.memory_space<semaphore_mem>>, %arg24: memref<!tpu.dma_semaphore, #tpu.memory_space<semaphore_mem>>, %arg25: memref<!tpu.dma_semaphore, #tpu.memory_space<semaphore_mem>>, %arg26: memref<!tpu.dma_semaphore, #tpu.memory_space<semaphore_mem>>) attributes {dimension_semantics = [#tpu.dimension_semantics<core_parallel>, #tpu.dimension_semantics<subcore_parallel>], iteration_bounds = array<i64: 2, 16>, scalar_prefetch = 0 : i64, scratch_operands = 18 : i64, tpu.core_type = #tpu.core_type<sc_vector_subcore>, window_params = [{transform_indices = #map}, {transform_indices = #map}, {transform_indices = #map1}, {transform_indices = #map1}, {transform_indices = #map}, {transform_indices = #map}, {transform_indices = #map}]} {
    %mul3A = arith.constant 640 : i32
    %mul3A_0 = arith.muli %arg1, %mul3A : i32
    %eq3A = arith.constant 0 : i32
    %eq3A_1 = arith.cmpi eq, %arg0, %eq3A : i32
    %convert_element_type3A = arith.extui %eq3A_1 : i1 to i32
    %cond3A = arith.constant 0 : i32
    %cond3A_2 = arith.cmpi ne, %convert_element_type3A, %cond3A : i32
    scf.if %cond3A_2 {
      "tpu.region"() ({
        %run_scoped3A = tpu.sem_alloc : memref<!tpu.dma_semaphore, #tpu.memory_space<semaphore_mem>>
        tpu.enqueue_dma source(%arg6 : memref<128x128xf32, #tpu.memory_space<hbm>>) target(%arg17 : memref<128x128xf32, #tpu.memory_space<vmem>>) target_semaphore(%run_scoped3A : memref<!tpu.dma_semaphore, #tpu.memory_space<semaphore_mem>>)
        tpu.wait_dma2 semaphore(%run_scoped3A : memref<!tpu.dma_semaphore, #tpu.memory_space<semaphore_mem>>) src(%arg6 : memref<128x128xf32, #tpu.memory_space<hbm>>) dst(%arg17 : memref<128x128xf32, #tpu.memory_space<vmem>>)
        tpu.yield
      }) : () -> ()
      %add3A = arith.constant 0 : i32
      %add3A_8 = arith.addi %mul3A_0, %add3A : i32
      "tpu.region"() ({
        %run_scoped3A = tpu.sem_alloc : memref<!tpu.dma_semaphore, #tpu.memory_space<semaphore_mem>>
        %dma_start3A_95 = arith.constant 0 : i32
        %dma_start3A_96 = tpu.memref_slice %arg19[%add3A_8, %dma_start3A_95] : memref<10240x128xf32, #tpu.memory_space<vmem_shared>> -> memref<128x128xf32, #tpu.memory_space<vmem_shared>>
        %dma_start3A_97 = arith.constant 0 : i32
        %dma_start3A_98 = tpu.memref_slice %arg19[%add3A_8, %dma_start3A_97] : memref<10240x128xf32, #tpu.memory_space<vmem_shared>> -> memref<128x128xf32, #tpu.memory_space<vmem_shared>>
        tpu.enqueue_dma source(%arg17 : memref<128x128xf32, #tpu.memory_space<vmem>>) target(%dma_start3A_98 : memref<128x128xf32, #tpu.memory_space<vmem_shared>>) target_semaphore(%run_scoped3A : memref<!tpu.dma_semaphore, #tpu.memory_space<semaphore_mem>>)
        %dma_wait3A_99 = arith.constant 0 : i32
        %dma_wait3A_100 = tpu.memref_slice %arg19[%add3A_8, %dma_wait3A_99] : memref<10240x128xf32, #tpu.memory_space<vmem_shared>> -> memref<128x128xf32, #tpu.memory_space<vmem_shared>>
        %dma_wait3A_101 = arith.constant 0 : i32
        %dma_wait3A_102 = tpu.memref_slice %arg19[%add3A_8, %dma_wait3A_101] : memref<10240x128xf32, #tpu.memory_space<vmem_shared>> -> memref<128x128xf32, #tpu.memory_space<vmem_shared>>
        tpu.wait_dma2 semaphore(%run_scoped3A : memref<!tpu.dma_semaphore, #tpu.memory_space<semaphore_mem>>) src(%arg17 : memref<128x128xf32, #tpu.memory_space<vmem>>) dst(%dma_wait3A_102 : memref<128x128xf32, #tpu.memory_space<vmem_shared>>)
        tpu.yield
      }) : () -> ()
      %add3A_9 = arith.constant 128 : i32
      %add3A_10 = arith.addi %mul3A_0, %add3A_9 : i32
      "tpu.region"() ({
        %run_scoped3A = tpu.sem_alloc : memref<!tpu.dma_semaphore, #tpu.memory_space<semaphore_mem>>
        %dma_start3A_95 = arith.constant 0 : i32
        %dma_start3A_96 = tpu.memref_slice %arg19[%add3A_10, %dma_start3A_95] : memref<10240x128xf32, #tpu.memory_space<vmem_shared>> -> memref<128x128xf32, #tpu.memory_space<vmem_shared>>
        %dma_start3A_97 = arith.constant 0 : i32
        %dma_start3A_98 = tpu.memref_slice %arg19[%add3A_10, %dma_start3A_97] : memref<10240x128xf32, #tpu.memory_space<vmem_shared>> -> memref<128x128xf32, #tpu.memory_space<vmem_shared>>
        tpu.enqueue_dma source(%arg17 : memref<128x128xf32, #tpu.memory_space<vmem>>) target(%dma_start3A_98 : memref<128x128xf32, #tpu.memory_space<vmem_shared>>) target_semaphore(%run_scoped3A : memref<!tpu.dma_semaphore, #tpu.memory_space<semaphore_mem>>)
        %dma_wait3A_99 = arith.constant 0 : i32
        %dma_wait3A_100 = tpu.memref_slice %arg19[%add3A_10, %dma_wait3A_99] : memref<10240x128xf32, #tpu.memory_space<vmem_shared>> -> memref<128x128xf32, #tpu.memory_space<vmem_shared>>
        %dma_wait3A_101 = arith.constant 0 : i32
        %dma_wait3A_102 = tpu.memref_slice %arg19[%add3A_10, %dma_wait3A_101] : memref<10240x128xf32, #tpu.memory_space<vmem_shared>> -> memref<128x128xf32, #tpu.memory_space<vmem_shared>>
        tpu.wait_dma2 semaphore(%run_scoped3A : memref<!tpu.dma_semaphore, #tpu.memory_space<semaphore_mem>>) src(%arg17 : memref<128x128xf32, #tpu.memory_space<vmem>>) dst(%dma_wait3A_102 : memref<128x128xf32, #tpu.memory_space<vmem_shared>>)
        tpu.yield
      }) : () -> ()
      %add3A_11 = arith.constant 256 : i32
      %add3A_12 = arith.addi %mul3A_0, %add3A_11 : i32
      "tpu.region"() ({
        %run_scoped3A = tpu.sem_alloc : memref<!tpu.dma_semaphore, #tpu.memory_space<semaphore_mem>>
        %dma_start3A_95 = arith.constant 0 : i32
        %dma_start3A_96 = tpu.memref_slice %arg19[%add3A_12, %dma_start3A_95] : memref<10240x128xf32, #tpu.memory_space<vmem_shared>> -> memref<128x128xf32, #tpu.memory_space<vmem_shared>>
        %dma_start3A_97 = arith.constant 0 : i32
        %dma_start3A_98 = tpu.memref_slice %arg19[%add3A_12, %dma_start3A_97] : memref<10240x128xf32, #tpu.memory_space<vmem_shared>> -> memref<128x128xf32, #tpu.memory_space<vmem_shared>>
        tpu.enqueue_dma source(%arg17 : memref<128x128xf32, #tpu.memory_space<vmem>>) target(%dma_start3A_98 : memref<128x128xf32, #tpu.memory_space<vmem_shared>>) target_semaphore(%run_scoped3A : memref<!tpu.dma_semaphore, #tpu.memory_space<semaphore_mem>>)
        %dma_wait3A_99 = arith.constant 0 : i32
        %dma_wait3A_100 = tpu.memref_slice %arg19[%add3A_12, %dma_wait3A_99] : memref<10240x128xf32, #tpu.memory_space<vmem_shared>> -> memref<128x128xf32, #tpu.memory_space<vmem_shared>>
        %dma_wait3A_101 = arith.constant 0 : i32
        %dma_wait3A_102 = tpu.memref_slice %arg19[%add3A_12, %dma_wait3A_101] : memref<10240x128xf32, #tpu.memory_space<vmem_shared>> -> memref<128x128xf32, #tpu.memory_space<vmem_shared>>
        tpu.wait_dma2 semaphore(%run_scoped3A : memref<!tpu.dma_semaphore, #tpu.memory_space<semaphore_mem>>) src(%arg17 : memref<128x128xf32, #tpu.memory_space<vmem>>) dst(%dma_wait3A_102 : memref<128x128xf32, #tpu.memory_space<vmem_shared>>)
        tpu.yield
      }) : () -> ()
      %add3A_13 = arith.constant 384 : i32
      %add3A_14 = arith.addi %mul3A_0, %add3A_13 : i32
      "tpu.region"() ({
        %run_scoped3A = tpu.sem_alloc : memref<!tpu.dma_semaphore, #tpu.memory_space<semaphore_mem>>
        %dma_start3A_95 = arith.constant 0 : i32
        %dma_start3A_96 = tpu.memref_slice %arg19[%add3A_14, %dma_start3A_95] : memref<10240x128xf32, #tpu.memory_space<vmem_shared>> -> memref<128x128xf32, #tpu.memory_space<vmem_shared>>
        %dma_start3A_97 = arith.constant 0 : i32
        %dma_start3A_98 = tpu.memref_slice %arg19[%add3A_14, %dma_start3A_97] : memref<10240x128xf32, #tpu.memory_space<vmem_shared>> -> memref<128x128xf32, #tpu.memory_space<vmem_shared>>
        tpu.enqueue_dma source(%arg17 : memref<128x128xf32, #tpu.memory_space<vmem>>) target(%dma_start3A_98 : memref<128x128xf32, #tpu.memory_space<vmem_shared>>) target_semaphore(%run_scoped3A : memref<!tpu.dma_semaphore, #tpu.memory_space<semaphore_mem>>)
        %dma_wait3A_99 = arith.constant 0 : i32
        %dma_wait3A_100 = tpu.memref_slice %arg19[%add3A_14, %dma_wait3A_99] : memref<10240x128xf32, #tpu.memory_space<vmem_shared>> -> memref<128x128xf32, #tpu.memory_space<vmem_shared>>
        %dma_wait3A_101 = arith.constant 0 : i32
        %dma_wait3A_102 = tpu.memref_slice %arg19[%add3A_14, %dma_wait3A_101] : memref<10240x128xf32, #tpu.memory_space<vmem_shared>> -> memref<128x128xf32, #tpu.memory_space<vmem_shared>>
        tpu.wait_dma2 semaphore(%run_scoped3A : memref<!tpu.dma_semaphore, #tpu.memory_space<semaphore_mem>>) src(%arg17 : memref<128x128xf32, #tpu.memory_space<vmem>>) dst(%dma_wait3A_102 : memref<128x128xf32, #tpu.memory_space<vmem_shared>>)
        tpu.yield
      }) : () -> ()
      %add3A_15 = arith.constant 512 : i32
      %add3A_16 = arith.addi %mul3A_0, %add3A_15 : i32
      "tpu.region"() ({
        %run_scoped3A = tpu.sem_alloc : memref<!tpu.dma_semaphore, #tpu.memory_space<semaphore_mem>>
        %dma_start3A_95 = arith.constant 0 : i32
        %dma_start3A_96 = tpu.memref_slice %arg19[%add3A_16, %dma_start3A_95] : memref<10240x128xf32, #tpu.memory_space<vmem_shared>> -> memref<128x128xf32, #tpu.memory_space<vmem_shared>>
        %dma_start3A_97 = arith.constant 0 : i32
        %dma_start3A_98 = tpu.memref_slice %arg19[%add3A_16, %dma_start3A_97] : memref<10240x128xf32, #tpu.memory_space<vmem_shared>> -> memref<128x128xf32, #tpu.memory_space<vmem_shared>>
        tpu.enqueue_dma source(%arg17 : memref<128x128xf32, #tpu.memory_space<vmem>>) target(%dma_start3A_98 : memref<128x128xf32, #tpu.memory_space<vmem_shared>>) target_semaphore(%run_scoped3A : memref<!tpu.dma_semaphore, #tpu.memory_space<semaphore_mem>>)
        %dma_wait3A_99 = arith.constant 0 : i32
        %dma_wait3A_100 = tpu.memref_slice %arg19[%add3A_16, %dma_wait3A_99] : memref<10240x128xf32, #tpu.memory_space<vmem_shared>> -> memref<128x128xf32, #tpu.memory_space<vmem_shared>>
        %dma_wait3A_101 = arith.constant 0 : i32
        %dma_wait3A_102 = tpu.memref_slice %arg19[%add3A_16, %dma_wait3A_101] : memref<10240x128xf32, #tpu.memory_space<vmem_shared>> -> memref<128x128xf32, #tpu.memory_space<vmem_shared>>
        tpu.wait_dma2 semaphore(%run_scoped3A : memref<!tpu.dma_semaphore, #tpu.memory_space<semaphore_mem>>) src(%arg17 : memref<128x128xf32, #tpu.memory_space<vmem>>) dst(%dma_wait3A_102 : memref<128x128xf32, #tpu.memory_space<vmem_shared>>)
        tpu.yield
      }) : () -> ()
      %barrier3A = arith.constant 0 : index
      tpu.barrier barrier_id(%barrier3A)
      %mul3A_17 = arith.constant 158 : i32
      %mul3A_18 = arith.muli %arg1, %mul3A_17 : i32
      %add3A_19 = arith.constant 0 : i32
      %add3A_20 = arith.addi %mul3A_18, %add3A_19 : i32
      %mul3A_21 = arith.constant 128 : i32
      %mul3A_22 = arith.muli %add3A_20, %mul3A_21 : i32
      %dma_start3A = tpu.memref_slice %arg4[%mul3A_22] : memref<323584xi32, #tpu.memory_space<hbm>> -> memref<128xi32, #tpu.memory_space<hbm>>
      %dma_start3A_23 = tpu.memref_slice %arg4[%mul3A_22] : memref<323584xi32, #tpu.memory_space<hbm>> -> memref<128xi32, #tpu.memory_space<hbm>>
      tpu.enqueue_dma source(%dma_start3A_23 : memref<128xi32, #tpu.memory_space<hbm>>) target(%arg9 : memref<128xi32, #tpu.memory_space<vmem>>) target_semaphore(%arg20 : memref<!tpu.dma_semaphore, #tpu.memory_space<semaphore_mem>>)
      %dma_start3A_24 = tpu.memref_slice %arg5[%mul3A_22] : memref<323584xi32, #tpu.memory_space<hbm>> -> memref<128xi32, #tpu.memory_space<hbm>>
      %dma_start3A_25 = tpu.memref_slice %arg5[%mul3A_22] : memref<323584xi32, #tpu.memory_space<hbm>> -> memref<128xi32, #tpu.memory_space<hbm>>
      tpu.enqueue_dma source(%dma_start3A_25 : memref<128xi32, #tpu.memory_space<hbm>>) target(%arg13 : memref<128xi32, #tpu.memory_space<vmem>>) target_semaphore(%arg20 : memref<!tpu.dma_semaphore, #tpu.memory_space<semaphore_mem>>)
      %add3A_26 = arith.constant 1 : i32
      %add3A_27 = arith.addi %mul3A_18, %add3A_26 : i32
      %mul3A_28 = arith.constant 128 : i32
      %mul3A_29 = arith.muli %add3A_27, %mul3A_28 : i32
      %dma_start3A_30 = tpu.memref_slice %arg4[%mul3A_29] : memref<323584xi32, #tpu.memory_space<hbm>> -> memref<128xi32, #tpu.memory_space<hbm>>
      %dma_start3A_31 = tpu.memref_slice %arg4[%mul3A_29] : memref<323584xi32, #tpu.memory_space<hbm>> -> memref<128xi32, #tpu.memory_space<hbm>>
      tpu.enqueue_dma source(%dma_start3A_31 : memref<128xi32, #tpu.memory_space<hbm>>) target(%arg10 : memref<128xi32, #tpu.memory_space<vmem>>) target_semaphore(%arg21 : memref<!tpu.dma_semaphore, #tpu.memory_space<semaphore_mem>>)
      %dma_start3A_32 = tpu.memref_slice %arg5[%mul3A_29] : memref<323584xi32, #tpu.memory_space<hbm>> -> memref<128xi32, #tpu.memory_space<hbm>>
      %dma_start3A_33 = tpu.memref_slice %arg5[%mul3A_29] : memref<323584xi32, #tpu.memory_space<hbm>> -> memref<128xi32, #tpu.memory_space<hbm>>
      tpu.enqueue_dma source(%dma_start3A_33 : memref<128xi32, #tpu.memory_space<hbm>>) target(%arg14 : memref<128xi32, #tpu.memory_space<vmem>>) target_semaphore(%arg21 : memref<!tpu.dma_semaphore, #tpu.memory_space<semaphore_mem>>)
      %scan3A = arith.constant 0 : i32
      %scan3A_34 = arith.constant 0 : i32
      %scan3A_35 = arith.constant 39 : i32
      %scan3A_36 = arith.addi %scan3A_34, %scan3A_35 : i32
      %scan3A_37 = arith.constant 1 : i32
      scf.for %scan3A_95 = %scan3A_34 to %scan3A_36 step %scan3A_37  : i32 {
        %mul3A_96 = arith.constant 4 : i32
        %mul3A_97 = arith.muli %scan3A_95, %mul3A_96 : i32
        %add3A_98 = arith.constant 0 : i32
        %add3A_99 = arith.addi %mul3A_97, %add3A_98 : i32
        %add3A_100 = arith.addi %mul3A_18, %add3A_99 : i32
        %mul3A_101 = arith.constant 128 : i32
        %mul3A_102 = arith.muli %add3A_100, %mul3A_101 : i32
        %dma_wait3A_103 = tpu.memref_slice %arg4[%mul3A_102] : memref<323584xi32, #tpu.memory_space<hbm>> -> memref<128xi32, #tpu.memory_space<hbm>>
        %dma_wait3A_104 = tpu.memref_slice %arg4[%mul3A_102] : memref<323584xi32, #tpu.memory_space<hbm>> -> memref<128xi32, #tpu.memory_space<hbm>>
        tpu.wait_dma2 semaphore(%arg20 : memref<!tpu.dma_semaphore, #tpu.memory_space<semaphore_mem>>) src(%dma_wait3A_104 : memref<128xi32, #tpu.memory_space<hbm>>) dst(%arg9 : memref<128xi32, #tpu.memory_space<vmem>>)
        %dma_wait3A_105 = tpu.memref_slice %arg5[%mul3A_102] : memref<323584xi32, #tpu.memory_space<hbm>> -> memref<128xi32, #tpu.memory_space<hbm>>
        %dma_wait3A_106 = tpu.memref_slice %arg5[%mul3A_102] : memref<323584xi32, #tpu.memory_space<hbm>> -> memref<128xi32, #tpu.memory_space<hbm>>
        tpu.wait_dma2 semaphore(%arg20 : memref<!tpu.dma_semaphore, #tpu.memory_space<semaphore_mem>>) src(%dma_wait3A_106 : memref<128xi32, #tpu.memory_space<hbm>>) dst(%arg13 : memref<128xi32, #tpu.memory_space<vmem>>)
        %ge3A = arith.constant 2 : i32
        %ge3A_107 = arith.cmpi sge, %add3A_99, %ge3A : i32
        %convert_element_type3A_108 = arith.extui %ge3A_107 : i1 to i32
        %cond3A_109 = arith.constant 0 : i32
        %cond3A_110 = arith.cmpi ne, %convert_element_type3A_108, %cond3A_109 : i32
        scf.if %cond3A_110 {
          %dma_wait3A_230 = arith.constant 0 : i32
          %dma_wait3A_231 = arith.constant 0 : i32
          %dma_wait3A_232 = tpu.memref_slice %arg19[%dma_wait3A_230, %dma_wait3A_231] : memref<10240x128xf32, #tpu.memory_space<vmem_shared>> -> memref<10240x128xf32, #tpu.memory_space<vmem_shared>>
          tpu.wait_indirect_dma semaphore(%arg24 : memref<!tpu.dma_semaphore, #tpu.memory_space<semaphore_mem>>) src(%arg17 : memref<128x128xf32, #tpu.memory_space<vmem>>) dst(%dma_wait3A_232 : memref<10240x128xf32, #tpu.memory_space<vmem_shared>>)
        } else {
        }
        %dma_start3A_111 = arith.constant 0 : i32
        %dma_start3A_112 = arith.constant 0 : i32
        %dma_start3A_113 = tpu.memref_slice %arg2[%dma_start3A_111, %dma_start3A_112] : memref<10000x128xf32, #tpu.memory_space<hbm>> -> memref<10000x128xf32, #tpu.memory_space<hbm>>
        tpu.enqueue_indirect_dma source(%dma_start3A_113 : memref<10000x128xf32, #tpu.memory_space<hbm>>) target(%arg17 : memref<128x128xf32, #tpu.memory_space<vmem>>) offsets(%arg9 : memref<128xi32, #tpu.memory_space<vmem>>) semaphore(%arg26 : memref<!tpu.dma_semaphore, #tpu.memory_space<semaphore_mem>>)
        %add3A_114 = arith.constant 2 : i32
        %add3A_115 = arith.addi %add3A_99, %add3A_114 : i32
        %lt3A = arith.constant 158 : i32
        %lt3A_116 = arith.cmpi slt, %add3A_115, %lt3A : i32
        %add3A_117 = arith.constant 2 : i32
        %add3A_118 = arith.addi %add3A_99, %add3A_117 : i32
        %convert_element_type3A_119 = arith.extui %lt3A_116 : i1 to i32
        %cond3A_120 = arith.constant 0 : i32
        %cond3A_121 = arith.cmpi ne, %convert_element_type3A_119, %cond3A_120 : i32
        scf.if %cond3A_121 {
          %add3A_230 = arith.addi %mul3A_18, %add3A_118 : i32
          %mul3A_231 = arith.constant 128 : i32
          %mul3A_232 = arith.muli %add3A_230, %mul3A_231 : i32
          %dma_start3A_233 = tpu.memref_slice %arg4[%mul3A_232] : memref<323584xi32, #tpu.memory_space<hbm>> -> memref<128xi32, #tpu.memory_space<hbm>>
          %dma_start3A_234 = tpu.memref_slice %arg4[%mul3A_232] : memref<323584xi32, #tpu.memory_space<hbm>> -> memref<128xi32, #tpu.memory_space<hbm>>
          tpu.enqueue_dma source(%dma_start3A_234 : memref<128xi32, #tpu.memory_space<hbm>>) target(%arg11 : memref<128xi32, #tpu.memory_space<vmem>>) target_semaphore(%arg22 : memref<!tpu.dma_semaphore, #tpu.memory_space<semaphore_mem>>)
          %dma_start3A_235 = tpu.memref_slice %arg5[%mul3A_232] : memref<323584xi32, #tpu.memory_space<hbm>> -> memref<128xi32, #tpu.memory_space<hbm>>
          %dma_start3A_236 = tpu.memref_slice %arg5[%mul3A_232] : memref<323584xi32, #tpu.memory_space<hbm>> -> memref<128xi32, #tpu.memory_space<hbm>>
          tpu.enqueue_dma source(%dma_start3A_236 : memref<128xi32, #tpu.memory_space<hbm>>) target(%arg15 : memref<128xi32, #tpu.memory_space<vmem>>) target_semaphore(%arg22 : memref<!tpu.dma_semaphore, #tpu.memory_space<semaphore_mem>>)
        } else {
        }
        %dma_wait3A_122 = arith.constant 0 : i32
        %dma_wait3A_123 = arith.constant 0 : i32
        %dma_wait3A_124 = tpu.memref_slice %arg2[%dma_wait3A_122, %dma_wait3A_123] : memref<10000x128xf32, #tpu.memory_space<hbm>> -> memref<10000x128xf32, #tpu.memory_space<hbm>>
        tpu.wait_indirect_dma semaphore(%arg26 : memref<!tpu.dma_semaphore, #tpu.memory_space<semaphore_mem>>) src(%dma_wait3A_124 : memref<10000x128xf32, #tpu.memory_space<hbm>>) dst(%arg17 : memref<128x128xf32, #tpu.memory_space<vmem>>)
        %dma_start3A_125 = arith.constant 0 : i32
        %dma_start3A_126 = arith.constant 0 : i32
        %dma_start3A_127 = tpu.memref_slice %arg19[%dma_start3A_125, %dma_start3A_126] : memref<10240x128xf32, #tpu.memory_space<vmem_shared>> -> memref<10240x128xf32, #tpu.memory_space<vmem_shared>>
        tpu.enqueue_indirect_dma source(%arg17 : memref<128x128xf32, #tpu.memory_space<vmem>>) target(%dma_start3A_127 : memref<10240x128xf32, #tpu.memory_space<vmem_shared>>) offsets(%arg13 : memref<128xi32, #tpu.memory_space<vmem>>) semaphore(%arg24 : memref<!tpu.dma_semaphore, #tpu.memory_space<semaphore_mem>>) {add = true}
        %mul3A_128 = arith.constant 4 : i32
        %mul3A_129 = arith.muli %scan3A_95, %mul3A_128 : i32
        %add3A_130 = arith.constant 1 : i32
        %add3A_131 = arith.addi %mul3A_129, %add3A_130 : i32
        %add3A_132 = arith.addi %mul3A_18, %add3A_131 : i32
        %mul3A_133 = arith.constant 128 : i32
        %mul3A_134 = arith.muli %add3A_132, %mul3A_133 : i32
        %dma_wait3A_135 = tpu.memref_slice %arg4[%mul3A_134] : memref<323584xi32, #tpu.memory_space<hbm>> -> memref<128xi32, #tpu.memory_space<hbm>>
        %dma_wait3A_136 = tpu.memref_slice %arg4[%mul3A_134] : memref<323584xi32, #tpu.memory_space<hbm>> -> memref<128xi32, #tpu.memory_space<hbm>>
        tpu.wait_dma2 semaphore(%arg21 : memref<!tpu.dma_semaphore, #tpu.memory_space<semaphore_mem>>) src(%dma_wait3A_136 : memref<128xi32, #tpu.memory_space<hbm>>) dst(%arg10 : memref<128xi32, #tpu.memory_space<vmem>>)
        %dma_wait3A_137 = tpu.memref_slice %arg5[%mul3A_134] : memref<323584xi32, #tpu.memory_space<hbm>> -> memref<128xi32, #tpu.memory_space<hbm>>
        %dma_wait3A_138 = tpu.memref_slice %arg5[%mul3A_134] : memref<323584xi32, #tpu.memory_space<hbm>> -> memref<128xi32, #tpu.memory_space<hbm>>
        tpu.wait_dma2 semaphore(%arg21 : memref<!tpu.dma_semaphore, #tpu.memory_space<semaphore_mem>>) src(%dma_wait3A_138 : memref<128xi32, #tpu.memory_space<hbm>>) dst(%arg14 : memref<128xi32, #tpu.memory_space<vmem>>)
        %ge3A_139 = arith.constant 2 : i32
        %ge3A_140 = arith.cmpi sge, %add3A_131, %ge3A_139 : i32
        %convert_element_type3A_141 = arith.extui %ge3A_140 : i1 to i32
        %cond3A_142 = arith.constant 0 : i32
        %cond3A_143 = arith.cmpi ne, %convert_element_type3A_141, %cond3A_142 : i32
        scf.if %cond3A_143 {
          %dma_wait3A_230 = arith.constant 0 : i32
          %dma_wait3A_231 = arith.constant 0 : i32
          %dma_wait3A_232 = tpu.memref_slice %arg19[%dma_wait3A_230, %dma_wait3A_231] : memref<10240x128xf32, #tpu.memory_space<vmem_shared>> -> memref<10240x128xf32, #tpu.memory_space<vmem_shared>>
          tpu.wait_indirect_dma semaphore(%arg25 : memref<!tpu.dma_semaphore, #tpu.memory_space<semaphore_mem>>) src(%arg18 : memref<128x128xf32, #tpu.memory_space<vmem>>) dst(%dma_wait3A_232 : memref<10240x128xf32, #tpu.memory_space<vmem_shared>>)
        } else {
        }
        %dma_start3A_144 = arith.constant 0 : i32
        %dma_start3A_145 = arith.constant 0 : i32
        %dma_start3A_146 = tpu.memref_slice %arg2[%dma_start3A_144, %dma_start3A_145] : memref<10000x128xf32, #tpu.memory_space<hbm>> -> memref<10000x128xf32, #tpu.memory_space<hbm>>
        tpu.enqueue_indirect_dma source(%dma_start3A_146 : memref<10000x128xf32, #tpu.memory_space<hbm>>) target(%arg18 : memref<128x128xf32, #tpu.memory_space<vmem>>) offsets(%arg10 : memref<128xi32, #tpu.memory_space<vmem>>) semaphore(%arg26 : memref<!tpu.dma_semaphore, #tpu.memory_space<semaphore_mem>>)
        %add3A_147 = arith.constant 2 : i32
        %add3A_148 = arith.addi %add3A_131, %add3A_147 : i32
        %lt3A_149 = arith.constant 158 : i32
        %lt3A_150 = arith.cmpi slt, %add3A_148, %lt3A_149 : i32
        %add3A_151 = arith.constant 2 : i32
        %add3A_152 = arith.addi %add3A_131, %add3A_151 : i32
        %convert_element_type3A_153 = arith.extui %lt3A_150 : i1 to i32
        %cond3A_154 = arith.constant 0 : i32
        %cond3A_155 = arith.cmpi ne, %convert_element_type3A_153, %cond3A_154 : i32
        scf.if %cond3A_155 {
          %add3A_230 = arith.addi %mul3A_18, %add3A_152 : i32
          %mul3A_231 = arith.constant 128 : i32
          %mul3A_232 = arith.muli %add3A_230, %mul3A_231 : i32
          %dma_start3A_233 = tpu.memref_slice %arg4[%mul3A_232] : memref<323584xi32, #tpu.memory_space<hbm>> -> memref<128xi32, #tpu.memory_space<hbm>>
          %dma_start3A_234 = tpu.memref_slice %arg4[%mul3A_232] : memref<323584xi32, #tpu.memory_space<hbm>> -> memref<128xi32, #tpu.memory_space<hbm>>
          tpu.enqueue_dma source(%dma_start3A_234 : memref<128xi32, #tpu.memory_space<hbm>>) target(%arg12 : memref<128xi32, #tpu.memory_space<vmem>>) target_semaphore(%arg23 : memref<!tpu.dma_semaphore, #tpu.memory_space<semaphore_mem>>)
          %dma_start3A_235 = tpu.memref_slice %arg5[%mul3A_232] : memref<323584xi32, #tpu.memory_space<hbm>> -> memref<128xi32, #tpu.memory_space<hbm>>
          %dma_start3A_236 = tpu.memref_slice %arg5[%mul3A_232] : memref<323584xi32, #tpu.memory_space<hbm>> -> memref<128xi32, #tpu.memory_space<hbm>>
          tpu.enqueue_dma source(%dma_start3A_236 : memref<128xi32, #tpu.memory_space<hbm>>) target(%arg16 : memref<128xi32, #tpu.memory_space<vmem>>) target_semaphore(%arg23 : memref<!tpu.dma_semaphore, #tpu.memory_space<semaphore_mem>>)
        } else {
        }
        %dma_wait3A_156 = arith.constant 0 : i32
        %dma_wait3A_157 = arith.constant 0 : i32
        %dma_wait3A_158 = tpu.memref_slice %arg2[%dma_wait3A_156, %dma_wait3A_157] : memref<10000x128xf32, #tpu.memory_space<hbm>> -> memref<10000x128xf32, #tpu.memory_space<hbm>>
        tpu.wait_indirect_dma semaphore(%arg26 : memref<!tpu.dma_semaphore, #tpu.memory_space<semaphore_mem>>) src(%dma_wait3A_158 : memref<10000x128xf32, #tpu.memory_space<hbm>>) dst(%arg18 : memref<128x128xf32, #tpu.memory_space<vmem>>)
        %dma_start3A_159 = arith.constant 0 : i32
        %dma_start3A_160 = arith.constant 0 : i32
        %dma_start3A_161 = tpu.memref_slice %arg19[%dma_start3A_159, %dma_start3A_160] : memref<10240x128xf32, #tpu.memory_space<vmem_shared>> -> memref<10240x128xf32, #tpu.memory_space<vmem_shared>>
        tpu.enqueue_indirect_dma source(%arg18 : memref<128x128xf32, #tpu.memory_space<vmem>>) target(%dma_start3A_161 : memref<10240x128xf32, #tpu.memory_space<vmem_shared>>) offsets(%arg14 : memref<128xi32, #tpu.memory_space<vmem>>) semaphore(%arg25 : memref<!tpu.dma_semaphore, #tpu.memory_space<semaphore_mem>>) {add = true}
        %mul3A_162 = arith.constant 4 : i32
        %mul3A_163 = arith.muli %scan3A_95, %mul3A_162 : i32
        %add3A_164 = arith.constant 2 : i32
        %add3A_165 = arith.addi %mul3A_163, %add3A_164 : i32
        %add3A_166 = arith.addi %mul3A_18, %add3A_165 : i32
        %mul3A_167 = arith.constant 128 : i32
        %mul3A_168 = arith.muli %add3A_166, %mul3A_167 : i32
        %dma_wait3A_169 = tpu.memref_slice %arg4[%mul3A_168] : memref<323584xi32, #tpu.memory_space<hbm>> -> memref<128xi32, #tpu.memory_space<hbm>>
        %dma_wait3A_170 = tpu.memref_slice %arg4[%mul3A_168] : memref<323584xi32, #tpu.memory_space<hbm>> -> memref<128xi32, #tpu.memory_space<hbm>>
        tpu.wait_dma2 semaphore(%arg22 : memref<!tpu.dma_semaphore, #tpu.memory_space<semaphore_mem>>) src(%dma_wait3A_170 : memref<128xi32, #tpu.memory_space<hbm>>) dst(%arg11 : memref<128xi32, #tpu.memory_space<vmem>>)
        %dma_wait3A_171 = tpu.memref_slice %arg5[%mul3A_168] : memref<323584xi32, #tpu.memory_space<hbm>> -> memref<128xi32, #tpu.memory_space<hbm>>
        %dma_wait3A_172 = tpu.memref_slice %arg5[%mul3A_168] : memref<323584xi32, #tpu.memory_space<hbm>> -> memref<128xi32, #tpu.memory_space<hbm>>
        tpu.wait_dma2 semaphore(%arg22 : memref<!tpu.dma_semaphore, #tpu.memory_space<semaphore_mem>>) src(%dma_wait3A_172 : memref<128xi32, #tpu.memory_space<hbm>>) dst(%arg15 : memref<128xi32, #tpu.memory_space<vmem>>)
        %ge3A_173 = arith.constant 2 : i32
        %ge3A_174 = arith.cmpi sge, %add3A_165, %ge3A_173 : i32
        %convert_element_type3A_175 = arith.extui %ge3A_174 : i1 to i32
        %cond3A_176 = arith.constant 0 : i32
        %cond3A_177 = arith.cmpi ne, %convert_element_type3A_175, %cond3A_176 : i32
        scf.if %cond3A_177 {
          %dma_wait3A_230 = arith.constant 0 : i32
          %dma_wait3A_231 = arith.constant 0 : i32
          %dma_wait3A_232 = tpu.memref_slice %arg19[%dma_wait3A_230, %dma_wait3A_231] : memref<10240x128xf32, #tpu.memory_space<vmem_shared>> -> memref<10240x128xf32, #tpu.memory_space<vmem_shared>>
          tpu.wait_indirect_dma semaphore(%arg24 : memref<!tpu.dma_semaphore, #tpu.memory_space<semaphore_mem>>) src(%arg17 : memref<128x128xf32, #tpu.memory_space<vmem>>) dst(%dma_wait3A_232 : memref<10240x128xf32, #tpu.memory_space<vmem_shared>>)
        } else {
        }
        %dma_start3A_178 = arith.constant 0 : i32
        %dma_start3A_179 = arith.constant 0 : i32
        %dma_start3A_180 = tpu.memref_slice %arg2[%dma_start3A_178, %dma_start3A_179] : memref<10000x128xf32, #tpu.memory_space<hbm>> -> memref<10000x128xf32, #tpu.memory_space<hbm>>
        tpu.enqueue_indirect_dma source(%dma_start3A_180 : memref<10000x128xf32, #tpu.memory_space<hbm>>) target(%arg17 : memref<128x128xf32, #tpu.memory_space<vmem>>) offsets(%arg11 : memref<128xi32, #tpu.memory_space<vmem>>) semaphore(%arg26 : memref<!tpu.dma_semaphore, #tpu.memory_space<semaphore_mem>>)
        %add3A_181 = arith.constant 2 : i32
        %add3A_182 = arith.addi %add3A_165, %add3A_181 : i32
        %lt3A_183 = arith.constant 158 : i32
        %lt3A_184 = arith.cmpi slt, %add3A_182, %lt3A_183 : i32
        %add3A_185 = arith.constant 2 : i32
        %add3A_186 = arith.addi %add3A_165, %add3A_185 : i32
        %convert_element_type3A_187 = arith.extui %lt3A_184 : i1 to i32
        %cond3A_188 = arith.constant 0 : i32
        %cond3A_189 = arith.cmpi ne, %convert_element_type3A_187, %cond3A_188 : i32
        scf.if %cond3A_189 {
          %add3A_230 = arith.addi %mul3A_18, %add3A_186 : i32
          %mul3A_231 = arith.constant 128 : i32
          %mul3A_232 = arith.muli %add3A_230, %mul3A_231 : i32
          %dma_start3A_233 = tpu.memref_slice %arg4[%mul3A_232] : memref<323584xi32, #tpu.memory_space<hbm>> -> memref<128xi32, #tpu.memory_space<hbm>>
          %dma_start3A_234 = tpu.memref_slice %arg4[%mul3A_232] : memref<323584xi32, #tpu.memory_space<hbm>> -> memref<128xi32, #tpu.memory_space<hbm>>
          tpu.enqueue_dma source(%dma_start3A_234 : memref<128xi32, #tpu.memory_space<hbm>>) target(%arg9 : memref<128xi32, #tpu.memory_space<vmem>>) target_semaphore(%arg20 : memref<!tpu.dma_semaphore, #tpu.memory_space<semaphore_mem>>)
          %dma_start3A_235 = tpu.memref_slice %arg5[%mul3A_232] : memref<323584xi32, #tpu.memory_space<hbm>> -> memref<128xi32, #tpu.memory_space<hbm>>
          %dma_start3A_236 = tpu.memref_slice %arg5[%mul3A_232] : memref<323584xi32, #tpu.memory_space<hbm>> -> memref<128xi32, #tpu.memory_space<hbm>>
          tpu.enqueue_dma source(%dma_start3A_236 : memref<128xi32, #tpu.memory_space<hbm>>) target(%arg13 : memref<128xi32, #tpu.memory_space<vmem>>) target_semaphore(%arg20 : memref<!tpu.dma_semaphore, #tpu.memory_space<semaphore_mem>>)
        } else {
        }
        %dma_wait3A_190 = arith.constant 0 : i32
        %dma_wait3A_191 = arith.constant 0 : i32
        %dma_wait3A_192 = tpu.memref_slice %arg2[%dma_wait3A_190, %dma_wait3A_191] : memref<10000x128xf32, #tpu.memory_space<hbm>> -> memref<10000x128xf32, #tpu.memory_space<hbm>>
        tpu.wait_indirect_dma semaphore(%arg26 : memref<!tpu.dma_semaphore, #tpu.memory_space<semaphore_mem>>) src(%dma_wait3A_192 : memref<10000x128xf32, #tpu.memory_space<hbm>>) dst(%arg17 : memref<128x128xf32, #tpu.memory_space<vmem>>)
        %dma_start3A_193 = arith.constant 0 : i32
        %dma_start3A_194 = arith.constant 0 : i32
        %dma_start3A_195 = tpu.memref_slice %arg19[%dma_start3A_193, %dma_start3A_194] : memref<10240x128xf32, #tpu.memory_space<vmem_shared>> -> memref<10240x128xf32, #tpu.memory_space<vmem_shared>>
        tpu.enqueue_indirect_dma source(%arg17 : memref<128x128xf32, #tpu.memory_space<vmem>>) target(%dma_start3A_195 : memref<10240x128xf32, #tpu.memory_space<vmem_shared>>) offsets(%arg15 : memref<128xi32, #tpu.memory_space<vmem>>) semaphore(%arg24 : memref<!tpu.dma_semaphore, #tpu.memory_space<semaphore_mem>>) {add = true}
        %mul3A_196 = arith.constant 4 : i32
        %mul3A_197 = arith.muli %scan3A_95, %mul3A_196 : i32
        %add3A_198 = arith.constant 3 : i32
        %add3A_199 = arith.addi %mul3A_197, %add3A_198 : i32
        %add3A_200 = arith.addi %mul3A_18, %add3A_199 : i32
        %mul3A_201 = arith.constant 128 : i32
        %mul3A_202 = arith.muli %add3A_200, %mul3A_201 : i32
        %dma_wait3A_203 = tpu.memref_slice %arg4[%mul3A_202] : memref<323584xi32, #tpu.memory_space<hbm>> -> memref<128xi32, #tpu.memory_space<hbm>>
        %dma_wait3A_204 = tpu.memref_slice %arg4[%mul3A_202] : memref<323584xi32, #tpu.memory_space<hbm>> -> memref<128xi32, #tpu.memory_space<hbm>>
        tpu.wait_dma2 semaphore(%arg23 : memref<!tpu.dma_semaphore, #tpu.memory_space<semaphore_mem>>) src(%dma_wait3A_204 : memref<128xi32, #tpu.memory_space<hbm>>) dst(%arg12 : memref<128xi32, #tpu.memory_space<vmem>>)
        %dma_wait3A_205 = tpu.memref_slice %arg5[%mul3A_202] : memref<323584xi32, #tpu.memory_space<hbm>> -> memref<128xi32, #tpu.memory_space<hbm>>
        %dma_wait3A_206 = tpu.memref_slice %arg5[%mul3A_202] : memref<323584xi32, #tpu.memory_space<hbm>> -> memref<128xi32, #tpu.memory_space<hbm>>
        tpu.wait_dma2 semaphore(%arg23 : memref<!tpu.dma_semaphore, #tpu.memory_space<semaphore_mem>>) src(%dma_wait3A_206 : memref<128xi32, #tpu.memory_space<hbm>>) dst(%arg16 : memref<128xi32, #tpu.memory_space<vmem>>)
        %ge3A_207 = arith.constant 2 : i32
        %ge3A_208 = arith.cmpi sge, %add3A_199, %ge3A_207 : i32
        %convert_element_type3A_209 = arith.extui %ge3A_208 : i1 to i32
        %cond3A_210 = arith.constant 0 : i32
        %cond3A_211 = arith.cmpi ne, %convert_element_type3A_209, %cond3A_210 : i32
        scf.if %cond3A_211 {
          %dma_wait3A_230 = arith.constant 0 : i32
          %dma_wait3A_231 = arith.constant 0 : i32
          %dma_wait3A_232 = tpu.memref_slice %arg19[%dma_wait3A_230, %dma_wait3A_231] : memref<10240x128xf32, #tpu.memory_space<vmem_shared>> -> memref<10240x128xf32, #tpu.memory_space<vmem_shared>>
          tpu.wait_indirect_dma semaphore(%arg25 : memref<!tpu.dma_semaphore, #tpu.memory_space<semaphore_mem>>) src(%arg18 : memref<128x128xf32, #tpu.memory_space<vmem>>) dst(%dma_wait3A_232 : memref<10240x128xf32, #tpu.memory_space<vmem_shared>>)
        } else {
        }
        %dma_start3A_212 = arith.constant 0 : i32
        %dma_start3A_213 = arith.constant 0 : i32
        %dma_start3A_214 = tpu.memref_slice %arg2[%dma_start3A_212, %dma_start3A_213] : memref<10000x128xf32, #tpu.memory_space<hbm>> -> memref<10000x128xf32, #tpu.memory_space<hbm>>
        tpu.enqueue_indirect_dma source(%dma_start3A_214 : memref<10000x128xf32, #tpu.memory_space<hbm>>) target(%arg18 : memref<128x128xf32, #tpu.memory_space<vmem>>) offsets(%arg12 : memref<128xi32, #tpu.memory_space<vmem>>) semaphore(%arg26 : memref<!tpu.dma_semaphore, #tpu.memory_space<semaphore_mem>>)
        %add3A_215 = arith.constant 2 : i32
        %add3A_216 = arith.addi %add3A_199, %add3A_215 : i32
        %lt3A_217 = arith.constant 158 : i32
        %lt3A_218 = arith.cmpi slt, %add3A_216, %lt3A_217 : i32
        %add3A_219 = arith.constant 2 : i32
        %add3A_220 = arith.addi %add3A_199, %add3A_219 : i32
        %convert_element_type3A_221 = arith.extui %lt3A_218 : i1 to i32
        %cond3A_222 = arith.constant 0 : i32
        %cond3A_223 = arith.cmpi ne, %convert_element_type3A_221, %cond3A_222 : i32
        scf.if %cond3A_223 {
          %add3A_230 = arith.addi %mul3A_18, %add3A_220 : i32
          %mul3A_231 = arith.constant 128 : i32
          %mul3A_232 = arith.muli %add3A_230, %mul3A_231 : i32
          %dma_start3A_233 = tpu.memref_slice %arg4[%mul3A_232] : memref<323584xi32, #tpu.memory_space<hbm>> -> memref<128xi32, #tpu.memory_space<hbm>>
          %dma_start3A_234 = tpu.memref_slice %arg4[%mul3A_232] : memref<323584xi32, #tpu.memory_space<hbm>> -> memref<128xi32, #tpu.memory_space<hbm>>
          tpu.enqueue_dma source(%dma_start3A_234 : memref<128xi32, #tpu.memory_space<hbm>>) target(%arg10 : memref<128xi32, #tpu.memory_space<vmem>>) target_semaphore(%arg21 : memref<!tpu.dma_semaphore, #tpu.memory_space<semaphore_mem>>)
          %dma_start3A_235 = tpu.memref_slice %arg5[%mul3A_232] : memref<323584xi32, #tpu.memory_space<hbm>> -> memref<128xi32, #tpu.memory_space<hbm>>
          %dma_start3A_236 = tpu.memref_slice %arg5[%mul3A_232] : memref<323584xi32, #tpu.memory_space<hbm>> -> memref<128xi32, #tpu.memory_space<hbm>>
          tpu.enqueue_dma source(%dma_start3A_236 : memref<128xi32, #tpu.memory_space<hbm>>) target(%arg14 : memref<128xi32, #tpu.memory_space<vmem>>) target_semaphore(%arg21 : memref<!tpu.dma_semaphore, #tpu.memory_space<semaphore_mem>>)
        } else {
        }
        %dma_wait3A_224 = arith.constant 0 : i32
        %dma_wait3A_225 = arith.constant 0 : i32
        %dma_wait3A_226 = tpu.memref_slice %arg2[%dma_wait3A_224, %dma_wait3A_225] : memref<10000x128xf32, #tpu.memory_space<hbm>> -> memref<10000x128xf32, #tpu.memory_space<hbm>>
        tpu.wait_indirect_dma semaphore(%arg26 : memref<!tpu.dma_semaphore, #tpu.memory_space<semaphore_mem>>) src(%dma_wait3A_226 : memref<10000x128xf32, #tpu.memory_space<hbm>>) dst(%arg18 : memref<128x128xf32, #tpu.memory_space<vmem>>)
        %dma_start3A_227 = arith.constant 0 : i32
        %dma_start3A_228 = arith.constant 0 : i32
        %dma_start3A_229 = tpu.memref_slice %arg19[%dma_start3A_227, %dma_start3A_228] : memref<10240x128xf32, #tpu.memory_space<vmem_shared>> -> memref<10240x128xf32, #tpu.memory_space<vmem_shared>>
        tpu.enqueue_indirect_dma source(%arg18 : memref<128x128xf32, #tpu.memory_space<vmem>>) target(%dma_start3A_229 : memref<10240x128xf32, #tpu.memory_space<vmem_shared>>) offsets(%arg16 : memref<128xi32, #tpu.memory_space<vmem>>) semaphore(%arg25 : memref<!tpu.dma_semaphore, #tpu.memory_space<semaphore_mem>>) {add = true}
      }
      %scan3A_38 = arith.constant 39 : i32
      %add3A_39 = arith.constant 156 : i32
      %add3A_40 = arith.addi %mul3A_18, %add3A_39 : i32
      %mul3A_41 = arith.constant 128 : i32
      %mul3A_42 = arith.muli %add3A_40, %mul3A_41 : i32
      %dma_wait3A = tpu.memref_slice %arg4[%mul3A_42] : memref<323584xi32, #tpu.memory_space<hbm>> -> memref<128xi32, #tpu.memory_space<hbm>>
      %dma_wait3A_43 = tpu.memref_slice %arg4[%mul3A_42] : memref<323584xi32, #tpu.memory_space<hbm>> -> memref<128xi32, #tpu.memory_space<hbm>>
      tpu.wait_dma2 semaphore(%arg20 : memref<!tpu.dma_semaphore, #tpu.memory_space<semaphore_mem>>) src(%dma_wait3A_43 : memref<128xi32, #tpu.memory_space<hbm>>) dst(%arg9 : memref<128xi32, #tpu.memory_space<vmem>>)
      %dma_wait3A_44 = tpu.memref_slice %arg5[%mul3A_42] : memref<323584xi32, #tpu.memory_space<hbm>> -> memref<128xi32, #tpu.memory_space<hbm>>
      %dma_wait3A_45 = tpu.memref_slice %arg5[%mul3A_42] : memref<323584xi32, #tpu.memory_space<hbm>> -> memref<128xi32, #tpu.memory_space<hbm>>
      tpu.wait_dma2 semaphore(%arg20 : memref<!tpu.dma_semaphore, #tpu.memory_space<semaphore_mem>>) src(%dma_wait3A_45 : memref<128xi32, #tpu.memory_space<hbm>>) dst(%arg13 : memref<128xi32, #tpu.memory_space<vmem>>)
      %dma_wait3A_46 = arith.constant 0 : i32
      %dma_wait3A_47 = arith.constant 0 : i32
      %dma_wait3A_48 = tpu.memref_slice %arg19[%dma_wait3A_46, %dma_wait3A_47] : memref<10240x128xf32, #tpu.memory_space<vmem_shared>> -> memref<10240x128xf32, #tpu.memory_space<vmem_shared>>
      tpu.wait_indirect_dma semaphore(%arg24 : memref<!tpu.dma_semaphore, #tpu.memory_space<semaphore_mem>>) src(%arg17 : memref<128x128xf32, #tpu.memory_space<vmem>>) dst(%dma_wait3A_48 : memref<10240x128xf32, #tpu.memory_space<vmem_shared>>)
      %dma_start3A_49 = arith.constant 0 : i32
      %dma_start3A_50 = arith.constant 0 : i32
      %dma_start3A_51 = tpu.memref_slice %arg2[%dma_start3A_49, %dma_start3A_50] : memref<10000x128xf32, #tpu.memory_space<hbm>> -> memref<10000x128xf32, #tpu.memory_space<hbm>>
      tpu.enqueue_indirect_dma source(%dma_start3A_51 : memref<10000x128xf32, #tpu.memory_space<hbm>>) target(%arg17 : memref<128x128xf32, #tpu.memory_space<vmem>>) offsets(%arg9 : memref<128xi32, #tpu.memory_space<vmem>>) semaphore(%arg26 : memref<!tpu.dma_semaphore, #tpu.memory_space<semaphore_mem>>)
      %dma_wait3A_52 = arith.constant 0 : i32
      %dma_wait3A_53 = arith.constant 0 : i32
      %dma_wait3A_54 = tpu.memref_slice %arg2[%dma_wait3A_52, %dma_wait3A_53] : memref<10000x128xf32, #tpu.memory_space<hbm>> -> memref<10000x128xf32, #tpu.memory_space<hbm>>
      tpu.wait_indirect_dma semaphore(%arg26 : memref<!tpu.dma_semaphore, #tpu.memory_space<semaphore_mem>>) src(%dma_wait3A_54 : memref<10000x128xf32, #tpu.memory_space<hbm>>) dst(%arg17 : memref<128x128xf32, #tpu.memory_space<vmem>>)
      %dma_start3A_55 = arith.constant 0 : i32
      %dma_start3A_56 = arith.constant 0 : i32
      %dma_start3A_57 = tpu.memref_slice %arg19[%dma_start3A_55, %dma_start3A_56] : memref<10240x128xf32, #tpu.memory_space<vmem_shared>> -> memref<10240x128xf32, #tpu.memory_space<vmem_shared>>
      tpu.enqueue_indirect_dma source(%arg17 : memref<128x128xf32, #tpu.memory_space<vmem>>) target(%dma_start3A_57 : memref<10240x128xf32, #tpu.memory_space<vmem_shared>>) offsets(%arg13 : memref<128xi32, #tpu.memory_space<vmem>>) semaphore(%arg24 : memref<!tpu.dma_semaphore, #tpu.memory_space<semaphore_mem>>) {add = true}
      %add3A_58 = arith.constant 157 : i32
      %add3A_59 = arith.addi %mul3A_18, %add3A_58 : i32
      %mul3A_60 = arith.constant 128 : i32
      %mul3A_61 = arith.muli %add3A_59, %mul3A_60 : i32
      %dma_wait3A_62 = tpu.memref_slice %arg4[%mul3A_61] : memref<323584xi32, #tpu.memory_space<hbm>> -> memref<128xi32, #tpu.memory_space<hbm>>
      %dma_wait3A_63 = tpu.memref_slice %arg4[%mul3A_61] : memref<323584xi32, #tpu.memory_space<hbm>> -> memref<128xi32, #tpu.memory_space<hbm>>
      tpu.wait_dma2 semaphore(%arg21 : memref<!tpu.dma_semaphore, #tpu.memory_space<semaphore_mem>>) src(%dma_wait3A_63 : memref<128xi32, #tpu.memory_space<hbm>>) dst(%arg10 : memref<128xi32, #tpu.memory_space<vmem>>)
      %dma_wait3A_64 = tpu.memref_slice %arg5[%mul3A_61] : memref<323584xi32, #tpu.memory_space<hbm>> -> memref<128xi32, #tpu.memory_space<hbm>>
      %dma_wait3A_65 = tpu.memref_slice %arg5[%mul3A_61] : memref<323584xi32, #tpu.memory_space<hbm>> -> memref<128xi32, #tpu.memory_space<hbm>>
      tpu.wait_dma2 semaphore(%arg21 : memref<!tpu.dma_semaphore, #tpu.memory_space<semaphore_mem>>) src(%dma_wait3A_65 : memref<128xi32, #tpu.memory_space<hbm>>) dst(%arg14 : memref<128xi32, #tpu.memory_space<vmem>>)
      %dma_wait3A_66 = arith.constant 0 : i32
      %dma_wait3A_67 = arith.constant 0 : i32
      %dma_wait3A_68 = tpu.memref_slice %arg19[%dma_wait3A_66, %dma_wait3A_67] : memref<10240x128xf32, #tpu.memory_space<vmem_shared>> -> memref<10240x128xf32, #tpu.memory_space<vmem_shared>>
      tpu.wait_indirect_dma semaphore(%arg25 : memref<!tpu.dma_semaphore, #tpu.memory_space<semaphore_mem>>) src(%arg18 : memref<128x128xf32, #tpu.memory_space<vmem>>) dst(%dma_wait3A_68 : memref<10240x128xf32, #tpu.memory_space<vmem_shared>>)
      %dma_start3A_69 = arith.constant 0 : i32
      %dma_start3A_70 = arith.constant 0 : i32
      %dma_start3A_71 = tpu.memref_slice %arg2[%dma_start3A_69, %dma_start3A_70] : memref<10000x128xf32, #tpu.memory_space<hbm>> -> memref<10000x128xf32, #tpu.memory_space<hbm>>
      tpu.enqueue_indirect_dma source(%dma_start3A_71 : memref<10000x128xf32, #tpu.memory_space<hbm>>) target(%arg18 : memref<128x128xf32, #tpu.memory_space<vmem>>) offsets(%arg10 : memref<128xi32, #tpu.memory_space<vmem>>) semaphore(%arg26 : memref<!tpu.dma_semaphore, #tpu.memory_space<semaphore_mem>>)
      %dma_wait3A_72 = arith.constant 0 : i32
      %dma_wait3A_73 = arith.constant 0 : i32
      %dma_wait3A_74 = tpu.memref_slice %arg2[%dma_wait3A_72, %dma_wait3A_73] : memref<10000x128xf32, #tpu.memory_space<hbm>> -> memref<10000x128xf32, #tpu.memory_space<hbm>>
      tpu.wait_indirect_dma semaphore(%arg26 : memref<!tpu.dma_semaphore, #tpu.memory_space<semaphore_mem>>) src(%dma_wait3A_74 : memref<10000x128xf32, #tpu.memory_space<hbm>>) dst(%arg18 : memref<128x128xf32, #tpu.memory_space<vmem>>)
      %dma_start3A_75 = arith.constant 0 : i32
      %dma_start3A_76 = arith.constant 0 : i32
      %dma_start3A_77 = tpu.memref_slice %arg19[%dma_start3A_75, %dma_start3A_76] : memref<10240x128xf32, #tpu.memory_space<vmem_shared>> -> memref<10240x128xf32, #tpu.memory_space<vmem_shared>>
      tpu.enqueue_indirect_dma source(%arg18 : memref<128x128xf32, #tpu.memory_space<vmem>>) target(%dma_start3A_77 : memref<10240x128xf32, #tpu.memory_space<vmem_shared>>) offsets(%arg14 : memref<128xi32, #tpu.memory_space<vmem>>) semaphore(%arg25 : memref<!tpu.dma_semaphore, #tpu.memory_space<semaphore_mem>>) {add = true}
      %dma_wait3A_78 = arith.constant 0 : i32
      %dma_wait3A_79 = arith.constant 0 : i32
      %dma_wait3A_80 = tpu.memref_slice %arg19[%dma_wait3A_78, %dma_wait3A_79] : memref<10240x128xf32, #tpu.memory_space<vmem_shared>> -> memref<10240x128xf32, #tpu.memory_space<vmem_shared>>
      tpu.wait_indirect_dma semaphore(%arg24 : memref<!tpu.dma_semaphore, #tpu.memory_space<semaphore_mem>>) src(%arg17 : memref<128x128xf32, #tpu.memory_space<vmem>>) dst(%dma_wait3A_80 : memref<10240x128xf32, #tpu.memory_space<vmem_shared>>)
      %dma_wait3A_81 = arith.constant 0 : i32
      %dma_wait3A_82 = arith.constant 0 : i32
      %dma_wait3A_83 = tpu.memref_slice %arg19[%dma_wait3A_81, %dma_wait3A_82] : memref<10240x128xf32, #tpu.memory_space<vmem_shared>> -> memref<10240x128xf32, #tpu.memory_space<vmem_shared>>
      tpu.wait_indirect_dma semaphore(%arg25 : memref<!tpu.dma_semaphore, #tpu.memory_space<semaphore_mem>>) src(%arg18 : memref<128x128xf32, #tpu.memory_space<vmem>>) dst(%dma_wait3A_83 : memref<10240x128xf32, #tpu.memory_space<vmem_shared>>)
      %barrier3A_84 = arith.constant 0 : index
      tpu.barrier barrier_id(%barrier3A_84)
      %add3A_85 = arith.constant 0 : i32
      %add3A_86 = arith.addi %mul3A_0, %add3A_85 : i32
      "tpu.region"() ({
        %run_scoped3A = tpu.sem_alloc : memref<!tpu.dma_semaphore, #tpu.memory_space<semaphore_mem>>
        %dma_start3A_95 = arith.constant 0 : i32
        %dma_start3A_96 = tpu.memref_slice %arg19[%add3A_86, %dma_start3A_95] : memref<10240x128xf32, #tpu.memory_space<vmem_shared>> -> memref<128x128xf32, #tpu.memory_space<vmem_shared>>
        %dma_start3A_97 = arith.constant 0 : i32
        %dma_start3A_98 = tpu.memref_slice %arg19[%add3A_86, %dma_start3A_97] : memref<10240x128xf32, #tpu.memory_space<vmem_shared>> -> memref<128x128xf32, #tpu.memory_space<vmem_shared>>
        tpu.enqueue_dma source(%dma_start3A_98 : memref<128x128xf32, #tpu.memory_space<vmem_shared>>) target(%arg17 : memref<128x128xf32, #tpu.memory_space<vmem>>) target_semaphore(%run_scoped3A : memref<!tpu.dma_semaphore, #tpu.memory_space<semaphore_mem>>)
        %dma_wait3A_99 = arith.constant 0 : i32
        %dma_wait3A_100 = tpu.memref_slice %arg19[%add3A_86, %dma_wait3A_99] : memref<10240x128xf32, #tpu.memory_space<vmem_shared>> -> memref<128x128xf32, #tpu.memory_space<vmem_shared>>
        %dma_wait3A_101 = arith.constant 0 : i32
        %dma_wait3A_102 = tpu.memref_slice %arg19[%add3A_86, %dma_wait3A_101] : memref<10240x128xf32, #tpu.memory_space<vmem_shared>> -> memref<128x128xf32, #tpu.memory_space<vmem_shared>>
        tpu.wait_dma2 semaphore(%run_scoped3A : memref<!tpu.dma_semaphore, #tpu.memory_space<semaphore_mem>>) src(%dma_wait3A_102 : memref<128x128xf32, #tpu.memory_space<vmem_shared>>) dst(%arg17 : memref<128x128xf32, #tpu.memory_space<vmem>>)
        tpu.yield
      }) : () -> ()
      "tpu.region"() ({
        %run_scoped3A = tpu.sem_alloc : memref<!tpu.dma_semaphore, #tpu.memory_space<semaphore_mem>>
        %dma_start3A_95 = arith.constant 0 : i32
        %dma_start3A_96 = tpu.memref_slice %arg7[%add3A_86, %dma_start3A_95] : memref<10240x128xf32, #tpu.memory_space<hbm>> -> memref<128x128xf32, #tpu.memory_space<hbm>>
        %dma_start3A_97 = arith.constant 0 : i32
        %dma_start3A_98 = tpu.memref_slice %arg7[%add3A_86, %dma_start3A_97] : memref<10240x128xf32, #tpu.memory_space<hbm>> -> memref<128x128xf32, #tpu.memory_space<hbm>>
        tpu.enqueue_dma source(%arg17 : memref<128x128xf32, #tpu.memory_space<vmem>>) target(%dma_start3A_98 : memref<128x128xf32, #tpu.memory_space<hbm>>) target_semaphore(%run_scoped3A : memref<!tpu.dma_semaphore, #tpu.memory_space<semaphore_mem>>)
        %dma_wait3A_99 = arith.constant 0 : i32
        %dma_wait3A_100 = tpu.memref_slice %arg7[%add3A_86, %dma_wait3A_99] : memref<10240x128xf32, #tpu.memory_space<hbm>> -> memref<128x128xf32, #tpu.memory_space<hbm>>
        %dma_wait3A_101 = arith.constant 0 : i32
        %dma_wait3A_102 = tpu.memref_slice %arg7[%add3A_86, %dma_wait3A_101] : memref<10240x128xf32, #tpu.memory_space<hbm>> -> memref<128x128xf32, #tpu.memory_space<hbm>>
        tpu.wait_dma2 semaphore(%run_scoped3A : memref<!tpu.dma_semaphore, #tpu.memory_space<semaphore_mem>>) src(%arg17 : memref<128x128xf32, #tpu.memory_space<vmem>>) dst(%dma_wait3A_102 : memref<128x128xf32, #tpu.memory_space<hbm>>)
        tpu.yield
      }) : () -> ()
      %add3A_87 = arith.constant 128 : i32
      %add3A_88 = arith.addi %mul3A_0, %add3A_87 : i32
      "tpu.region"() ({
        %run_scoped3A = tpu.sem_alloc : memref<!tpu.dma_semaphore, #tpu.memory_space<semaphore_mem>>
        %dma_start3A_95 = arith.constant 0 : i32
        %dma_start3A_96 = tpu.memref_slice %arg19[%add3A_88, %dma_start3A_95] : memref<10240x128xf32, #tpu.memory_space<vmem_shared>> -> memref<128x128xf32, #tpu.memory_space<vmem_shared>>
        %dma_start3A_97 = arith.constant 0 : i32
        %dma_start3A_98 = tpu.memref_slice %arg19[%add3A_88, %dma_start3A_97] : memref<10240x128xf32, #tpu.memory_space<vmem_shared>> -> memref<128x128xf32, #tpu.memory_space<vmem_shared>>
        tpu.enqueue_dma source(%dma_start3A_98 : memref<128x128xf32, #tpu.memory_space<vmem_shared>>) target(%arg17 : memref<128x128xf32, #tpu.memory_space<vmem>>) target_semaphore(%run_scoped3A : memref<!tpu.dma_semaphore, #tpu.memory_space<semaphore_mem>>)
        %dma_wait3A_99 = arith.constant 0 : i32
        %dma_wait3A_100 = tpu.memref_slice %arg19[%add3A_88, %dma_wait3A_99] : memref<10240x128xf32, #tpu.memory_space<vmem_shared>> -> memref<128x128xf32, #tpu.memory_space<vmem_shared>>
        %dma_wait3A_101 = arith.constant 0 : i32
        %dma_wait3A_102 = tpu.memref_slice %arg19[%add3A_88, %dma_wait3A_101] : memref<10240x128xf32, #tpu.memory_space<vmem_shared>> -> memref<128x128xf32, #tpu.memory_space<vmem_shared>>
        tpu.wait_dma2 semaphore(%run_scoped3A : memref<!tpu.dma_semaphore, #tpu.memory_space<semaphore_mem>>) src(%dma_wait3A_102 : memref<128x128xf32, #tpu.memory_space<vmem_shared>>) dst(%arg17 : memref<128x128xf32, #tpu.memory_space<vmem>>)
        tpu.yield
      }) : () -> ()
      "tpu.region"() ({
        %run_scoped3A = tpu.sem_alloc : memref<!tpu.dma_semaphore, #tpu.memory_space<semaphore_mem>>
        %dma_start3A_95 = arith.constant 0 : i32
        %dma_start3A_96 = tpu.memref_slice %arg7[%add3A_88, %dma_start3A_95] : memref<10240x128xf32, #tpu.memory_space<hbm>> -> memref<128x128xf32, #tpu.memory_space<hbm>>
        %dma_start3A_97 = arith.constant 0 : i32
        %dma_start3A_98 = tpu.memref_slice %arg7[%add3A_88, %dma_start3A_97] : memref<10240x128xf32, #tpu.memory_space<hbm>> -> memref<128x128xf32, #tpu.memory_space<hbm>>
        tpu.enqueue_dma source(%arg17 : memref<128x128xf32, #tpu.memory_space<vmem>>) target(%dma_start3A_98 : memref<128x128xf32, #tpu.memory_space<hbm>>) target_semaphore(%run_scoped3A : memref<!tpu.dma_semaphore, #tpu.memory_space<semaphore_mem>>)
        %dma_wait3A_99 = arith.constant 0 : i32
        %dma_wait3A_100 = tpu.memref_slice %arg7[%add3A_88, %dma_wait3A_99] : memref<10240x128xf32, #tpu.memory_space<hbm>> -> memref<128x128xf32, #tpu.memory_space<hbm>>
        %dma_wait3A_101 = arith.constant 0 : i32
        %dma_wait3A_102 = tpu.memref_slice %arg7[%add3A_88, %dma_wait3A_101] : memref<10240x128xf32, #tpu.memory_space<hbm>> -> memref<128x128xf32, #tpu.memory_space<hbm>>
        tpu.wait_dma2 semaphore(%run_scoped3A : memref<!tpu.dma_semaphore, #tpu.memory_space<semaphore_mem>>) src(%arg17 : memref<128x128xf32, #tpu.memory_space<vmem>>) dst(%dma_wait3A_102 : memref<128x128xf32, #tpu.memory_space<hbm>>)
        tpu.yield
      }) : () -> ()
      %add3A_89 = arith.constant 256 : i32
      %add3A_90 = arith.addi %mul3A_0, %add3A_89 : i32
      "tpu.region"() ({
        %run_scoped3A = tpu.sem_alloc : memref<!tpu.dma_semaphore, #tpu.memory_space<semaphore_mem>>
        %dma_start3A_95 = arith.constant 0 : i32
        %dma_start3A_96 = tpu.memref_slice %arg19[%add3A_90, %dma_start3A_95] : memref<10240x128xf32, #tpu.memory_space<vmem_shared>> -> memref<128x128xf32, #tpu.memory_space<vmem_shared>>
        %dma_start3A_97 = arith.constant 0 : i32
        %dma_start3A_98 = tpu.memref_slice %arg19[%add3A_90, %dma_start3A_97] : memref<10240x128xf32, #tpu.memory_space<vmem_shared>> -> memref<128x128xf32, #tpu.memory_space<vmem_shared>>
        tpu.enqueue_dma source(%dma_start3A_98 : memref<128x128xf32, #tpu.memory_space<vmem_shared>>) target(%arg17 : memref<128x128xf32, #tpu.memory_space<vmem>>) target_semaphore(%run_scoped3A : memref<!tpu.dma_semaphore, #tpu.memory_space<semaphore_mem>>)
        %dma_wait3A_99 = arith.constant 0 : i32
        %dma_wait3A_100 = tpu.memref_slice %arg19[%add3A_90, %dma_wait3A_99] : memref<10240x128xf32, #tpu.memory_space<vmem_shared>> -> memref<128x128xf32, #tpu.memory_space<vmem_shared>>
        %dma_wait3A_101 = arith.constant 0 : i32
        %dma_wait3A_102 = tpu.memref_slice %arg19[%add3A_90, %dma_wait3A_101] : memref<10240x128xf32, #tpu.memory_space<vmem_shared>> -> memref<128x128xf32, #tpu.memory_space<vmem_shared>>
        tpu.wait_dma2 semaphore(%run_scoped3A : memref<!tpu.dma_semaphore, #tpu.memory_space<semaphore_mem>>) src(%dma_wait3A_102 : memref<128x128xf32, #tpu.memory_space<vmem_shared>>) dst(%arg17 : memref<128x128xf32, #tpu.memory_space<vmem>>)
        tpu.yield
      }) : () -> ()
      "tpu.region"() ({
        %run_scoped3A = tpu.sem_alloc : memref<!tpu.dma_semaphore, #tpu.memory_space<semaphore_mem>>
        %dma_start3A_95 = arith.constant 0 : i32
        %dma_start3A_96 = tpu.memref_slice %arg7[%add3A_90, %dma_start3A_95] : memref<10240x128xf32, #tpu.memory_space<hbm>> -> memref<128x128xf32, #tpu.memory_space<hbm>>
        %dma_start3A_97 = arith.constant 0 : i32
        %dma_start3A_98 = tpu.memref_slice %arg7[%add3A_90, %dma_start3A_97] : memref<10240x128xf32, #tpu.memory_space<hbm>> -> memref<128x128xf32, #tpu.memory_space<hbm>>
        tpu.enqueue_dma source(%arg17 : memref<128x128xf32, #tpu.memory_space<vmem>>) target(%dma_start3A_98 : memref<128x128xf32, #tpu.memory_space<hbm>>) target_semaphore(%run_scoped3A : memref<!tpu.dma_semaphore, #tpu.memory_space<semaphore_mem>>)
        %dma_wait3A_99 = arith.constant 0 : i32
        %dma_wait3A_100 = tpu.memref_slice %arg7[%add3A_90, %dma_wait3A_99] : memref<10240x128xf32, #tpu.memory_space<hbm>> -> memref<128x128xf32, #tpu.memory_space<hbm>>
        %dma_wait3A_101 = arith.constant 0 : i32
        %dma_wait3A_102 = tpu.memref_slice %arg7[%add3A_90, %dma_wait3A_101] : memref<10240x128xf32, #tpu.memory_space<hbm>> -> memref<128x128xf32, #tpu.memory_space<hbm>>
        tpu.wait_dma2 semaphore(%run_scoped3A : memref<!tpu.dma_semaphore, #tpu.memory_space<semaphore_mem>>) src(%arg17 : memref<128x128xf32, #tpu.memory_space<vmem>>) dst(%dma_wait3A_102 : memref<128x128xf32, #tpu.memory_space<hbm>>)
        tpu.yield
      }) : () -> ()
      %add3A_91 = arith.constant 384 : i32
      %add3A_92 = arith.addi %mul3A_0, %add3A_91 : i32
      "tpu.region"() ({
        %run_scoped3A = tpu.sem_alloc : memref<!tpu.dma_semaphore, #tpu.memory_space<semaphore_mem>>
        %dma_start3A_95 = arith.constant 0 : i32
        %dma_start3A_96 = tpu.memref_slice %arg19[%add3A_92, %dma_start3A_95] : memref<10240x128xf32, #tpu.memory_space<vmem_shared>> -> memref<128x128xf32, #tpu.memory_space<vmem_shared>>
        %dma_start3A_97 = arith.constant 0 : i32
        %dma_start3A_98 = tpu.memref_slice %arg19[%add3A_92, %dma_start3A_97] : memref<10240x128xf32, #tpu.memory_space<vmem_shared>> -> memref<128x128xf32, #tpu.memory_space<vmem_shared>>
        tpu.enqueue_dma source(%dma_start3A_98 : memref<128x128xf32, #tpu.memory_space<vmem_shared>>) target(%arg17 : memref<128x128xf32, #tpu.memory_space<vmem>>) target_semaphore(%run_scoped3A : memref<!tpu.dma_semaphore, #tpu.memory_space<semaphore_mem>>)
        %dma_wait3A_99 = arith.constant 0 : i32
        %dma_wait3A_100 = tpu.memref_slice %arg19[%add3A_92, %dma_wait3A_99] : memref<10240x128xf32, #tpu.memory_space<vmem_shared>> -> memref<128x128xf32, #tpu.memory_space<vmem_shared>>
        %dma_wait3A_101 = arith.constant 0 : i32
        %dma_wait3A_102 = tpu.memref_slice %arg19[%add3A_92, %dma_wait3A_101] : memref<10240x128xf32, #tpu.memory_space<vmem_shared>> -> memref<128x128xf32, #tpu.memory_space<vmem_shared>>
        tpu.wait_dma2 semaphore(%run_scoped3A : memref<!tpu.dma_semaphore, #tpu.memory_space<semaphore_mem>>) src(%dma_wait3A_102 : memref<128x128xf32, #tpu.memory_space<vmem_shared>>) dst(%arg17 : memref<128x128xf32, #tpu.memory_space<vmem>>)
        tpu.yield
      }) : () -> ()
      "tpu.region"() ({
        %run_scoped3A = tpu.sem_alloc : memref<!tpu.dma_semaphore, #tpu.memory_space<semaphore_mem>>
        %dma_start3A_95 = arith.constant 0 : i32
        %dma_start3A_96 = tpu.memref_slice %arg7[%add3A_92, %dma_start3A_95] : memref<10240x128xf32, #tpu.memory_space<hbm>> -> memref<128x128xf32, #tpu.memory_space<hbm>>
        %dma_start3A_97 = arith.constant 0 : i32
        %dma_start3A_98 = tpu.memref_slice %arg7[%add3A_92, %dma_start3A_97] : memref<10240x128xf32, #tpu.memory_space<hbm>> -> memref<128x128xf32, #tpu.memory_space<hbm>>
        tpu.enqueue_dma source(%arg17 : memref<128x128xf32, #tpu.memory_space<vmem>>) target(%dma_start3A_98 : memref<128x128xf32, #tpu.memory_space<hbm>>) target_semaphore(%run_scoped3A : memref<!tpu.dma_semaphore, #tpu.memory_space<semaphore_mem>>)
        %dma_wait3A_99 = arith.constant 0 : i32
        %dma_wait3A_100 = tpu.memref_slice %arg7[%add3A_92, %dma_wait3A_99] : memref<10240x128xf32, #tpu.memory_space<hbm>> -> memref<128x128xf32, #tpu.memory_space<hbm>>
        %dma_wait3A_101 = arith.constant 0 : i32
        %dma_wait3A_102 = tpu.memref_slice %arg7[%add3A_92, %dma_wait3A_101] : memref<10240x128xf32, #tpu.memory_space<hbm>> -> memref<128x128xf32, #tpu.memory_space<hbm>>
        tpu.wait_dma2 semaphore(%run_scoped3A : memref<!tpu.dma_semaphore, #tpu.memory_space<semaphore_mem>>) src(%arg17 : memref<128x128xf32, #tpu.memory_space<vmem>>) dst(%dma_wait3A_102 : memref<128x128xf32, #tpu.memory_space<hbm>>)
        tpu.yield
      }) : () -> ()
      %add3A_93 = arith.constant 512 : i32
      %add3A_94 = arith.addi %mul3A_0, %add3A_93 : i32
      "tpu.region"() ({
        %run_scoped3A = tpu.sem_alloc : memref<!tpu.dma_semaphore, #tpu.memory_space<semaphore_mem>>
        %dma_start3A_95 = arith.constant 0 : i32
        %dma_start3A_96 = tpu.memref_slice %arg19[%add3A_94, %dma_start3A_95] : memref<10240x128xf32, #tpu.memory_space<vmem_shared>> -> memref<128x128xf32, #tpu.memory_space<vmem_shared>>
        %dma_start3A_97 = arith.constant 0 : i32
        %dma_start3A_98 = tpu.memref_slice %arg19[%add3A_94, %dma_start3A_97] : memref<10240x128xf32, #tpu.memory_space<vmem_shared>> -> memref<128x128xf32, #tpu.memory_space<vmem_shared>>
        tpu.enqueue_dma source(%dma_start3A_98 : memref<128x128xf32, #tpu.memory_space<vmem_shared>>) target(%arg17 : memref<128x128xf32, #tpu.memory_space<vmem>>) target_semaphore(%run_scoped3A : memref<!tpu.dma_semaphore, #tpu.memory_space<semaphore_mem>>)
        %dma_wait3A_99 = arith.constant 0 : i32
        %dma_wait3A_100 = tpu.memref_slice %arg19[%add3A_94, %dma_wait3A_99] : memref<10240x128xf32, #tpu.memory_space<vmem_shared>> -> memref<128x128xf32, #tpu.memory_space<vmem_shared>>
        %dma_wait3A_101 = arith.constant 0 : i32
        %dma_wait3A_102 = tpu.memref_slice %arg19[%add3A_94, %dma_wait3A_101] : memref<10240x128xf32, #tpu.memory_space<vmem_shared>> -> memref<128x128xf32, #tpu.memory_space<vmem_shared>>
        tpu.wait_dma2 semaphore(%run_scoped3A : memref<!tpu.dma_semaphore, #tpu.memory_space<semaphore_mem>>) src(%dma_wait3A_102 : memref<128x128xf32, #tpu.memory_space<vmem_shared>>) dst(%arg17 : memref<128x128xf32, #tpu.memory_space<vmem>>)
        tpu.yield
      }) : () -> ()
      "tpu.region"() ({
        %run_scoped3A = tpu.sem_alloc : memref<!tpu.dma_semaphore, #tpu.memory_space<semaphore_mem>>
        %dma_start3A_95 = arith.constant 0 : i32
        %dma_start3A_96 = tpu.memref_slice %arg7[%add3A_94, %dma_start3A_95] : memref<10240x128xf32, #tpu.memory_space<hbm>> -> memref<128x128xf32, #tpu.memory_space<hbm>>
        %dma_start3A_97 = arith.constant 0 : i32
        %dma_start3A_98 = tpu.memref_slice %arg7[%add3A_94, %dma_start3A_97] : memref<10240x128xf32, #tpu.memory_space<hbm>> -> memref<128x128xf32, #tpu.memory_space<hbm>>
        tpu.enqueue_dma source(%arg17 : memref<128x128xf32, #tpu.memory_space<vmem>>) target(%dma_start3A_98 : memref<128x128xf32, #tpu.memory_space<hbm>>) target_semaphore(%run_scoped3A : memref<!tpu.dma_semaphore, #tpu.memory_space<semaphore_mem>>)
        %dma_wait3A_99 = arith.constant 0 : i32
        %dma_wait3A_100 = tpu.memref_slice %arg7[%add3A_94, %dma_wait3A_99] : memref<10240x128xf32, #tpu.memory_space<hbm>> -> memref<128x128xf32, #tpu.memory_space<hbm>>
        %dma_wait3A_101 = arith.constant 0 : i32
        %dma_wait3A_102 = tpu.memref_slice %arg7[%add3A_94, %dma_wait3A_101] : memref<10240x128xf32, #tpu.memory_space<hbm>> -> memref<128x128xf32, #tpu.memory_space<hbm>>
        tpu.wait_dma2 semaphore(%run_scoped3A : memref<!tpu.dma_semaphore, #tpu.memory_space<semaphore_mem>>) src(%arg17 : memref<128x128xf32, #tpu.memory_space<vmem>>) dst(%dma_wait3A_102 : memref<128x128xf32, #tpu.memory_space<hbm>>)
        tpu.yield
      }) : () -> ()
    } else {
    }
    %eq3A_3 = arith.constant 1 : i32
    %eq3A_4 = arith.cmpi eq, %arg0, %eq3A_3 : i32
    %convert_element_type3A_5 = arith.extui %eq3A_4 : i1 to i32
    %cond3A_6 = arith.constant 0 : i32
    %cond3A_7 = arith.cmpi ne, %convert_element_type3A_5, %cond3A_6 : i32
    scf.if %cond3A_7 {
      "tpu.region"() ({
        %run_scoped3A = tpu.sem_alloc : memref<!tpu.dma_semaphore, #tpu.memory_space<semaphore_mem>>
        tpu.enqueue_dma source(%arg6 : memref<128x128xf32, #tpu.memory_space<hbm>>) target(%arg17 : memref<128x128xf32, #tpu.memory_space<vmem>>) target_semaphore(%run_scoped3A : memref<!tpu.dma_semaphore, #tpu.memory_space<semaphore_mem>>)
        tpu.wait_dma2 semaphore(%run_scoped3A : memref<!tpu.dma_semaphore, #tpu.memory_space<semaphore_mem>>) src(%arg6 : memref<128x128xf32, #tpu.memory_space<hbm>>) dst(%arg17 : memref<128x128xf32, #tpu.memory_space<vmem>>)
        tpu.yield
      }) : () -> ()
      %add3A = arith.constant 0 : i32
      %add3A_8 = arith.addi %mul3A_0, %add3A : i32
      "tpu.region"() ({
        %run_scoped3A = tpu.sem_alloc : memref<!tpu.dma_semaphore, #tpu.memory_space<semaphore_mem>>
        %dma_start3A_95 = arith.constant 0 : i32
        %dma_start3A_96 = tpu.memref_slice %arg19[%add3A_8, %dma_start3A_95] : memref<10240x128xf32, #tpu.memory_space<vmem_shared>> -> memref<128x128xf32, #tpu.memory_space<vmem_shared>>
        %dma_start3A_97 = arith.constant 0 : i32
        %dma_start3A_98 = tpu.memref_slice %arg19[%add3A_8, %dma_start3A_97] : memref<10240x128xf32, #tpu.memory_space<vmem_shared>> -> memref<128x128xf32, #tpu.memory_space<vmem_shared>>
        tpu.enqueue_dma source(%arg17 : memref<128x128xf32, #tpu.memory_space<vmem>>) target(%dma_start3A_98 : memref<128x128xf32, #tpu.memory_space<vmem_shared>>) target_semaphore(%run_scoped3A : memref<!tpu.dma_semaphore, #tpu.memory_space<semaphore_mem>>)
        %dma_wait3A_99 = arith.constant 0 : i32
        %dma_wait3A_100 = tpu.memref_slice %arg19[%add3A_8, %dma_wait3A_99] : memref<10240x128xf32, #tpu.memory_space<vmem_shared>> -> memref<128x128xf32, #tpu.memory_space<vmem_shared>>
        %dma_wait3A_101 = arith.constant 0 : i32
        %dma_wait3A_102 = tpu.memref_slice %arg19[%add3A_8, %dma_wait3A_101] : memref<10240x128xf32, #tpu.memory_space<vmem_shared>> -> memref<128x128xf32, #tpu.memory_space<vmem_shared>>
        tpu.wait_dma2 semaphore(%run_scoped3A : memref<!tpu.dma_semaphore, #tpu.memory_space<semaphore_mem>>) src(%arg17 : memref<128x128xf32, #tpu.memory_space<vmem>>) dst(%dma_wait3A_102 : memref<128x128xf32, #tpu.memory_space<vmem_shared>>)
        tpu.yield
      }) : () -> ()
      %add3A_9 = arith.constant 128 : i32
      %add3A_10 = arith.addi %mul3A_0, %add3A_9 : i32
      "tpu.region"() ({
        %run_scoped3A = tpu.sem_alloc : memref<!tpu.dma_semaphore, #tpu.memory_space<semaphore_mem>>
        %dma_start3A_95 = arith.constant 0 : i32
        %dma_start3A_96 = tpu.memref_slice %arg19[%add3A_10, %dma_start3A_95] : memref<10240x128xf32, #tpu.memory_space<vmem_shared>> -> memref<128x128xf32, #tpu.memory_space<vmem_shared>>
        %dma_start3A_97 = arith.constant 0 : i32
        %dma_start3A_98 = tpu.memref_slice %arg19[%add3A_10, %dma_start3A_97] : memref<10240x128xf32, #tpu.memory_space<vmem_shared>> -> memref<128x128xf32, #tpu.memory_space<vmem_shared>>
        tpu.enqueue_dma source(%arg17 : memref<128x128xf32, #tpu.memory_space<vmem>>) target(%dma_start3A_98 : memref<128x128xf32, #tpu.memory_space<vmem_shared>>) target_semaphore(%run_scoped3A : memref<!tpu.dma_semaphore, #tpu.memory_space<semaphore_mem>>)
        %dma_wait3A_99 = arith.constant 0 : i32
        %dma_wait3A_100 = tpu.memref_slice %arg19[%add3A_10, %dma_wait3A_99] : memref<10240x128xf32, #tpu.memory_space<vmem_shared>> -> memref<128x128xf32, #tpu.memory_space<vmem_shared>>
        %dma_wait3A_101 = arith.constant 0 : i32
        %dma_wait3A_102 = tpu.memref_slice %arg19[%add3A_10, %dma_wait3A_101] : memref<10240x128xf32, #tpu.memory_space<vmem_shared>> -> memref<128x128xf32, #tpu.memory_space<vmem_shared>>
        tpu.wait_dma2 semaphore(%run_scoped3A : memref<!tpu.dma_semaphore, #tpu.memory_space<semaphore_mem>>) src(%arg17 : memref<128x128xf32, #tpu.memory_space<vmem>>) dst(%dma_wait3A_102 : memref<128x128xf32, #tpu.memory_space<vmem_shared>>)
        tpu.yield
      }) : () -> ()
      %add3A_11 = arith.constant 256 : i32
      %add3A_12 = arith.addi %mul3A_0, %add3A_11 : i32
      "tpu.region"() ({
        %run_scoped3A = tpu.sem_alloc : memref<!tpu.dma_semaphore, #tpu.memory_space<semaphore_mem>>
        %dma_start3A_95 = arith.constant 0 : i32
        %dma_start3A_96 = tpu.memref_slice %arg19[%add3A_12, %dma_start3A_95] : memref<10240x128xf32, #tpu.memory_space<vmem_shared>> -> memref<128x128xf32, #tpu.memory_space<vmem_shared>>
        %dma_start3A_97 = arith.constant 0 : i32
        %dma_start3A_98 = tpu.memref_slice %arg19[%add3A_12, %dma_start3A_97] : memref<10240x128xf32, #tpu.memory_space<vmem_shared>> -> memref<128x128xf32, #tpu.memory_space<vmem_shared>>
        tpu.enqueue_dma source(%arg17 : memref<128x128xf32, #tpu.memory_space<vmem>>) target(%dma_start3A_98 : memref<128x128xf32, #tpu.memory_space<vmem_shared>>) target_semaphore(%run_scoped3A : memref<!tpu.dma_semaphore, #tpu.memory_space<semaphore_mem>>)
        %dma_wait3A_99 = arith.constant 0 : i32
        %dma_wait3A_100 = tpu.memref_slice %arg19[%add3A_12, %dma_wait3A_99] : memref<10240x128xf32, #tpu.memory_space<vmem_shared>> -> memref<128x128xf32, #tpu.memory_space<vmem_shared>>
        %dma_wait3A_101 = arith.constant 0 : i32
        %dma_wait3A_102 = tpu.memref_slice %arg19[%add3A_12, %dma_wait3A_101] : memref<10240x128xf32, #tpu.memory_space<vmem_shared>> -> memref<128x128xf32, #tpu.memory_space<vmem_shared>>
        tpu.wait_dma2 semaphore(%run_scoped3A : memref<!tpu.dma_semaphore, #tpu.memory_space<semaphore_mem>>) src(%arg17 : memref<128x128xf32, #tpu.memory_space<vmem>>) dst(%dma_wait3A_102 : memref<128x128xf32, #tpu.memory_space<vmem_shared>>)
        tpu.yield
      }) : () -> ()
      %add3A_13 = arith.constant 384 : i32
      %add3A_14 = arith.addi %mul3A_0, %add3A_13 : i32
      "tpu.region"() ({
        %run_scoped3A = tpu.sem_alloc : memref<!tpu.dma_semaphore, #tpu.memory_space<semaphore_mem>>
        %dma_start3A_95 = arith.constant 0 : i32
        %dma_start3A_96 = tpu.memref_slice %arg19[%add3A_14, %dma_start3A_95] : memref<10240x128xf32, #tpu.memory_space<vmem_shared>> -> memref<128x128xf32, #tpu.memory_space<vmem_shared>>
        %dma_start3A_97 = arith.constant 0 : i32
        %dma_start3A_98 = tpu.memref_slice %arg19[%add3A_14, %dma_start3A_97] : memref<10240x128xf32, #tpu.memory_space<vmem_shared>> -> memref<128x128xf32, #tpu.memory_space<vmem_shared>>
        tpu.enqueue_dma source(%arg17 : memref<128x128xf32, #tpu.memory_space<vmem>>) target(%dma_start3A_98 : memref<128x128xf32, #tpu.memory_space<vmem_shared>>) target_semaphore(%run_scoped3A : memref<!tpu.dma_semaphore, #tpu.memory_space<semaphore_mem>>)
        %dma_wait3A_99 = arith.constant 0 : i32
        %dma_wait3A_100 = tpu.memref_slice %arg19[%add3A_14, %dma_wait3A_99] : memref<10240x128xf32, #tpu.memory_space<vmem_shared>> -> memref<128x128xf32, #tpu.memory_space<vmem_shared>>
        %dma_wait3A_101 = arith.constant 0 : i32
        %dma_wait3A_102 = tpu.memref_slice %arg19[%add3A_14, %dma_wait3A_101] : memref<10240x128xf32, #tpu.memory_space<vmem_shared>> -> memref<128x128xf32, #tpu.memory_space<vmem_shared>>
        tpu.wait_dma2 semaphore(%run_scoped3A : memref<!tpu.dma_semaphore, #tpu.memory_space<semaphore_mem>>) src(%arg17 : memref<128x128xf32, #tpu.memory_space<vmem>>) dst(%dma_wait3A_102 : memref<128x128xf32, #tpu.memory_space<vmem_shared>>)
        tpu.yield
      }) : () -> ()
      %add3A_15 = arith.constant 512 : i32
      %add3A_16 = arith.addi %mul3A_0, %add3A_15 : i32
      "tpu.region"() ({
        %run_scoped3A = tpu.sem_alloc : memref<!tpu.dma_semaphore, #tpu.memory_space<semaphore_mem>>
        %dma_start3A_95 = arith.constant 0 : i32
        %dma_start3A_96 = tpu.memref_slice %arg19[%add3A_16, %dma_start3A_95] : memref<10240x128xf32, #tpu.memory_space<vmem_shared>> -> memref<128x128xf32, #tpu.memory_space<vmem_shared>>
        %dma_start3A_97 = arith.constant 0 : i32
        %dma_start3A_98 = tpu.memref_slice %arg19[%add3A_16, %dma_start3A_97] : memref<10240x128xf32, #tpu.memory_space<vmem_shared>> -> memref<128x128xf32, #tpu.memory_space<vmem_shared>>
        tpu.enqueue_dma source(%arg17 : memref<128x128xf32, #tpu.memory_space<vmem>>) target(%dma_start3A_98 : memref<128x128xf32, #tpu.memory_space<vmem_shared>>) target_semaphore(%run_scoped3A : memref<!tpu.dma_semaphore, #tpu.memory_space<semaphore_mem>>)
        %dma_wait3A_99 = arith.constant 0 : i32
        %dma_wait3A_100 = tpu.memref_slice %arg19[%add3A_16, %dma_wait3A_99] : memref<10240x128xf32, #tpu.memory_space<vmem_shared>> -> memref<128x128xf32, #tpu.memory_space<vmem_shared>>
        %dma_wait3A_101 = arith.constant 0 : i32
        %dma_wait3A_102 = tpu.memref_slice %arg19[%add3A_16, %dma_wait3A_101] : memref<10240x128xf32, #tpu.memory_space<vmem_shared>> -> memref<128x128xf32, #tpu.memory_space<vmem_shared>>
        tpu.wait_dma2 semaphore(%run_scoped3A : memref<!tpu.dma_semaphore, #tpu.memory_space<semaphore_mem>>) src(%arg17 : memref<128x128xf32, #tpu.memory_space<vmem>>) dst(%dma_wait3A_102 : memref<128x128xf32, #tpu.memory_space<vmem_shared>>)
        tpu.yield
      }) : () -> ()
      %barrier3A = arith.constant 0 : index
      tpu.barrier barrier_id(%barrier3A)
      %mul3A_17 = arith.constant 158 : i32
      %mul3A_18 = arith.muli %arg1, %mul3A_17 : i32
      %add3A_19 = arith.constant 0 : i32
      %add3A_20 = arith.addi %mul3A_18, %add3A_19 : i32
      %mul3A_21 = arith.constant 128 : i32
      %mul3A_22 = arith.muli %add3A_20, %mul3A_21 : i32
      %dma_start3A = tpu.memref_slice %arg4[%mul3A_22] : memref<323584xi32, #tpu.memory_space<hbm>> -> memref<128xi32, #tpu.memory_space<hbm>>
      %dma_start3A_23 = tpu.memref_slice %arg4[%mul3A_22] : memref<323584xi32, #tpu.memory_space<hbm>> -> memref<128xi32, #tpu.memory_space<hbm>>
      tpu.enqueue_dma source(%dma_start3A_23 : memref<128xi32, #tpu.memory_space<hbm>>) target(%arg9 : memref<128xi32, #tpu.memory_space<vmem>>) target_semaphore(%arg20 : memref<!tpu.dma_semaphore, #tpu.memory_space<semaphore_mem>>)
      %dma_start3A_24 = tpu.memref_slice %arg5[%mul3A_22] : memref<323584xi32, #tpu.memory_space<hbm>> -> memref<128xi32, #tpu.memory_space<hbm>>
      %dma_start3A_25 = tpu.memref_slice %arg5[%mul3A_22] : memref<323584xi32, #tpu.memory_space<hbm>> -> memref<128xi32, #tpu.memory_space<hbm>>
      tpu.enqueue_dma source(%dma_start3A_25 : memref<128xi32, #tpu.memory_space<hbm>>) target(%arg13 : memref<128xi32, #tpu.memory_space<vmem>>) target_semaphore(%arg20 : memref<!tpu.dma_semaphore, #tpu.memory_space<semaphore_mem>>)
      %add3A_26 = arith.constant 1 : i32
      %add3A_27 = arith.addi %mul3A_18, %add3A_26 : i32
      %mul3A_28 = arith.constant 128 : i32
      %mul3A_29 = arith.muli %add3A_27, %mul3A_28 : i32
      %dma_start3A_30 = tpu.memref_slice %arg4[%mul3A_29] : memref<323584xi32, #tpu.memory_space<hbm>> -> memref<128xi32, #tpu.memory_space<hbm>>
      %dma_start3A_31 = tpu.memref_slice %arg4[%mul3A_29] : memref<323584xi32, #tpu.memory_space<hbm>> -> memref<128xi32, #tpu.memory_space<hbm>>
      tpu.enqueue_dma source(%dma_start3A_31 : memref<128xi32, #tpu.memory_space<hbm>>) target(%arg10 : memref<128xi32, #tpu.memory_space<vmem>>) target_semaphore(%arg21 : memref<!tpu.dma_semaphore, #tpu.memory_space<semaphore_mem>>)
      %dma_start3A_32 = tpu.memref_slice %arg5[%mul3A_29] : memref<323584xi32, #tpu.memory_space<hbm>> -> memref<128xi32, #tpu.memory_space<hbm>>
      %dma_start3A_33 = tpu.memref_slice %arg5[%mul3A_29] : memref<323584xi32, #tpu.memory_space<hbm>> -> memref<128xi32, #tpu.memory_space<hbm>>
      tpu.enqueue_dma source(%dma_start3A_33 : memref<128xi32, #tpu.memory_space<hbm>>) target(%arg14 : memref<128xi32, #tpu.memory_space<vmem>>) target_semaphore(%arg21 : memref<!tpu.dma_semaphore, #tpu.memory_space<semaphore_mem>>)
      %scan3A = arith.constant 0 : i32
      %scan3A_34 = arith.constant 0 : i32
      %scan3A_35 = arith.constant 39 : i32
      %scan3A_36 = arith.addi %scan3A_34, %scan3A_35 : i32
      %scan3A_37 = arith.constant 1 : i32
      scf.for %scan3A_95 = %scan3A_34 to %scan3A_36 step %scan3A_37  : i32 {
        %mul3A_96 = arith.constant 4 : i32
        %mul3A_97 = arith.muli %scan3A_95, %mul3A_96 : i32
        %add3A_98 = arith.constant 0 : i32
        %add3A_99 = arith.addi %mul3A_97, %add3A_98 : i32
        %add3A_100 = arith.addi %mul3A_18, %add3A_99 : i32
        %mul3A_101 = arith.constant 128 : i32
        %mul3A_102 = arith.muli %add3A_100, %mul3A_101 : i32
        %dma_wait3A_103 = tpu.memref_slice %arg4[%mul3A_102] : memref<323584xi32, #tpu.memory_space<hbm>> -> memref<128xi32, #tpu.memory_space<hbm>>
        %dma_wait3A_104 = tpu.memref_slice %arg4[%mul3A_102] : memref<323584xi32, #tpu.memory_space<hbm>> -> memref<128xi32, #tpu.memory_space<hbm>>
        tpu.wait_dma2 semaphore(%arg20 : memref<!tpu.dma_semaphore, #tpu.memory_space<semaphore_mem>>) src(%dma_wait3A_104 : memref<128xi32, #tpu.memory_space<hbm>>) dst(%arg9 : memref<128xi32, #tpu.memory_space<vmem>>)
        %dma_wait3A_105 = tpu.memref_slice %arg5[%mul3A_102] : memref<323584xi32, #tpu.memory_space<hbm>> -> memref<128xi32, #tpu.memory_space<hbm>>
        %dma_wait3A_106 = tpu.memref_slice %arg5[%mul3A_102] : memref<323584xi32, #tpu.memory_space<hbm>> -> memref<128xi32, #tpu.memory_space<hbm>>
        tpu.wait_dma2 semaphore(%arg20 : memref<!tpu.dma_semaphore, #tpu.memory_space<semaphore_mem>>) src(%dma_wait3A_106 : memref<128xi32, #tpu.memory_space<hbm>>) dst(%arg13 : memref<128xi32, #tpu.memory_space<vmem>>)
        %ge3A = arith.constant 2 : i32
        %ge3A_107 = arith.cmpi sge, %add3A_99, %ge3A : i32
        %convert_element_type3A_108 = arith.extui %ge3A_107 : i1 to i32
        %cond3A_109 = arith.constant 0 : i32
        %cond3A_110 = arith.cmpi ne, %convert_element_type3A_108, %cond3A_109 : i32
        scf.if %cond3A_110 {
          %dma_wait3A_230 = arith.constant 0 : i32
          %dma_wait3A_231 = arith.constant 0 : i32
          %dma_wait3A_232 = tpu.memref_slice %arg19[%dma_wait3A_230, %dma_wait3A_231] : memref<10240x128xf32, #tpu.memory_space<vmem_shared>> -> memref<10240x128xf32, #tpu.memory_space<vmem_shared>>
          tpu.wait_indirect_dma semaphore(%arg24 : memref<!tpu.dma_semaphore, #tpu.memory_space<semaphore_mem>>) src(%arg17 : memref<128x128xf32, #tpu.memory_space<vmem>>) dst(%dma_wait3A_232 : memref<10240x128xf32, #tpu.memory_space<vmem_shared>>)
        } else {
        }
        %dma_start3A_111 = arith.constant 0 : i32
        %dma_start3A_112 = arith.constant 0 : i32
        %dma_start3A_113 = tpu.memref_slice %arg3[%dma_start3A_111, %dma_start3A_112] : memref<10000x128xf32, #tpu.memory_space<hbm>> -> memref<10000x128xf32, #tpu.memory_space<hbm>>
        tpu.enqueue_indirect_dma source(%dma_start3A_113 : memref<10000x128xf32, #tpu.memory_space<hbm>>) target(%arg17 : memref<128x128xf32, #tpu.memory_space<vmem>>) offsets(%arg9 : memref<128xi32, #tpu.memory_space<vmem>>) semaphore(%arg26 : memref<!tpu.dma_semaphore, #tpu.memory_space<semaphore_mem>>)
        %add3A_114 = arith.constant 2 : i32
        %add3A_115 = arith.addi %add3A_99, %add3A_114 : i32
        %lt3A = arith.constant 158 : i32
        %lt3A_116 = arith.cmpi slt, %add3A_115, %lt3A : i32
        %add3A_117 = arith.constant 2 : i32
        %add3A_118 = arith.addi %add3A_99, %add3A_117 : i32
        %convert_element_type3A_119 = arith.extui %lt3A_116 : i1 to i32
        %cond3A_120 = arith.constant 0 : i32
        %cond3A_121 = arith.cmpi ne, %convert_element_type3A_119, %cond3A_120 : i32
        scf.if %cond3A_121 {
          %add3A_230 = arith.addi %mul3A_18, %add3A_118 : i32
          %mul3A_231 = arith.constant 128 : i32
          %mul3A_232 = arith.muli %add3A_230, %mul3A_231 : i32
          %dma_start3A_233 = tpu.memref_slice %arg4[%mul3A_232] : memref<323584xi32, #tpu.memory_space<hbm>> -> memref<128xi32, #tpu.memory_space<hbm>>
          %dma_start3A_234 = tpu.memref_slice %arg4[%mul3A_232] : memref<323584xi32, #tpu.memory_space<hbm>> -> memref<128xi32, #tpu.memory_space<hbm>>
          tpu.enqueue_dma source(%dma_start3A_234 : memref<128xi32, #tpu.memory_space<hbm>>) target(%arg11 : memref<128xi32, #tpu.memory_space<vmem>>) target_semaphore(%arg22 : memref<!tpu.dma_semaphore, #tpu.memory_space<semaphore_mem>>)
          %dma_start3A_235 = tpu.memref_slice %arg5[%mul3A_232] : memref<323584xi32, #tpu.memory_space<hbm>> -> memref<128xi32, #tpu.memory_space<hbm>>
          %dma_start3A_236 = tpu.memref_slice %arg5[%mul3A_232] : memref<323584xi32, #tpu.memory_space<hbm>> -> memref<128xi32, #tpu.memory_space<hbm>>
          tpu.enqueue_dma source(%dma_start3A_236 : memref<128xi32, #tpu.memory_space<hbm>>) target(%arg15 : memref<128xi32, #tpu.memory_space<vmem>>) target_semaphore(%arg22 : memref<!tpu.dma_semaphore, #tpu.memory_space<semaphore_mem>>)
        } else {
        }
        %dma_wait3A_122 = arith.constant 0 : i32
        %dma_wait3A_123 = arith.constant 0 : i32
        %dma_wait3A_124 = tpu.memref_slice %arg3[%dma_wait3A_122, %dma_wait3A_123] : memref<10000x128xf32, #tpu.memory_space<hbm>> -> memref<10000x128xf32, #tpu.memory_space<hbm>>
        tpu.wait_indirect_dma semaphore(%arg26 : memref<!tpu.dma_semaphore, #tpu.memory_space<semaphore_mem>>) src(%dma_wait3A_124 : memref<10000x128xf32, #tpu.memory_space<hbm>>) dst(%arg17 : memref<128x128xf32, #tpu.memory_space<vmem>>)
        %dma_start3A_125 = arith.constant 0 : i32
        %dma_start3A_126 = arith.constant 0 : i32
        %dma_start3A_127 = tpu.memref_slice %arg19[%dma_start3A_125, %dma_start3A_126] : memref<10240x128xf32, #tpu.memory_space<vmem_shared>> -> memref<10240x128xf32, #tpu.memory_space<vmem_shared>>
        tpu.enqueue_indirect_dma source(%arg17 : memref<128x128xf32, #tpu.memory_space<vmem>>) target(%dma_start3A_127 : memref<10240x128xf32, #tpu.memory_space<vmem_shared>>) offsets(%arg13 : memref<128xi32, #tpu.memory_space<vmem>>) semaphore(%arg24 : memref<!tpu.dma_semaphore, #tpu.memory_space<semaphore_mem>>) {add = true}
        %mul3A_128 = arith.constant 4 : i32
        %mul3A_129 = arith.muli %scan3A_95, %mul3A_128 : i32
        %add3A_130 = arith.constant 1 : i32
        %add3A_131 = arith.addi %mul3A_129, %add3A_130 : i32
        %add3A_132 = arith.addi %mul3A_18, %add3A_131 : i32
        %mul3A_133 = arith.constant 128 : i32
        %mul3A_134 = arith.muli %add3A_132, %mul3A_133 : i32
        %dma_wait3A_135 = tpu.memref_slice %arg4[%mul3A_134] : memref<323584xi32, #tpu.memory_space<hbm>> -> memref<128xi32, #tpu.memory_space<hbm>>
        %dma_wait3A_136 = tpu.memref_slice %arg4[%mul3A_134] : memref<323584xi32, #tpu.memory_space<hbm>> -> memref<128xi32, #tpu.memory_space<hbm>>
        tpu.wait_dma2 semaphore(%arg21 : memref<!tpu.dma_semaphore, #tpu.memory_space<semaphore_mem>>) src(%dma_wait3A_136 : memref<128xi32, #tpu.memory_space<hbm>>) dst(%arg10 : memref<128xi32, #tpu.memory_space<vmem>>)
        %dma_wait3A_137 = tpu.memref_slice %arg5[%mul3A_134] : memref<323584xi32, #tpu.memory_space<hbm>> -> memref<128xi32, #tpu.memory_space<hbm>>
        %dma_wait3A_138 = tpu.memref_slice %arg5[%mul3A_134] : memref<323584xi32, #tpu.memory_space<hbm>> -> memref<128xi32, #tpu.memory_space<hbm>>
        tpu.wait_dma2 semaphore(%arg21 : memref<!tpu.dma_semaphore, #tpu.memory_space<semaphore_mem>>) src(%dma_wait3A_138 : memref<128xi32, #tpu.memory_space<hbm>>) dst(%arg14 : memref<128xi32, #tpu.memory_space<vmem>>)
        %ge3A_139 = arith.constant 2 : i32
        %ge3A_140 = arith.cmpi sge, %add3A_131, %ge3A_139 : i32
        %convert_element_type3A_141 = arith.extui %ge3A_140 : i1 to i32
        %cond3A_142 = arith.constant 0 : i32
        %cond3A_143 = arith.cmpi ne, %convert_element_type3A_141, %cond3A_142 : i32
        scf.if %cond3A_143 {
          %dma_wait3A_230 = arith.constant 0 : i32
          %dma_wait3A_231 = arith.constant 0 : i32
          %dma_wait3A_232 = tpu.memref_slice %arg19[%dma_wait3A_230, %dma_wait3A_231] : memref<10240x128xf32, #tpu.memory_space<vmem_shared>> -> memref<10240x128xf32, #tpu.memory_space<vmem_shared>>
          tpu.wait_indirect_dma semaphore(%arg25 : memref<!tpu.dma_semaphore, #tpu.memory_space<semaphore_mem>>) src(%arg18 : memref<128x128xf32, #tpu.memory_space<vmem>>) dst(%dma_wait3A_232 : memref<10240x128xf32, #tpu.memory_space<vmem_shared>>)
        } else {
        }
        %dma_start3A_144 = arith.constant 0 : i32
        %dma_start3A_145 = arith.constant 0 : i32
        %dma_start3A_146 = tpu.memref_slice %arg3[%dma_start3A_144, %dma_start3A_145] : memref<10000x128xf32, #tpu.memory_space<hbm>> -> memref<10000x128xf32, #tpu.memory_space<hbm>>
        tpu.enqueue_indirect_dma source(%dma_start3A_146 : memref<10000x128xf32, #tpu.memory_space<hbm>>) target(%arg18 : memref<128x128xf32, #tpu.memory_space<vmem>>) offsets(%arg10 : memref<128xi32, #tpu.memory_space<vmem>>) semaphore(%arg26 : memref<!tpu.dma_semaphore, #tpu.memory_space<semaphore_mem>>)
        %add3A_147 = arith.constant 2 : i32
        %add3A_148 = arith.addi %add3A_131, %add3A_147 : i32
        %lt3A_149 = arith.constant 158 : i32
        %lt3A_150 = arith.cmpi slt, %add3A_148, %lt3A_149 : i32
        %add3A_151 = arith.constant 2 : i32
        %add3A_152 = arith.addi %add3A_131, %add3A_151 : i32
        %convert_element_type3A_153 = arith.extui %lt3A_150 : i1 to i32
        %cond3A_154 = arith.constant 0 : i32
        %cond3A_155 = arith.cmpi ne, %convert_element_type3A_153, %cond3A_154 : i32
        scf.if %cond3A_155 {
          %add3A_230 = arith.addi %mul3A_18, %add3A_152 : i32
          %mul3A_231 = arith.constant 128 : i32
          %mul3A_232 = arith.muli %add3A_230, %mul3A_231 : i32
          %dma_start3A_233 = tpu.memref_slice %arg4[%mul3A_232] : memref<323584xi32, #tpu.memory_space<hbm>> -> memref<128xi32, #tpu.memory_space<hbm>>
          %dma_start3A_234 = tpu.memref_slice %arg4[%mul3A_232] : memref<323584xi32, #tpu.memory_space<hbm>> -> memref<128xi32, #tpu.memory_space<hbm>>
          tpu.enqueue_dma source(%dma_start3A_234 : memref<128xi32, #tpu.memory_space<hbm>>) target(%arg12 : memref<128xi32, #tpu.memory_space<vmem>>) target_semaphore(%arg23 : memref<!tpu.dma_semaphore, #tpu.memory_space<semaphore_mem>>)
          %dma_start3A_235 = tpu.memref_slice %arg5[%mul3A_232] : memref<323584xi32, #tpu.memory_space<hbm>> -> memref<128xi32, #tpu.memory_space<hbm>>
          %dma_start3A_236 = tpu.memref_slice %arg5[%mul3A_232] : memref<323584xi32, #tpu.memory_space<hbm>> -> memref<128xi32, #tpu.memory_space<hbm>>
          tpu.enqueue_dma source(%dma_start3A_236 : memref<128xi32, #tpu.memory_space<hbm>>) target(%arg16 : memref<128xi32, #tpu.memory_space<vmem>>) target_semaphore(%arg23 : memref<!tpu.dma_semaphore, #tpu.memory_space<semaphore_mem>>)
        } else {
        }
        %dma_wait3A_156 = arith.constant 0 : i32
        %dma_wait3A_157 = arith.constant 0 : i32
        %dma_wait3A_158 = tpu.memref_slice %arg3[%dma_wait3A_156, %dma_wait3A_157] : memref<10000x128xf32, #tpu.memory_space<hbm>> -> memref<10000x128xf32, #tpu.memory_space<hbm>>
        tpu.wait_indirect_dma semaphore(%arg26 : memref<!tpu.dma_semaphore, #tpu.memory_space<semaphore_mem>>) src(%dma_wait3A_158 : memref<10000x128xf32, #tpu.memory_space<hbm>>) dst(%arg18 : memref<128x128xf32, #tpu.memory_space<vmem>>)
        %dma_start3A_159 = arith.constant 0 : i32
        %dma_start3A_160 = arith.constant 0 : i32
        %dma_start3A_161 = tpu.memref_slice %arg19[%dma_start3A_159, %dma_start3A_160] : memref<10240x128xf32, #tpu.memory_space<vmem_shared>> -> memref<10240x128xf32, #tpu.memory_space<vmem_shared>>
        tpu.enqueue_indirect_dma source(%arg18 : memref<128x128xf32, #tpu.memory_space<vmem>>) target(%dma_start3A_161 : memref<10240x128xf32, #tpu.memory_space<vmem_shared>>) offsets(%arg14 : memref<128xi32, #tpu.memory_space<vmem>>) semaphore(%arg25 : memref<!tpu.dma_semaphore, #tpu.memory_space<semaphore_mem>>) {add = true}
        %mul3A_162 = arith.constant 4 : i32
        %mul3A_163 = arith.muli %scan3A_95, %mul3A_162 : i32
        %add3A_164 = arith.constant 2 : i32
        %add3A_165 = arith.addi %mul3A_163, %add3A_164 : i32
        %add3A_166 = arith.addi %mul3A_18, %add3A_165 : i32
        %mul3A_167 = arith.constant 128 : i32
        %mul3A_168 = arith.muli %add3A_166, %mul3A_167 : i32
        %dma_wait3A_169 = tpu.memref_slice %arg4[%mul3A_168] : memref<323584xi32, #tpu.memory_space<hbm>> -> memref<128xi32, #tpu.memory_space<hbm>>
        %dma_wait3A_170 = tpu.memref_slice %arg4[%mul3A_168] : memref<323584xi32, #tpu.memory_space<hbm>> -> memref<128xi32, #tpu.memory_space<hbm>>
        tpu.wait_dma2 semaphore(%arg22 : memref<!tpu.dma_semaphore, #tpu.memory_space<semaphore_mem>>) src(%dma_wait3A_170 : memref<128xi32, #tpu.memory_space<hbm>>) dst(%arg11 : memref<128xi32, #tpu.memory_space<vmem>>)
        %dma_wait3A_171 = tpu.memref_slice %arg5[%mul3A_168] : memref<323584xi32, #tpu.memory_space<hbm>> -> memref<128xi32, #tpu.memory_space<hbm>>
        %dma_wait3A_172 = tpu.memref_slice %arg5[%mul3A_168] : memref<323584xi32, #tpu.memory_space<hbm>> -> memref<128xi32, #tpu.memory_space<hbm>>
        tpu.wait_dma2 semaphore(%arg22 : memref<!tpu.dma_semaphore, #tpu.memory_space<semaphore_mem>>) src(%dma_wait3A_172 : memref<128xi32, #tpu.memory_space<hbm>>) dst(%arg15 : memref<128xi32, #tpu.memory_space<vmem>>)
        %ge3A_173 = arith.constant 2 : i32
        %ge3A_174 = arith.cmpi sge, %add3A_165, %ge3A_173 : i32
        %convert_element_type3A_175 = arith.extui %ge3A_174 : i1 to i32
        %cond3A_176 = arith.constant 0 : i32
        %cond3A_177 = arith.cmpi ne, %convert_element_type3A_175, %cond3A_176 : i32
        scf.if %cond3A_177 {
          %dma_wait3A_230 = arith.constant 0 : i32
          %dma_wait3A_231 = arith.constant 0 : i32
          %dma_wait3A_232 = tpu.memref_slice %arg19[%dma_wait3A_230, %dma_wait3A_231] : memref<10240x128xf32, #tpu.memory_space<vmem_shared>> -> memref<10240x128xf32, #tpu.memory_space<vmem_shared>>
          tpu.wait_indirect_dma semaphore(%arg24 : memref<!tpu.dma_semaphore, #tpu.memory_space<semaphore_mem>>) src(%arg17 : memref<128x128xf32, #tpu.memory_space<vmem>>) dst(%dma_wait3A_232 : memref<10240x128xf32, #tpu.memory_space<vmem_shared>>)
        } else {
        }
        %dma_start3A_178 = arith.constant 0 : i32
        %dma_start3A_179 = arith.constant 0 : i32
        %dma_start3A_180 = tpu.memref_slice %arg3[%dma_start3A_178, %dma_start3A_179] : memref<10000x128xf32, #tpu.memory_space<hbm>> -> memref<10000x128xf32, #tpu.memory_space<hbm>>
        tpu.enqueue_indirect_dma source(%dma_start3A_180 : memref<10000x128xf32, #tpu.memory_space<hbm>>) target(%arg17 : memref<128x128xf32, #tpu.memory_space<vmem>>) offsets(%arg11 : memref<128xi32, #tpu.memory_space<vmem>>) semaphore(%arg26 : memref<!tpu.dma_semaphore, #tpu.memory_space<semaphore_mem>>)
        %add3A_181 = arith.constant 2 : i32
        %add3A_182 = arith.addi %add3A_165, %add3A_181 : i32
        %lt3A_183 = arith.constant 158 : i32
        %lt3A_184 = arith.cmpi slt, %add3A_182, %lt3A_183 : i32
        %add3A_185 = arith.constant 2 : i32
        %add3A_186 = arith.addi %add3A_165, %add3A_185 : i32
        %convert_element_type3A_187 = arith.extui %lt3A_184 : i1 to i32
        %cond3A_188 = arith.constant 0 : i32
        %cond3A_189 = arith.cmpi ne, %convert_element_type3A_187, %cond3A_188 : i32
        scf.if %cond3A_189 {
          %add3A_230 = arith.addi %mul3A_18, %add3A_186 : i32
          %mul3A_231 = arith.constant 128 : i32
          %mul3A_232 = arith.muli %add3A_230, %mul3A_231 : i32
          %dma_start3A_233 = tpu.memref_slice %arg4[%mul3A_232] : memref<323584xi32, #tpu.memory_space<hbm>> -> memref<128xi32, #tpu.memory_space<hbm>>
          %dma_start3A_234 = tpu.memref_slice %arg4[%mul3A_232] : memref<323584xi32, #tpu.memory_space<hbm>> -> memref<128xi32, #tpu.memory_space<hbm>>
          tpu.enqueue_dma source(%dma_start3A_234 : memref<128xi32, #tpu.memory_space<hbm>>) target(%arg9 : memref<128xi32, #tpu.memory_space<vmem>>) target_semaphore(%arg20 : memref<!tpu.dma_semaphore, #tpu.memory_space<semaphore_mem>>)
          %dma_start3A_235 = tpu.memref_slice %arg5[%mul3A_232] : memref<323584xi32, #tpu.memory_space<hbm>> -> memref<128xi32, #tpu.memory_space<hbm>>
          %dma_start3A_236 = tpu.memref_slice %arg5[%mul3A_232] : memref<323584xi32, #tpu.memory_space<hbm>> -> memref<128xi32, #tpu.memory_space<hbm>>
          tpu.enqueue_dma source(%dma_start3A_236 : memref<128xi32, #tpu.memory_space<hbm>>) target(%arg13 : memref<128xi32, #tpu.memory_space<vmem>>) target_semaphore(%arg20 : memref<!tpu.dma_semaphore, #tpu.memory_space<semaphore_mem>>)
        } else {
        }
        %dma_wait3A_190 = arith.constant 0 : i32
        %dma_wait3A_191 = arith.constant 0 : i32
        %dma_wait3A_192 = tpu.memref_slice %arg3[%dma_wait3A_190, %dma_wait3A_191] : memref<10000x128xf32, #tpu.memory_space<hbm>> -> memref<10000x128xf32, #tpu.memory_space<hbm>>
        tpu.wait_indirect_dma semaphore(%arg26 : memref<!tpu.dma_semaphore, #tpu.memory_space<semaphore_mem>>) src(%dma_wait3A_192 : memref<10000x128xf32, #tpu.memory_space<hbm>>) dst(%arg17 : memref<128x128xf32, #tpu.memory_space<vmem>>)
        %dma_start3A_193 = arith.constant 0 : i32
        %dma_start3A_194 = arith.constant 0 : i32
        %dma_start3A_195 = tpu.memref_slice %arg19[%dma_start3A_193, %dma_start3A_194] : memref<10240x128xf32, #tpu.memory_space<vmem_shared>> -> memref<10240x128xf32, #tpu.memory_space<vmem_shared>>
        tpu.enqueue_indirect_dma source(%arg17 : memref<128x128xf32, #tpu.memory_space<vmem>>) target(%dma_start3A_195 : memref<10240x128xf32, #tpu.memory_space<vmem_shared>>) offsets(%arg15 : memref<128xi32, #tpu.memory_space<vmem>>) semaphore(%arg24 : memref<!tpu.dma_semaphore, #tpu.memory_space<semaphore_mem>>) {add = true}
        %mul3A_196 = arith.constant 4 : i32
        %mul3A_197 = arith.muli %scan3A_95, %mul3A_196 : i32
        %add3A_198 = arith.constant 3 : i32
        %add3A_199 = arith.addi %mul3A_197, %add3A_198 : i32
        %add3A_200 = arith.addi %mul3A_18, %add3A_199 : i32
        %mul3A_201 = arith.constant 128 : i32
        %mul3A_202 = arith.muli %add3A_200, %mul3A_201 : i32
        %dma_wait3A_203 = tpu.memref_slice %arg4[%mul3A_202] : memref<323584xi32, #tpu.memory_space<hbm>> -> memref<128xi32, #tpu.memory_space<hbm>>
        %dma_wait3A_204 = tpu.memref_slice %arg4[%mul3A_202] : memref<323584xi32, #tpu.memory_space<hbm>> -> memref<128xi32, #tpu.memory_space<hbm>>
        tpu.wait_dma2 semaphore(%arg23 : memref<!tpu.dma_semaphore, #tpu.memory_space<semaphore_mem>>) src(%dma_wait3A_204 : memref<128xi32, #tpu.memory_space<hbm>>) dst(%arg12 : memref<128xi32, #tpu.memory_space<vmem>>)
        %dma_wait3A_205 = tpu.memref_slice %arg5[%mul3A_202] : memref<323584xi32, #tpu.memory_space<hbm>> -> memref<128xi32, #tpu.memory_space<hbm>>
        %dma_wait3A_206 = tpu.memref_slice %arg5[%mul3A_202] : memref<323584xi32, #tpu.memory_space<hbm>> -> memref<128xi32, #tpu.memory_space<hbm>>
        tpu.wait_dma2 semaphore(%arg23 : memref<!tpu.dma_semaphore, #tpu.memory_space<semaphore_mem>>) src(%dma_wait3A_206 : memref<128xi32, #tpu.memory_space<hbm>>) dst(%arg16 : memref<128xi32, #tpu.memory_space<vmem>>)
        %ge3A_207 = arith.constant 2 : i32
        %ge3A_208 = arith.cmpi sge, %add3A_199, %ge3A_207 : i32
        %convert_element_type3A_209 = arith.extui %ge3A_208 : i1 to i32
        %cond3A_210 = arith.constant 0 : i32
        %cond3A_211 = arith.cmpi ne, %convert_element_type3A_209, %cond3A_210 : i32
        scf.if %cond3A_211 {
          %dma_wait3A_230 = arith.constant 0 : i32
          %dma_wait3A_231 = arith.constant 0 : i32
          %dma_wait3A_232 = tpu.memref_slice %arg19[%dma_wait3A_230, %dma_wait3A_231] : memref<10240x128xf32, #tpu.memory_space<vmem_shared>> -> memref<10240x128xf32, #tpu.memory_space<vmem_shared>>
          tpu.wait_indirect_dma semaphore(%arg25 : memref<!tpu.dma_semaphore, #tpu.memory_space<semaphore_mem>>) src(%arg18 : memref<128x128xf32, #tpu.memory_space<vmem>>) dst(%dma_wait3A_232 : memref<10240x128xf32, #tpu.memory_space<vmem_shared>>)
        } else {
        }
        %dma_start3A_212 = arith.constant 0 : i32
        %dma_start3A_213 = arith.constant 0 : i32
        %dma_start3A_214 = tpu.memref_slice %arg3[%dma_start3A_212, %dma_start3A_213] : memref<10000x128xf32, #tpu.memory_space<hbm>> -> memref<10000x128xf32, #tpu.memory_space<hbm>>
        tpu.enqueue_indirect_dma source(%dma_start3A_214 : memref<10000x128xf32, #tpu.memory_space<hbm>>) target(%arg18 : memref<128x128xf32, #tpu.memory_space<vmem>>) offsets(%arg12 : memref<128xi32, #tpu.memory_space<vmem>>) semaphore(%arg26 : memref<!tpu.dma_semaphore, #tpu.memory_space<semaphore_mem>>)
        %add3A_215 = arith.constant 2 : i32
        %add3A_216 = arith.addi %add3A_199, %add3A_215 : i32
        %lt3A_217 = arith.constant 158 : i32
        %lt3A_218 = arith.cmpi slt, %add3A_216, %lt3A_217 : i32
        %add3A_219 = arith.constant 2 : i32
        %add3A_220 = arith.addi %add3A_199, %add3A_219 : i32
        %convert_element_type3A_221 = arith.extui %lt3A_218 : i1 to i32
        %cond3A_222 = arith.constant 0 : i32
        %cond3A_223 = arith.cmpi ne, %convert_element_type3A_221, %cond3A_222 : i32
        scf.if %cond3A_223 {
          %add3A_230 = arith.addi %mul3A_18, %add3A_220 : i32
          %mul3A_231 = arith.constant 128 : i32
          %mul3A_232 = arith.muli %add3A_230, %mul3A_231 : i32
          %dma_start3A_233 = tpu.memref_slice %arg4[%mul3A_232] : memref<323584xi32, #tpu.memory_space<hbm>> -> memref<128xi32, #tpu.memory_space<hbm>>
          %dma_start3A_234 = tpu.memref_slice %arg4[%mul3A_232] : memref<323584xi32, #tpu.memory_space<hbm>> -> memref<128xi32, #tpu.memory_space<hbm>>
          tpu.enqueue_dma source(%dma_start3A_234 : memref<128xi32, #tpu.memory_space<hbm>>) target(%arg10 : memref<128xi32, #tpu.memory_space<vmem>>) target_semaphore(%arg21 : memref<!tpu.dma_semaphore, #tpu.memory_space<semaphore_mem>>)
          %dma_start3A_235 = tpu.memref_slice %arg5[%mul3A_232] : memref<323584xi32, #tpu.memory_space<hbm>> -> memref<128xi32, #tpu.memory_space<hbm>>
          %dma_start3A_236 = tpu.memref_slice %arg5[%mul3A_232] : memref<323584xi32, #tpu.memory_space<hbm>> -> memref<128xi32, #tpu.memory_space<hbm>>
          tpu.enqueue_dma source(%dma_start3A_236 : memref<128xi32, #tpu.memory_space<hbm>>) target(%arg14 : memref<128xi32, #tpu.memory_space<vmem>>) target_semaphore(%arg21 : memref<!tpu.dma_semaphore, #tpu.memory_space<semaphore_mem>>)
        } else {
        }
        %dma_wait3A_224 = arith.constant 0 : i32
        %dma_wait3A_225 = arith.constant 0 : i32
        %dma_wait3A_226 = tpu.memref_slice %arg3[%dma_wait3A_224, %dma_wait3A_225] : memref<10000x128xf32, #tpu.memory_space<hbm>> -> memref<10000x128xf32, #tpu.memory_space<hbm>>
        tpu.wait_indirect_dma semaphore(%arg26 : memref<!tpu.dma_semaphore, #tpu.memory_space<semaphore_mem>>) src(%dma_wait3A_226 : memref<10000x128xf32, #tpu.memory_space<hbm>>) dst(%arg18 : memref<128x128xf32, #tpu.memory_space<vmem>>)
        %dma_start3A_227 = arith.constant 0 : i32
        %dma_start3A_228 = arith.constant 0 : i32
        %dma_start3A_229 = tpu.memref_slice %arg19[%dma_start3A_227, %dma_start3A_228] : memref<10240x128xf32, #tpu.memory_space<vmem_shared>> -> memref<10240x128xf32, #tpu.memory_space<vmem_shared>>
        tpu.enqueue_indirect_dma source(%arg18 : memref<128x128xf32, #tpu.memory_space<vmem>>) target(%dma_start3A_229 : memref<10240x128xf32, #tpu.memory_space<vmem_shared>>) offsets(%arg16 : memref<128xi32, #tpu.memory_space<vmem>>) semaphore(%arg25 : memref<!tpu.dma_semaphore, #tpu.memory_space<semaphore_mem>>) {add = true}
      }
      %scan3A_38 = arith.constant 39 : i32
      %add3A_39 = arith.constant 156 : i32
      %add3A_40 = arith.addi %mul3A_18, %add3A_39 : i32
      %mul3A_41 = arith.constant 128 : i32
      %mul3A_42 = arith.muli %add3A_40, %mul3A_41 : i32
      %dma_wait3A = tpu.memref_slice %arg4[%mul3A_42] : memref<323584xi32, #tpu.memory_space<hbm>> -> memref<128xi32, #tpu.memory_space<hbm>>
      %dma_wait3A_43 = tpu.memref_slice %arg4[%mul3A_42] : memref<323584xi32, #tpu.memory_space<hbm>> -> memref<128xi32, #tpu.memory_space<hbm>>
      tpu.wait_dma2 semaphore(%arg20 : memref<!tpu.dma_semaphore, #tpu.memory_space<semaphore_mem>>) src(%dma_wait3A_43 : memref<128xi32, #tpu.memory_space<hbm>>) dst(%arg9 : memref<128xi32, #tpu.memory_space<vmem>>)
      %dma_wait3A_44 = tpu.memref_slice %arg5[%mul3A_42] : memref<323584xi32, #tpu.memory_space<hbm>> -> memref<128xi32, #tpu.memory_space<hbm>>
      %dma_wait3A_45 = tpu.memref_slice %arg5[%mul3A_42] : memref<323584xi32, #tpu.memory_space<hbm>> -> memref<128xi32, #tpu.memory_space<hbm>>
      tpu.wait_dma2 semaphore(%arg20 : memref<!tpu.dma_semaphore, #tpu.memory_space<semaphore_mem>>) src(%dma_wait3A_45 : memref<128xi32, #tpu.memory_space<hbm>>) dst(%arg13 : memref<128xi32, #tpu.memory_space<vmem>>)
      %dma_wait3A_46 = arith.constant 0 : i32
      %dma_wait3A_47 = arith.constant 0 : i32
      %dma_wait3A_48 = tpu.memref_slice %arg19[%dma_wait3A_46, %dma_wait3A_47] : memref<10240x128xf32, #tpu.memory_space<vmem_shared>> -> memref<10240x128xf32, #tpu.memory_space<vmem_shared>>
      tpu.wait_indirect_dma semaphore(%arg24 : memref<!tpu.dma_semaphore, #tpu.memory_space<semaphore_mem>>) src(%arg17 : memref<128x128xf32, #tpu.memory_space<vmem>>) dst(%dma_wait3A_48 : memref<10240x128xf32, #tpu.memory_space<vmem_shared>>)
      %dma_start3A_49 = arith.constant 0 : i32
      %dma_start3A_50 = arith.constant 0 : i32
      %dma_start3A_51 = tpu.memref_slice %arg3[%dma_start3A_49, %dma_start3A_50] : memref<10000x128xf32, #tpu.memory_space<hbm>> -> memref<10000x128xf32, #tpu.memory_space<hbm>>
      tpu.enqueue_indirect_dma source(%dma_start3A_51 : memref<10000x128xf32, #tpu.memory_space<hbm>>) target(%arg17 : memref<128x128xf32, #tpu.memory_space<vmem>>) offsets(%arg9 : memref<128xi32, #tpu.memory_space<vmem>>) semaphore(%arg26 : memref<!tpu.dma_semaphore, #tpu.memory_space<semaphore_mem>>)
      %dma_wait3A_52 = arith.constant 0 : i32
      %dma_wait3A_53 = arith.constant 0 : i32
      %dma_wait3A_54 = tpu.memref_slice %arg3[%dma_wait3A_52, %dma_wait3A_53] : memref<10000x128xf32, #tpu.memory_space<hbm>> -> memref<10000x128xf32, #tpu.memory_space<hbm>>
      tpu.wait_indirect_dma semaphore(%arg26 : memref<!tpu.dma_semaphore, #tpu.memory_space<semaphore_mem>>) src(%dma_wait3A_54 : memref<10000x128xf32, #tpu.memory_space<hbm>>) dst(%arg17 : memref<128x128xf32, #tpu.memory_space<vmem>>)
      %dma_start3A_55 = arith.constant 0 : i32
      %dma_start3A_56 = arith.constant 0 : i32
      %dma_start3A_57 = tpu.memref_slice %arg19[%dma_start3A_55, %dma_start3A_56] : memref<10240x128xf32, #tpu.memory_space<vmem_shared>> -> memref<10240x128xf32, #tpu.memory_space<vmem_shared>>
      tpu.enqueue_indirect_dma source(%arg17 : memref<128x128xf32, #tpu.memory_space<vmem>>) target(%dma_start3A_57 : memref<10240x128xf32, #tpu.memory_space<vmem_shared>>) offsets(%arg13 : memref<128xi32, #tpu.memory_space<vmem>>) semaphore(%arg24 : memref<!tpu.dma_semaphore, #tpu.memory_space<semaphore_mem>>) {add = true}
      %add3A_58 = arith.constant 157 : i32
      %add3A_59 = arith.addi %mul3A_18, %add3A_58 : i32
      %mul3A_60 = arith.constant 128 : i32
      %mul3A_61 = arith.muli %add3A_59, %mul3A_60 : i32
      %dma_wait3A_62 = tpu.memref_slice %arg4[%mul3A_61] : memref<323584xi32, #tpu.memory_space<hbm>> -> memref<128xi32, #tpu.memory_space<hbm>>
      %dma_wait3A_63 = tpu.memref_slice %arg4[%mul3A_61] : memref<323584xi32, #tpu.memory_space<hbm>> -> memref<128xi32, #tpu.memory_space<hbm>>
      tpu.wait_dma2 semaphore(%arg21 : memref<!tpu.dma_semaphore, #tpu.memory_space<semaphore_mem>>) src(%dma_wait3A_63 : memref<128xi32, #tpu.memory_space<hbm>>) dst(%arg10 : memref<128xi32, #tpu.memory_space<vmem>>)
      %dma_wait3A_64 = tpu.memref_slice %arg5[%mul3A_61] : memref<323584xi32, #tpu.memory_space<hbm>> -> memref<128xi32, #tpu.memory_space<hbm>>
      %dma_wait3A_65 = tpu.memref_slice %arg5[%mul3A_61] : memref<323584xi32, #tpu.memory_space<hbm>> -> memref<128xi32, #tpu.memory_space<hbm>>
      tpu.wait_dma2 semaphore(%arg21 : memref<!tpu.dma_semaphore, #tpu.memory_space<semaphore_mem>>) src(%dma_wait3A_65 : memref<128xi32, #tpu.memory_space<hbm>>) dst(%arg14 : memref<128xi32, #tpu.memory_space<vmem>>)
      %dma_wait3A_66 = arith.constant 0 : i32
      %dma_wait3A_67 = arith.constant 0 : i32
      %dma_wait3A_68 = tpu.memref_slice %arg19[%dma_wait3A_66, %dma_wait3A_67] : memref<10240x128xf32, #tpu.memory_space<vmem_shared>> -> memref<10240x128xf32, #tpu.memory_space<vmem_shared>>
      tpu.wait_indirect_dma semaphore(%arg25 : memref<!tpu.dma_semaphore, #tpu.memory_space<semaphore_mem>>) src(%arg18 : memref<128x128xf32, #tpu.memory_space<vmem>>) dst(%dma_wait3A_68 : memref<10240x128xf32, #tpu.memory_space<vmem_shared>>)
      %dma_start3A_69 = arith.constant 0 : i32
      %dma_start3A_70 = arith.constant 0 : i32
      %dma_start3A_71 = tpu.memref_slice %arg3[%dma_start3A_69, %dma_start3A_70] : memref<10000x128xf32, #tpu.memory_space<hbm>> -> memref<10000x128xf32, #tpu.memory_space<hbm>>
      tpu.enqueue_indirect_dma source(%dma_start3A_71 : memref<10000x128xf32, #tpu.memory_space<hbm>>) target(%arg18 : memref<128x128xf32, #tpu.memory_space<vmem>>) offsets(%arg10 : memref<128xi32, #tpu.memory_space<vmem>>) semaphore(%arg26 : memref<!tpu.dma_semaphore, #tpu.memory_space<semaphore_mem>>)
      %dma_wait3A_72 = arith.constant 0 : i32
      %dma_wait3A_73 = arith.constant 0 : i32
      %dma_wait3A_74 = tpu.memref_slice %arg3[%dma_wait3A_72, %dma_wait3A_73] : memref<10000x128xf32, #tpu.memory_space<hbm>> -> memref<10000x128xf32, #tpu.memory_space<hbm>>
      tpu.wait_indirect_dma semaphore(%arg26 : memref<!tpu.dma_semaphore, #tpu.memory_space<semaphore_mem>>) src(%dma_wait3A_74 : memref<10000x128xf32, #tpu.memory_space<hbm>>) dst(%arg18 : memref<128x128xf32, #tpu.memory_space<vmem>>)
      %dma_start3A_75 = arith.constant 0 : i32
      %dma_start3A_76 = arith.constant 0 : i32
      %dma_start3A_77 = tpu.memref_slice %arg19[%dma_start3A_75, %dma_start3A_76] : memref<10240x128xf32, #tpu.memory_space<vmem_shared>> -> memref<10240x128xf32, #tpu.memory_space<vmem_shared>>
      tpu.enqueue_indirect_dma source(%arg18 : memref<128x128xf32, #tpu.memory_space<vmem>>) target(%dma_start3A_77 : memref<10240x128xf32, #tpu.memory_space<vmem_shared>>) offsets(%arg14 : memref<128xi32, #tpu.memory_space<vmem>>) semaphore(%arg25 : memref<!tpu.dma_semaphore, #tpu.memory_space<semaphore_mem>>) {add = true}
      %dma_wait3A_78 = arith.constant 0 : i32
      %dma_wait3A_79 = arith.constant 0 : i32
      %dma_wait3A_80 = tpu.memref_slice %arg19[%dma_wait3A_78, %dma_wait3A_79] : memref<10240x128xf32, #tpu.memory_space<vmem_shared>> -> memref<10240x128xf32, #tpu.memory_space<vmem_shared>>
      tpu.wait_indirect_dma semaphore(%arg24 : memref<!tpu.dma_semaphore, #tpu.memory_space<semaphore_mem>>) src(%arg17 : memref<128x128xf32, #tpu.memory_space<vmem>>) dst(%dma_wait3A_80 : memref<10240x128xf32, #tpu.memory_space<vmem_shared>>)
      %dma_wait3A_81 = arith.constant 0 : i32
      %dma_wait3A_82 = arith.constant 0 : i32
      %dma_wait3A_83 = tpu.memref_slice %arg19[%dma_wait3A_81, %dma_wait3A_82] : memref<10240x128xf32, #tpu.memory_space<vmem_shared>> -> memref<10240x128xf32, #tpu.memory_space<vmem_shared>>
      tpu.wait_indirect_dma semaphore(%arg25 : memref<!tpu.dma_semaphore, #tpu.memory_space<semaphore_mem>>) src(%arg18 : memref<128x128xf32, #tpu.memory_space<vmem>>) dst(%dma_wait3A_83 : memref<10240x128xf32, #tpu.memory_space<vmem_shared>>)
      %barrier3A_84 = arith.constant 0 : index
      tpu.barrier barrier_id(%barrier3A_84)
      %add3A_85 = arith.constant 0 : i32
      %add3A_86 = arith.addi %mul3A_0, %add3A_85 : i32
      "tpu.region"() ({
        %run_scoped3A = tpu.sem_alloc : memref<!tpu.dma_semaphore, #tpu.memory_space<semaphore_mem>>
        %dma_start3A_95 = arith.constant 0 : i32
        %dma_start3A_96 = tpu.memref_slice %arg19[%add3A_86, %dma_start3A_95] : memref<10240x128xf32, #tpu.memory_space<vmem_shared>> -> memref<128x128xf32, #tpu.memory_space<vmem_shared>>
        %dma_start3A_97 = arith.constant 0 : i32
        %dma_start3A_98 = tpu.memref_slice %arg19[%add3A_86, %dma_start3A_97] : memref<10240x128xf32, #tpu.memory_space<vmem_shared>> -> memref<128x128xf32, #tpu.memory_space<vmem_shared>>
        tpu.enqueue_dma source(%dma_start3A_98 : memref<128x128xf32, #tpu.memory_space<vmem_shared>>) target(%arg17 : memref<128x128xf32, #tpu.memory_space<vmem>>) target_semaphore(%run_scoped3A : memref<!tpu.dma_semaphore, #tpu.memory_space<semaphore_mem>>)
        %dma_wait3A_99 = arith.constant 0 : i32
        %dma_wait3A_100 = tpu.memref_slice %arg19[%add3A_86, %dma_wait3A_99] : memref<10240x128xf32, #tpu.memory_space<vmem_shared>> -> memref<128x128xf32, #tpu.memory_space<vmem_shared>>
        %dma_wait3A_101 = arith.constant 0 : i32
        %dma_wait3A_102 = tpu.memref_slice %arg19[%add3A_86, %dma_wait3A_101] : memref<10240x128xf32, #tpu.memory_space<vmem_shared>> -> memref<128x128xf32, #tpu.memory_space<vmem_shared>>
        tpu.wait_dma2 semaphore(%run_scoped3A : memref<!tpu.dma_semaphore, #tpu.memory_space<semaphore_mem>>) src(%dma_wait3A_102 : memref<128x128xf32, #tpu.memory_space<vmem_shared>>) dst(%arg17 : memref<128x128xf32, #tpu.memory_space<vmem>>)
        tpu.yield
      }) : () -> ()
      "tpu.region"() ({
        %run_scoped3A = tpu.sem_alloc : memref<!tpu.dma_semaphore, #tpu.memory_space<semaphore_mem>>
        %dma_start3A_95 = arith.constant 0 : i32
        %dma_start3A_96 = tpu.memref_slice %arg8[%add3A_86, %dma_start3A_95] : memref<10240x128xf32, #tpu.memory_space<hbm>> -> memref<128x128xf32, #tpu.memory_space<hbm>>
        %dma_start3A_97 = arith.constant 0 : i32
        %dma_start3A_98 = tpu.memref_slice %arg8[%add3A_86, %dma_start3A_97] : memref<10240x128xf32, #tpu.memory_space<hbm>> -> memref<128x128xf32, #tpu.memory_space<hbm>>
        tpu.enqueue_dma source(%arg17 : memref<128x128xf32, #tpu.memory_space<vmem>>) target(%dma_start3A_98 : memref<128x128xf32, #tpu.memory_space<hbm>>) target_semaphore(%run_scoped3A : memref<!tpu.dma_semaphore, #tpu.memory_space<semaphore_mem>>)
        %dma_wait3A_99 = arith.constant 0 : i32
        %dma_wait3A_100 = tpu.memref_slice %arg8[%add3A_86, %dma_wait3A_99] : memref<10240x128xf32, #tpu.memory_space<hbm>> -> memref<128x128xf32, #tpu.memory_space<hbm>>
        %dma_wait3A_101 = arith.constant 0 : i32
        %dma_wait3A_102 = tpu.memref_slice %arg8[%add3A_86, %dma_wait3A_101] : memref<10240x128xf32, #tpu.memory_space<hbm>> -> memref<128x128xf32, #tpu.memory_space<hbm>>
        tpu.wait_dma2 semaphore(%run_scoped3A : memref<!tpu.dma_semaphore, #tpu.memory_space<semaphore_mem>>) src(%arg17 : memref<128x128xf32, #tpu.memory_space<vmem>>) dst(%dma_wait3A_102 : memref<128x128xf32, #tpu.memory_space<hbm>>)
        tpu.yield
      }) : () -> ()
      %add3A_87 = arith.constant 128 : i32
      %add3A_88 = arith.addi %mul3A_0, %add3A_87 : i32
      "tpu.region"() ({
        %run_scoped3A = tpu.sem_alloc : memref<!tpu.dma_semaphore, #tpu.memory_space<semaphore_mem>>
        %dma_start3A_95 = arith.constant 0 : i32
        %dma_start3A_96 = tpu.memref_slice %arg19[%add3A_88, %dma_start3A_95] : memref<10240x128xf32, #tpu.memory_space<vmem_shared>> -> memref<128x128xf32, #tpu.memory_space<vmem_shared>>
        %dma_start3A_97 = arith.constant 0 : i32
        %dma_start3A_98 = tpu.memref_slice %arg19[%add3A_88, %dma_start3A_97] : memref<10240x128xf32, #tpu.memory_space<vmem_shared>> -> memref<128x128xf32, #tpu.memory_space<vmem_shared>>
        tpu.enqueue_dma source(%dma_start3A_98 : memref<128x128xf32, #tpu.memory_space<vmem_shared>>) target(%arg17 : memref<128x128xf32, #tpu.memory_space<vmem>>) target_semaphore(%run_scoped3A : memref<!tpu.dma_semaphore, #tpu.memory_space<semaphore_mem>>)
        %dma_wait3A_99 = arith.constant 0 : i32
        %dma_wait3A_100 = tpu.memref_slice %arg19[%add3A_88, %dma_wait3A_99] : memref<10240x128xf32, #tpu.memory_space<vmem_shared>> -> memref<128x128xf32, #tpu.memory_space<vmem_shared>>
        %dma_wait3A_101 = arith.constant 0 : i32
        %dma_wait3A_102 = tpu.memref_slice %arg19[%add3A_88, %dma_wait3A_101] : memref<10240x128xf32, #tpu.memory_space<vmem_shared>> -> memref<128x128xf32, #tpu.memory_space<vmem_shared>>
        tpu.wait_dma2 semaphore(%run_scoped3A : memref<!tpu.dma_semaphore, #tpu.memory_space<semaphore_mem>>) src(%dma_wait3A_102 : memref<128x128xf32, #tpu.memory_space<vmem_shared>>) dst(%arg17 : memref<128x128xf32, #tpu.memory_space<vmem>>)
        tpu.yield
      }) : () -> ()
      "tpu.region"() ({
        %run_scoped3A = tpu.sem_alloc : memref<!tpu.dma_semaphore, #tpu.memory_space<semaphore_mem>>
        %dma_start3A_95 = arith.constant 0 : i32
        %dma_start3A_96 = tpu.memref_slice %arg8[%add3A_88, %dma_start3A_95] : memref<10240x128xf32, #tpu.memory_space<hbm>> -> memref<128x128xf32, #tpu.memory_space<hbm>>
        %dma_start3A_97 = arith.constant 0 : i32
        %dma_start3A_98 = tpu.memref_slice %arg8[%add3A_88, %dma_start3A_97] : memref<10240x128xf32, #tpu.memory_space<hbm>> -> memref<128x128xf32, #tpu.memory_space<hbm>>
        tpu.enqueue_dma source(%arg17 : memref<128x128xf32, #tpu.memory_space<vmem>>) target(%dma_start3A_98 : memref<128x128xf32, #tpu.memory_space<hbm>>) target_semaphore(%run_scoped3A : memref<!tpu.dma_semaphore, #tpu.memory_space<semaphore_mem>>)
        %dma_wait3A_99 = arith.constant 0 : i32
        %dma_wait3A_100 = tpu.memref_slice %arg8[%add3A_88, %dma_wait3A_99] : memref<10240x128xf32, #tpu.memory_space<hbm>> -> memref<128x128xf32, #tpu.memory_space<hbm>>
        %dma_wait3A_101 = arith.constant 0 : i32
        %dma_wait3A_102 = tpu.memref_slice %arg8[%add3A_88, %dma_wait3A_101] : memref<10240x128xf32, #tpu.memory_space<hbm>> -> memref<128x128xf32, #tpu.memory_space<hbm>>
        tpu.wait_dma2 semaphore(%run_scoped3A : memref<!tpu.dma_semaphore, #tpu.memory_space<semaphore_mem>>) src(%arg17 : memref<128x128xf32, #tpu.memory_space<vmem>>) dst(%dma_wait3A_102 : memref<128x128xf32, #tpu.memory_space<hbm>>)
        tpu.yield
      }) : () -> ()
      %add3A_89 = arith.constant 256 : i32
      %add3A_90 = arith.addi %mul3A_0, %add3A_89 : i32
      "tpu.region"() ({
        %run_scoped3A = tpu.sem_alloc : memref<!tpu.dma_semaphore, #tpu.memory_space<semaphore_mem>>
        %dma_start3A_95 = arith.constant 0 : i32
        %dma_start3A_96 = tpu.memref_slice %arg19[%add3A_90, %dma_start3A_95] : memref<10240x128xf32, #tpu.memory_space<vmem_shared>> -> memref<128x128xf32, #tpu.memory_space<vmem_shared>>
        %dma_start3A_97 = arith.constant 0 : i32
        %dma_start3A_98 = tpu.memref_slice %arg19[%add3A_90, %dma_start3A_97] : memref<10240x128xf32, #tpu.memory_space<vmem_shared>> -> memref<128x128xf32, #tpu.memory_space<vmem_shared>>
        tpu.enqueue_dma source(%dma_start3A_98 : memref<128x128xf32, #tpu.memory_space<vmem_shared>>) target(%arg17 : memref<128x128xf32, #tpu.memory_space<vmem>>) target_semaphore(%run_scoped3A : memref<!tpu.dma_semaphore, #tpu.memory_space<semaphore_mem>>)
        %dma_wait3A_99 = arith.constant 0 : i32
        %dma_wait3A_100 = tpu.memref_slice %arg19[%add3A_90, %dma_wait3A_99] : memref<10240x128xf32, #tpu.memory_space<vmem_shared>> -> memref<128x128xf32, #tpu.memory_space<vmem_shared>>
        %dma_wait3A_101 = arith.constant 0 : i32
        %dma_wait3A_102 = tpu.memref_slice %arg19[%add3A_90, %dma_wait3A_101] : memref<10240x128xf32, #tpu.memory_space<vmem_shared>> -> memref<128x128xf32, #tpu.memory_space<vmem_shared>>
        tpu.wait_dma2 semaphore(%run_scoped3A : memref<!tpu.dma_semaphore, #tpu.memory_space<semaphore_mem>>) src(%dma_wait3A_102 : memref<128x128xf32, #tpu.memory_space<vmem_shared>>) dst(%arg17 : memref<128x128xf32, #tpu.memory_space<vmem>>)
        tpu.yield
      }) : () -> ()
      "tpu.region"() ({
        %run_scoped3A = tpu.sem_alloc : memref<!tpu.dma_semaphore, #tpu.memory_space<semaphore_mem>>
        %dma_start3A_95 = arith.constant 0 : i32
        %dma_start3A_96 = tpu.memref_slice %arg8[%add3A_90, %dma_start3A_95] : memref<10240x128xf32, #tpu.memory_space<hbm>> -> memref<128x128xf32, #tpu.memory_space<hbm>>
        %dma_start3A_97 = arith.constant 0 : i32
        %dma_start3A_98 = tpu.memref_slice %arg8[%add3A_90, %dma_start3A_97] : memref<10240x128xf32, #tpu.memory_space<hbm>> -> memref<128x128xf32, #tpu.memory_space<hbm>>
        tpu.enqueue_dma source(%arg17 : memref<128x128xf32, #tpu.memory_space<vmem>>) target(%dma_start3A_98 : memref<128x128xf32, #tpu.memory_space<hbm>>) target_semaphore(%run_scoped3A : memref<!tpu.dma_semaphore, #tpu.memory_space<semaphore_mem>>)
        %dma_wait3A_99 = arith.constant 0 : i32
        %dma_wait3A_100 = tpu.memref_slice %arg8[%add3A_90, %dma_wait3A_99] : memref<10240x128xf32, #tpu.memory_space<hbm>> -> memref<128x128xf32, #tpu.memory_space<hbm>>
        %dma_wait3A_101 = arith.constant 0 : i32
        %dma_wait3A_102 = tpu.memref_slice %arg8[%add3A_90, %dma_wait3A_101] : memref<10240x128xf32, #tpu.memory_space<hbm>> -> memref<128x128xf32, #tpu.memory_space<hbm>>
        tpu.wait_dma2 semaphore(%run_scoped3A : memref<!tpu.dma_semaphore, #tpu.memory_space<semaphore_mem>>) src(%arg17 : memref<128x128xf32, #tpu.memory_space<vmem>>) dst(%dma_wait3A_102 : memref<128x128xf32, #tpu.memory_space<hbm>>)
        tpu.yield
      }) : () -> ()
      %add3A_91 = arith.constant 384 : i32
      %add3A_92 = arith.addi %mul3A_0, %add3A_91 : i32
      "tpu.region"() ({
        %run_scoped3A = tpu.sem_alloc : memref<!tpu.dma_semaphore, #tpu.memory_space<semaphore_mem>>
        %dma_start3A_95 = arith.constant 0 : i32
        %dma_start3A_96 = tpu.memref_slice %arg19[%add3A_92, %dma_start3A_95] : memref<10240x128xf32, #tpu.memory_space<vmem_shared>> -> memref<128x128xf32, #tpu.memory_space<vmem_shared>>
        %dma_start3A_97 = arith.constant 0 : i32
        %dma_start3A_98 = tpu.memref_slice %arg19[%add3A_92, %dma_start3A_97] : memref<10240x128xf32, #tpu.memory_space<vmem_shared>> -> memref<128x128xf32, #tpu.memory_space<vmem_shared>>
        tpu.enqueue_dma source(%dma_start3A_98 : memref<128x128xf32, #tpu.memory_space<vmem_shared>>) target(%arg17 : memref<128x128xf32, #tpu.memory_space<vmem>>) target_semaphore(%run_scoped3A : memref<!tpu.dma_semaphore, #tpu.memory_space<semaphore_mem>>)
        %dma_wait3A_99 = arith.constant 0 : i32
        %dma_wait3A_100 = tpu.memref_slice %arg19[%add3A_92, %dma_wait3A_99] : memref<10240x128xf32, #tpu.memory_space<vmem_shared>> -> memref<128x128xf32, #tpu.memory_space<vmem_shared>>
        %dma_wait3A_101 = arith.constant 0 : i32
        %dma_wait3A_102 = tpu.memref_slice %arg19[%add3A_92, %dma_wait3A_101] : memref<10240x128xf32, #tpu.memory_space<vmem_shared>> -> memref<128x128xf32, #tpu.memory_space<vmem_shared>>
        tpu.wait_dma2 semaphore(%run_scoped3A : memref<!tpu.dma_semaphore, #tpu.memory_space<semaphore_mem>>) src(%dma_wait3A_102 : memref<128x128xf32, #tpu.memory_space<vmem_shared>>) dst(%arg17 : memref<128x128xf32, #tpu.memory_space<vmem>>)
        tpu.yield
      }) : () -> ()
      "tpu.region"() ({
        %run_scoped3A = tpu.sem_alloc : memref<!tpu.dma_semaphore, #tpu.memory_space<semaphore_mem>>
        %dma_start3A_95 = arith.constant 0 : i32
        %dma_start3A_96 = tpu.memref_slice %arg8[%add3A_92, %dma_start3A_95] : memref<10240x128xf32, #tpu.memory_space<hbm>> -> memref<128x128xf32, #tpu.memory_space<hbm>>
        %dma_start3A_97 = arith.constant 0 : i32
        %dma_start3A_98 = tpu.memref_slice %arg8[%add3A_92, %dma_start3A_97] : memref<10240x128xf32, #tpu.memory_space<hbm>> -> memref<128x128xf32, #tpu.memory_space<hbm>>
        tpu.enqueue_dma source(%arg17 : memref<128x128xf32, #tpu.memory_space<vmem>>) target(%dma_start3A_98 : memref<128x128xf32, #tpu.memory_space<hbm>>) target_semaphore(%run_scoped3A : memref<!tpu.dma_semaphore, #tpu.memory_space<semaphore_mem>>)
        %dma_wait3A_99 = arith.constant 0 : i32
        %dma_wait3A_100 = tpu.memref_slice %arg8[%add3A_92, %dma_wait3A_99] : memref<10240x128xf32, #tpu.memory_space<hbm>> -> memref<128x128xf32, #tpu.memory_space<hbm>>
        %dma_wait3A_101 = arith.constant 0 : i32
        %dma_wait3A_102 = tpu.memref_slice %arg8[%add3A_92, %dma_wait3A_101] : memref<10240x128xf32, #tpu.memory_space<hbm>> -> memref<128x128xf32, #tpu.memory_space<hbm>>
        tpu.wait_dma2 semaphore(%run_scoped3A : memref<!tpu.dma_semaphore, #tpu.memory_space<semaphore_mem>>) src(%arg17 : memref<128x128xf32, #tpu.memory_space<vmem>>) dst(%dma_wait3A_102 : memref<128x128xf32, #tpu.memory_space<hbm>>)
        tpu.yield
      }) : () -> ()
      %add3A_93 = arith.constant 512 : i32
      %add3A_94 = arith.addi %mul3A_0, %add3A_93 : i32
      "tpu.region"() ({
        %run_scoped3A = tpu.sem_alloc : memref<!tpu.dma_semaphore, #tpu.memory_space<semaphore_mem>>
        %dma_start3A_95 = arith.constant 0 : i32
        %dma_start3A_96 = tpu.memref_slice %arg19[%add3A_94, %dma_start3A_95] : memref<10240x128xf32, #tpu.memory_space<vmem_shared>> -> memref<128x128xf32, #tpu.memory_space<vmem_shared>>
        %dma_start3A_97 = arith.constant 0 : i32
        %dma_start3A_98 = tpu.memref_slice %arg19[%add3A_94, %dma_start3A_97] : memref<10240x128xf32, #tpu.memory_space<vmem_shared>> -> memref<128x128xf32, #tpu.memory_space<vmem_shared>>
        tpu.enqueue_dma source(%dma_start3A_98 : memref<128x128xf32, #tpu.memory_space<vmem_shared>>) target(%arg17 : memref<128x128xf32, #tpu.memory_space<vmem>>) target_semaphore(%run_scoped3A : memref<!tpu.dma_semaphore, #tpu.memory_space<semaphore_mem>>)
        %dma_wait3A_99 = arith.constant 0 : i32
        %dma_wait3A_100 = tpu.memref_slice %arg19[%add3A_94, %dma_wait3A_99] : memref<10240x128xf32, #tpu.memory_space<vmem_shared>> -> memref<128x128xf32, #tpu.memory_space<vmem_shared>>
        %dma_wait3A_101 = arith.constant 0 : i32
        %dma_wait3A_102 = tpu.memref_slice %arg19[%add3A_94, %dma_wait3A_101] : memref<10240x128xf32, #tpu.memory_space<vmem_shared>> -> memref<128x128xf32, #tpu.memory_space<vmem_shared>>
        tpu.wait_dma2 semaphore(%run_scoped3A : memref<!tpu.dma_semaphore, #tpu.memory_space<semaphore_mem>>) src(%dma_wait3A_102 : memref<128x128xf32, #tpu.memory_space<vmem_shared>>) dst(%arg17 : memref<128x128xf32, #tpu.memory_space<vmem>>)
        tpu.yield
      }) : () -> ()
      "tpu.region"() ({
        %run_scoped3A = tpu.sem_alloc : memref<!tpu.dma_semaphore, #tpu.memory_space<semaphore_mem>>
        %dma_start3A_95 = arith.constant 0 : i32
        %dma_start3A_96 = tpu.memref_slice %arg8[%add3A_94, %dma_start3A_95] : memref<10240x128xf32, #tpu.memory_space<hbm>> -> memref<128x128xf32, #tpu.memory_space<hbm>>
        %dma_start3A_97 = arith.constant 0 : i32
        %dma_start3A_98 = tpu.memref_slice %arg8[%add3A_94, %dma_start3A_97] : memref<10240x128xf32, #tpu.memory_space<hbm>> -> memref<128x128xf32, #tpu.memory_space<hbm>>
        tpu.enqueue_dma source(%arg17 : memref<128x128xf32, #tpu.memory_space<vmem>>) target(%dma_start3A_98 : memref<128x128xf32, #tpu.memory_space<hbm>>) target_semaphore(%run_scoped3A : memref<!tpu.dma_semaphore, #tpu.memory_space<semaphore_mem>>)
        %dma_wait3A_99 = arith.constant 0 : i32
        %dma_wait3A_100 = tpu.memref_slice %arg8[%add3A_94, %dma_wait3A_99] : memref<10240x128xf32, #tpu.memory_space<hbm>> -> memref<128x128xf32, #tpu.memory_space<hbm>>
        %dma_wait3A_101 = arith.constant 0 : i32
        %dma_wait3A_102 = tpu.memref_slice %arg8[%add3A_94, %dma_wait3A_101] : memref<10240x128xf32, #tpu.memory_space<hbm>> -> memref<128x128xf32, #tpu.memory_space<hbm>>
        tpu.wait_dma2 semaphore(%run_scoped3A : memref<!tpu.dma_semaphore, #tpu.memory_space<semaphore_mem>>) src(%arg17 : memref<128x128xf32, #tpu.memory_space<vmem>>) dst(%dma_wait3A_102 : memref<128x128xf32, #tpu.memory_space<hbm>>)
        tpu.yield
      }) : () -> ()
    } else {
    }
    return
  }
}

module attributes {stable_mosaic.version = 14 : i64} {
  func.func @body(%arg0: i32, %arg1: memref<2000x256xf32, #tpu.memory_space<vmem>>, %arg2: memref<1x256xf32, #tpu.memory_space<vmem>>, %arg3: memref<1x256xf32, #tpu.memory_space<vmem>>, %arg4: memref<2000x128xf32, #tpu.memory_space<vmem>>, %arg5: memref<2000x128xf32, #tpu.memory_space<vmem>>) attributes {dimension_semantics = [#tpu.dimension_semantics<arbitrary>], iteration_bounds = array<i64: 5>, scalar_prefetch = 0 : i64, scratch_operands = 0 : i64, tpu.core_type = #tpu.core_type<tc>, window_params = [{transform_indices = @transform_0, window_bounds = array<i64: 2000, 256>}, {pipeline_mode = #tpu.pipeline_mode<synchronous>, transform_indices = @transform_1, window_bounds = array<i64: 1, 256>}, {pipeline_mode = #tpu.pipeline_mode<synchronous>, transform_indices = @transform_2, window_bounds = array<i64: 1, 256>}, {transform_indices = @transform_3, window_bounds = array<i64: 2000, 128>}, {transform_indices = @transform_4, window_bounds = array<i64: 2000, 128>}]} {
    %get3A = arith.constant 0 : index
    %get3A_0 = arith.constant 0 : index
    %get3A_1 = vector.load %arg1[%get3A, %get3A_0] : memref<2000x256xf32, #tpu.memory_space<vmem>>, vector<2000x256xf32>
    %get3A_2 = arith.constant 0 : index
    %get3A_3 = arith.constant 0 : index
    %get3A_4 = vector.load %arg2[%get3A_2, %get3A_3] : memref<1x256xf32, #tpu.memory_space<vmem>>, vector<1x256xf32>
    %mul3A = vector.broadcast %get3A_4 : vector<1x256xf32> to vector<2000x256xf32>
    %mul3A_5 = arith.mulf %get3A_1, %mul3A : vector<2000x256xf32>
    %get3A_6 = arith.constant 0 : index
    %get3A_7 = arith.constant 0 : index
    %get3A_8 = vector.load %arg3[%get3A_6, %get3A_7] : memref<1x256xf32, #tpu.memory_space<vmem>>, vector<1x256xf32>
    %add3A = vector.broadcast %get3A_8 : vector<1x256xf32> to vector<2000x256xf32>
    %add3A_9 = arith.addf %mul3A_5, %add3A : vector<2000x256xf32>
    %max3A = arith.constant 0.000000e+00 : f32
    %max3A_10 = vector.broadcast %max3A : f32 to vector<2000x256xf32>
    %max3A_11 = arith.maximumf %add3A_9, %max3A_10 : vector<2000x256xf32>
    %slice3A = vector.extract_strided_slice %max3A_11 {offsets = [0, 0], sizes = [2000, 128], strides = [1, 1]} : vector<2000x256xf32> to vector<2000x128xf32>
    %swap3A = arith.constant 0 : index
    %swap3A_12 = arith.constant 0 : index
    %swap3A_13 = vector.load %arg4[%swap3A, %swap3A_12] : memref<2000x128xf32, #tpu.memory_space<vmem>>, vector<2000x128xf32>
    tpu.vector_store %arg4[%swap3A, %swap3A_12], %slice3A {strides = array<i32>} : memref<2000x128xf32, #tpu.memory_space<vmem>>, vector<2000x128xf32>,
    %slice3A_14 = vector.extract_strided_slice %max3A_11 {offsets = [0, 128], sizes = [2000, 128], strides = [1, 1]} : vector<2000x256xf32> to vector<2000x128xf32>
    %swap3A_15 = arith.constant 0 : index
    %swap3A_16 = arith.constant 0 : index
    %swap3A_17 = vector.load %arg5[%swap3A_15, %swap3A_16] : memref<2000x128xf32, #tpu.memory_space<vmem>>, vector<2000x128xf32>
    tpu.vector_store %arg5[%swap3A_15, %swap3A_16], %slice3A_14 {strides = array<i32>} : memref<2000x128xf32, #tpu.memory_space<vmem>>, vector<2000x128xf32>,
    return
  }
  func.func @transform_0(%arg0: i32) -> (i32, i32) {
    %c0_i32 = arith.constant 0 : i32
    %c0_i32_0 = arith.constant 0 : i32
    return %arg0, %c0_i32 : i32, i32
  }
  func.func @transform_1(%arg0: i32) -> (i32, i32) {
    %c0_i32 = arith.constant 0 : i32
    %c0_i32_0 = arith.constant 0 : i32
    %c0_i32_1 = arith.constant 0 : i32
    return %c0_i32, %c0_i32_0 : i32, i32
  }
  func.func @transform_2(%arg0: i32) -> (i32, i32) {
    %c0_i32 = arith.constant 0 : i32
    %c0_i32_0 = arith.constant 0 : i32
    %c0_i32_1 = arith.constant 0 : i32
    return %c0_i32, %c0_i32_0 : i32, i32
  }
  func.func @transform_3(%arg0: i32) -> (i32, i32) {
    %c0_i32 = arith.constant 0 : i32
    %c0_i32_0 = arith.constant 0 : i32
    return %arg0, %c0_i32 : i32, i32
  }
  func.func @transform_4(%arg0: i32) -> (i32, i32) {
    %c0_i32 = arith.constant 0 : i32
    %c0_i32_0 = arith.constant 0 : i32
    return %arg0, %c0_i32 : i32, i32
  }
}

module attributes {stable_mosaic.version = 14 : i64} {
  func.func @body(%arg0: i32, %arg1: memref<2000x128xf32, #tpu.memory_space<vmem>>, %arg2: memref<2000x128xf32, #tpu.memory_space<vmem>>, %arg3: memref<2000x128xf32, #tpu.memory_space<vmem>>, %arg4: memref<128x256xf32, #tpu.memory_space<vmem>>, %arg5: memref<1x256xf32, #tpu.memory_space<vmem>>, %arg6: memref<256x256xf32, #tpu.memory_space<vmem>>, %arg7: memref<1x256xf32, #tpu.memory_space<vmem>>, %arg8: memref<2000x256xf32, #tpu.memory_space<vmem>>, %arg9: memref<8x256xf32, #tpu.memory_space<vmem>>) attributes {dimension_semantics = [#tpu.dimension_semantics<arbitrary>], iteration_bounds = array<i64: 5>, scalar_prefetch = 0 : i64, scratch_operands = 0 : i64, tpu.core_type = #tpu.core_type<tc>, window_params = [{transform_indices = @transform_0, window_bounds = array<i64: 2000, 128>}, {transform_indices = @transform_1, window_bounds = array<i64: 2000, 128>}, {transform_indices = @transform_2, window_bounds = array<i64: 2000, 128>}, {pipeline_mode = #tpu.pipeline_mode<synchronous>, transform_indices = @transform_3, window_bounds = array<i64: 128, 256>}, {pipeline_mode = #tpu.pipeline_mode<synchronous>, transform_indices = @transform_4, window_bounds = array<i64: 1, 256>}, {pipeline_mode = #tpu.pipeline_mode<synchronous>, transform_indices = @transform_5, window_bounds = array<i64: 256, 256>}, {pipeline_mode = #tpu.pipeline_mode<synchronous>, transform_indices = @transform_6, window_bounds = array<i64: 1, 256>}, {transform_indices = @transform_7, window_bounds = array<i64: 2000, 256>}, {pipeline_mode = #tpu.pipeline_mode<synchronous>, transform_indices = @transform_8, window_bounds = array<i64: 8, 256>}]} {
    %get3A = arith.constant 0 : index
    %get3A_0 = arith.constant 0 : index
    %get3A_1 = vector.load %arg1[%get3A, %get3A_0] : memref<2000x128xf32, #tpu.memory_space<vmem>>, vector<2000x128xf32>
    %get3A_2 = arith.constant 0 : index
    %get3A_3 = arith.constant 0 : index
    %get3A_4 = vector.load %arg2[%get3A_2, %get3A_3] : memref<2000x128xf32, #tpu.memory_space<vmem>>, vector<2000x128xf32>
    %get3A_5 = arith.constant 0 : index
    %get3A_6 = arith.constant 0 : index
    %get3A_7 = vector.load %arg3[%get3A_5, %get3A_6] : memref<2000x128xf32, #tpu.memory_space<vmem>>, vector<2000x128xf32>
    %add3A = arith.addf %get3A_1, %get3A_4 : vector<2000x128xf32>
    %add3A_8 = arith.addf %add3A, %get3A_7 : vector<2000x128xf32>
    %get3A_9 = arith.constant 0 : index
    %get3A_10 = arith.constant 0 : index
    %get3A_11 = vector.load %arg4[%get3A_9, %get3A_10] : memref<128x256xf32, #tpu.memory_space<vmem>>, vector<128x256xf32>
    %dot_general3A = arith.constant dense<0.000000e+00> : vector<2000x256xf32>
    %dot_general3A_12 = tpu.matmul %add3A_8, %get3A_11, %dot_general3A {dimension_numbers = #tpu.dot_dimension_numbers<[1], [0], [0], [1], [0, 0, 1, 1], [], []>, transpose_lhs_hint = false} : vector<2000x128xf32>, vector<128x256xf32>, vector<2000x256xf32> -> vector<2000x256xf32>
    %get3A_13 = arith.constant 0 : index
    %get3A_14 = arith.constant 0 : index
    %get3A_15 = vector.load %arg5[%get3A_13, %get3A_14] : memref<1x256xf32, #tpu.memory_space<vmem>>, vector<1x256xf32>
    %add3A_16 = vector.broadcast %get3A_15 : vector<1x256xf32> to vector<2000x256xf32>
    %add3A_17 = arith.addf %dot_general3A_12, %add3A_16 : vector<2000x256xf32>
    %max3A = arith.constant 0.000000e+00 : f32
    %max3A_18 = vector.broadcast %max3A : f32 to vector<2000x256xf32>
    %max3A_19 = arith.maximumf %add3A_17, %max3A_18 : vector<2000x256xf32>
    %get3A_20 = arith.constant 0 : index
    %get3A_21 = arith.constant 0 : index
    %get3A_22 = vector.load %arg6[%get3A_20, %get3A_21] : memref<256x256xf32, #tpu.memory_space<vmem>>, vector<256x256xf32>
    %dot_general3A_23 = arith.constant dense<0.000000e+00> : vector<2000x256xf32>
    %dot_general3A_24 = tpu.matmul %max3A_19, %get3A_22, %dot_general3A_23 {dimension_numbers = #tpu.dot_dimension_numbers<[1], [0], [0], [1], [0, 0, 1, 1], [], []>, transpose_lhs_hint = false} : vector<2000x256xf32>, vector<256x256xf32>, vector<2000x256xf32> -> vector<2000x256xf32>
    %get3A_25 = arith.constant 0 : index
    %get3A_26 = arith.constant 0 : index
    %get3A_27 = vector.load %arg7[%get3A_25, %get3A_26] : memref<1x256xf32, #tpu.memory_space<vmem>>, vector<1x256xf32>
    %add3A_28 = vector.broadcast %get3A_27 : vector<1x256xf32> to vector<2000x256xf32>
    %add3A_29 = arith.addf %dot_general3A_24, %add3A_28 : vector<2000x256xf32>
    %swap3A = arith.constant 0 : index
    %swap3A_30 = arith.constant 0 : index
    %swap3A_31 = vector.load %arg8[%swap3A, %swap3A_30] : memref<2000x256xf32, #tpu.memory_space<vmem>>, vector<2000x256xf32>
    tpu.vector_store %arg8[%swap3A, %swap3A_30], %add3A_29 {strides = array<i32>} : memref<2000x256xf32, #tpu.memory_space<vmem>>, vector<2000x256xf32>,
    %eq3A = arith.constant 0 : i32
    %eq3A_32 = arith.cmpi eq, %arg0, %eq3A : i32
    %convert_element_type3A = arith.extui %eq3A_32 : i1 to i32
    %cond3A = arith.constant 0 : i32
    %cond3A_33 = arith.cmpi ne, %convert_element_type3A, %cond3A : i32
    scf.if %cond3A_33 {
      %broadcast_in_dim3A_52 = arith.constant 0.000000e+00 : f32
      %broadcast_in_dim3A_53 = vector.broadcast %broadcast_in_dim3A_52 : f32 to vector<8x256xf32>
      %swap3A_54 = arith.constant 0 : index
      %swap3A_55 = arith.constant 0 : index
      %swap3A_56 = vector.load %arg9[%swap3A_54, %swap3A_55] : memref<8x256xf32, #tpu.memory_space<vmem>>, vector<8x256xf32>
      tpu.vector_store %arg9[%swap3A_54, %swap3A_55], %broadcast_in_dim3A_53 {strides = array<i32>} : memref<8x256xf32, #tpu.memory_space<vmem>>, vector<8x256xf32>,
    } else {
    }
    %get3A_34 = arith.constant 0 : index
    %get3A_35 = arith.constant 0 : index
    %get3A_36 = vector.load %arg9[%get3A_34, %get3A_35] : memref<8x256xf32, #tpu.memory_space<vmem>>, vector<1x256xf32>
    %reduce_sum3A = arith.constant dense<0.000000e+00> : vector<256xf32>
    %reduce_sum3A_37 = vector.multi_reduction <add>, %add3A_29, %reduce_sum3A [0] : vector<2000x256xf32> to vector<256xf32>
    %broadcast_in_dim3A = vector.shape_cast %reduce_sum3A_37 : vector<256xf32> to vector<1x256xf32>
    %add3A_38 = arith.addf %get3A_36, %broadcast_in_dim3A : vector<1x256xf32>
    %swap3A_39 = arith.constant 0 : index
    %swap3A_40 = arith.constant 0 : index
    %swap3A_41 = vector.load %arg9[%swap3A_39, %swap3A_40] : memref<8x256xf32, #tpu.memory_space<vmem>>, vector<1x256xf32>
    tpu.vector_store %arg9[%swap3A_39, %swap3A_40], %add3A_38 {strides = array<i32>} : memref<8x256xf32, #tpu.memory_space<vmem>>, vector<1x256xf32>,
    %get3A_42 = arith.constant 1 : index
    %get3A_43 = arith.constant 0 : index
    %get3A_44 = vector.load %arg9[%get3A_42, %get3A_43] : memref<8x256xf32, #tpu.memory_space<vmem>>, vector<1x256xf32>
    %mul3A = arith.mulf %add3A_29, %add3A_29 : vector<2000x256xf32>
    %reduce_sum3A_45 = arith.constant dense<0.000000e+00> : vector<256xf32>
    %reduce_sum3A_46 = vector.multi_reduction <add>, %mul3A, %reduce_sum3A_45 [0] : vector<2000x256xf32> to vector<256xf32>
    %broadcast_in_dim3A_47 = vector.shape_cast %reduce_sum3A_46 : vector<256xf32> to vector<1x256xf32>
    %add3A_48 = arith.addf %get3A_44, %broadcast_in_dim3A_47 : vector<1x256xf32>
    %swap3A_49 = arith.constant 1 : index
    %swap3A_50 = arith.constant 0 : index
    %swap3A_51 = vector.load %arg9[%swap3A_49, %swap3A_50] : memref<8x256xf32, #tpu.memory_space<vmem>>, vector<1x256xf32>
    tpu.vector_store %arg9[%swap3A_49, %swap3A_50], %add3A_48 {strides = array<i32>} : memref<8x256xf32, #tpu.memory_space<vmem>>, vector<1x256xf32>,
    return
  }
  func.func @transform_0(%arg0: i32) -> (i32, i32) {
    %c0_i32 = arith.constant 0 : i32
    %c0_i32_0 = arith.constant 0 : i32
    return %arg0, %c0_i32 : i32, i32
  }
  func.func @transform_1(%arg0: i32) -> (i32, i32) {
    %c0_i32 = arith.constant 0 : i32
    %c0_i32_0 = arith.constant 0 : i32
    return %arg0, %c0_i32 : i32, i32
  }
  func.func @transform_2(%arg0: i32) -> (i32, i32) {
    %c0_i32 = arith.constant 0 : i32
    %c0_i32_0 = arith.constant 0 : i32
    return %arg0, %c0_i32 : i32, i32
  }
  func.func @transform_3(%arg0: i32) -> (i32, i32) {
    %c0_i32 = arith.constant 0 : i32
    %c0_i32_0 = arith.constant 0 : i32
    %c0_i32_1 = arith.constant 0 : i32
    return %c0_i32, %c0_i32_0 : i32, i32
  }
  func.func @transform_4(%arg0: i32) -> (i32, i32) {
    %c0_i32 = arith.constant 0 : i32
    %c0_i32_0 = arith.constant 0 : i32
    %c0_i32_1 = arith.constant 0 : i32
    return %c0_i32, %c0_i32_0 : i32, i32
  }
  func.func @transform_5(%arg0: i32) -> (i32, i32) {
    %c0_i32 = arith.constant 0 : i32
    %c0_i32_0 = arith.constant 0 : i32
    %c0_i32_1 = arith.constant 0 : i32
    return %c0_i32, %c0_i32_0 : i32, i32
  }
  func.func @transform_6(%arg0: i32) -> (i32, i32) {
    %c0_i32 = arith.constant 0 : i32
    %c0_i32_0 = arith.constant 0 : i32
    %c0_i32_1 = arith.constant 0 : i32
    return %c0_i32, %c0_i32_0 : i32, i32
  }
  func.func @transform_7(%arg0: i32) -> (i32, i32) {
    %c0_i32 = arith.constant 0 : i32
    %c0_i32_0 = arith.constant 0 : i32
    return %arg0, %c0_i32 : i32, i32
  }
  func.func @transform_8(%arg0: i32) -> (i32, i32) {
    %c0_i32 = arith.constant 0 : i32
    %c0_i32_0 = arith.constant 0 : i32
    %c0_i32_1 = arith.constant 0 : i32
    return %c0_i32, %c0_i32_0 : i32, i32
  }
}

module attributes {stable_mosaic.version = 14 : i64} {
  func.func @body(%arg0: i32, %arg1: memref<2000x128xf32, #tpu.memory_space<vmem>>, %arg2: memref<2000x128xf32, #tpu.memory_space<vmem>>, %arg3: memref<2000x128xf32, #tpu.memory_space<vmem>>, %arg4: memref<2000x128xf32, #tpu.memory_space<vmem>>, %arg5: memref<256x256xf32, #tpu.memory_space<vmem>>, %arg6: memref<1x256xf32, #tpu.memory_space<vmem>>, %arg7: memref<256x256xf32, #tpu.memory_space<vmem>>, %arg8: memref<1x256xf32, #tpu.memory_space<vmem>>, %arg9: memref<2000x256xf32, #tpu.memory_space<vmem>>, %arg10: memref<8x256xf32, #tpu.memory_space<vmem>>) attributes {dimension_semantics = [#tpu.dimension_semantics<arbitrary>], iteration_bounds = array<i64: 5>, scalar_prefetch = 0 : i64, scratch_operands = 0 : i64, tpu.core_type = #tpu.core_type<tc>, window_params = [{transform_indices = @transform_0, window_bounds = array<i64: 2000, 128>}, {transform_indices = @transform_1, window_bounds = array<i64: 2000, 128>}, {transform_indices = @transform_2, window_bounds = array<i64: 2000, 128>}, {transform_indices = @transform_3, window_bounds = array<i64: 2000, 128>}, {pipeline_mode = #tpu.pipeline_mode<synchronous>, transform_indices = @transform_4, window_bounds = array<i64: 256, 256>}, {pipeline_mode = #tpu.pipeline_mode<synchronous>, transform_indices = @transform_5, window_bounds = array<i64: 1, 256>}, {pipeline_mode = #tpu.pipeline_mode<synchronous>, transform_indices = @transform_6, window_bounds = array<i64: 256, 256>}, {pipeline_mode = #tpu.pipeline_mode<synchronous>, transform_indices = @transform_7, window_bounds = array<i64: 1, 256>}, {transform_indices = @transform_8, window_bounds = array<i64: 2000, 256>}, {pipeline_mode = #tpu.pipeline_mode<synchronous>, transform_indices = @transform_9, window_bounds = array<i64: 8, 256>}]} {
    %get3A = arith.constant 0 : index
    %get3A_0 = arith.constant 0 : index
    %get3A_1 = vector.load %arg1[%get3A, %get3A_0] : memref<2000x128xf32, #tpu.memory_space<vmem>>, vector<2000x128xf32>
    %get3A_2 = arith.constant 0 : index
    %get3A_3 = arith.constant 0 : index
    %get3A_4 = vector.load %arg2[%get3A_2, %get3A_3] : memref<2000x128xf32, #tpu.memory_space<vmem>>, vector<2000x128xf32>
    %get3A_5 = arith.constant 0 : index
    %get3A_6 = arith.constant 0 : index
    %get3A_7 = vector.load %arg3[%get3A_5, %get3A_6] : memref<2000x128xf32, #tpu.memory_space<vmem>>, vector<2000x128xf32>
    %get3A_8 = arith.constant 0 : index
    %get3A_9 = arith.constant 0 : index
    %get3A_10 = vector.load %arg4[%get3A_8, %get3A_9] : memref<2000x128xf32, #tpu.memory_space<vmem>>, vector<2000x128xf32>
    %add3A = arith.addf %get3A_1, %get3A_7 : vector<2000x128xf32>
    %add3A_11 = arith.addf %get3A_4, %get3A_10 : vector<2000x128xf32>
    %concatenate3A = tpu.concatenate %add3A, %add3A_11 in 1 : vector<2000x128xf32>, vector<2000x128xf32> -> vector<2000x256xf32>
    %get3A_12 = arith.constant 0 : index
    %get3A_13 = arith.constant 0 : index
    %get3A_14 = vector.load %arg5[%get3A_12, %get3A_13] : memref<256x256xf32, #tpu.memory_space<vmem>>, vector<256x256xf32>
    %dot_general3A = arith.constant dense<0.000000e+00> : vector<2000x256xf32>
    %dot_general3A_15 = tpu.matmul %concatenate3A, %get3A_14, %dot_general3A {dimension_numbers = #tpu.dot_dimension_numbers<[1], [0], [0], [1], [0, 0, 1, 1], [], []>, transpose_lhs_hint = false} : vector<2000x256xf32>, vector<256x256xf32>, vector<2000x256xf32> -> vector<2000x256xf32>
    %get3A_16 = arith.constant 0 : index
    %get3A_17 = arith.constant 0 : index
    %get3A_18 = vector.load %arg6[%get3A_16, %get3A_17] : memref<1x256xf32, #tpu.memory_space<vmem>>, vector<1x256xf32>
    %add3A_19 = vector.broadcast %get3A_18 : vector<1x256xf32> to vector<2000x256xf32>
    %add3A_20 = arith.addf %dot_general3A_15, %add3A_19 : vector<2000x256xf32>
    %max3A = arith.constant 0.000000e+00 : f32
    %max3A_21 = vector.broadcast %max3A : f32 to vector<2000x256xf32>
    %max3A_22 = arith.maximumf %add3A_20, %max3A_21 : vector<2000x256xf32>
    %get3A_23 = arith.constant 0 : index
    %get3A_24 = arith.constant 0 : index
    %get3A_25 = vector.load %arg7[%get3A_23, %get3A_24] : memref<256x256xf32, #tpu.memory_space<vmem>>, vector<256x256xf32>
    %dot_general3A_26 = arith.constant dense<0.000000e+00> : vector<2000x256xf32>
    %dot_general3A_27 = tpu.matmul %max3A_22, %get3A_25, %dot_general3A_26 {dimension_numbers = #tpu.dot_dimension_numbers<[1], [0], [0], [1], [0, 0, 1, 1], [], []>, transpose_lhs_hint = false} : vector<2000x256xf32>, vector<256x256xf32>, vector<2000x256xf32> -> vector<2000x256xf32>
    %get3A_28 = arith.constant 0 : index
    %get3A_29 = arith.constant 0 : index
    %get3A_30 = vector.load %arg8[%get3A_28, %get3A_29] : memref<1x256xf32, #tpu.memory_space<vmem>>, vector<1x256xf32>
    %add3A_31 = vector.broadcast %get3A_30 : vector<1x256xf32> to vector<2000x256xf32>
    %add3A_32 = arith.addf %dot_general3A_27, %add3A_31 : vector<2000x256xf32>
    %swap3A = arith.constant 0 : index
    %swap3A_33 = arith.constant 0 : index
    %swap3A_34 = vector.load %arg9[%swap3A, %swap3A_33] : memref<2000x256xf32, #tpu.memory_space<vmem>>, vector<2000x256xf32>
    tpu.vector_store %arg9[%swap3A, %swap3A_33], %add3A_32 {strides = array<i32>} : memref<2000x256xf32, #tpu.memory_space<vmem>>, vector<2000x256xf32>,
    %eq3A = arith.constant 0 : i32
    %eq3A_35 = arith.cmpi eq, %arg0, %eq3A : i32
    %convert_element_type3A = arith.extui %eq3A_35 : i1 to i32
    %cond3A = arith.constant 0 : i32
    %cond3A_36 = arith.cmpi ne, %convert_element_type3A, %cond3A : i32
    scf.if %cond3A_36 {
      %broadcast_in_dim3A_55 = arith.constant 0.000000e+00 : f32
      %broadcast_in_dim3A_56 = vector.broadcast %broadcast_in_dim3A_55 : f32 to vector<8x256xf32>
      %swap3A_57 = arith.constant 0 : index
      %swap3A_58 = arith.constant 0 : index
      %swap3A_59 = vector.load %arg10[%swap3A_57, %swap3A_58] : memref<8x256xf32, #tpu.memory_space<vmem>>, vector<8x256xf32>
      tpu.vector_store %arg10[%swap3A_57, %swap3A_58], %broadcast_in_dim3A_56 {strides = array<i32>} : memref<8x256xf32, #tpu.memory_space<vmem>>, vector<8x256xf32>,
    } else {
    }
    %get3A_37 = arith.constant 0 : index
    %get3A_38 = arith.constant 0 : index
    %get3A_39 = vector.load %arg10[%get3A_37, %get3A_38] : memref<8x256xf32, #tpu.memory_space<vmem>>, vector<1x256xf32>
    %reduce_sum3A = arith.constant dense<0.000000e+00> : vector<256xf32>
    %reduce_sum3A_40 = vector.multi_reduction <add>, %add3A_32, %reduce_sum3A [0] : vector<2000x256xf32> to vector<256xf32>
    %broadcast_in_dim3A = vector.shape_cast %reduce_sum3A_40 : vector<256xf32> to vector<1x256xf32>
    %add3A_41 = arith.addf %get3A_39, %broadcast_in_dim3A : vector<1x256xf32>
    %swap3A_42 = arith.constant 0 : index
    %swap3A_43 = arith.constant 0 : index
    %swap3A_44 = vector.load %arg10[%swap3A_42, %swap3A_43] : memref<8x256xf32, #tpu.memory_space<vmem>>, vector<1x256xf32>
    tpu.vector_store %arg10[%swap3A_42, %swap3A_43], %add3A_41 {strides = array<i32>} : memref<8x256xf32, #tpu.memory_space<vmem>>, vector<1x256xf32>,
    %get3A_45 = arith.constant 1 : index
    %get3A_46 = arith.constant 0 : index
    %get3A_47 = vector.load %arg10[%get3A_45, %get3A_46] : memref<8x256xf32, #tpu.memory_space<vmem>>, vector<1x256xf32>
    %mul3A = arith.mulf %add3A_32, %add3A_32 : vector<2000x256xf32>
    %reduce_sum3A_48 = arith.constant dense<0.000000e+00> : vector<256xf32>
    %reduce_sum3A_49 = vector.multi_reduction <add>, %mul3A, %reduce_sum3A_48 [0] : vector<2000x256xf32> to vector<256xf32>
    %broadcast_in_dim3A_50 = vector.shape_cast %reduce_sum3A_49 : vector<256xf32> to vector<1x256xf32>
    %add3A_51 = arith.addf %get3A_47, %broadcast_in_dim3A_50 : vector<1x256xf32>
    %swap3A_52 = arith.constant 1 : index
    %swap3A_53 = arith.constant 0 : index
    %swap3A_54 = vector.load %arg10[%swap3A_52, %swap3A_53] : memref<8x256xf32, #tpu.memory_space<vmem>>, vector<1x256xf32>
    tpu.vector_store %arg10[%swap3A_52, %swap3A_53], %add3A_51 {strides = array<i32>} : memref<8x256xf32, #tpu.memory_space<vmem>>, vector<1x256xf32>,
    return
  }
  func.func @transform_0(%arg0: i32) -> (i32, i32) {
    %c0_i32 = arith.constant 0 : i32
    %c0_i32_0 = arith.constant 0 : i32
    return %arg0, %c0_i32 : i32, i32
  }
  func.func @transform_1(%arg0: i32) -> (i32, i32) {
    %c0_i32 = arith.constant 0 : i32
    %c0_i32_0 = arith.constant 0 : i32
    return %arg0, %c0_i32 : i32, i32
  }
  func.func @transform_2(%arg0: i32) -> (i32, i32) {
    %c0_i32 = arith.constant 0 : i32
    %c0_i32_0 = arith.constant 0 : i32
    return %arg0, %c0_i32 : i32, i32
  }
  func.func @transform_3(%arg0: i32) -> (i32, i32) {
    %c0_i32 = arith.constant 0 : i32
    %c0_i32_0 = arith.constant 0 : i32
    return %arg0, %c0_i32 : i32, i32
  }
  func.func @transform_4(%arg0: i32) -> (i32, i32) {
    %c0_i32 = arith.constant 0 : i32
    %c0_i32_0 = arith.constant 0 : i32
    %c0_i32_1 = arith.constant 0 : i32
    return %c0_i32, %c0_i32_0 : i32, i32
  }
  func.func @transform_5(%arg0: i32) -> (i32, i32) {
    %c0_i32 = arith.constant 0 : i32
    %c0_i32_0 = arith.constant 0 : i32
    %c0_i32_1 = arith.constant 0 : i32
    return %c0_i32, %c0_i32_0 : i32, i32
  }
  func.func @transform_6(%arg0: i32) -> (i32, i32) {
    %c0_i32 = arith.constant 0 : i32
    %c0_i32_0 = arith.constant 0 : i32
    %c0_i32_1 = arith.constant 0 : i32
    return %c0_i32, %c0_i32_0 : i32, i32
  }
  func.func @transform_7(%arg0: i32) -> (i32, i32) {
    %c0_i32 = arith.constant 0 : i32
    %c0_i32_0 = arith.constant 0 : i32
    %c0_i32_1 = arith.constant 0 : i32
    return %c0_i32, %c0_i32_0 : i32, i32
  }
  func.func @transform_8(%arg0: i32) -> (i32, i32) {
    %c0_i32 = arith.constant 0 : i32
    %c0_i32_0 = arith.constant 0 : i32
    return %arg0, %c0_i32 : i32, i32
  }
  func.func @transform_9(%arg0: i32) -> (i32, i32) {
    %c0_i32 = arith.constant 0 : i32
    %c0_i32_0 = arith.constant 0 : i32
    %c0_i32_1 = arith.constant 0 : i32
    return %c0_i32, %c0_i32_0 : i32, i32
  }
}

module attributes {stable_mosaic.version = 14 : i64} {
  func.func @body(%arg0: i32, %arg1: memref<2000x256xf32, #tpu.memory_space<vmem>>, %arg2: memref<1x256xf32, #tpu.memory_space<vmem>>, %arg3: memref<1x256xf32, #tpu.memory_space<vmem>>, %arg4: memref<256x64xf32, #tpu.memory_space<vmem>>, %arg5: memref<1x64xf32, #tpu.memory_space<vmem>>, %arg6: memref<2000x64xf32, #tpu.memory_space<vmem>>) attributes {dimension_semantics = [#tpu.dimension_semantics<arbitrary>], iteration_bounds = array<i64: 5>, scalar_prefetch = 0 : i64, scratch_operands = 0 : i64, tpu.core_type = #tpu.core_type<tc>, window_params = [{transform_indices = @transform_0, window_bounds = array<i64: 2000, 256>}, {pipeline_mode = #tpu.pipeline_mode<synchronous>, transform_indices = @transform_1, window_bounds = array<i64: 1, 256>}, {pipeline_mode = #tpu.pipeline_mode<synchronous>, transform_indices = @transform_2, window_bounds = array<i64: 1, 256>}, {pipeline_mode = #tpu.pipeline_mode<synchronous>, transform_indices = @transform_3, window_bounds = array<i64: 256, 64>}, {pipeline_mode = #tpu.pipeline_mode<synchronous>, transform_indices = @transform_4, window_bounds = array<i64: 1, 64>}, {transform_indices = @transform_5, window_bounds = array<i64: 2000, 64>}]} {
    %get3A = arith.constant 0 : index
    %get3A_0 = arith.constant 0 : index
    %get3A_1 = vector.load %arg1[%get3A, %get3A_0] : memref<2000x256xf32, #tpu.memory_space<vmem>>, vector<2000x256xf32>
    %get3A_2 = arith.constant 0 : index
    %get3A_3 = arith.constant 0 : index
    %get3A_4 = vector.load %arg2[%get3A_2, %get3A_3] : memref<1x256xf32, #tpu.memory_space<vmem>>, vector<1x256xf32>
    %mul3A = vector.broadcast %get3A_4 : vector<1x256xf32> to vector<2000x256xf32>
    %mul3A_5 = arith.mulf %get3A_1, %mul3A : vector<2000x256xf32>
    %get3A_6 = arith.constant 0 : index
    %get3A_7 = arith.constant 0 : index
    %get3A_8 = vector.load %arg3[%get3A_6, %get3A_7] : memref<1x256xf32, #tpu.memory_space<vmem>>, vector<1x256xf32>
    %add3A = vector.broadcast %get3A_8 : vector<1x256xf32> to vector<2000x256xf32>
    %add3A_9 = arith.addf %mul3A_5, %add3A : vector<2000x256xf32>
    %max3A = arith.constant 0.000000e+00 : f32
    %max3A_10 = vector.broadcast %max3A : f32 to vector<2000x256xf32>
    %max3A_11 = arith.maximumf %add3A_9, %max3A_10 : vector<2000x256xf32>
    %get3A_12 = arith.constant 0 : index
    %get3A_13 = arith.constant 0 : index
    %get3A_14 = vector.load %arg4[%get3A_12, %get3A_13] : memref<256x64xf32, #tpu.memory_space<vmem>>, vector<256x64xf32>
    %dot_general3A = arith.constant dense<0.000000e+00> : vector<2000x64xf32>
    %dot_general3A_15 = tpu.matmul %max3A_11, %get3A_14, %dot_general3A {dimension_numbers = #tpu.dot_dimension_numbers<[1], [0], [0], [1], [0, 0, 1, 1], [], []>, transpose_lhs_hint = false} : vector<2000x256xf32>, vector<256x64xf32>, vector<2000x64xf32> -> vector<2000x64xf32>
    %get3A_16 = arith.constant 0 : index
    %get3A_17 = arith.constant 0 : index
    %get3A_18 = vector.load %arg5[%get3A_16, %get3A_17] : memref<1x64xf32, #tpu.memory_space<vmem>>, vector<1x64xf32>
    %add3A_19 = vector.broadcast %get3A_18 : vector<1x64xf32> to vector<2000x64xf32>
    %add3A_20 = arith.addf %dot_general3A_15, %add3A_19 : vector<2000x64xf32>
    %reduce_max3A = arith.constant dense<0xFF800000> : vector<2000xf32>
    %reduce_max3A_21 = vector.multi_reduction <maximumf>, %add3A_20, %reduce_max3A [1] : vector<2000x64xf32> to vector<2000xf32>
    %broadcast_in_dim3A = vector.shape_cast %reduce_max3A_21 : vector<2000xf32> to vector<2000x1xf32>
    %sub3A = vector.broadcast %broadcast_in_dim3A : vector<2000x1xf32> to vector<2000x64xf32>
    %sub3A_22 = arith.subf %add3A_20, %sub3A : vector<2000x64xf32>
    %exp3A = math.exp %sub3A_22 : vector<2000x64xf32>
    %reduce_sum3A = arith.constant dense<0.000000e+00> : vector<2000xf32>
    %reduce_sum3A_23 = vector.multi_reduction <add>, %exp3A, %reduce_sum3A [1] : vector<2000x64xf32> to vector<2000xf32>
    %broadcast_in_dim3A_24 = vector.shape_cast %reduce_sum3A_23 : vector<2000xf32> to vector<2000x1xf32>
    %log3A = math.log %broadcast_in_dim3A_24 : vector<2000x1xf32>
    %sub3A_25 = vector.broadcast %broadcast_in_dim3A : vector<2000x1xf32> to vector<2000x64xf32>
    %sub3A_26 = arith.subf %add3A_20, %sub3A_25 : vector<2000x64xf32>
    %sub3A_27 = vector.broadcast %log3A : vector<2000x1xf32> to vector<2000x64xf32>
    %sub3A_28 = arith.subf %sub3A_26, %sub3A_27 : vector<2000x64xf32>
    %swap3A = arith.constant 0 : index
    %swap3A_29 = arith.constant 0 : index
    %swap3A_30 = vector.load %arg6[%swap3A, %swap3A_29] : memref<2000x64xf32, #tpu.memory_space<vmem>>, vector<2000x64xf32>
    tpu.vector_store %arg6[%swap3A, %swap3A_29], %sub3A_28 {strides = array<i32>} : memref<2000x64xf32, #tpu.memory_space<vmem>>, vector<2000x64xf32>,
    return
  }
  func.func @transform_0(%arg0: i32) -> (i32, i32) {
    %c0_i32 = arith.constant 0 : i32
    %c0_i32_0 = arith.constant 0 : i32
    return %arg0, %c0_i32 : i32, i32
  }
  func.func @transform_1(%arg0: i32) -> (i32, i32) {
    %c0_i32 = arith.constant 0 : i32
    %c0_i32_0 = arith.constant 0 : i32
    %c0_i32_1 = arith.constant 0 : i32
    return %c0_i32, %c0_i32_0 : i32, i32
  }
  func.func @transform_2(%arg0: i32) -> (i32, i32) {
    %c0_i32 = arith.constant 0 : i32
    %c0_i32_0 = arith.constant 0 : i32
    %c0_i32_1 = arith.constant 0 : i32
    return %c0_i32, %c0_i32_0 : i32, i32
  }
  func.func @transform_3(%arg0: i32) -> (i32, i32) {
    %c0_i32 = arith.constant 0 : i32
    %c0_i32_0 = arith.constant 0 : i32
    %c0_i32_1 = arith.constant 0 : i32
    return %c0_i32, %c0_i32_0 : i32, i32
  }
  func.func @transform_4(%arg0: i32) -> (i32, i32) {
    %c0_i32 = arith.constant 0 : i32
    %c0_i32_0 = arith.constant 0 : i32
    %c0_i32_1 = arith.constant 0 : i32
    return %c0_i32, %c0_i32_0 : i32, i32
  }
  func.func @transform_5(%arg0: i32) -> (i32, i32) {
    %c0_i32 = arith.constant 0 : i32
    %c0_i32_0 = arith.constant 0 : i32
    return %arg0, %c0_i32 : i32, i32
  }
}

</mosaic_0001>

<sc_bundles>
// kernel: kernel.11.cloned.1.call-start
scs
__scs_entry_jumppad:
0x0: {  	(pc) =	sbr.rel $0x88, $3  }
0x1: {  	(tag) =	ssettag $0x0;
	lr =	simm.s32 $0x1  }
0x2: {  	[smem:$0x3F91] =	sst lr;
	_ =	strace $0xD0000000  }
0x3: {  	_ = 	snop  }
0x4: {  	_ = 	snop  }
0x5: {  	_ = 	snop  }
0x6: {  	_ = 	snop  }
0x7: {  	_ = 	snop  }
__scs_overlays_trampoline_lowered:
0x8: {  	[smem:$0x3FA0] =	sst s0  }
0x9: {  	[smem:$0x3FA1] =	sst s1  }
0xa: {  	[smem:$0x3FA2] =	sst s2  }
0xb: {  	[smem:$0x3FA3] =	sst s3  }
0xc: {  	[smem:$0x3FA4] =	sst s4  }
0xd: {  	[smem:$0x3FA5] =	sst s5  }
0xe: {  	[smem:$0x3FA6] =	sst s6  }
0xf: {  	[smem:$0x3FA7] =	sst s7  }
0x10: {  	[smem:$0x3FA8] =	sst s8  }
0x11: {  	[smem:$0x3FA9] =	sst s9;
	s0 =	simm.s32 @!p0 $0x0  }
0x12: {  	s1 =	sld [smem:$0x3F8F];
	s0 =	simm.s32 @p0 $0x1  }
0x13: {  	[smem:$0x3FAA] =	sst s0;
	s0 =	simm.s32 @!p1 $0x0  }
0x14: {  	s2 =	sld [smem:$0x3F8E];
	s0 =	simm.s32 @p1 $0x1  }
0x15: {  	[smem:$0x3FAB] =	sst s0;
	s0 =	simm.s32 @!p2 $0x0  }
0x16: {  	s3 =	sld [smem:$0x3FDB];
	s0 =	simm.s32 @p2 $0x1  }
0x17: {  	s4 =	simm.s32 $0x1BF5;
	[smem:$0x3FAD] =	sst s0  }
0x18: {  	s0 =	sld [smem:$0x3F90];
	_ =	swait.ge [sflag:s4], $0x0  }
0x19: {  	s7 =	sld [smem:$0x3F91]  }
0x1a: {  	s8 =	sadd.s32 $0xFFFFE003, lr  }
0x1b: {  	s9 =	sadd.s32 $0xFFFFFEF7, lr;
	s5 =	simm.s32 $0xFFFFFFFF;
	p2 =	slt.u32 s8, $0xFFFFF086  }
0x1c: {  	p1 =	slt.u32 s9, $0xF7A;
	s5 =	simm.s32 @!p2 $0x0  }
0x1d: {  	s5 =	simm.s32 @p1 $0x1;
	p0 =	seq.s32 s7, s2  }
0x1e: {  	s7 =	smul.u32 @!p0 $0xF7A, s2;
	p2 =	seq.s32 @!p0 s5, $0x0  }
0x1f: {  	s9 =	smul.u32 $0xF7A, s1;
	s8 =	simm.s32 @!p0 $0x1BF5;
	p2 =	por !p2, p0  }
0x20: {  	[sflag:s8] =	ssyncset.s32 @!p0 $0xFFFFF086;
	s6 =	sadd.s32 @!p0 s3, s7;
	s7 =	simm.s32 @!p0 $0x108  }
0x21: {  	s3 =	sadd.s32 s3, s9;
	s6 =	sadd.s32 @!p0 $0x88, s6;
	s7 =	simm.s32 @p2 $0x1082  }
0x22: {  	[simem:s7], [sflag:s8] =	dma.local @!p0 [hbm:s6], $0xF7A  }
0x23: {  	s9 =	sor.u32 $0xD0000000, s2;
	s6 =	simm.s32 $0x108;
	_ =	swait.ge @!p0 [sflag:s8], $0x0  }
0x24: {  	s3 =	sadd.s32 $0x88, s3;
	s6 =	simm.s32 @!p1 $0x1082;
	[sflag:s4] =	ssyncset.s32 $0xFFFFF086  }
0x25: {  	[simem:s6], [sflag:s4] =	dma.local [hbm:s3], $0xF7A  }
0x26: {  	[smem:$0x3F91] =	sst s1;
	(tag) =	ssettag s2;
	_ =	strace s9  }
0x27: {  	s1 =	sld [smem:$0x3FA1]  }
0x28: {  	s2 =	sld [smem:$0x3FA2]  }
0x29: {  	s4 =	sld [smem:$0x3FA4]  }
0x2a: {  	p0 =	seq.s32 s5, $0x0;
	s5 =	sld [smem:$0x3FA5]  }
0x2b: {  	s6 =	sld [smem:$0x3FA6]  }
0x2c: {  	s7 =	sld [smem:$0x3FA7]  }
0x2d: {  	s3 =	simm.s32 $0x108;
	s8 =	sld [smem:$0x3FA8]  }
0x2e: {  	s3 =	simm.s32 @!p0 $0x1082;
	s9 =	sld [smem:$0x3FA9]  }
0x2f: {  	lr =	sadd.s32 s0, s3;
	s0 =	sld [smem:$0x3FA0]  }
0x30: {  	s3 =	sld [smem:$0x3FA3]  }
0x31: {  	[smem:$0x3FAC] =	sst s10  }
0x32: {  	s10 =	sld [smem:$0x3FAA];
	_ =	sdelay $0x3  }
0x33: {  	p0 =	seq.s32 s10, $0x1;
	s10 =	sld [smem:$0x3FAC];
	_ =	sdelay $0x3  }
0x34: {  	[smem:$0x3FAC] =	sst s10  }
0x35: {  	s10 =	sld [smem:$0x3FAB];
	_ =	sdelay $0x3  }
0x36: {  	p1 =	seq.s32 s10, $0x1;
	s10 =	sld [smem:$0x3FAC];
	_ =	sdelay $0x3  }
0x37: {  	[smem:$0x3FAC] =	sst s10  }
0x38: {  	s10 =	sld [smem:$0x3FAD]  }
0x39: {  	_ = 	snop;
	(pc) =	sbr.ind lr, $3  }
0x3a: {  	_ = 	snop  }
0x3b: {  	_ = 	snop  }
0x3c: {  	p2 =	seq.s32 s10, $0x1;
	s10 =	sld [smem:$0x3FAC]  }
0x3d: {  	_ =	shalt  }
0x3e: {  	_ =	shalt  }
0x3f: {  	_ =	shalt  }
0x40: {  	_ =	shalt  }
0x41: {  	_ =	shalt  }
0x42: {  	_ =	shalt  }
0x43: {  	_ =	shalt  }
0x44: {  	_ =	shalt  }
0x45: {  	_ =	shalt  }
0x46: {  	_ =	shalt  }
0x47: {  	_ =	shalt  }
0x48: {  	_ =	shalt  }
0x49: {  	_ =	shalt  }
0x4a: {  	_ =	shalt  }
0x4b: {  	_ =	shalt  }
0x4c: {  	_ =	shalt  }
0x4d: {  	_ =	shalt  }
0x4e: {  	_ =	shalt  }
0x4f: {  	_ =	shalt  }
0x50: {  	_ =	shalt  }
0x51: {  	_ =	shalt  }
0x52: {  	_ =	shalt  }
0x53: {  	_ =	shalt  }
0x54: {  	_ =	shalt  }
0x55: {  	_ =	shalt  }
0x56: {  	_ =	shalt  }
0x57: {  	_ =	shalt  }
0x58: {  	_ =	shalt  }
0x59: {  	_ =	shalt  }
0x5a: {  	_ =	shalt  }
0x5b: {  	_ =	shalt  }
0x5c: {  	_ =	shalt  }
0x5d: {  	_ =	shalt  }
0x5e: {  	_ =	shalt  }
0x5f: {  	_ =	shalt  }
0x60: {  	_ =	shalt  }
0x61: {  	_ =	shalt  }
0x62: {  	_ =	shalt  }
0x63: {  	_ =	shalt  }
0x64: {  	_ =	shalt  }
0x65: {  	_ =	shalt  }
0x66: {  	_ =	shalt  }
0x67: {  	_ =	shalt  }
0x68: {  	_ =	shalt  }
0x69: {  	_ =	shalt  }
0x6a: {  	_ =	shalt  }
0x6b: {  	_ =	shalt  }
0x6c: {  	_ =	shalt  }
0x6d: {  	_ =	shalt  }
0x6e: {  	_ =	shalt  }
0x6f: {  	_ =	shalt  }
0x70: {  	_ =	shalt  }
0x71: {  	_ =	shalt  }
0x72: {  	_ =	shalt  }
0x73: {  	_ =	shalt  }
0x74: {  	_ =	shalt  }
0x75: {  	_ =	shalt  }
0x76: {  	_ =	shalt  }
0x77: {  	_ =	shalt  }
0x78: {  	_ =	shalt  }
0x79: {  	_ =	shalt  }
0x7a: {  	_ =	shalt  }
0x7b: {  	_ =	shalt  }
0x7c: {  	_ =	shalt  }
0x7d: {  	_ =	shalt  }
0x7e: {  	_ =	shalt  }
0x7f: {  	_ =	shalt  }
0x80: {  	_ =	shalt  }
0x81: {  	_ =	shalt  }
0x82: {  	_ =	shalt  }
0x83: {  	_ =	shalt  }
0x84: {  	_ =	shalt  }
0x85: {  	_ =	shalt  }
0x86: {  	_ =	shalt  }
0x87: {  	_ =	shalt  }
.Lfunc_end0:
.L_simem_size_0:
called_computation.1_lowered:
.L_overlay_start_0:
0x88: {  	s2 =	sld [smem:$0x3FD9]  }
0x89: {  	s3 =	sld [smem:$0x3FFE];
	_ =	sdelay $0x1  }
0x8a: {  	s1 =	srdreg.scid  }
0x8b: {  	s0 =	sand.u32 $0x1, s1  }
0x8c: {  	s17 =	sshll.u32 s0, $0xA;
	s2 =	sadd.s32 s3, s2  }
0x8d: {  	s2 =	sadd.s32 s2, s17  }
0x8e: {  	[smem:$0x3FB8] =	sst s2  }
0x8f: {  	_ = 	snop  }
0x90: {  	s2 =	sld [smem:$0x3FD0];
	(tm) =	ssettm $0x1  }
0x91: {  	s18 =	sld [smem:$0x3FFB];
	_ =	sdelay $0x3  }
0x92: {  	_ =	strace s18  }
0x93: {  	s3 =	sld [smem:$0x3FFC];
	_ =	sdelay $0x3  }
0x94: {  	_ =	strace s3  }
0x95: {  	s3 =	sld [smem:$0x3FFD];
	_ =	sdelay $0x3  }
0x96: {  	_ =	strace s3  }
0x97: {  	_ =	strace $0x8FFFFFFF  }
0x98: {  	s19 =	sld [smem:$0x3FDB];
	_ =	sdelay $0x1  }
0x99: {  	s4 =	simm.s32 $_scs_section_size  }
0x9a: {  	s5 =	simm.s32 $_size__tile_overlayer_lowered;
	s6 =	simm.s32 $_tile_overlayer_lowered  }
0x9b: {  	s22 =	simm.s32 $0x1BFF;
	s21 =	sshll.u32 s6, $0x1;
	s3 =	sadd.s32 s4, s19  }
0x9c: {  	s7 =	simm.s32 $0x0;
	s20 =	sshll.u32 s5, $0x1;
	s5 =	sadd.s32 s21, s3  }
0x9d: {  	[timem:s7], [sflag:s22] =	dma.local [hbm:s5], s20  }
0x9e: {  	_ =	swait.ge [sflag:s22], s20  }
0x9f: {  	s4 =	ssub.s32 $0x0, s20;
	[sflag:s22] =	ssyncset.done $0x0  }
0xa0: {  	[sflag:s22] =	ssyncadd.s32 s4;
	_ =	sdelay $0x1  }
0xa1: {  	s23 =	simm.s32 $0x1B8B  }
0xa2: {  	_ =	swait.ge [sflag:s23], $0x1  }
0xa3: {  	[sflag:s23] =	ssyncset.done $0x0  }
0xa4: {  	s25 =	simm.s32 $0x1B8E;
	s24 =	sld [smem:$0x3FFE];
	[sflag:s23] =	ssyncadd.s32 $0xFFFFFFFF  }
0xa5: {  	s26 =	simm.s32 $execute0_lowered;
	[smem:$0x3FD2] =	sst s25  }
0xa6: {  	s5 =	sshll.u32 s26, $0x1;
	_ =	strace $0x80000049;
	[dreg:$0x1] =	wrdreg $0xFFFFFFFF  }
0xa7: {  	s28 =	simm.s32 $_size_execute0_lowered;
	s3 =	sadd.s32 s3, s5;
	[dreg:$0x0] =	wrdreg $0x0  }
0xa8: {  	s5 =	sshll.u32 s28, $0x1;
	[dreg:$0x2] =	wrdreg s3  }
0xa9: {  	[dreg:$0x3] =	wrdreg s5  }
0xaa: {  	[dreg:$0x4] =	wrdreg $0xC0  }
0xab: {  	_ =	task [dreg:s7], $0x5FFFF  }
0xac: {  	[dreg:$0x1] =	wrdreg $0xFFFFFFFF  }
0xad: {  	[dreg:$0x0] =	wrdreg $0x60  }
0xae: {  	[dreg:$0x2] =	wrdreg s24  }
0xaf: {  	[dreg:$0x3] =	wrdreg s2  }
0xb0: {  	[dreg:$0x4] =	wrdreg $0x84000  }
0xb1: {  	[dreg:$0x5] =	wrdreg $0x9  }
0xb2: {  	_ =	task.clear_ibuf [dreg:s7], $0x6FFFF;
	_ =	strace $0x90000049  }
0xb3: {  	s29 =	simm.s32 $0x9;
	_ =	strace $0x8000004B  }
0xb4: {  	_ =	swait.ge [sflag:s29], $0x1  }
0xb5: {  	[sflag:s29] =	ssyncadd.s32 $0xFFFFFFFF  }
0xb6: {  	_ =	strace $0x9000004B  }
0xb7: {  	_ =	sfence  }
0xb8: {  	s30 =	sld [smem:$0x0];
	_ =	sdelay $0x2  }
0xb9: {  	s31 =	sshll.u32 s1, $0xD;
	s1 =	sshrl.u32 s1, $0x2  }
0xba: {  	s3 =	sand.u32 $0x4000, s31;
	s1 =	sadd.s32 s1, s30  }
0xbb: {  	s0 =	sor.u32 s3, s0;
	s1 =	sshll.u32 s1, $0x11  }
0xbc: {  	s0 =	sor.u32 s1, s0  }
0xbd: {  	s0 =	sadd.s32 $0x8F2B, s0  }
0xbe: {  	[sflag:s0] =	ssyncadd.remote.s32 $0x1  }
0xbf: {  	_ =	sfence.sel $0xFFFF  }
0xc0: {  	[dreg:$0x0] =	wrdreg $0xFFFFFFFF;
	(pc) =	sbr.abs _section_cstart, $3  }
0xc1: {  	[dreg:$0x1] =	wrdreg $0xFFFFFFFF  }
0xc2: {  	_ =	task.clear_ibuf [dreg:s7], $0x2FFFF;
	_ =	strace $0x9FFFFFFF  }
0xc3: {  	(tm) =	ssettm $0x7FFFFFFF  }
tec
execute0_lowered:
.L_overlay_start_1:
0x0: {  	(tag) =	ssettag $0x1  }
0x1: {  	s0 =	rddreg [dreg:$0x0]  }
0x2: {  	s18 =	rddreg [dreg:$0x1]  }
0x3: {  	s2 =	rddreg [dreg:$0x2];
	s3 =	simm.s32 $0x0  }
0x4: {  	s4 =	srdreg.scid;
	s1 =	stileid.u32;
	s28 =	simm.s32 $0x400  }
0x5: {  	s30 =	simm.s32 $0x200;
	s31 =	simm.s32 $0x80;
	[smem:$0x7FF] =	sst s3  }
0x6: {  	s5 =	sadd.s32 $0x10000, s0;
	s6 =	sadd.s32 $0x37200, s0;
	s7 =	sadd.s32 $0x5A00, s0  }
0x7: {  	s4 =	sand.u32 $0x1, s4;
	s8 =	sadd.s32 $0xF800, s0;
	s9 =	smul.u32 $0x280, s1  }
0x8: {  	s10 =	sadd.s32 $0x5E400, s0;
	s11 =	smul.u32 $0x50000, s1;
	s0 =	sadd.s32 $0x86400, s0  }
0x9: {  	s14 =	smul.u32 $0x9E0, s1;
	_ =	strace $0x8000004A;
	[dreg:$0x6] =	wrdreg s8  }
0xa: {  	s16 =	smul.u32 $0x9E, s1;
	s22 =	ssub.s32 $0x2, s4;
	[dreg:$0x7] =	wrdreg s10  }
0xb: {  	[dreg:$0x8] =	wrdreg s0;
	p0 =	seq.s32 s4, $0x1;
	s23 =	sshrl.u32 s22, $0x1  }
0xc: {  	s8 =	sadd.s32 $0x80, s9;
	s24 =	sshrl.u32 s11, $0x2;
	s26 =	sadd.s32 $0x100, s9  }
0xd: {  	s15 =	sadd.s32 $0x180, s9;
	s9 =	sadd.s32 $0x200, s9;
	s21 =	sadd.s32 s18, s14  }
0xe: {  	s0 =	ssub.s32 s22, s23;
	s25 =	sshll.u32 s8, $0x7;
	s11 =	sadd.s32 s24, s2  }
0xf: {  	s19 =	sshll.u32 s26, $0x7;
	s12 =	sshll.u32 s15, $0x7;
	s13 =	sshll.u32 s9, $0x7  }
0x10: {  	[dreg:$0x4] =	wrdreg s21;
	s22 =	sor.u32 $0x10, s14;
	s14 =	sadd.s32 s7, s14  }
0x11: {  	s8 =	sshll.u32 s8, $0x4;
	s4 =	sshll.u32 s26, $0x4;
	[dreg:$0x5] =	wrdreg s14  }
0x12: {  	s24 =	sshll.u32 s15, $0x4;
	s26 =	smul.u32 $0x2800, s1;
	[dreg:$0x10] =	wrdreg s8  }
0x13: {  	s21 =	simm.s32 $0x380;
	s15 =	simm.s32 $0x0;
	[dreg:$0x11] =	wrdreg s4  }
0x14: {  	s17 =	sadd.s32 s25, s2;
	s29 =	sadd.s32 s19, s2;
	[dreg:$0x12] =	wrdreg s24  }
0x15: {  	s20 =	sadd.s32 s12, s2;
	s13 =	sadd.s32 s13, s2;
	[dreg:$0x9] =	wrdreg s11  }
0x16: {  	s23 =	sadd.s32 s18, s22;
	s10 =	sadd.s32 s7, s22;
	[dreg:$0xc] =	wrdreg s20  }
0x17: {  	s25 =	sshll.u32 s9, $0x4;
	s0 =	smax.u32 s0, $0x1;
	[dreg:$0xe] =	wrdreg s23  }
0x18: {  	s14 =	simm.s32 $0x8;
	s4 =	simm.s32 $0x1;
	[dreg:$0xf] =	wrdreg s10  }
0x19: {  	s9 =	simm.s32 $0x100;
	s8 =	simm.s32 $0x7;
	[dreg:$0x13] =	wrdreg s25  }
.Ltmp0:
0x1a: {  	s19 =	simm.s32 $0x2;
	[dreg:$0x14] =	wrdreg s0;
	(pc) =	sbr.rel .LBB2_1-.Ltmp0, $4  }
0x1b: {  	s22 =	simm.s32 $0x4400;
	s24 =	simm.s32 $0x5;
	[dreg:$0x15] =	wrdreg s26  }
0x1c: {  	s0 =	simm.s32 $0x280;
	s10 =	simm.s32 $0x300;
	[dreg:$0xa] =	wrdreg s17  }
0x1d: {  	s20 =	simm.s32 $0x180;
	s23 =	simm.s32 $0x3;
	[dreg:$0xb] =	wrdreg s29  }
0x1e: {  	s25 =	simm.s32 $0x4;
	s26 =	simm.s32 $0x6;
	[dreg:$0xd] =	wrdreg s13  }
.LBB2_7:
0x1f: {  	s12 =	rddreg [dreg:$0x8]  }
0x20: {  	s1 =	rddreg [dreg:$0x9]  }
0x21: {  	[sflag:s8] =	ssyncadd.s32 $0xFFFFC000;
	s18 =	rddreg [dreg:$0xc]  }
0x22: {  	s13 =	smov.u32 s6;
	s14 =	simm.s32 $0x8;
	s15 =	rddreg [dreg:$0x16]  }
0x23: {  	[spmem:s2] =	stream.indirect.scatter.add.f32 [tilespmem:s22], [sflag:$0x6], $0x80, s21, s31, $0xb8;
	[tilespmem:$0x1C400] =	vst v63  }
.LBB2_8:
0x24: {  	_ =	swait.ge [sflag:s4], $0x80  }
0x25: {  	[sflag:s4] =	ssyncset.done $0x0  }
0x26: {  	[sflag:s4] =	ssyncadd.s32 $0xFFFFFF80  }
0x27: {  	_ =	swait.ge [sflag:s4], $0x80  }
0x28: {  	[sflag:s4] =	ssyncset.done $0x0  }
0x29: {  	[sflag:s4] =	ssyncadd.s32 $0xFFFFFF80  }
0x2a: {  	_ =	swait.ge [sflag:s24], $0x4000  }
0x2b: {  	[sflag:s24] =	ssyncset.done $0x0  }
0x2c: {  	[sflag:s24] =	ssyncadd.s32 $0xFFFFC000  }
0x2d: {  	[tilespmem:s28], [sflag:$0x7] =	stream.indirect.gather [hbm4b:s13+s31], $0x80, s3, s31, $0xb8;
	[tilespmem:$0x1C400] =	vst v63  }
0x2e: {  	_ =	swait.ge [sflag:s8], $0x4000  }
0x2f: {  	[sflag:s8] =	ssyncset.done $0x0  }
0x30: {  	[sflag:s8] =	ssyncadd.s32 $0xFFFFC000  }
0x31: {  	[spmem:s2] =	stream.indirect.scatter.add.f32 [tilespmem:s28], [sflag:$0x5], $0x80, s30, s31, $0xb8;
	[tilespmem:$0x1C400] =	vst v63  }
0x32: {  	_ =	swait.ge [sflag:s19], $0x80  }
0x33: {  	[sflag:s19] =	ssyncset.done $0x0  }
0x34: {  	[sflag:s19] =	ssyncadd.s32 $0xFFFFFF80  }
0x35: {  	_ =	swait.ge [sflag:s19], $0x80  }
0x36: {  	[sflag:s19] =	ssyncset.done $0x0  }
0x37: {  	[sflag:s19] =	ssyncadd.s32 $0xFFFFFF80  }
0x38: {  	_ =	swait.ge [sflag:s26], $0x4000  }
0x39: {  	[sflag:s26] =	ssyncset.done $0x0  }
0x3a: {  	[sflag:s26] =	ssyncadd.s32 $0xFFFFC000  }
0x3b: {  	[tilespmem:s22], [sflag:$0x7] =	stream.indirect.gather [hbm4b:s13+s31], $0x80, s31, s31, $0xb8;
	[tilespmem:$0x1C400] =	vst v63  }
0x3c: {  	_ =	swait.ge [sflag:s8], $0x4000  }
0x3d: {  	[sflag:s8] =	ssyncset.done $0x0  }
0x3e: {  	[sflag:s8] =	ssyncadd.s32 $0xFFFFC000  }
0x3f: {  	[spmem:s2] =	stream.indirect.scatter.add.f32 [tilespmem:s22], [sflag:$0x6], $0x80, s0, s31, $0xb8;
	[tilespmem:$0x1C400] =	vst v63  }
0x40: {  	_ =	swait.ge [sflag:s24], $0x4000  }
0x41: {  	[sflag:s24] =	ssyncset.done $0x0  }
0x42: {  	[sflag:s24] =	ssyncadd.s32 $0xFFFFC000  }
0x43: {  	_ =	swait.ge [sflag:s26], $0x4000  }
0x44: {  	[sflag:s26] =	ssyncset.done $0x0  }
0x45: {  	[sflag:s26] =	ssyncadd.s32 $0xFFFFC000  }
0x46: {  	[bflag:$0x0] =	sbarrier.arrive $0xFFFF  }
0x47: {  	[tilespmem:s28], [sflag:$0x8] =	stream.linear.gather [spmem:s1], $0x4000, $0x38;
	[tilespmem:$0x1C400] =	vst v63  }
0x48: {  	_ =	swait.ge [sflag:s14], $0x4000  }
0x49: {  	[sflag:s14] =	ssyncset.done $0x0;
	s17 =	rddreg [dreg:$0x15]  }
0x4a: {  	s11 =	smov.u32 s1;
	s1 =	sadd.s32 s12, s17;
	[sflag:s14] =	ssyncadd.s32 $0xFFFFC000  }
0x4b: {  	[hbm4b:s1+s3] =	stream.linear.scatter [tilespmem:s28], [sflag:$0x8], $0x4000, $0x38;
	[tilespmem:$0x1C400] =	vst v63  }
0x4c: {  	_ =	swait.ge [sflag:s14], $0x4000  }
0x4d: {  	[sflag:s14] =	ssyncset.done $0x0  }
0x4e: {  	s17 =	rddreg [dreg:$0xa];
	[sflag:s14] =	ssyncadd.s32 $0xFFFFC000  }
0x4f: {  	[tilespmem:s28], [sflag:$0x8] =	stream.linear.gather [spmem:s17], $0x4000, $0x38;
	[tilespmem:$0x1C400] =	vst v63  }
0x50: {  	_ =	swait.ge [sflag:s14], $0x4000  }
0x51: {  	[sflag:s14] =	ssyncset.done $0x0;
	s13 =	rddreg [dreg:$0x10]  }
0x52: {  	s1 =	sadd.s32 s12, s13;
	[sflag:s14] =	ssyncadd.s32 $0xFFFFC000  }
0x53: {  	[hbm4b:s1+s3] =	stream.linear.scatter [tilespmem:s28], [sflag:$0x8], $0x4000, $0x38;
	[tilespmem:$0x1C400] =	vst v63  }
0x54: {  	_ =	swait.ge [sflag:s14], $0x4000  }
0x55: {  	[sflag:s14] =	ssyncset.done $0x0  }
0x56: {  	s29 =	rddreg [dreg:$0xb];
	[sflag:s14] =	ssyncadd.s32 $0xFFFFC000  }
0x57: {  	[tilespmem:s28], [sflag:$0x8] =	stream.linear.gather [spmem:s29], $0x4000, $0x38;
	[tilespmem:$0x1C400] =	vst v63  }
0x58: {  	_ =	swait.ge [sflag:s14], $0x4000  }
0x59: {  	[sflag:s14] =	ssyncset.done $0x0;
	s13 =	rddreg [dreg:$0x11]  }
0x5a: {  	s1 =	sadd.s32 s12, s13;
	[sflag:s14] =	ssyncadd.s32 $0xFFFFC000  }
0x5b: {  	[hbm4b:s1+s3] =	stream.linear.scatter [tilespmem:s28], [sflag:$0x8], $0x4000, $0x38;
	[tilespmem:$0x1C400] =	vst v63  }
0x5c: {  	_ =	swait.ge [sflag:s14], $0x4000  }
0x5d: {  	[sflag:s14] =	ssyncset.done $0x0  }
0x5e: {  	[sflag:s14] =	ssyncadd.s32 $0xFFFFC000  }
0x5f: {  	[tilespmem:s28], [sflag:$0x8] =	stream.linear.gather [spmem:s18], $0x4000, $0x38;
	[tilespmem:$0x1C400] =	vst v63  }
0x60: {  	_ =	swait.ge [sflag:s14], $0x4000  }
0x61: {  	[sflag:s14] =	ssyncset.done $0x0;
	s13 =	rddreg [dreg:$0x12]  }
0x62: {  	s1 =	sadd.s32 s12, s13;
	[sflag:s14] =	ssyncadd.s32 $0xFFFFC000  }
0x63: {  	[hbm4b:s1+s3] =	stream.linear.scatter [tilespmem:s28], [sflag:$0x8], $0x4000, $0x38;
	[tilespmem:$0x1C400] =	vst v63  }
0x64: {  	_ =	swait.ge [sflag:s14], $0x4000  }
0x65: {  	[sflag:s14] =	ssyncset.done $0x0  }
0x66: {  	s13 =	rddreg [dreg:$0xd];
	[sflag:s14] =	ssyncadd.s32 $0xFFFFC000  }
0x67: {  	[tilespmem:s28], [sflag:$0x8] =	stream.linear.gather [spmem:s13], $0x4000, $0x38;
	[tilespmem:$0x1C400] =	vst v63  }
0x68: {  	_ =	swait.ge [sflag:s14], $0x4000  }
0x69: {  	[sflag:s14] =	ssyncset.done $0x0;
	s18 =	rddreg [dreg:$0x13]  }
0x6a: {  	s1 =	sadd.s32 s12, s18;
	[sflag:s14] =	ssyncadd.s32 $0xFFFFC000  }
0x6b: {  	[hbm4b:s1+s3] =	stream.linear.scatter [tilespmem:s28], [sflag:$0x8], $0x4000, $0x38;
	[tilespmem:$0x1C400] =	vst v63  }
0x6c: {  	_ =	swait.ge [sflag:s14], $0x4000  }
0x6d: {  	s15 =	sadd.s32 $0x1, s15;
	s18 =	rddreg [dreg:$0x14]  }
0x6e: {  	p1 =	sne.s32 s15, s18  }
.Ltmp1:
0x6f: {  	_ = 	snop;
	(pc) =	sbr.rel @!p1 .LBB2_9-.Ltmp1, $4  }
0x70: {  	_ = 	snop  }
0x71: {  	[sflag:s14] =	ssyncset.done $0x0  }
0x72: {  	[sflag:s14] =	ssyncadd.s32 $0xFFFFC000  }
0x73: {  	s18 =	rddreg [dreg:$0x1]  }
.LBB2_1:
0x74: {  	[dreg:$0x16] =	wrdreg s15  }
0x75: {  	s1 =	rddreg [dreg:$0x6]  }
0x76: {  	[tilespmem:s28], [sflag:$0x8] =	stream.linear.gather [hbm4b:s1+s3], $0x4000, $0x38;
	[tilespmem:$0x1C400] =	vst v63  }
0x77: {  	_ =	swait.ge [sflag:s14], $0x4000  }
0x78: {  	[sflag:s14] =	ssyncset.done $0x0  }
0x79: {  	[sflag:s14] =	ssyncadd.s32 $0xFFFFC000  }
0x7a: {  	[spmem:s11] =	stream.linear.scatter [tilespmem:s28], [sflag:$0x8], $0x4000, $0x38;
	[tilespmem:$0x1C400] =	vst v63  }
0x7b: {  	_ =	swait.ge [sflag:s14], $0x4000  }
0x7c: {  	[sflag:s14] =	ssyncset.done $0x0  }
0x7d: {  	[sflag:s14] =	ssyncadd.s32 $0xFFFFC000  }
0x7e: {  	[spmem:s17] =	stream.linear.scatter [tilespmem:s28], [sflag:$0x8], $0x4000, $0x38;
	[tilespmem:$0x1C400] =	vst v63  }
0x7f: {  	_ =	swait.ge [sflag:s14], $0x4000  }
0x80: {  	[sflag:s14] =	ssyncset.done $0x0  }
0x81: {  	[sflag:s14] =	ssyncadd.s32 $0xFFFFC000  }
0x82: {  	[spmem:s29] =	stream.linear.scatter [tilespmem:s28], [sflag:$0x8], $0x4000, $0x38;
	[tilespmem:$0x1C400] =	vst v63  }
0x83: {  	_ =	swait.ge [sflag:s14], $0x4000  }
0x84: {  	[sflag:s14] =	ssyncset.done $0x0  }
0x85: {  	s12 =	rddreg [dreg:$0xc];
	[sflag:s14] =	ssyncadd.s32 $0xFFFFC000  }
0x86: {  	[spmem:s12] =	stream.linear.scatter [tilespmem:s28], [sflag:$0x8], $0x4000, $0x38;
	[tilespmem:$0x1C400] =	vst v63  }
0x87: {  	_ =	swait.ge [sflag:s14], $0x4000  }
0x88: {  	[sflag:s14] =	ssyncset.done $0x0  }
0x89: {  	[sflag:s14] =	ssyncadd.s32 $0xFFFFC000  }
0x8a: {  	[spmem:s13] =	stream.linear.scatter [tilespmem:s28], [sflag:$0x8], $0x4000, $0x38;
	[tilespmem:$0x1C400] =	vst v63  }
0x8b: {  	_ =	swait.ge [sflag:s14], $0x4000  }
0x8c: {  	[sflag:s14] =	ssyncset.done $0x0  }
0x8d: {  	[sflag:s14] =	ssyncadd.s32 $0xFFFFC000  }
0x8e: {  	[bflag:$0x0] =	sbarrier.arrive $0xFFFF  }
0x8f: {  	s17 =	rddreg [dreg:$0x4]  }
0x90: {  	[tilespmem:s3], [sflag:$0x1] =	stream.linear.gather [hbm4b:s17+s3], $0x80, $0x38;
	[tilespmem:$0x1C400] =	vst v63  }
0x91: {  	s29 =	rddreg [dreg:$0x5]  }
0x92: {  	[tilespmem:s30], [sflag:$0x1] =	stream.linear.gather [hbm4b:s29+s3], $0x80, $0x38;
	[tilespmem:$0x1C400] =	vst v63  }
.Ltmp2:
0x93: {  	_ = 	snop;
	(pc) =	sbr.rel @!p0 .LBB2_2-.Ltmp2, $4  }
0x94: {  	s14 =	rddreg [dreg:$0xe]  }
0x95: {  	[tilespmem:s31], [sflag:$0x2] =	stream.linear.gather [hbm4b:s14+s3], $0x80, $0x38;
	[tilespmem:$0x1C400] =	vst v63  }
0x96: {  	s15 =	rddreg [dreg:$0xf]  }
0x97: {  	[tilespmem:s0], [sflag:$0x2] =	stream.linear.gather [hbm4b:s15+s3], $0x80, $0x38;
	[tilespmem:$0x1C400] =	vst v63  }
0x98: {  	_ =	swait.ge [sflag:s4], $0x80  }
0x99: {  	[sflag:s4] =	ssyncset.done $0x0  }
0x9a: {  	[sflag:s4] =	ssyncadd.s32 $0xFFFFFF80  }
0x9b: {  	_ =	swait.ge [sflag:s4], $0x80  }
0x9c: {  	p1 =	por $0x0, $0x0;
	[sflag:s4] =	ssyncset.done $0x0  }
0x9d: {  	s1 =	simm.s32 @p1 $0x5;
	[sflag:s4] =	ssyncadd.s32 $0xFFFFFF80  }
0x9e: {  	_ =	swait.ge @p1 [sflag:s1], $0x4000  }
0x9f: {  	s11 =	simm.s32 @p1 $0x400;
	[sflag:s1] =	ssyncset.done @p1 $0x0  }
0xa0: {  	s12 =	simm.s32 @p1 $0x0;
	[sflag:s1] =	ssyncadd.s32 @p1 $0xFFFFC000;
	s1 =	simm.s32 @p1 $0x80  }
0xa1: {  	[tilespmem:s11], [sflag:$0x7] =	stream.indirect.gather @p1 [hbm4b:s6+s1], $0x80, s12, s1, $0xb8;
	[tilespmem:$0x1C400] =	vst v63  }
0xa2: {  	s13 =	simm.s32 @!p1 $0x0;
	s11 =	simm.s32 @!p1 $0x400;
	s12 =	simm.s32 @!p1 $0x80  }
0xa3: {  	[tilespmem:s11], [sflag:$0x7] =	stream.indirect.gather @!p1 [hbm4b:s6+s12], $0x80, s13, s12, $0xb8;
	[tilespmem:$0x1C400] =	vst v63  }
0xa4: {  	s11 =	simm.s32 @p1 $0x2  }
0xa5: {  	s11 =	simm.s32 @!p1 $0x2  }
0xa6: {  	s11 =	sadd.s32 s16, s11  }
0xa7: {  	s11 =	sshll.u32 s11, $0x4  }
0xa8: {  	s11 =	sand.u32 $0x1FFFFFE0, s11  }
0xa9: {  	s15 =	sadd.s32 s18, s11  }
0xaa: {  	[tilespmem:s9], [sflag:$0x3] =	stream.linear.gather [hbm4b:s15+s3], $0x80, $0x38;
	[tilespmem:$0x1C400] =	vst v63  }
0xab: {  	s11 =	sadd.s32 s7, s11  }
0xac: {  	[tilespmem:s10], [sflag:$0x3] =	stream.linear.gather [hbm4b:s11+s3], $0x80, $0x38;
	[tilespmem:$0x1C400] =	vst v63  }
0xad: {  	_ =	swait.ge [sflag:s8], $0x4000  }
0xae: {  	[sflag:s8] =	ssyncset.done $0x0  }
0xaf: {  	[sflag:s8] =	ssyncadd.s32 $0xFFFFC000  }
0xb0: {  	[spmem:s2] =	stream.indirect.scatter.add.f32 [tilespmem:s28], [sflag:$0x5], $0x80, s30, s31, $0xb8;
	[tilespmem:$0x1C400] =	vst v63  }
0xb1: {  	_ =	swait.ge [sflag:s19], $0x80  }
0xb2: {  	[sflag:s19] =	ssyncset.done $0x0  }
0xb3: {  	[sflag:s19] =	ssyncadd.s32 $0xFFFFFF80  }
0xb4: {  	_ =	swait.ge [sflag:s19], $0x80  }
0xb5: {  	[sflag:s19] =	ssyncset.done $0x0  }
0xb6: {  	s11 =	simm.s32 @p1 $0x6;
	[sflag:s19] =	ssyncadd.s32 $0xFFFFFF80  }
0xb7: {  	_ =	swait.ge @p1 [sflag:s11], $0x4000  }
0xb8: {  	[sflag:s11] =	ssyncset.done @p1 $0x0  }
0xb9: {  	[sflag:s11] =	ssyncadd.s32 @p1 $0xFFFFC000;
	s11 =	simm.s32 @p1 $0x4400  }
0xba: {  	[tilespmem:s11], [sflag:$0x7] =	stream.indirect.gather @p1 [hbm4b:s6+s1], $0x80, s1, s1, $0xb8;
	[tilespmem:$0x1C400] =	vst v63  }
0xbb: {  	s1 =	simm.s32 $0x3  }
0xbc: {  	s1 =	simm.s32 @!p1 $0x3  }
0xbd: {  	s11 =	simm.s32 @!p1 $0x4400;
	s1 =	sadd.s32 s16, s1  }
0xbe: {  	[tilespmem:s11], [sflag:$0x7] =	stream.indirect.gather @!p1 [hbm4b:s6+s12], $0x80, s12, s12, $0xb8;
	[tilespmem:$0x1C400] =	vst v63  }
0xbf: {  	s1 =	sshll.u32 s1, $0x4  }
0xc0: {  	s1 =	sand.u32 $0x1FFFFFF0, s1  }
0xc1: {  	s12 =	sadd.s32 s18, s1  }
0xc2: {  	[tilespmem:s20], [sflag:$0x4] =	stream.linear.gather [hbm4b:s12+s3], $0x80, $0x38;
	[tilespmem:$0x1C400] =	vst v63  }
0xc3: {  	s1 =	sadd.s32 s7, s1  }
0xc4: {  	[tilespmem:s21], [sflag:$0x4] =	stream.linear.gather [hbm4b:s1+s3], $0x80, $0x38;
	[tilespmem:$0x1C400] =	vst v63  }
0xc5: {  	_ =	swait.ge [sflag:s8], $0x4000  }
0xc6: {  	[sflag:s8] =	ssyncset.done $0x0  }
0xc7: {  	[sflag:s8] =	ssyncadd.s32 $0xFFFFC000  }
0xc8: {  	[spmem:s2] =	stream.indirect.scatter.add.f32 [tilespmem:s22], [sflag:$0x6], $0x80, s0, s31, $0xb8;
	[tilespmem:$0x1C400] =	vst v63  }
0xc9: {  	_ =	swait.ge [sflag:s23], $0x80  }
0xca: {  	[sflag:s23] =	ssyncset.done $0x0  }
0xcb: {  	[sflag:s23] =	ssyncadd.s32 $0xFFFFFF80  }
0xcc: {  	_ =	swait.ge [sflag:s23], $0x80  }
0xcd: {  	[sflag:s23] =	ssyncset.done $0x0  }
0xce: {  	[sflag:s23] =	ssyncadd.s32 $0xFFFFFF80  }
0xcf: {  	_ =	swait.ge [sflag:s24], $0x4000  }
0xd0: {  	[sflag:s24] =	ssyncset.done $0x0  }
0xd1: {  	s13 =	sadd.s32 $0x0, s17;
	[sflag:s24] =	ssyncadd.s32 $0xFFFFC000  }
0xd2: {  	[tilespmem:s28], [sflag:$0x7] =	stream.indirect.gather [hbm4b:s6+s31], $0x80, s9, s31, $0xb8;
	[tilespmem:$0x1C400] =	vst v63  }
0xd3: {  	s14 =	sadd.s32 $0x40, s13;
	s15 =	sadd.s32 $0x0, s29  }
0xd4: {  	[tilespmem:s3], [sflag:$0x1] =	stream.linear.gather [hbm4b:s14+s3], $0x80, $0x38;
	[tilespmem:$0x1C400] =	vst v63  }
0xd5: {  	s17 =	sadd.s32 $0x40, s15  }
0xd6: {  	[tilespmem:s30], [sflag:$0x1] =	stream.linear.gather [hbm4b:s17+s3], $0x80, $0x38;
	[tilespmem:$0x1C400] =	vst v63  }
0xd7: {  	_ =	swait.ge [sflag:s8], $0x4000  }
0xd8: {  	[sflag:s8] =	ssyncset.done $0x0  }
0xd9: {  	[sflag:s8] =	ssyncadd.s32 $0xFFFFC000  }
0xda: {  	[spmem:s2] =	stream.indirect.scatter.add.f32 [tilespmem:s28], [sflag:$0x5], $0x80, s10, s31, $0xb8;
	[tilespmem:$0x1C400] =	vst v63  }
0xdb: {  	_ =	swait.ge [sflag:s25], $0x80  }
0xdc: {  	[sflag:s25] =	ssyncset.done $0x0  }
0xdd: {  	[sflag:s25] =	ssyncadd.s32 $0xFFFFFF80  }
0xde: {  	_ =	swait.ge [sflag:s25], $0x80  }
0xdf: {  	[sflag:s25] =	ssyncset.done $0x0  }
0xe0: {  	[sflag:s25] =	ssyncadd.s32 $0xFFFFFF80  }
0xe1: {  	_ =	swait.ge [sflag:s26], $0x4000  }
0xe2: {  	[sflag:s26] =	ssyncset.done $0x0  }
0xe3: {  	[sflag:s26] =	ssyncadd.s32 $0xFFFFC000  }
0xe4: {  	[tilespmem:s22], [sflag:$0x7] =	stream.indirect.gather [hbm4b:s6+s31], $0x80, s20, s31, $0xb8;
	[tilespmem:$0x1C400] =	vst v63  }
0xe5: {  	s1 =	sadd.s32 $0x50, s13  }
0xe6: {  	[tilespmem:s31], [sflag:$0x2] =	stream.linear.gather [hbm4b:s1+s3], $0x80, $0x38;
	[tilespmem:$0x1C400] =	vst v63  }
0xe7: {  	s29 =	sadd.s32 $0x50, s15  }
0xe8: {  	[tilespmem:s0], [sflag:$0x2] =	stream.linear.gather [hbm4b:s29+s3], $0x80, $0x38;
	[tilespmem:$0x1C400] =	vst v63  }
0xe9: {  	_ =	swait.ge [sflag:s8], $0x4000  }
0xea: {  	s12 =	simm.s32 $0x40;
	s13 =	simm.s32 $0x3;
	[sflag:s8] =	ssyncset.done $0x0  }
.LBB2_6:
0xeb: {  	[sflag:s8] =	ssyncadd.s32 $0xFFFFC000  }
0xec: {  	[spmem:s2] =	stream.indirect.scatter.add.f32 [tilespmem:s22], [sflag:$0x6], $0x80, s21, s31, $0xb8;
	[tilespmem:$0x1C400] =	vst v63  }
0xed: {  	_ =	swait.ge [sflag:s4], $0x80  }
0xee: {  	[sflag:s4] =	ssyncset.done $0x0  }
0xef: {  	s14 =	smov.u32 s12;
	[sflag:s4] =	ssyncadd.s32 $0xFFFFFF80  }
0xf0: {  	p2 =	sne.s32 s14, $0x0;
	_ =	swait.ge [sflag:s4], $0x80  }
0xf1: {  	s13 =	sadd.s32 $0x4, s13;
	s1 =	simm.s32 @p2 $0x5;
	[sflag:s4] =	ssyncset.done $0x0  }
0xf2: {  	s11 =	simm.s32 @p2 $0x400;
	s15 =	sadd.s32 @p2 $0xFFFFFFFF, s13;
	[sflag:s4] =	ssyncadd.s32 $0xFFFFFF80  }
0xf3: {  	s17 =	simm.s32 @!p2 $0x400;
	s15 =	simm.s32 @!p2 $0x2;
	_ =	swait.ge @p2 [sflag:s1], $0x4000  }
0xf4: {  	s29 =	simm.s32 @p2 $0x0;
	s15 =	sadd.s32 s16, s15;
	[sflag:s1] =	ssyncset.done @p2 $0x0  }
0xf5: {  	s15 =	sshll.u32 s15, $0x4;
	[sflag:s1] =	ssyncadd.s32 @p2 $0xFFFFC000;
	s1 =	simm.s32 @p2 $0x80  }
0xf6: {  	[tilespmem:s11], [sflag:$0x7] =	stream.indirect.gather @p2 [hbm4b:s6+s1], $0x80, s29, s1, $0xb8;
	[tilespmem:$0x1C400] =	vst v63  }
0xf7: {  	s15 =	sand.u32 $0x1FFFFFE0, s15;
	s11 =	simm.s32 @!p2 $0x80;
	s29 =	simm.s32 @!p2 $0x0  }
0xf8: {  	[tilespmem:s17], [sflag:$0x7] =	stream.indirect.gather @!p2 [hbm4b:s6+s11], $0x80, s29, s11, $0xb8;
	[tilespmem:$0x1C400] =	vst v63  }
0xf9: {  	s29 =	sadd.s32 s18, s15  }
0xfa: {  	[tilespmem:s9], [sflag:$0x3] =	stream.linear.gather [hbm4b:s29+s3], $0x80, $0x38;
	[tilespmem:$0x1C400] =	vst v63  }
0xfb: {  	s15 =	sadd.s32 s7, s15  }
0xfc: {  	[tilespmem:s10], [sflag:$0x3] =	stream.linear.gather [hbm4b:s15+s3], $0x80, $0x38;
	[tilespmem:$0x1C400] =	vst v63  }
0xfd: {  	_ =	swait.ge [sflag:s8], $0x4000  }
0xfe: {  	[sflag:s8] =	ssyncset.done $0x0  }
0xff: {  	[sflag:s8] =	ssyncadd.s32 $0xFFFFC000  }
0x100: {  	[spmem:s2] =	stream.indirect.scatter.add.f32 [tilespmem:s28], [sflag:$0x5], $0x80, s30, s31, $0xb8;
	[tilespmem:$0x1C400] =	vst v63  }
0x101: {  	_ =	swait.ge [sflag:s19], $0x80  }
0x102: {  	s17 =	smov.u32 s13;
	[sflag:s19] =	ssyncset.done $0x0  }
0x103: {  	s17 =	simm.s32 @!p2 $0x3;
	[sflag:s19] =	ssyncadd.s32 $0xFFFFFF80  }
0x104: {  	s17 =	sadd.s32 s16, s17;
	_ =	swait.ge [sflag:s19], $0x80  }
0x105: {  	s17 =	sshll.u32 s17, $0x4;
	[sflag:s19] =	ssyncset.done $0x0  }
0x106: {  	s15 =	sand.u32 $0x1FFFFFF0, s17;
	s17 =	simm.s32 @p2 $0x6;
	[sflag:s19] =	ssyncadd.s32 $0xFFFFFF80  }
0x107: {  	_ =	swait.ge @p2 [sflag:s17], $0x4000  }
0x108: {  	[sflag:s17] =	ssyncset.done @p2 $0x0  }
0x109: {  	s29 =	simm.s32 @p2 $0x4400;
	[sflag:s17] =	ssyncadd.s32 @p2 $0xFFFFC000  }
0x10a: {  	[tilespmem:s29], [sflag:$0x7] =	stream.indirect.gather @p2 [hbm4b:s6+s1], $0x80, s1, s1, $0xb8;
	[tilespmem:$0x1C400] =	vst v63  }
0x10b: {  	s17 =	simm.s32 @!p2 $0x4400  }
0x10c: {  	[tilespmem:s17], [sflag:$0x7] =	stream.indirect.gather @!p2 [hbm4b:s6+s11], $0x80, s11, s11, $0xb8;
	[tilespmem:$0x1C400] =	vst v63  }
0x10d: {  	s1 =	sadd.s32 s18, s15  }
0x10e: {  	[tilespmem:s20], [sflag:$0x4] =	stream.linear.gather [hbm4b:s1+s3], $0x80, $0x38;
	[tilespmem:$0x1C400] =	vst v63  }
0x10f: {  	s29 =	sadd.s32 s7, s15  }
0x110: {  	[tilespmem:s21], [sflag:$0x4] =	stream.linear.gather [hbm4b:s29+s3], $0x80, $0x38;
	[tilespmem:$0x1C400] =	vst v63  }
0x111: {  	_ =	swait.ge [sflag:s8], $0x4000  }
0x112: {  	[sflag:s8] =	ssyncset.done $0x0  }
0x113: {  	[sflag:s8] =	ssyncadd.s32 $0xFFFFC000  }
0x114: {  	[spmem:s2] =	stream.indirect.scatter.add.f32 [tilespmem:s22], [sflag:$0x6], $0x80, s0, s31, $0xb8;
	[tilespmem:$0x1C400] =	vst v63  }
0x115: {  	_ =	swait.ge [sflag:s23], $0x80  }
0x116: {  	[sflag:s23] =	ssyncset.done $0x0  }
0x117: {  	[sflag:s23] =	ssyncadd.s32 $0xFFFFFF80  }
0x118: {  	_ =	swait.ge [sflag:s23], $0x80  }
0x119: {  	[sflag:s23] =	ssyncset.done $0x0  }
0x11a: {  	[sflag:s23] =	ssyncadd.s32 $0xFFFFFF80  }
0x11b: {  	_ =	swait.ge [sflag:s24], $0x4000  }
0x11c: {  	[sflag:s24] =	ssyncset.done $0x0;
	s15 =	rddreg [dreg:$0x4]  }
0x11d: {  	s29 =	rddreg [dreg:$0x5];
	[sflag:s24] =	ssyncadd.s32 $0xFFFFC000;
	s1 =	sadd.s32 s14, s15  }
0x11e: {  	[tilespmem:s28], [sflag:$0x7] =	stream.indirect.gather [hbm4b:s6+s31], $0x80, s9, s31, $0xb8;
	[tilespmem:$0x1C400] =	vst v63  }
0x11f: {  	s14 =	sadd.s32 s14, s29;
	s17 =	sadd.s32 $0x40, s1  }
0x120: {  	[tilespmem:s3], [sflag:$0x1] =	stream.linear.gather [hbm4b:s17+s3], $0x80, $0x38;
	[tilespmem:$0x1C400] =	vst v63  }
0x121: {  	s17 =	sadd.s32 $0x40, s14  }
0x122: {  	[tilespmem:s30], [sflag:$0x1] =	stream.linear.gather [hbm4b:s17+s3], $0x80, $0x38;
	[tilespmem:$0x1C400] =	vst v63  }
0x123: {  	_ =	swait.ge [sflag:s8], $0x4000  }
0x124: {  	[sflag:s8] =	ssyncset.done $0x0  }
0x125: {  	[sflag:s8] =	ssyncadd.s32 $0xFFFFC000  }
0x126: {  	[spmem:s2] =	stream.indirect.scatter.add.f32 [tilespmem:s28], [sflag:$0x5], $0x80, s10, s31, $0xb8;
	[tilespmem:$0x1C400] =	vst v63  }
0x127: {  	_ =	swait.ge [sflag:s25], $0x80  }
0x128: {  	[sflag:s25] =	ssyncset.done $0x0  }
0x129: {  	[sflag:s25] =	ssyncadd.s32 $0xFFFFFF80  }
0x12a: {  	_ =	swait.ge [sflag:s25], $0x80  }
0x12b: {  	[sflag:s25] =	ssyncset.done $0x0  }
0x12c: {  	[sflag:s25] =	ssyncadd.s32 $0xFFFFFF80  }
0x12d: {  	_ =	swait.ge [sflag:s26], $0x4000  }
0x12e: {  	[sflag:s26] =	ssyncset.done $0x0  }
0x12f: {  	s12 =	sadd.s32 $0x40, s12;
	[sflag:s26] =	ssyncadd.s32 $0xFFFFC000  }
0x130: {  	[tilespmem:s22], [sflag:$0x7] =	stream.indirect.gather [hbm4b:s6+s31], $0x80, s20, s31, $0xb8;
	[tilespmem:$0x1C400] =	vst v63  }
0x131: {  	p1 =	sne.s32 s12, $0x9C0;
	s1 =	sadd.s32 $0x50, s1  }
0x132: {  	[tilespmem:s31], [sflag:$0x2] =	stream.linear.gather [hbm4b:s1+s3], $0x80, $0x38;
	[tilespmem:$0x1C400] =	vst v63  }
.Ltmp3:
0x133: {  	_ = 	snop;
	(pc) =	sbr.rel @p1 .LBB2_6-.Ltmp3, $4  }
0x134: {  	s29 =	sadd.s32 $0x50, s14  }
0x135: {  	[tilespmem:s0], [sflag:$0x2] =	stream.linear.gather [hbm4b:s29+s3], $0x80, $0x38;
	[tilespmem:$0x1C400] =	vst v63  }
0x136: {  	_ =	swait.ge [sflag:s8], $0x4000  }
0x137: {  	[sflag:s8] =	ssyncset.done $0x0  }
.Ltmp4:
0x138: {  	_ = 	snop;
	(pc) =	sbr.rel .LBB2_7-.Ltmp4, $1  }
0x139: {  	_ =	sdelay $0x3  }
.LBB2_2:
0x13a: {  	_ =	swait.ge [sflag:s4], $0x80  }
0x13b: {  	[sflag:s4] =	ssyncset.done $0x0  }
0x13c: {  	[sflag:s4] =	ssyncadd.s32 $0xFFFFFF80  }
0x13d: {  	_ =	swait.ge [sflag:s4], $0x80  }
0x13e: {  	p1 =	por $0x0, $0x0;
	[sflag:s4] =	ssyncset.done $0x0  }
0x13f: {  	s12 =	simm.s32 @p1 $0x5;
	[sflag:s4] =	ssyncadd.s32 $0xFFFFFF80  }
0x140: {  	_ =	swait.ge @p1 [sflag:s12], $0x4000  }
0x141: {  	s13 =	simm.s32 @p1 $0x400;
	[sflag:s12] =	ssyncset.done @p1 $0x0  }
0x142: {  	s14 =	simm.s32 @p1 $0x0;
	[sflag:s12] =	ssyncadd.s32 @p1 $0xFFFFC000;
	s12 =	simm.s32 @p1 $0x80  }
0x143: {  	[tilespmem:s13], [sflag:$0x7] =	stream.indirect.gather @p1 [hbm4b:s5+s12], $0x80, s14, s12, $0xb8;
	[tilespmem:$0x1C400] =	vst v63  }
0x144: {  	s15 =	simm.s32 @!p1 $0x0;
	s13 =	simm.s32 @!p1 $0x400;
	s14 =	simm.s32 @!p1 $0x80  }
0x145: {  	[tilespmem:s13], [sflag:$0x7] =	stream.indirect.gather @!p1 [hbm4b:s5+s14], $0x80, s15, s14, $0xb8;
	[tilespmem:$0x1C400] =	vst v63  }
0x146: {  	s13 =	simm.s32 @p1 $0x2  }
0x147: {  	s13 =	simm.s32 @!p1 $0x2  }
0x148: {  	s13 =	sadd.s32 s16, s13  }
0x149: {  	s13 =	sshll.u32 s13, $0x4  }
0x14a: {  	s11 =	sadd.s32 s18, s13  }
0x14b: {  	[tilespmem:s9], [sflag:$0x3] =	stream.linear.gather [hbm4b:s11+s3], $0x80, $0x38;
	[tilespmem:$0x1C400] =	vst v63  }
0x14c: {  	s13 =	sadd.s32 s7, s13  }
0x14d: {  	[tilespmem:s10], [sflag:$0x3] =	stream.linear.gather [hbm4b:s13+s3], $0x80, $0x38;
	[tilespmem:$0x1C400] =	vst v63  }
0x14e: {  	_ =	swait.ge [sflag:s8], $0x4000  }
0x14f: {  	[sflag:s8] =	ssyncset.done $0x0  }
0x150: {  	[sflag:s8] =	ssyncadd.s32 $0xFFFFC000  }
0x151: {  	[spmem:s2] =	stream.indirect.scatter.add.f32 [tilespmem:s28], [sflag:$0x5], $0x80, s30, s31, $0xb8;
	[tilespmem:$0x1C400] =	vst v63  }
0x152: {  	_ =	swait.ge [sflag:s19], $0x80  }
0x153: {  	[sflag:s19] =	ssyncset.done $0x0  }
0x154: {  	[sflag:s19] =	ssyncadd.s32 $0xFFFFFF80  }
0x155: {  	_ =	swait.ge [sflag:s19], $0x80  }
0x156: {  	[sflag:s19] =	ssyncset.done $0x0  }
0x157: {  	s13 =	simm.s32 @p1 $0x6;
	[sflag:s19] =	ssyncadd.s32 $0xFFFFFF80  }
0x158: {  	_ =	swait.ge @p1 [sflag:s13], $0x4000  }
0x159: {  	[sflag:s13] =	ssyncset.done @p1 $0x0  }
0x15a: {  	[sflag:s13] =	ssyncadd.s32 @p1 $0xFFFFC000;
	s13 =	simm.s32 @p1 $0x4400  }
0x15b: {  	[tilespmem:s13], [sflag:$0x7] =	stream.indirect.gather @p1 [hbm4b:s5+s12], $0x80, s12, s12, $0xb8;
	[tilespmem:$0x1C400] =	vst v63  }
0x15c: {  	s12 =	simm.s32 $0x3  }
0x15d: {  	s12 =	simm.s32 @!p1 $0x3  }
0x15e: {  	s13 =	simm.s32 @!p1 $0x4400;
	s12 =	sadd.s32 s16, s12  }
0x15f: {  	[tilespmem:s13], [sflag:$0x7] =	stream.indirect.gather @!p1 [hbm4b:s5+s14], $0x80, s14, s14, $0xb8;
	[tilespmem:$0x1C400] =	vst v63  }
0x160: {  	s12 =	sshll.u32 s12, $0x4  }
0x161: {  	s1 =	sadd.s32 s18, s12  }
0x162: {  	[tilespmem:s20], [sflag:$0x4] =	stream.linear.gather [hbm4b:s1+s3], $0x80, $0x38;
	[tilespmem:$0x1C400] =	vst v63  }
0x163: {  	s12 =	sadd.s32 s7, s12  }
0x164: {  	[tilespmem:s21], [sflag:$0x4] =	stream.linear.gather [hbm4b:s12+s3], $0x80, $0x38;
	[tilespmem:$0x1C400] =	vst v63  }
0x165: {  	_ =	swait.ge [sflag:s8], $0x4000  }
0x166: {  	[sflag:s8] =	ssyncset.done $0x0  }
0x167: {  	[sflag:s8] =	ssyncadd.s32 $0xFFFFC000  }
0x168: {  	[spmem:s2] =	stream.indirect.scatter.add.f32 [tilespmem:s22], [sflag:$0x6], $0x80, s0, s31, $0xb8;
	[tilespmem:$0x1C400] =	vst v63  }
0x169: {  	_ =	swait.ge [sflag:s23], $0x80  }
0x16a: {  	[sflag:s23] =	ssyncset.done $0x0  }
0x16b: {  	[sflag:s23] =	ssyncadd.s32 $0xFFFFFF80  }
0x16c: {  	_ =	swait.ge [sflag:s23], $0x80  }
0x16d: {  	[sflag:s23] =	ssyncset.done $0x0  }
0x16e: {  	[sflag:s23] =	ssyncadd.s32 $0xFFFFFF80  }
0x16f: {  	_ =	swait.ge [sflag:s24], $0x4000  }
0x170: {  	[sflag:s24] =	ssyncset.done $0x0  }
0x171: {  	s11 =	sadd.s32 $0x0, s17;
	[sflag:s24] =	ssyncadd.s32 $0xFFFFC000  }
0x172: {  	[tilespmem:s28], [sflag:$0x7] =	stream.indirect.gather [hbm4b:s5+s31], $0x80, s9, s31, $0xb8;
	[tilespmem:$0x1C400] =	vst v63  }
0x173: {  	s15 =	sadd.s32 $0x0, s29;
	s14 =	sadd.s32 $0x40, s11  }
0x174: {  	[tilespmem:s3], [sflag:$0x1] =	stream.linear.gather [hbm4b:s14+s3], $0x80, $0x38;
	[tilespmem:$0x1C400] =	vst v63  }
0x175: {  	s17 =	sadd.s32 $0x40, s15  }
0x176: {  	[tilespmem:s30], [sflag:$0x1] =	stream.linear.gather [hbm4b:s17+s3], $0x80, $0x38;
	[tilespmem:$0x1C400] =	vst v63  }
0x177: {  	_ =	swait.ge [sflag:s8], $0x4000  }
0x178: {  	[sflag:s8] =	ssyncset.done $0x0  }
0x179: {  	[sflag:s8] =	ssyncadd.s32 $0xFFFFC000  }
0x17a: {  	[spmem:s2] =	stream.indirect.scatter.add.f32 [tilespmem:s28], [sflag:$0x5], $0x80, s10, s31, $0xb8;
	[tilespmem:$0x1C400] =	vst v63  }
0x17b: {  	_ =	swait.ge [sflag:s25], $0x80  }
0x17c: {  	[sflag:s25] =	ssyncset.done $0x0  }
0x17d: {  	[sflag:s25] =	ssyncadd.s32 $0xFFFFFF80  }
0x17e: {  	_ =	swait.ge [sflag:s25], $0x80  }
0x17f: {  	[sflag:s25] =	ssyncset.done $0x0  }
0x180: {  	[sflag:s25] =	ssyncadd.s32 $0xFFFFFF80  }
0x181: {  	_ =	swait.ge [sflag:s26], $0x4000  }
0x182: {  	[sflag:s26] =	ssyncset.done $0x0  }
0x183: {  	[sflag:s26] =	ssyncadd.s32 $0xFFFFC000  }
0x184: {  	[tilespmem:s22], [sflag:$0x7] =	stream.indirect.gather [hbm4b:s5+s31], $0x80, s20, s31, $0xb8;
	[tilespmem:$0x1C400] =	vst v63  }
0x185: {  	s12 =	sadd.s32 $0x50, s11  }
0x186: {  	[tilespmem:s31], [sflag:$0x2] =	stream.linear.gather [hbm4b:s12+s3], $0x80, $0x38;
	[tilespmem:$0x1C400] =	vst v63  }
0x187: {  	s29 =	sadd.s32 $0x50, s15  }
0x188: {  	[tilespmem:s0], [sflag:$0x2] =	stream.linear.gather [hbm4b:s29+s3], $0x80, $0x38;
	[tilespmem:$0x1C400] =	vst v63  }
0x189: {  	_ =	swait.ge [sflag:s8], $0x4000  }
0x18a: {  	[sflag:s8] =	ssyncset.done $0x0  }
0x18b: {  	s13 =	simm.s32 $0x7;
	s12 =	simm.s32 $0x40;
	[sflag:s8] =	ssyncadd.s32 $0xFFFFC000  }
.LBB2_3:
0x18c: {  	[spmem:s2] =	stream.indirect.scatter.add.f32 [tilespmem:s22], [sflag:$0x6], $0x80, s21, s31, $0xb8;
	[tilespmem:$0x1C400] =	vst v63  }
0x18d: {  	_ =	swait.ge [sflag:s4], $0x80  }
0x18e: {  	[sflag:s4] =	ssyncset.done $0x0  }
0x18f: {  	[sflag:s4] =	ssyncadd.s32 $0xFFFFFF80  }
0x190: {  	s14 =	smov.u32 s12;
	_ =	swait.ge [sflag:s4], $0x80  }
0x191: {  	p2 =	sne.s32 s14, $0x0;
	[sflag:s4] =	ssyncset.done $0x0  }
0x192: {  	s15 =	simm.s32 @p2 $0x5;
	s11 =	sadd.s32 @p2 $0xFFFFFFFF, s13;
	[sflag:s4] =	ssyncadd.s32 $0xFFFFFF80  }
0x193: {  	s29 =	simm.s32 @!p2 $0x400;
	s1 =	simm.s32 @p2 $0x400;
	_ =	swait.ge @p2 [sflag:s15], $0x4000  }
0x194: {  	s17 =	simm.s32 @p2 $0x0;
	s11 =	simm.s32 @!p2 $0x2;
	[sflag:s15] =	ssyncset.done @p2 $0x0  }
0x195: {  	s11 =	sadd.s32 s16, s11;
	[sflag:s15] =	ssyncadd.s32 @p2 $0xFFFFC000;
	s15 =	simm.s32 @p2 $0x80  }
0x196: {  	[tilespmem:s1], [sflag:$0x7] =	stream.indirect.gather @p2 [hbm4b:s5+s15], $0x80, s17, s15, $0xb8;
	[tilespmem:$0x1C400] =	vst v63  }
0x197: {  	s11 =	sshll.u32 s11, $0x4;
	s1 =	simm.s32 @!p2 $0x80;
	s17 =	simm.s32 @!p2 $0x0  }
0x198: {  	[tilespmem:s29], [sflag:$0x7] =	stream.indirect.gather @!p2 [hbm4b:s5+s1], $0x80, s17, s1, $0xb8;
	[tilespmem:$0x1C400] =	vst v63  }
0x199: {  	s17 =	sadd.s32 s18, s11  }
0x19a: {  	[tilespmem:s9], [sflag:$0x3] =	stream.linear.gather [hbm4b:s17+s3], $0x80, $0x38;
	[tilespmem:$0x1C400] =	vst v63  }
0x19b: {  	s11 =	sadd.s32 s7, s11  }
0x19c: {  	[tilespmem:s10], [sflag:$0x3] =	stream.linear.gather [hbm4b:s11+s3], $0x80, $0x38;
	[tilespmem:$0x1C400] =	vst v63  }
0x19d: {  	_ =	swait.ge [sflag:s8], $0x4000  }
0x19e: {  	[sflag:s8] =	ssyncset.done $0x0  }
0x19f: {  	[sflag:s8] =	ssyncadd.s32 $0xFFFFC000  }
0x1a0: {  	[spmem:s2] =	stream.indirect.scatter.add.f32 [tilespmem:s28], [sflag:$0x5], $0x80, s30, s31, $0xb8;
	[tilespmem:$0x1C400] =	vst v63  }
0x1a1: {  	_ =	swait.ge [sflag:s19], $0x80  }
0x1a2: {  	[sflag:s19] =	ssyncset.done $0x0  }
0x1a3: {  	[sflag:s19] =	ssyncadd.s32 $0xFFFFFF80  }
0x1a4: {  	_ =	swait.ge [sflag:s19], $0x80  }
0x1a5: {  	[sflag:s19] =	ssyncset.done $0x0  }
0x1a6: {  	s17 =	simm.s32 @p2 $0x6;
	[sflag:s19] =	ssyncadd.s32 $0xFFFFFF80  }
0x1a7: {  	s29 =	smov.u32 s13;
	_ =	swait.ge @p2 [sflag:s17], $0x4000  }
0x1a8: {  	s29 =	simm.s32 @!p2 $0x3;
	[sflag:s17] =	ssyncset.done @p2 $0x0  }
0x1a9: {  	s29 =	sadd.s32 s16, s29;
	[sflag:s17] =	ssyncadd.s32 @p2 $0xFFFFC000;
	s17 =	simm.s32 @p2 $0x4400  }
0x1aa: {  	[tilespmem:s17], [sflag:$0x7] =	stream.indirect.gather @p2 [hbm4b:s5+s15], $0x80, s15, s15, $0xb8;
	[tilespmem:$0x1C400] =	vst v63  }
0x1ab: {  	s11 =	sshll.u32 s29, $0x4;
	s15 =	simm.s32 @!p2 $0x4400  }
0x1ac: {  	[tilespmem:s15], [sflag:$0x7] =	stream.indirect.gather @!p2 [hbm4b:s5+s1], $0x80, s1, s1, $0xb8;
	[tilespmem:$0x1C400] =	vst v63  }
0x1ad: {  	s29 =	sadd.s32 s18, s11  }
0x1ae: {  	[tilespmem:s20], [sflag:$0x4] =	stream.linear.gather [hbm4b:s29+s3], $0x80, $0x38;
	[tilespmem:$0x1C400] =	vst v63  }
0x1af: {  	s11 =	sadd.s32 s7, s11  }
0x1b0: {  	[tilespmem:s21], [sflag:$0x4] =	stream.linear.gather [hbm4b:s11+s3], $0x80, $0x38;
	[tilespmem:$0x1C400] =	vst v63  }
0x1b1: {  	_ =	swait.ge [sflag:s8], $0x4000  }
0x1b2: {  	[sflag:s8] =	ssyncset.done $0x0  }
0x1b3: {  	[sflag:s8] =	ssyncadd.s32 $0xFFFFC000  }
0x1b4: {  	[spmem:s2] =	stream.indirect.scatter.add.f32 [tilespmem:s22], [sflag:$0x6], $0x80, s0, s31, $0xb8;
	[tilespmem:$0x1C400] =	vst v63  }
0x1b5: {  	_ =	swait.ge [sflag:s23], $0x80  }
0x1b6: {  	[sflag:s23] =	ssyncset.done $0x0  }
0x1b7: {  	[sflag:s23] =	ssyncadd.s32 $0xFFFFFF80  }
0x1b8: {  	_ =	swait.ge [sflag:s23], $0x80  }
0x1b9: {  	[sflag:s23] =	ssyncset.done $0x0  }
0x1ba: {  	[sflag:s23] =	ssyncadd.s32 $0xFFFFFF80  }
0x1bb: {  	_ =	swait.ge [sflag:s24], $0x4000  }
0x1bc: {  	[sflag:s24] =	ssyncset.done $0x0;
	s15 =	rddreg [dreg:$0x4]  }
0x1bd: {  	s29 =	rddreg [dreg:$0x5];
	[sflag:s24] =	ssyncadd.s32 $0xFFFFC000;
	s1 =	sadd.s32 s14, s15  }
0x1be: {  	[tilespmem:s28], [sflag:$0x7] =	stream.indirect.gather [hbm4b:s5+s31], $0x80, s9, s31, $0xb8;
	[tilespmem:$0x1C400] =	vst v63  }
0x1bf: {  	s14 =	sadd.s32 s14, s29;
	s17 =	sadd.s32 $0x40, s1  }
0x1c0: {  	[tilespmem:s3], [sflag:$0x1] =	stream.linear.gather [hbm4b:s17+s3], $0x80, $0x38;
	[tilespmem:$0x1C400] =	vst v63  }
0x1c1: {  	s17 =	sadd.s32 $0x40, s14  }
0x1c2: {  	[tilespmem:s30], [sflag:$0x1] =	stream.linear.gather [hbm4b:s17+s3], $0x80, $0x38;
	[tilespmem:$0x1C400] =	vst v63  }
0x1c3: {  	_ =	swait.ge [sflag:s8], $0x4000  }
0x1c4: {  	[sflag:s8] =	ssyncset.done $0x0  }
0x1c5: {  	[sflag:s8] =	ssyncadd.s32 $0xFFFFC000  }
0x1c6: {  	[spmem:s2] =	stream.indirect.scatter.add.f32 [tilespmem:s28], [sflag:$0x5], $0x80, s10, s31, $0xb8;
	[tilespmem:$0x1C400] =	vst v63  }
0x1c7: {  	_ =	swait.ge [sflag:s25], $0x80  }
0x1c8: {  	[sflag:s25] =	ssyncset.done $0x0  }
0x1c9: {  	[sflag:s25] =	ssyncadd.s32 $0xFFFFFF80  }
0x1ca: {  	_ =	swait.ge [sflag:s25], $0x80  }
0x1cb: {  	[sflag:s25] =	ssyncset.done $0x0  }
0x1cc: {  	[sflag:s25] =	ssyncadd.s32 $0xFFFFFF80  }
0x1cd: {  	_ =	swait.ge [sflag:s26], $0x4000  }
0x1ce: {  	[sflag:s26] =	ssyncset.done $0x0  }
0x1cf: {  	s12 =	sadd.s32 $0x40, s12;
	[sflag:s26] =	ssyncadd.s32 $0xFFFFC000  }
0x1d0: {  	[tilespmem:s22], [sflag:$0x7] =	stream.indirect.gather [hbm4b:s5+s31], $0x80, s20, s31, $0xb8;
	[tilespmem:$0x1C400] =	vst v63  }
0x1d1: {  	p1 =	seq.s32 s12, $0x9C0;
	s1 =	sadd.s32 $0x50, s1  }
0x1d2: {  	[tilespmem:s31], [sflag:$0x2] =	stream.linear.gather [hbm4b:s1+s3], $0x80, $0x38;
	[tilespmem:$0x1C400] =	vst v63  }
.Ltmp5:
0x1d3: {  	s29 =	sadd.s32 $0x50, s14;
	(pc) =	sbr.rel @!p1 .LBB2_3-.Ltmp5, $4  }
0x1d4: {  	[tilespmem:s0], [sflag:$0x2] =	stream.linear.gather [hbm4b:s29+s3], $0x80, $0x38;
	[tilespmem:$0x1C400] =	vst v63  }
0x1d5: {  	_ =	swait.ge [sflag:s8], $0x4000  }
0x1d6: {  	[sflag:s8] =	ssyncset.done $0x0  }
0x1d7: {  	s13 =	sadd.s32 $0x4, s13;
	[sflag:s8] =	ssyncadd.s32 $0xFFFFC000  }
0x1d8: {  	[spmem:s2] =	stream.indirect.scatter.add.f32 [tilespmem:s22], [sflag:$0x6], $0x80, s21, s31, $0xb8;
	[tilespmem:$0x1C400] =	vst v63  }
.Ltmp6:
0x1d9: {  	_ = 	snop;
	(pc) =	sbr.rel .LBB2_8-.Ltmp6, $4  }
0x1da: {  	s12 =	rddreg [dreg:$0x7]  }
0x1db: {  	s1 =	rddreg [dreg:$0x9]  }
0x1dc: {  	s18 =	rddreg [dreg:$0xc]  }
0x1dd: {  	s13 =	smov.u32 s5;
	s14 =	simm.s32 $0x8;
	s15 =	rddreg [dreg:$0x16]  }
.LBB2_9:
0x1de: {  	_ =	sfence.sel $0x180000  }
0x1df: {  	[bflag:$0x0] =	sbarrier.arrive $0xFFFF  }
0x1e0: {  	_ =	strace $0x9000004A  }
0x1e1: {  	s0 =	stileid.u32;
	[bflag:$0x2] =	sbarrier.arrive $0xFFFF  }
0x1e2: {  	p0 =	sne.s32 s0, $0x0;
	s0 =	rddreg [dreg:$0x3]  }
0x1e3: {  	s0 =	sadd.s32 @!p0 $0x100000, s0  }
0x1e4: {  	[sflag:s0] =	ssyncadd.tile.s32 @!p0 $0x1;
	_ =	shalt  }
.Lfunc_end2:
_tile_overlayer_lowered:
.L_overlay_start_2:
0x1e5: {  	(tag) =	ssettag $0x2  }
0x1e6: {  	s0 =	rddreg [dreg:$0x0];
	s2 =	stileid.u32  }
0x1e7: {  	s1 =	rddreg [dreg:$0x1];
	p0 =	sne.s32 s2, $0x0  }
0x1e8: {  	s3 =	rddreg [dreg:$0x2];
	[bflag:$0x3] =	sbarrier.arrive $0xFFFF;
	s2 =	simm.s32 @!p0 $0x1C08  }
0x1e9: {  	[timem:s3], [sflag:s2] =	dma.local @!p0 [hbm:s0], s1  }
0x1ea: {  	s0 =	simm.s32 @!p0 $0x8  }
0x1eb: {  	_ =	swait.ge @!p0 [sflag:s0], s1  }
0x1ec: {  	s1 =	ssub.s32 @!p0 $0x0, s1;
	[sflag:s0] =	ssyncset.done @!p0 $0x0  }
0x1ed: {  	[sflag:s0] =	ssyncadd.s32 @!p0 s1  }
0x1ee: {  	[bflag:$0x3] =	sbarrier.arrive $0xFFFF  }
0x1ef: {  	_ =	shalt  }

// kernel: kernel.8.cloned.1.call-start
scs
__scs_entry_jumppad:
0x0: {  	(pc) =	sbr.rel $0x88, $3  }
0x1: {  	(tag) =	ssettag $0x0;
	lr =	simm.s32 $0x1  }
0x2: {  	[smem:$0x3F91] =	sst lr;
	_ =	strace $0xD0000000  }
0x3: {  	_ = 	snop  }
0x4: {  	_ = 	snop  }
0x5: {  	_ = 	snop  }
0x6: {  	_ = 	snop  }
0x7: {  	_ = 	snop  }
__scs_overlays_trampoline_lowered:
0x8: {  	[smem:$0x3FA0] =	sst s0  }
0x9: {  	[smem:$0x3FA1] =	sst s1  }
0xa: {  	[smem:$0x3FA2] =	sst s2  }
0xb: {  	[smem:$0x3FA3] =	sst s3  }
0xc: {  	[smem:$0x3FA4] =	sst s4  }
0xd: {  	[smem:$0x3FA5] =	sst s5  }
0xe: {  	[smem:$0x3FA6] =	sst s6  }
0xf: {  	[smem:$0x3FA7] =	sst s7  }
0x10: {  	[smem:$0x3FA8] =	sst s8  }
0x11: {  	[smem:$0x3FA9] =	sst s9;
	s0 =	simm.s32 @!p0 $0x0  }
0x12: {  	s1 =	sld [smem:$0x3F8F];
	s0 =	simm.s32 @p0 $0x1  }
0x13: {  	[smem:$0x3FAA] =	sst s0;
	s0 =	simm.s32 @!p1 $0x0  }
0x14: {  	s2 =	sld [smem:$0x3F8E];
	s0 =	simm.s32 @p1 $0x1  }
0x15: {  	[smem:$0x3FAB] =	sst s0;
	s0 =	simm.s32 @!p2 $0x0  }
0x16: {  	s3 =	sld [smem:$0x3FDB];
	s0 =	simm.s32 @p2 $0x1  }
0x17: {  	s4 =	simm.s32 $0x1BF5;
	[smem:$0x3FAD] =	sst s0  }
0x18: {  	s0 =	sld [smem:$0x3F90];
	_ =	swait.ge [sflag:s4], $0x0  }
0x19: {  	s7 =	sld [smem:$0x3F91]  }
0x1a: {  	s8 =	sadd.s32 $0xFFFFE003, lr  }
0x1b: {  	s9 =	sadd.s32 $0xFFFFFEF7, lr;
	s5 =	simm.s32 $0xFFFFFFFF;
	p2 =	slt.u32 s8, $0xFFFFF086  }
0x1c: {  	p1 =	slt.u32 s9, $0xF7A;
	s5 =	simm.s32 @!p2 $0x0  }
0x1d: {  	s5 =	simm.s32 @p1 $0x1;
	p0 =	seq.s32 s7, s2  }
0x1e: {  	s7 =	smul.u32 @!p0 $0xF7A, s2;
	p2 =	seq.s32 @!p0 s5, $0x0  }
0x1f: {  	s9 =	smul.u32 $0xF7A, s1;
	s8 =	simm.s32 @!p0 $0x1BF5;
	p2 =	por !p2, p0  }
0x20: {  	[sflag:s8] =	ssyncset.s32 @!p0 $0xFFFFF086;
	s6 =	sadd.s32 @!p0 s3, s7;
	s7 =	simm.s32 @!p0 $0x108  }
0x21: {  	s3 =	sadd.s32 s3, s9;
	s6 =	sadd.s32 @!p0 $0x88, s6;
	s7 =	simm.s32 @p2 $0x1082  }
0x22: {  	[simem:s7], [sflag:s8] =	dma.local @!p0 [hbm:s6], $0xF7A  }
0x23: {  	s9 =	sor.u32 $0xD0000000, s2;
	s6 =	simm.s32 $0x108;
	_ =	swait.ge @!p0 [sflag:s8], $0x0  }
0x24: {  	s3 =	sadd.s32 $0x88, s3;
	s6 =	simm.s32 @!p1 $0x1082;
	[sflag:s4] =	ssyncset.s32 $0xFFFFF086  }
0x25: {  	[simem:s6], [sflag:s4] =	dma.local [hbm:s3], $0xF7A  }
0x26: {  	[smem:$0x3F91] =	sst s1;
	(tag) =	ssettag s2;
	_ =	strace s9  }
0x27: {  	s1 =	sld [smem:$0x3FA1]  }
0x28: {  	s2 =	sld [smem:$0x3FA2]  }
0x29: {  	s4 =	sld [smem:$0x3FA4]  }
0x2a: {  	p0 =	seq.s32 s5, $0x0;
	s5 =	sld [smem:$0x3FA5]  }
0x2b: {  	s6 =	sld [smem:$0x3FA6]  }
0x2c: {  	s7 =	sld [smem:$0x3FA7]  }
0x2d: {  	s3 =	simm.s32 $0x108;
	s8 =	sld [smem:$0x3FA8]  }
0x2e: {  	s3 =	simm.s32 @!p0 $0x1082;
	s9 =	sld [smem:$0x3FA9]  }
0x2f: {  	lr =	sadd.s32 s0, s3;
	s0 =	sld [smem:$0x3FA0]  }
0x30: {  	s3 =	sld [smem:$0x3FA3]  }
0x31: {  	[smem:$0x3FAC] =	sst s10  }
0x32: {  	s10 =	sld [smem:$0x3FAA];
	_ =	sdelay $0x3  }
0x33: {  	p0 =	seq.s32 s10, $0x1;
	s10 =	sld [smem:$0x3FAC];
	_ =	sdelay $0x3  }
0x34: {  	[smem:$0x3FAC] =	sst s10  }
0x35: {  	s10 =	sld [smem:$0x3FAB];
	_ =	sdelay $0x3  }
0x36: {  	p1 =	seq.s32 s10, $0x1;
	s10 =	sld [smem:$0x3FAC];
	_ =	sdelay $0x3  }
0x37: {  	[smem:$0x3FAC] =	sst s10  }
0x38: {  	s10 =	sld [smem:$0x3FAD]  }
0x39: {  	_ = 	snop;
	(pc) =	sbr.ind lr, $3  }
0x3a: {  	_ = 	snop  }
0x3b: {  	_ = 	snop  }
0x3c: {  	p2 =	seq.s32 s10, $0x1;
	s10 =	sld [smem:$0x3FAC]  }
0x3d: {  	_ =	shalt  }
0x3e: {  	_ =	shalt  }
0x3f: {  	_ =	shalt  }
0x40: {  	_ =	shalt  }
0x41: {  	_ =	shalt  }
0x42: {  	_ =	shalt  }
0x43: {  	_ =	shalt  }
0x44: {  	_ =	shalt  }
0x45: {  	_ =	shalt  }
0x46: {  	_ =	shalt  }
0x47: {  	_ =	shalt  }
0x48: {  	_ =	shalt  }
0x49: {  	_ =	shalt  }
0x4a: {  	_ =	shalt  }
0x4b: {  	_ =	shalt  }
0x4c: {  	_ =	shalt  }
0x4d: {  	_ =	shalt  }
0x4e: {  	_ =	shalt  }
0x4f: {  	_ =	shalt  }
0x50: {  	_ =	shalt  }
0x51: {  	_ =	shalt  }
0x52: {  	_ =	shalt  }
0x53: {  	_ =	shalt  }
0x54: {  	_ =	shalt  }
0x55: {  	_ =	shalt  }
0x56: {  	_ =	shalt  }
0x57: {  	_ =	shalt  }
0x58: {  	_ =	shalt  }
0x59: {  	_ =	shalt  }
0x5a: {  	_ =	shalt  }
0x5b: {  	_ =	shalt  }
0x5c: {  	_ =	shalt  }
0x5d: {  	_ =	shalt  }
0x5e: {  	_ =	shalt  }
0x5f: {  	_ =	shalt  }
0x60: {  	_ =	shalt  }
0x61: {  	_ =	shalt  }
0x62: {  	_ =	shalt  }
0x63: {  	_ =	shalt  }
0x64: {  	_ =	shalt  }
0x65: {  	_ =	shalt  }
0x66: {  	_ =	shalt  }
0x67: {  	_ =	shalt  }
0x68: {  	_ =	shalt  }
0x69: {  	_ =	shalt  }
0x6a: {  	_ =	shalt  }
0x6b: {  	_ =	shalt  }
0x6c: {  	_ =	shalt  }
0x6d: {  	_ =	shalt  }
0x6e: {  	_ =	shalt  }
0x6f: {  	_ =	shalt  }
0x70: {  	_ =	shalt  }
0x71: {  	_ =	shalt  }
0x72: {  	_ =	shalt  }
0x73: {  	_ =	shalt  }
0x74: {  	_ =	shalt  }
0x75: {  	_ =	shalt  }
0x76: {  	_ =	shalt  }
0x77: {  	_ =	shalt  }
0x78: {  	_ =	shalt  }
0x79: {  	_ =	shalt  }
0x7a: {  	_ =	shalt  }
0x7b: {  	_ =	shalt  }
0x7c: {  	_ =	shalt  }
0x7d: {  	_ =	shalt  }
0x7e: {  	_ =	shalt  }
0x7f: {  	_ =	shalt  }
0x80: {  	_ =	shalt  }
0x81: {  	_ =	shalt  }
0x82: {  	_ =	shalt  }
0x83: {  	_ =	shalt  }
0x84: {  	_ =	shalt  }
0x85: {  	_ =	shalt  }
0x86: {  	_ =	shalt  }
0x87: {  	_ =	shalt  }
.Lfunc_end0:
.L_simem_size_0:
called_computation_lowered:
.L_overlay_start_0:
0x88: {  	s2 =	sld [smem:$0x3FD9]  }
0x89: {  	s3 =	sld [smem:$0x3FFE];
	_ =	sdelay $0x1  }
0x8a: {  	s1 =	srdreg.scid  }
0x8b: {  	s0 =	sand.u32 $0x1, s1  }
0x8c: {  	s17 =	sshll.u32 s0, $0xA;
	s2 =	sadd.s32 s3, s2  }
0x8d: {  	s2 =	sadd.s32 s2, s17  }
0x8e: {  	[smem:$0x3FB8] =	sst s2  }
0x8f: {  	_ = 	snop  }
0x90: {  	s2 =	sld [smem:$0x3FC9]  }
0x91: {  	s18 =	sld [smem:$0x3FD0];
	(tm) =	ssettm $0x1  }
0x92: {  	s4 =	sld [smem:$0x3FFB];
	_ =	sdelay $0x3  }
0x93: {  	_ =	strace s4  }
0x94: {  	s4 =	sld [smem:$0x3FFC];
	_ =	sdelay $0x3  }
0x95: {  	_ =	strace s4  }
0x96: {  	s4 =	sld [smem:$0x3FFD];
	_ =	sdelay $0x3  }
0x97: {  	_ =	strace s4  }
0x98: {  	_ =	strace $0x8FFFFFFF  }
0x99: {  	s19 =	sld [smem:$0x3FDB];
	_ =	sdelay $0x1  }
0x9a: {  	s5 =	simm.s32 $_scs_section_size  }
0x9b: {  	s6 =	simm.s32 $_size__tile_overlayer_lowered;
	s7 =	simm.s32 $_tile_overlayer_lowered  }
0x9c: {  	s22 =	simm.s32 $0x1BFF;
	s21 =	sshll.u32 s7, $0x1;
	s4 =	sadd.s32 s5, s19  }
0x9d: {  	s8 =	simm.s32 $0x0;
	s20 =	sshll.u32 s6, $0x1;
	s6 =	sadd.s32 s21, s4  }
0x9e: {  	[timem:s8], [sflag:s22] =	dma.local [hbm:s6], s20  }
0x9f: {  	_ =	swait.ge [sflag:s22], s20  }
0xa0: {  	s5 =	ssub.s32 $0x0, s20;
	[sflag:s22] =	ssyncset.done $0x0  }
0xa1: {  	[sflag:s22] =	ssyncadd.s32 s5;
	_ =	sdelay $0x1  }
0xa2: {  	s23 =	simm.s32 $0x1B8B  }
0xa3: {  	_ =	swait.ge [sflag:s23], $0x1  }
0xa4: {  	[sflag:s23] =	ssyncset.done $0x0  }
0xa5: {  	s25 =	simm.s32 $0x1B8E;
	s24 =	sld [smem:$0x3FFE];
	[sflag:s23] =	ssyncadd.s32 $0xFFFFFFFF  }
0xa6: {  	s26 =	simm.s32 $execute0_lowered;
	[smem:$0x3FD2] =	sst s25  }
0xa7: {  	s6 =	sshll.u32 s26, $0x1;
	_ =	strace $0x80000046;
	[dreg:$0x1] =	wrdreg $0xFFFFFFFF  }
0xa8: {  	s28 =	simm.s32 $_size_execute0_lowered;
	s4 =	sadd.s32 s4, s6;
	[dreg:$0x0] =	wrdreg $0x0  }
0xa9: {  	s6 =	sshll.u32 s28, $0x1;
	[dreg:$0x2] =	wrdreg s4  }
0xaa: {  	[dreg:$0x3] =	wrdreg s6  }
0xab: {  	[dreg:$0x4] =	wrdreg $0xC0  }
0xac: {  	_ =	task [dreg:s8], $0x5FFFF  }
0xad: {  	[dreg:$0x1] =	wrdreg $0xFFFFFFFF  }
0xae: {  	[dreg:$0x0] =	wrdreg $0x60  }
0xaf: {  	[dreg:$0x2] =	wrdreg s2  }
0xb0: {  	[dreg:$0x3] =	wrdreg s18  }
0xb1: {  	[dreg:$0x4] =	wrdreg s24  }
0xb2: {  	[dreg:$0x5] =	wrdreg $0x84000  }
0xb3: {  	[dreg:$0x6] =	wrdreg $0x9  }
0xb4: {  	_ =	task.clear_ibuf [dreg:s8], $0x7FFFF;
	_ =	strace $0x90000046  }
0xb5: {  	s29 =	simm.s32 $0x9;
	_ =	strace $0x80000048  }
0xb6: {  	_ =	swait.ge [sflag:s29], $0x1  }
0xb7: {  	[sflag:s29] =	ssyncadd.s32 $0xFFFFFFFF  }
0xb8: {  	_ =	strace $0x90000048  }
0xb9: {  	_ =	sfence  }
0xba: {  	s30 =	sld [smem:$0x0];
	_ =	sdelay $0x2  }
0xbb: {  	s31 =	sshll.u32 s1, $0xD;
	s1 =	sshrl.u32 s1, $0x2  }
0xbc: {  	s3 =	sand.u32 $0x4000, s31;
	s1 =	sadd.s32 s1, s30  }
0xbd: {  	s0 =	sor.u32 s3, s0;
	s1 =	sshll.u32 s1, $0x11  }
0xbe: {  	s0 =	sor.u32 s1, s0  }
0xbf: {  	s0 =	sadd.s32 $0x8F2B, s0  }
0xc0: {  	[sflag:s0] =	ssyncadd.remote.s32 $0x1  }
0xc1: {  	_ =	sfence.sel $0xFFFF  }
0xc2: {  	[dreg:$0x0] =	wrdreg $0xFFFFFFFF;
	(pc) =	sbr.abs _section_cstart, $3  }
0xc3: {  	[dreg:$0x1] =	wrdreg $0xFFFFFFFF  }
0xc4: {  	_ =	task.clear_ibuf [dreg:s8], $0x2FFFF;
	_ =	strace $0x9FFFFFFF  }
0xc5: {  	(tm) =	ssettm $0x7FFFFFFF  }
tec
execute0_lowered:
.L_overlay_start_1:
0x0: {  	(tag) =	ssettag $0x1  }
0x1: {  	s1 =	rddreg [dreg:$0x0]  }
0x2: {  	s2 =	rddreg [dreg:$0x1]  }
0x3: {  	s0 =	rddreg [dreg:$0x2]  }
0x4: {  	s3 =	rddreg [dreg:$0x3];
	s5 =	simm.s32 $0x0;
	s4 =	srdreg.scid  }
0x5: {  	s21 =	stileid.u32;
	s28 =	simm.s32 $0x8;
	s29 =	simm.s32 $0x200  }
0x6: {  	s30 =	simm.s32 $0x80;
	s31 =	simm.s32 $0x280;
	s8 =	smul.u32 $0x50000, s21  }
0x7: {  	[smem:$0x7FF] =	sst s5;
	s4 =	sand.u32 $0x1, s4;
	s10 =	smul.u32 $0x280, s21  }
0x8: {  	s6 =	sadd.s32 $0x5A00, s0;
	s11 =	sadd.s32 $0xF800, s0;
	s20 =	smul.u32 $0x4F, s21  }
0x9: {  	_ =	strace $0x80000047;
	s7 =	ssub.s32 $0x2, s4;
	[dreg:$0x9] =	wrdreg s11  }
0xa: {  	s24 =	sshll.u32 s4, $0x4;
	s19 =	smul.u32 $0x4F0, s4;
	p0 =	seq.s32 s4, $0x1  }
0xb: {  	s4 =	simm.s32 $0x38000;
	s9 =	sshrl.u32 s7, $0x1;
	s8 =	sshrl.u32 s8, $0x2  }
0xc: {  	s14 =	sadd.s32 $0x100, s10;
	s15 =	sor.u32 s21, s24;
	s17 =	sadd.s32 $0x180, s10  }
0xd: {  	s18 =	sadd.s32 $0x200, s10;
	s4 =	simm.s32 @!p0 $0x10000;
	s7 =	ssub.s32 s7, s9  }
0xe: {  	s23 =	sadd.s32 s8, s3;
	s8 =	sadd.s32 $0x80, s10;
	s26 =	sshll.u32 s14, $0x7  }
0xf: {  	s16 =	smul.u32 $0x4F0, s15;
	s12 =	sshll.u32 s17, $0x7;
	s13 =	sshll.u32 s18, $0x7  }
0x10: {  	s19 =	sadd.s32 s20, s19;
	s0 =	sadd.s32 s4, s0;
	s14 =	sshll.u32 s14, $0x4  }
0x11: {  	s24 =	sshll.u32 s17, $0x4;
	s25 =	sshll.u32 s8, $0x7;
	s10 =	sadd.s32 s26, s3  }
0x12: {  	s11 =	sadd.s32 s12, s3;
	s12 =	sadd.s32 s13, s3;
	[dreg:$0xa] =	wrdreg s23  }
0x13: {  	s13 =	smul.u32 $0x4F, s15;
	s19 =	sshll.u32 s19, $0x4;
	[dreg:$0xc] =	wrdreg s10  }
0x14: {  	s15 =	smul.u32 $0x2780, s15;
	s8 =	sshll.u32 s8, $0x4;
	[dreg:$0xd] =	wrdreg s11  }
0x15: {  	s9 =	sadd.s32 s25, s3;
	s22 =	sadd.s32 s2, s16;
	[dreg:$0xe] =	wrdreg s12  }
0x16: {  	s20 =	sadd.s32 $0x50, s19;
	s16 =	sadd.s32 s6, s16;
	[dreg:$0xf] =	wrdreg s22  }
0x17: {  	s25 =	sshll.u32 s18, $0x4;
	s26 =	sadd.s32 s0, s8;
	[dreg:$0x10] =	wrdreg s16  }
0x18: {  	s8 =	sadd.s32 s0, s14;
	s14 =	sadd.s32 s0, s24;
	[dreg:$0x12] =	wrdreg s26  }
0x19: {  	s17 =	sadd.s32 s19, s2;
	s19 =	sadd.s32 s19, s6;
	[dreg:$0x13] =	wrdreg s8  }
0x1a: {  	s16 =	sadd.s32 s20, s2;
	s15 =	sshrl.u32 s15, $0x3;
	[dreg:$0x14] =	wrdreg s14  }
0x1b: {  	s22 =	smul.u32 $0x2800, s21;
	s21 =	sadd.s32 $0x40, s19;
	[dreg:$0xb] =	wrdreg s9  }
0x1c: {  	s26 =	smax.u32 s7, $0x1;
	s7 =	simm.s32 $0x300;
	[dreg:$0x5] =	wrdreg s16  }
0x1d: {  	s14 =	simm.s32 $0x7;
	s19 =	simm.s32 $0x3;
	[dreg:$0x8] =	wrdreg s21  }
0x1e: {  	s16 =	sadd.s32 s20, s6;
	s18 =	sadd.s32 $0x10, s15;
	[dreg:$0x1a] =	wrdreg s26  }
0x1f: {  	s26 =	simm.s32 $0x400;
	s4 =	sadd.s32 s0, s22;
	[dreg:$0x6] =	wrdreg s16  }
0x20: {  	s21 =	simm.s32 $0x4;
	s0 =	sadd.s32 s0, s25;
	[dreg:$0x11] =	wrdreg s4  }
0x21: {  	s20 =	sadd.s32 s2, s18;
	s22 =	sadd.s32 $0x4E0, s15;
	[dreg:$0x15] =	wrdreg s0  }
0x22: {  	s15 =	simm.s32 $0x2;
	s0 =	sadd.s32 $0x40, s17;
	[dreg:$0x16] =	wrdreg s20  }
0x23: {  	s16 =	simm.s32 $0x180;
	s4 =	sadd.s32 s6, s18;
	[dreg:$0x7] =	wrdreg s0  }
0x24: {  	s24 =	sadd.s32 s2, s22;
	s25 =	sadd.s32 s6, s22;
	[dreg:$0x17] =	wrdreg s4  }
0x25: {  	s17 =	simm.s32 $0x380;
	s18 =	simm.s32 $0x4400;
	[dreg:$0x18] =	wrdreg s24  }
0x26: {  	s20 =	simm.s32 $0x5;
	s22 =	simm.s32 $0x6;
	[dreg:$0x19] =	wrdreg s25  }
0x27: {  	s0 =	simm.s32 $0x1;
	s4 =	simm.s32 $0x100;
	s24 =	simm.s32 $0x0  }
.LBB2_1:
0x28: {  	[dreg:$0x1b] =	wrdreg s24  }
0x29: {  	s8 =	rddreg [dreg:$0x9]  }
0x2a: {  	[tilespmem:s26], [sflag:$0x8] =	stream.linear.gather [hbm4b:s8+s5], $0x4000, $0x38;
	[tilespmem:$0x1C400] =	vst v63  }
0x2b: {  	_ =	swait.ge [sflag:s28], $0x4000  }
0x2c: {  	[sflag:s28] =	ssyncset.done $0x0  }
0x2d: {  	[sflag:s28] =	ssyncadd.s32 $0xFFFFC000  }
0x2e: {  	[spmem:s23] =	stream.linear.scatter [tilespmem:s26], [sflag:$0x8], $0x4000, $0x38;
	[tilespmem:$0x1C400] =	vst v63  }
0x2f: {  	_ =	swait.ge [sflag:s28], $0x4000  }
0x30: {  	[sflag:s28] =	ssyncset.done $0x0  }
0x31: {  	[sflag:s28] =	ssyncadd.s32 $0xFFFFC000  }
0x32: {  	[spmem:s9] =	stream.linear.scatter [tilespmem:s26], [sflag:$0x8], $0x4000, $0x38;
	[tilespmem:$0x1C400] =	vst v63  }
0x33: {  	_ =	swait.ge [sflag:s28], $0x4000  }
0x34: {  	[sflag:s28] =	ssyncset.done $0x0  }
0x35: {  	[sflag:s28] =	ssyncadd.s32 $0xFFFFC000  }
0x36: {  	[spmem:s10] =	stream.linear.scatter [tilespmem:s26], [sflag:$0x8], $0x4000, $0x38;
	[tilespmem:$0x1C400] =	vst v63  }
0x37: {  	_ =	swait.ge [sflag:s28], $0x4000  }
0x38: {  	[sflag:s28] =	ssyncset.done $0x0  }
0x39: {  	[sflag:s28] =	ssyncadd.s32 $0xFFFFC000  }
0x3a: {  	[spmem:s11] =	stream.linear.scatter [tilespmem:s26], [sflag:$0x8], $0x4000, $0x38;
	[tilespmem:$0x1C400] =	vst v63  }
0x3b: {  	_ =	swait.ge [sflag:s28], $0x4000  }
0x3c: {  	[sflag:s28] =	ssyncset.done $0x0  }
0x3d: {  	[sflag:s28] =	ssyncadd.s32 $0xFFFFC000  }
0x3e: {  	[spmem:s12] =	stream.linear.scatter [tilespmem:s26], [sflag:$0x8], $0x4000, $0x38;
	[tilespmem:$0x1C400] =	vst v63  }
0x3f: {  	_ =	swait.ge [sflag:s28], $0x4000  }
0x40: {  	[sflag:s28] =	ssyncset.done $0x0  }
0x41: {  	[sflag:s28] =	ssyncadd.s32 $0xFFFFC000  }
0x42: {  	[bflag:$0x0] =	sbarrier.arrive $0xFFFF  }
0x43: {  	s9 =	rddreg [dreg:$0xf]  }
0x44: {  	[tilespmem:s5], [sflag:$0x1] =	stream.linear.gather [hbm4b:s9+s5], $0x80, $0x38;
	[tilespmem:$0x1C400] =	vst v63  }
0x45: {  	s10 =	rddreg [dreg:$0x10]  }
0x46: {  	[tilespmem:s29], [sflag:$0x1] =	stream.linear.gather [hbm4b:s10+s5], $0x80, $0x38;
	[tilespmem:$0x1C400] =	vst v63  }
0x47: {  	s11 =	rddreg [dreg:$0x16]  }
0x48: {  	[tilespmem:s30], [sflag:$0x2] =	stream.linear.gather [hbm4b:s11+s5], $0x80, $0x38;
	[tilespmem:$0x1C400] =	vst v63  }
0x49: {  	s12 =	rddreg [dreg:$0x17]  }
0x4a: {  	[tilespmem:s31], [sflag:$0x2] =	stream.linear.gather [hbm4b:s12+s5], $0x80, $0x38;
	[tilespmem:$0x1C400] =	vst v63  }
0x4b: {  	_ =	swait.ge [sflag:s0], $0x80  }
0x4c: {  	[sflag:s0] =	ssyncset.done $0x0  }
0x4d: {  	[sflag:s0] =	ssyncadd.s32 $0xFFFFFF80  }
0x4e: {  	_ =	swait.ge [sflag:s0], $0x80  }
0x4f: {  	p0 =	por $0x0, $0x0;
	[sflag:s0] =	ssyncset.done $0x0  }
0x50: {  	s8 =	simm.s32 @p0 $0x5;
	[sflag:s0] =	ssyncadd.s32 $0xFFFFFF80  }
0x51: {  	_ =	swait.ge @p0 [sflag:s8], $0x4000  }
0x52: {  	s24 =	simm.s32 @p0 $0x400;
	[sflag:s8] =	ssyncset.done @p0 $0x0  }
0x53: {  	s25 =	simm.s32 @p0 $0x0;
	[sflag:s8] =	ssyncadd.s32 @p0 $0xFFFFC000;
	s8 =	simm.s32 @p0 $0x80  }
0x54: {  	[tilespmem:s24], [sflag:$0x7] =	stream.indirect.gather @p0 [hbm4b:s1+s8], $0x80, s25, s8, $0xb8;
	[tilespmem:$0x1C400] =	vst v63  }
0x55: {  	s9 =	simm.s32 @!p0 $0x0;
	s24 =	simm.s32 @!p0 $0x400;
	s25 =	simm.s32 @!p0 $0x80  }
0x56: {  	[tilespmem:s24], [sflag:$0x7] =	stream.indirect.gather @!p0 [hbm4b:s1+s25], $0x80, s9, s25, $0xb8;
	[tilespmem:$0x1C400] =	vst v63  }
0x57: {  	s9 =	simm.s32 @p0 $0x2  }
0x58: {  	s9 =	simm.s32 @!p0 $0x2  }
0x59: {  	s9 =	sadd.s32 s13, s9  }
0x5a: {  	s9 =	sshll.u32 s9, $0x4  }
0x5b: {  	s9 =	sand.u32 $0x1FFFFFF0, s9  }
0x5c: {  	s23 =	sadd.s32 s2, s9  }
0x5d: {  	[tilespmem:s4], [sflag:$0x3] =	stream.linear.gather [hbm4b:s23+s5], $0x80, $0x38;
	[tilespmem:$0x1C400] =	vst v63  }
0x5e: {  	s9 =	sadd.s32 s6, s9  }
0x5f: {  	[tilespmem:s7], [sflag:$0x3] =	stream.linear.gather [hbm4b:s9+s5], $0x80, $0x38;
	[tilespmem:$0x1C400] =	vst v63  }
0x60: {  	_ =	swait.ge [sflag:s14], $0x4000  }
0x61: {  	[sflag:s14] =	ssyncset.done $0x0  }
0x62: {  	[sflag:s14] =	ssyncadd.s32 $0xFFFFC000  }
0x63: {  	[spmem:s3] =	stream.indirect.scatter.add.f32 [tilespmem:s26], [sflag:$0x5], $0x80, s29, s30, $0xb8;
	[tilespmem:$0x1C400] =	vst v63  }
0x64: {  	_ =	swait.ge [sflag:s15], $0x80  }
0x65: {  	[sflag:s15] =	ssyncset.done $0x0  }
0x66: {  	[sflag:s15] =	ssyncadd.s32 $0xFFFFFF80  }
0x67: {  	_ =	swait.ge [sflag:s15], $0x80  }
0x68: {  	[sflag:s15] =	ssyncset.done $0x0  }
0x69: {  	s9 =	simm.s32 @p0 $0x6;
	[sflag:s15] =	ssyncadd.s32 $0xFFFFFF80  }
0x6a: {  	_ =	swait.ge @p0 [sflag:s9], $0x4000  }
0x6b: {  	[sflag:s9] =	ssyncset.done @p0 $0x0  }
0x6c: {  	[sflag:s9] =	ssyncadd.s32 @p0 $0xFFFFC000;
	s9 =	simm.s32 @p0 $0x4400  }
0x6d: {  	[tilespmem:s9], [sflag:$0x7] =	stream.indirect.gather @p0 [hbm4b:s1+s8], $0x80, s8, s8, $0xb8;
	[tilespmem:$0x1C400] =	vst v63  }
0x6e: {  	s8 =	simm.s32 @!p0 $0x4400  }
0x6f: {  	[tilespmem:s8], [sflag:$0x7] =	stream.indirect.gather @!p0 [hbm4b:s1+s25], $0x80, s25, s25, $0xb8;
	[tilespmem:$0x1C400] =	vst v63  }
0x70: {  	s8 =	simm.s32 $0x3  }
0x71: {  	s8 =	simm.s32 @!p0 $0x3  }
0x72: {  	s8 =	sadd.s32 s13, s8  }
0x73: {  	s8 =	sshll.u32 s8, $0x4  }
0x74: {  	s8 =	sand.u32 $0x1FFFFFF0, s8  }
0x75: {  	s25 =	sadd.s32 s2, s8  }
0x76: {  	[tilespmem:s16], [sflag:$0x4] =	stream.linear.gather [hbm4b:s25+s5], $0x80, $0x38;
	[tilespmem:$0x1C400] =	vst v63  }
0x77: {  	s8 =	sadd.s32 s6, s8  }
0x78: {  	[tilespmem:s17], [sflag:$0x4] =	stream.linear.gather [hbm4b:s8+s5], $0x80, $0x38;
	[tilespmem:$0x1C400] =	vst v63  }
0x79: {  	_ =	swait.ge [sflag:s14], $0x4000  }
0x7a: {  	[sflag:s14] =	ssyncset.done $0x0  }
0x7b: {  	[sflag:s14] =	ssyncadd.s32 $0xFFFFC000  }
0x7c: {  	[spmem:s3] =	stream.indirect.scatter.add.f32 [tilespmem:s18], [sflag:$0x6], $0x80, s31, s30, $0xb8;
	[tilespmem:$0x1C400] =	vst v63  }
0x7d: {  	_ =	swait.ge [sflag:s19], $0x80  }
0x7e: {  	[sflag:s19] =	ssyncset.done $0x0  }
0x7f: {  	[sflag:s19] =	ssyncadd.s32 $0xFFFFFF80  }
0x80: {  	_ =	swait.ge [sflag:s19], $0x80  }
0x81: {  	[sflag:s19] =	ssyncset.done $0x0  }
0x82: {  	[sflag:s19] =	ssyncadd.s32 $0xFFFFFF80  }
0x83: {  	_ =	swait.ge [sflag:s20], $0x4000  }
0x84: {  	[sflag:s20] =	ssyncset.done $0x0  }
0x85: {  	s10 =	rddreg [dreg:$0x7];
	[sflag:s20] =	ssyncadd.s32 $0xFFFFC000  }
0x86: {  	[tilespmem:s26], [sflag:$0x7] =	stream.indirect.gather [hbm4b:s1+s30], $0x80, s4, s30, $0xb8;
	[tilespmem:$0x1C400] =	vst v63  }
0x87: {  	s11 =	rddreg [dreg:$0x8];
	s8 =	sadd.s32 $0x0, s10  }
0x88: {  	[tilespmem:s5], [sflag:$0x1] =	stream.linear.gather [hbm4b:s8+s5], $0x80, $0x38;
	[tilespmem:$0x1C400] =	vst v63  }
0x89: {  	s12 =	sadd.s32 $0x0, s11  }
0x8a: {  	[tilespmem:s29], [sflag:$0x1] =	stream.linear.gather [hbm4b:s12+s5], $0x80, $0x38;
	[tilespmem:$0x1C400] =	vst v63  }
0x8b: {  	_ =	swait.ge [sflag:s14], $0x4000  }
0x8c: {  	[sflag:s14] =	ssyncset.done $0x0  }
0x8d: {  	[sflag:s14] =	ssyncadd.s32 $0xFFFFC000  }
0x8e: {  	[spmem:s3] =	stream.indirect.scatter.add.f32 [tilespmem:s26], [sflag:$0x5], $0x80, s7, s30, $0xb8;
	[tilespmem:$0x1C400] =	vst v63  }
0x8f: {  	_ =	swait.ge [sflag:s21], $0x80  }
0x90: {  	[sflag:s21] =	ssyncset.done $0x0  }
0x91: {  	[sflag:s21] =	ssyncadd.s32 $0xFFFFFF80  }
0x92: {  	_ =	swait.ge [sflag:s21], $0x80  }
0x93: {  	[sflag:s21] =	ssyncset.done $0x0  }
0x94: {  	[sflag:s21] =	ssyncadd.s32 $0xFFFFFF80  }
0x95: {  	_ =	swait.ge [sflag:s22], $0x4000  }
0x96: {  	[sflag:s22] =	ssyncset.done $0x0  }
0x97: {  	s23 =	rddreg [dreg:$0x5];
	[sflag:s22] =	ssyncadd.s32 $0xFFFFC000  }
0x98: {  	[tilespmem:s18], [sflag:$0x7] =	stream.indirect.gather [hbm4b:s1+s30], $0x80, s16, s30, $0xb8;
	[tilespmem:$0x1C400] =	vst v63  }
0x99: {  	s24 =	rddreg [dreg:$0x6];
	s8 =	sadd.s32 $0x0, s23  }
0x9a: {  	[tilespmem:s30], [sflag:$0x2] =	stream.linear.gather [hbm4b:s8+s5], $0x80, $0x38;
	[tilespmem:$0x1C400] =	vst v63  }
0x9b: {  	s25 =	sadd.s32 $0x0, s24  }
0x9c: {  	[tilespmem:s31], [sflag:$0x2] =	stream.linear.gather [hbm4b:s25+s5], $0x80, $0x38;
	[tilespmem:$0x1C400] =	vst v63  }
0x9d: {  	_ =	swait.ge [sflag:s14], $0x4000  }
0x9e: {  	s24 =	simm.s32 $0x40;
	s25 =	simm.s32 $0x3;
	[sflag:s14] =	ssyncset.done $0x0  }
.LBB2_2:
0x9f: {  	[sflag:s14] =	ssyncadd.s32 $0xFFFFC000  }
0xa0: {  	[spmem:s3] =	stream.indirect.scatter.add.f32 [tilespmem:s18], [sflag:$0x6], $0x80, s17, s30, $0xb8;
	[tilespmem:$0x1C400] =	vst v63  }
0xa1: {  	_ =	swait.ge [sflag:s0], $0x80  }
0xa2: {  	[sflag:s0] =	ssyncset.done $0x0  }
0xa3: {  	s8 =	smov.u32 s24;
	[sflag:s0] =	ssyncadd.s32 $0xFFFFFF80  }
0xa4: {  	p1 =	sne.s32 s8, $0x0;
	_ =	swait.ge [sflag:s0], $0x80  }
0xa5: {  	s25 =	sadd.s32 $0x4, s25;
	s9 =	simm.s32 @p1 $0x5;
	[sflag:s0] =	ssyncset.done $0x0  }
0xa6: {  	s10 =	simm.s32 @p1 $0x400;
	s11 =	sadd.s32 @p1 $0xFFFFFFFF, s25;
	[sflag:s0] =	ssyncadd.s32 $0xFFFFFF80  }
0xa7: {  	s12 =	simm.s32 @!p1 $0x400;
	s11 =	simm.s32 @!p1 $0x2;
	_ =	swait.ge @p1 [sflag:s9], $0x4000  }
0xa8: {  	s23 =	simm.s32 @p1 $0x0;
	s11 =	sadd.s32 s13, s11;
	[sflag:s9] =	ssyncset.done @p1 $0x0  }
0xa9: {  	s11 =	sshll.u32 s11, $0x4;
	[sflag:s9] =	ssyncadd.s32 @p1 $0xFFFFC000;
	s9 =	simm.s32 @p1 $0x80  }
0xaa: {  	[tilespmem:s10], [sflag:$0x7] =	stream.indirect.gather @p1 [hbm4b:s1+s9], $0x80, s23, s9, $0xb8;
	[tilespmem:$0x1C400] =	vst v63  }
0xab: {  	s11 =	sand.u32 $0x1FFFFFF0, s11;
	s10 =	simm.s32 @!p1 $0x80;
	s23 =	simm.s32 @!p1 $0x0  }
0xac: {  	[tilespmem:s12], [sflag:$0x7] =	stream.indirect.gather @!p1 [hbm4b:s1+s10], $0x80, s23, s10, $0xb8;
	[tilespmem:$0x1C400] =	vst v63  }
0xad: {  	s23 =	sadd.s32 s2, s11  }
0xae: {  	[tilespmem:s4], [sflag:$0x3] =	stream.linear.gather [hbm4b:s23+s5], $0x80, $0x38;
	[tilespmem:$0x1C400] =	vst v63  }
0xaf: {  	s11 =	sadd.s32 s6, s11  }
0xb0: {  	[tilespmem:s7], [sflag:$0x3] =	stream.linear.gather [hbm4b:s11+s5], $0x80, $0x38;
	[tilespmem:$0x1C400] =	vst v63  }
0xb1: {  	_ =	swait.ge [sflag:s14], $0x4000  }
0xb2: {  	[sflag:s14] =	ssyncset.done $0x0  }
0xb3: {  	[sflag:s14] =	ssyncadd.s32 $0xFFFFC000  }
0xb4: {  	[spmem:s3] =	stream.indirect.scatter.add.f32 [tilespmem:s26], [sflag:$0x5], $0x80, s29, s30, $0xb8;
	[tilespmem:$0x1C400] =	vst v63  }
0xb5: {  	_ =	swait.ge [sflag:s15], $0x80  }
0xb6: {  	s12 =	smov.u32 s25;
	[sflag:s15] =	ssyncset.done $0x0  }
0xb7: {  	s12 =	simm.s32 @!p1 $0x3;
	[sflag:s15] =	ssyncadd.s32 $0xFFFFFF80  }
0xb8: {  	s12 =	sadd.s32 s13, s12;
	_ =	swait.ge [sflag:s15], $0x80  }
0xb9: {  	s12 =	sshll.u32 s12, $0x4;
	[sflag:s15] =	ssyncset.done $0x0  }
0xba: {  	s11 =	sand.u32 $0x1FFFFFF0, s12;
	s12 =	simm.s32 @p1 $0x6;
	[sflag:s15] =	ssyncadd.s32 $0xFFFFFF80  }
0xbb: {  	_ =	swait.ge @p1 [sflag:s12], $0x4000  }
0xbc: {  	[sflag:s12] =	ssyncset.done @p1 $0x0  }
0xbd: {  	s23 =	simm.s32 @p1 $0x4400;
	[sflag:s12] =	ssyncadd.s32 @p1 $0xFFFFC000  }
0xbe: {  	[tilespmem:s23], [sflag:$0x7] =	stream.indirect.gather @p1 [hbm4b:s1+s9], $0x80, s9, s9, $0xb8;
	[tilespmem:$0x1C400] =	vst v63  }
0xbf: {  	s12 =	simm.s32 @!p1 $0x4400  }
0xc0: {  	[tilespmem:s12], [sflag:$0x7] =	stream.indirect.gather @!p1 [hbm4b:s1+s10], $0x80, s10, s10, $0xb8;
	[tilespmem:$0x1C400] =	vst v63  }
0xc1: {  	s23 =	sadd.s32 s2, s11  }
0xc2: {  	[tilespmem:s16], [sflag:$0x4] =	stream.linear.gather [hbm4b:s23+s5], $0x80, $0x38;
	[tilespmem:$0x1C400] =	vst v63  }
0xc3: {  	s11 =	sadd.s32 s6, s11  }
0xc4: {  	[tilespmem:s17], [sflag:$0x4] =	stream.linear.gather [hbm4b:s11+s5], $0x80, $0x38;
	[tilespmem:$0x1C400] =	vst v63  }
0xc5: {  	_ =	swait.ge [sflag:s14], $0x4000  }
0xc6: {  	[sflag:s14] =	ssyncset.done $0x0  }
0xc7: {  	[sflag:s14] =	ssyncadd.s32 $0xFFFFC000  }
0xc8: {  	[spmem:s3] =	stream.indirect.scatter.add.f32 [tilespmem:s18], [sflag:$0x6], $0x80, s31, s30, $0xb8;
	[tilespmem:$0x1C400] =	vst v63  }
0xc9: {  	_ =	swait.ge [sflag:s19], $0x80  }
0xca: {  	[sflag:s19] =	ssyncset.done $0x0  }
0xcb: {  	[sflag:s19] =	ssyncadd.s32 $0xFFFFFF80  }
0xcc: {  	_ =	swait.ge [sflag:s19], $0x80  }
0xcd: {  	[sflag:s19] =	ssyncset.done $0x0  }
0xce: {  	[sflag:s19] =	ssyncadd.s32 $0xFFFFFF80  }
0xcf: {  	_ =	swait.ge [sflag:s20], $0x4000  }
0xd0: {  	[sflag:s20] =	ssyncset.done $0x0  }
0xd1: {  	s12 =	rddreg [dreg:$0x7];
	[sflag:s20] =	ssyncadd.s32 $0xFFFFC000  }
0xd2: {  	[tilespmem:s26], [sflag:$0x7] =	stream.indirect.gather [hbm4b:s1+s30], $0x80, s4, s30, $0xb8;
	[tilespmem:$0x1C400] =	vst v63  }
0xd3: {  	s23 =	rddreg [dreg:$0x8];
	s9 =	sadd.s32 s8, s12  }
0xd4: {  	[tilespmem:s5], [sflag:$0x1] =	stream.linear.gather [hbm4b:s9+s5], $0x80, $0x38;
	[tilespmem:$0x1C400] =	vst v63  }
0xd5: {  	s11 =	sadd.s32 s8, s23  }
0xd6: {  	[tilespmem:s29], [sflag:$0x1] =	stream.linear.gather [hbm4b:s11+s5], $0x80, $0x38;
	[tilespmem:$0x1C400] =	vst v63  }
0xd7: {  	_ =	swait.ge [sflag:s14], $0x4000  }
0xd8: {  	[sflag:s14] =	ssyncset.done $0x0  }
0xd9: {  	[sflag:s14] =	ssyncadd.s32 $0xFFFFC000  }
0xda: {  	[spmem:s3] =	stream.indirect.scatter.add.f32 [tilespmem:s26], [sflag:$0x5], $0x80, s7, s30, $0xb8;
	[tilespmem:$0x1C400] =	vst v63  }
0xdb: {  	_ =	swait.ge [sflag:s21], $0x80  }
0xdc: {  	[sflag:s21] =	ssyncset.done $0x0  }
0xdd: {  	[sflag:s21] =	ssyncadd.s32 $0xFFFFFF80  }
0xde: {  	_ =	swait.ge [sflag:s21], $0x80  }
0xdf: {  	[sflag:s21] =	ssyncset.done $0x0  }
0xe0: {  	[sflag:s21] =	ssyncadd.s32 $0xFFFFFF80  }
0xe1: {  	_ =	swait.ge [sflag:s22], $0x4000  }
0xe2: {  	[sflag:s22] =	ssyncset.done $0x0  }
0xe3: {  	s24 =	sadd.s32 $0x40, s24;
	s12 =	rddreg [dreg:$0x5];
	[sflag:s22] =	ssyncadd.s32 $0xFFFFC000  }
0xe4: {  	[tilespmem:s18], [sflag:$0x7] =	stream.indirect.gather [hbm4b:s1+s30], $0x80, s16, s30, $0xb8;
	[tilespmem:$0x1C400] =	vst v63  }
0xe5: {  	p0 =	sne.s32 s24, $0x4C0;
	s9 =	sadd.s32 s8, s12  }
0xe6: {  	[tilespmem:s30], [sflag:$0x2] =	stream.linear.gather [hbm4b:s9+s5], $0x80, $0x38;
	[tilespmem:$0x1C400] =	vst v63  }
.Ltmp0:
0xe7: {  	s23 =	rddreg [dreg:$0x6];
	(pc) =	sbr.rel @p0 .LBB2_2-.Ltmp0, $4  }
0xe8: {  	s8 =	sadd.s32 s8, s23  }
0xe9: {  	[tilespmem:s31], [sflag:$0x2] =	stream.linear.gather [hbm4b:s8+s5], $0x80, $0x38;
	[tilespmem:$0x1C400] =	vst v63  }
0xea: {  	_ =	swait.ge [sflag:s14], $0x4000  }
0xeb: {  	[sflag:s14] =	ssyncset.done $0x0  }
0xec: {  	[sflag:s14] =	ssyncadd.s32 $0xFFFFC000  }
0xed: {  	[spmem:s3] =	stream.indirect.scatter.add.f32 [tilespmem:s18], [sflag:$0x6], $0x80, s17, s30, $0xb8;
	[tilespmem:$0x1C400] =	vst v63  }
0xee: {  	_ =	swait.ge [sflag:s0], $0x80  }
0xef: {  	[sflag:s0] =	ssyncset.done $0x0  }
0xf0: {  	[sflag:s0] =	ssyncadd.s32 $0xFFFFFF80  }
0xf1: {  	_ =	swait.ge [sflag:s0], $0x80  }
0xf2: {  	[sflag:s0] =	ssyncset.done $0x0  }
0xf3: {  	[sflag:s0] =	ssyncadd.s32 $0xFFFFFF80  }
0xf4: {  	_ =	swait.ge [sflag:s20], $0x4000  }
0xf5: {  	[sflag:s20] =	ssyncset.done $0x0  }
0xf6: {  	[sflag:s20] =	ssyncadd.s32 $0xFFFFC000  }
0xf7: {  	[tilespmem:s26], [sflag:$0x7] =	stream.indirect.gather [hbm4b:s1+s30], $0x80, s5, s30, $0xb8;
	[tilespmem:$0x1C400] =	vst v63  }
0xf8: {  	s8 =	rddreg [dreg:$0x18]  }
0xf9: {  	[tilespmem:s4], [sflag:$0x3] =	stream.linear.gather [hbm4b:s8+s5], $0x80, $0x38;
	[tilespmem:$0x1C400] =	vst v63  }
0xfa: {  	s25 =	rddreg [dreg:$0x19]  }
0xfb: {  	[tilespmem:s7], [sflag:$0x3] =	stream.linear.gather [hbm4b:s25+s5], $0x80, $0x38;
	[tilespmem:$0x1C400] =	vst v63  }
0xfc: {  	_ =	swait.ge [sflag:s14], $0x4000  }
0xfd: {  	[sflag:s14] =	ssyncset.done $0x0  }
0xfe: {  	[sflag:s14] =	ssyncadd.s32 $0xFFFFC000  }
0xff: {  	[spmem:s3] =	stream.indirect.scatter.add.f32 [tilespmem:s26], [sflag:$0x5], $0x80, s29, s30, $0xb8;
	[tilespmem:$0x1C400] =	vst v63  }
0x100: {  	_ =	swait.ge [sflag:s15], $0x80  }
0x101: {  	[sflag:s15] =	ssyncset.done $0x0  }
0x102: {  	[sflag:s15] =	ssyncadd.s32 $0xFFFFFF80  }
0x103: {  	_ =	swait.ge [sflag:s15], $0x80  }
0x104: {  	[sflag:s15] =	ssyncset.done $0x0  }
0x105: {  	[sflag:s15] =	ssyncadd.s32 $0xFFFFFF80  }
0x106: {  	_ =	swait.ge [sflag:s22], $0x4000  }
0x107: {  	[sflag:s22] =	ssyncset.done $0x0  }
0x108: {  	[sflag:s22] =	ssyncadd.s32 $0xFFFFC000  }
0x109: {  	[tilespmem:s18], [sflag:$0x7] =	stream.indirect.gather [hbm4b:s1+s30], $0x80, s30, s30, $0xb8;
	[tilespmem:$0x1C400] =	vst v63  }
0x10a: {  	_ =	swait.ge [sflag:s14], $0x4000  }
0x10b: {  	[sflag:s14] =	ssyncset.done $0x0  }
0x10c: {  	[sflag:s14] =	ssyncadd.s32 $0xFFFFC000  }
0x10d: {  	[spmem:s3] =	stream.indirect.scatter.add.f32 [tilespmem:s18], [sflag:$0x6], $0x80, s31, s30, $0xb8;
	[tilespmem:$0x1C400] =	vst v63  }
0x10e: {  	_ =	swait.ge [sflag:s19], $0x80  }
0x10f: {  	[sflag:s19] =	ssyncset.done $0x0  }
0x110: {  	[sflag:s19] =	ssyncadd.s32 $0xFFFFFF80  }
0x111: {  	_ =	swait.ge [sflag:s19], $0x80  }
0x112: {  	[sflag:s19] =	ssyncset.done $0x0  }
0x113: {  	[sflag:s19] =	ssyncadd.s32 $0xFFFFFF80  }
0x114: {  	_ =	swait.ge [sflag:s20], $0x4000  }
0x115: {  	[sflag:s20] =	ssyncset.done $0x0  }
0x116: {  	[sflag:s20] =	ssyncadd.s32 $0xFFFFC000  }
0x117: {  	[tilespmem:s26], [sflag:$0x7] =	stream.indirect.gather [hbm4b:s1+s30], $0x80, s4, s30, $0xb8;
	[tilespmem:$0x1C400] =	vst v63  }
0x118: {  	_ =	swait.ge [sflag:s14], $0x4000  }
0x119: {  	[sflag:s14] =	ssyncset.done $0x0  }
0x11a: {  	[sflag:s14] =	ssyncadd.s32 $0xFFFFC000  }
0x11b: {  	[spmem:s3] =	stream.indirect.scatter.add.f32 [tilespmem:s26], [sflag:$0x5], $0x80, s7, s30, $0xb8;
	[tilespmem:$0x1C400] =	vst v63  }
0x11c: {  	_ =	swait.ge [sflag:s22], $0x4000  }
0x11d: {  	[sflag:s22] =	ssyncset.done $0x0  }
0x11e: {  	[sflag:s22] =	ssyncadd.s32 $0xFFFFC000  }
0x11f: {  	_ =	swait.ge [sflag:s20], $0x4000  }
0x120: {  	[sflag:s20] =	ssyncset.done $0x0  }
0x121: {  	[sflag:s20] =	ssyncadd.s32 $0xFFFFC000  }
0x122: {  	[bflag:$0x0] =	sbarrier.arrive $0xFFFF  }
0x123: {  	s23 =	rddreg [dreg:$0xa]  }
0x124: {  	[tilespmem:s26], [sflag:$0x8] =	stream.linear.gather [spmem:s23], $0x4000, $0x38;
	[tilespmem:$0x1C400] =	vst v63  }
0x125: {  	_ =	swait.ge [sflag:s28], $0x4000  }
0x126: {  	[sflag:s28] =	ssyncset.done $0x0  }
0x127: {  	s9 =	rddreg [dreg:$0x11];
	[sflag:s28] =	ssyncadd.s32 $0xFFFFC000  }
0x128: {  	[hbm4b:s9+s5] =	stream.linear.scatter [tilespmem:s26], [sflag:$0x8], $0x4000, $0x38;
	[tilespmem:$0x1C400] =	vst v63  }
0x129: {  	_ =	swait.ge [sflag:s28], $0x4000  }
0x12a: {  	[sflag:s28] =	ssyncset.done $0x0  }
0x12b: {  	s9 =	rddreg [dreg:$0xb];
	[sflag:s28] =	ssyncadd.s32 $0xFFFFC000  }
0x12c: {  	[tilespmem:s26], [sflag:$0x8] =	stream.linear.gather [spmem:s9], $0x4000, $0x38;
	[tilespmem:$0x1C400] =	vst v63  }
0x12d: {  	_ =	swait.ge [sflag:s28], $0x4000  }
0x12e: {  	[sflag:s28] =	ssyncset.done $0x0  }
0x12f: {  	s10 =	rddreg [dreg:$0x12];
	[sflag:s28] =	ssyncadd.s32 $0xFFFFC000  }
0x130: {  	[hbm4b:s10+s5] =	stream.linear.scatter [tilespmem:s26], [sflag:$0x8], $0x4000, $0x38;
	[tilespmem:$0x1C400] =	vst v63  }
0x131: {  	_ =	swait.ge [sflag:s28], $0x4000  }
0x132: {  	[sflag:s28] =	ssyncset.done $0x0  }
0x133: {  	s10 =	rddreg [dreg:$0xc];
	[sflag:s28] =	ssyncadd.s32 $0xFFFFC000  }
0x134: {  	[tilespmem:s26], [sflag:$0x8] =	stream.linear.gather [spmem:s10], $0x4000, $0x38;
	[tilespmem:$0x1C400] =	vst v63  }
0x135: {  	_ =	swait.ge [sflag:s28], $0x4000  }
0x136: {  	[sflag:s28] =	ssyncset.done $0x0  }
0x137: {  	s11 =	rddreg [dreg:$0x13];
	[sflag:s28] =	ssyncadd.s32 $0xFFFFC000  }
0x138: {  	[hbm4b:s11+s5] =	stream.linear.scatter [tilespmem:s26], [sflag:$0x8], $0x4000, $0x38;
	[tilespmem:$0x1C400] =	vst v63  }
0x139: {  	_ =	swait.ge [sflag:s28], $0x4000  }
0x13a: {  	[sflag:s28] =	ssyncset.done $0x0  }
0x13b: {  	s11 =	rddreg [dreg:$0xd];
	[sflag:s28] =	ssyncadd.s32 $0xFFFFC000  }
0x13c: {  	[tilespmem:s26], [sflag:$0x8] =	stream.linear.gather [spmem:s11], $0x4000, $0x38;
	[tilespmem:$0x1C400] =	vst v63  }
0x13d: {  	_ =	swait.ge [sflag:s28], $0x4000  }
0x13e: {  	[sflag:s28] =	ssyncset.done $0x0  }
0x13f: {  	s12 =	rddreg [dreg:$0x14];
	[sflag:s28] =	ssyncadd.s32 $0xFFFFC000  }
0x140: {  	[hbm4b:s12+s5] =	stream.linear.scatter [tilespmem:s26], [sflag:$0x8], $0x4000, $0x38;
	[tilespmem:$0x1C400] =	vst v63  }
0x141: {  	_ =	swait.ge [sflag:s28], $0x4000  }
0x142: {  	[sflag:s28] =	ssyncset.done $0x0  }
0x143: {  	s12 =	rddreg [dreg:$0xe];
	[sflag:s28] =	ssyncadd.s32 $0xFFFFC000  }
0x144: {  	[tilespmem:s26], [sflag:$0x8] =	stream.linear.gather [spmem:s12], $0x4000, $0x38;
	[tilespmem:$0x1C400] =	vst v63  }
0x145: {  	_ =	swait.ge [sflag:s28], $0x4000  }
0x146: {  	[sflag:s28] =	ssyncset.done $0x0  }
0x147: {  	s24 =	rddreg [dreg:$0x15];
	[sflag:s28] =	ssyncadd.s32 $0xFFFFC000  }
0x148: {  	[hbm4b:s24+s5] =	stream.linear.scatter [tilespmem:s26], [sflag:$0x8], $0x4000, $0x38;
	[tilespmem:$0x1C400] =	vst v63  }
0x149: {  	_ =	swait.ge [sflag:s28], $0x4000  }
0x14a: {  	s24 =	rddreg [dreg:$0x1b]  }
0x14b: {  	s25 =	rddreg [dreg:$0x1a];
	s24 =	sadd.s32 $0x1, s24  }
0x14c: {  	p0 =	sne.s32 s24, s25  }
.Ltmp1:
0x14d: {  	_ = 	snop;
	(pc) =	sbr.rel @p0 .LBB2_1-.Ltmp1, $3  }
0x14e: {  	_ =	sdelay $0x1  }
0x14f: {  	[sflag:s28] =	ssyncset.done $0x0  }
0x150: {  	[sflag:s28] =	ssyncadd.s32 $0xFFFFC000  }
0x151: {  	_ =	sfence.sel $0x180000  }
0x152: {  	[bflag:$0x0] =	sbarrier.arrive $0xFFFF  }
0x153: {  	_ =	strace $0x90000047  }
0x154: {  	s0 =	stileid.u32;
	[bflag:$0x2] =	sbarrier.arrive $0xFFFF  }
0x155: {  	p0 =	sne.s32 s0, $0x0;
	s0 =	rddreg [dreg:$0x4]  }
0x156: {  	s0 =	sadd.s32 @!p0 $0x100000, s0  }
0x157: {  	[sflag:s0] =	ssyncadd.tile.s32 @!p0 $0x1;
	_ =	shalt  }
.Lfunc_end2:
_tile_overlayer_lowered:
.L_overlay_start_2:
0x158: {  	(tag) =	ssettag $0x2  }
0x159: {  	s0 =	rddreg [dreg:$0x0];
	s2 =	stileid.u32  }
0x15a: {  	s1 =	rddreg [dreg:$0x1];
	p0 =	sne.s32 s2, $0x0  }
0x15b: {  	s3 =	rddreg [dreg:$0x2];
	[bflag:$0x3] =	sbarrier.arrive $0xFFFF;
	s2 =	simm.s32 @!p0 $0x1C08  }
0x15c: {  	[timem:s3], [sflag:s2] =	dma.local @!p0 [hbm:s0], s1  }
0x15d: {  	s0 =	simm.s32 @!p0 $0x8  }
0x15e: {  	_ =	swait.ge @!p0 [sflag:s0], s1  }
0x15f: {  	s1 =	ssub.s32 @!p0 $0x0, s1;
	[sflag:s0] =	ssyncset.done @!p0 $0x0  }
0x160: {  	[sflag:s0] =	ssyncadd.s32 @!p0 s1  }
0x161: {  	[bflag:$0x3] =	sbarrier.arrive $0xFFFF  }
0x162: {  	_ =	shalt  }

</sc_bundles>
